<compile_context>
chip_gen: v7x
topology: tpu7x:2x2x1
jax: 0.10.2.dev20260603
libtpu: 0.0.44.dev20260713+nightly
codegen_flags: <defaults>
</compile_context>

<pallas_src>
import functools

import jax
import jax.numpy as jnp
from jax import lax
from jax.experimental import pallas as pl
from jax.experimental.pallas import tpu as pltpu
from jax.experimental.pallas import tpu_sc as plsc

VOC = 100000
EMB = 64
PAD = 128
SCALE = 8.0

NC = 2
NS = 16
NW = NC * NS

NB = 4096
NT = 200
TPW = NB * NT // NW
CHUNK = 128
NCH = TPW // CHUNK
NBUF = 2
UNROLL = 8

_mesh = plsc.VectorSubcoreMesh(core_axis_name="c", subcore_axis_name="s")
_params = pltpu.CompilerParams(use_tc_tiling_on_sc=True)


@functools.partial(
    pl.kernel,
    mesh=_mesh,
    out_type=jax.ShapeDtypeStruct((NB * NT, EMB), jnp.float32),
    scratch_types=[
        pltpu.VMEM((TPW,), jnp.int32),
        pltpu.VMEM((NBUF, CHUNK, PAD), jnp.float32),
        pltpu.VMEM((NBUF, CHUNK, EMB), jnp.float32),
        [pltpu.SemaphoreType.DMA] * NBUF,
        [pltpu.SemaphoreType.DMA] * NBUF,
    ],
    compiler_params=_params,
)
def _emb_lookup(tokens_hbm, table_hbm, out_hbm, idx_v, rows_v, comp_v,
                gsems, ssems):
    wid = lax.axis_index("s") * NC + lax.axis_index("c")
    base = wid * TPW

    pltpu.sync_copy(tokens_hbm.at[pl.ds(base, TPW)], idx_v)

    def start_gather(c, b):
        pltpu.async_copy(
            table_hbm.at[idx_v.at[pl.ds(c * CHUNK, CHUNK)]],
            rows_v.at[b],
            gsems[b],
        )

    def wait_gather(c, b):
        pltpu.make_async_copy(
            table_hbm.at[idx_v.at[pl.ds(c * CHUNK, CHUNK)]],
            rows_v.at[b],
            gsems[b],
        ).wait()

    def scale_compact(b):
        def body(g, _):
            r0 = g * UNROLL
            for k in range(UNROLL):
                for j in range(EMB // 16):
                    comp_v[b, r0 + k, pl.ds(j * 16, 16)] = (
                        rows_v[b, r0 + k, pl.ds(j * 16, 16)] * SCALE
                    )
            return 0

        lax.fori_loop(0, CHUNK // UNROLL, body, 0)

    def start_write(c, b):
        pltpu.async_copy(
            comp_v.at[b], out_hbm.at[pl.ds(base + c * CHUNK, CHUNK)], ssems[b]
        )

    def wait_write(c, b):
        pltpu.make_async_copy(
            comp_v.at[b], out_hbm.at[pl.ds(base + c * CHUNK, CHUNK)], ssems[b]
        ).wait()

    for b in range(NBUF):
        start_gather(b, b)

    for b in range(NBUF):
        wait_gather(b, b)
        scale_compact(b)
        start_gather(b + NBUF, b)
        start_write(b, b)

    def outer(i, _):
        for b in range(NBUF):
            c = i * NBUF + b
            wait_gather(c, b)
            wait_write(c - NBUF, b)
            scale_compact(b)
            start_gather(c + NBUF, b)
            start_write(c, b)
        return 0

    lax.fori_loop(1, NCH // NBUF - 1, outer, 0)

    for b in range(NBUF):
        c = (NCH // NBUF - 1) * NBUF + b
        wait_gather(c, b)
        wait_write(c - NBUF, b)
        scale_compact(b)
        start_write(c, b)

    for b in range(NBUF):
        wait_write((NCH // NBUF - 1) * NBUF + b, b)


def kernel(tokens, table):
    table128 = jnp.pad(table, ((0, 0), (0, PAD - EMB)))
    out = _emb_lookup(tokens.reshape(-1), table128)
    return out.reshape(NB, NT, EMB)

# --- scband reference (transcript-rebuilt; emitter-appended) ---
"""Pipeline reference for scband-token-embedding-15101105013425 (READ-ONLY COPY).

The authoritative reference and input builder live on the scoring server;
editing this copy changes nothing except your own understanding.
"""

import jax, jax.numpy as jnp
import numpy as np
import math

VOCAB = 100000
EMB = 64

def setup_inputs(seed: int = 0) -> dict:
    key = jax.random.key(seed)
    k1, k2 = jax.random.split(key)
    tokens = jax.random.randint(k1, (4096, 200), 0, VOCAB, dtype=jnp.int64 if jax.config.jax_enable_x64 else jnp.int32)
    table = jax.random.normal(k2, (VOCAB, EMB), dtype=jnp.float32)
    return {"tokens": tokens, "table": table}

def reference(tokens, table):
    # TokenEmbedding.forward: embedding(tokens.long()) * sqrt(emb_size)
    emb = jnp.take(table, tokens, axis=0)
    return emb * math.sqrt(EMB)

if __name__ == "__main__":
    import jax
    _d = setup_inputs()
    print(jax.jit(kernel)(*tuple(_d.values())))

</pallas_src>

<mosaic_0001>
#map = affine_map<(d0, d1) -> (0)>
#map1 = affine_map<(d0, d1) -> (0, 0)>
module attributes {stable_mosaic.version = 14 : i64} {
  func.func @_emb_lookup(%arg0: i32, %arg1: i32, %arg2: memref<819200xi32, #tpu.memory_space<hbm>>, %arg3: memref<100000x128xf32, #tpu.memory_space<hbm>>, %arg4: memref<819200x64xf32, #tpu.memory_space<hbm>>, %arg5: memref<25600xi32, #tpu.memory_space<vmem>>, %arg6: memref<2x128x128xf32, #tpu.memory_space<vmem>>, %arg7: memref<2x128x64xf32, #tpu.memory_space<vmem>>, %arg8: memref<!tpu.dma_semaphore, #tpu.memory_space<semaphore_mem>>, %arg9: memref<!tpu.dma_semaphore, #tpu.memory_space<semaphore_mem>>, %arg10: memref<!tpu.dma_semaphore, #tpu.memory_space<semaphore_mem>>, %arg11: memref<!tpu.dma_semaphore, #tpu.memory_space<semaphore_mem>>) attributes {dimension_semantics = [#tpu.dimension_semantics<core_parallel>, #tpu.dimension_semantics<subcore_parallel>], iteration_bounds = array<i64: 2, 16>, scalar_prefetch = 0 : i64, scratch_operands = 7 : i64, tpu.core_type = #tpu.core_type<sc_vector_subcore>, window_params = [{transform_indices = #map}, {transform_indices = #map1}, {transform_indices = #map1}]} {
    %mul3A = arith.constant 2 : i32
    %mul3A_0 = arith.muli %arg1, %mul3A : i32
    %add3A = arith.addi %mul3A_0, %arg0 : i32
    %mul3A_1 = arith.constant 25600 : i32
    %mul3A_2 = arith.muli %add3A, %mul3A_1 : i32
    "tpu.region"() ({
      %run_scoped3A = tpu.sem_alloc : memref<!tpu.dma_semaphore, #tpu.memory_space<semaphore_mem>>
      %dma_start3A_235 = tpu.memref_slice %arg2[%mul3A_2] : memref<819200xi32, #tpu.memory_space<hbm>> -> memref<25600xi32, #tpu.memory_space<hbm>>
      %dma_start3A_236 = tpu.memref_slice %arg2[%mul3A_2] : memref<819200xi32, #tpu.memory_space<hbm>> -> memref<25600xi32, #tpu.memory_space<hbm>>
      tpu.enqueue_dma source(%dma_start3A_236 : memref<25600xi32, #tpu.memory_space<hbm>>) target(%arg5 : memref<25600xi32, #tpu.memory_space<vmem>>) target_semaphore(%run_scoped3A : memref<!tpu.dma_semaphore, #tpu.memory_space<semaphore_mem>>)
      %dma_wait3A_237 = tpu.memref_slice %arg2[%mul3A_2] : memref<819200xi32, #tpu.memory_space<hbm>> -> memref<25600xi32, #tpu.memory_space<hbm>>
      %dma_wait3A_238 = tpu.memref_slice %arg2[%mul3A_2] : memref<819200xi32, #tpu.memory_space<hbm>> -> memref<25600xi32, #tpu.memory_space<hbm>>
      tpu.wait_dma2 semaphore(%run_scoped3A : memref<!tpu.dma_semaphore, #tpu.memory_space<semaphore_mem>>) src(%dma_wait3A_238 : memref<25600xi32, #tpu.memory_space<hbm>>) dst(%arg5 : memref<25600xi32, #tpu.memory_space<vmem>>)
      tpu.yield
    }) : () -> ()
    %dma_start3A = arith.constant 0 : i32
    %dma_start3A_3 = arith.constant 0 : i32
    %dma_start3A_4 = arith.constant 0 : i32
    %dma_start3A_5 = tpu.memref_slice %arg6[%dma_start3A, %dma_start3A_3, %dma_start3A_4] : memref<2x128x128xf32, #tpu.memory_space<vmem>> -> memref<1x128x128xf32, #tpu.memory_space<vmem>>
    %dma_start3A_6 = tpu.memref_squeeze %dma_start3A_5 : memref<1x128x128xf32, #tpu.memory_space<vmem>> -> memref<128x128xf32, #tpu.memory_space<vmem>>
    %dma_start3A_7 = arith.constant 0 : i32
    %dma_start3A_8 = tpu.memref_slice %arg5[%dma_start3A_7] : memref<25600xi32, #tpu.memory_space<vmem>> -> memref<128xi32, #tpu.memory_space<vmem>>
    %dma_start3A_9 = arith.constant 0 : i32
    %dma_start3A_10 = arith.constant 0 : i32
    %dma_start3A_11 = tpu.memref_slice %arg3[%dma_start3A_9, %dma_start3A_10] : memref<100000x128xf32, #tpu.memory_space<hbm>> -> memref<100000x128xf32, #tpu.memory_space<hbm>>
    tpu.enqueue_indirect_dma source(%dma_start3A_11 : memref<100000x128xf32, #tpu.memory_space<hbm>>) target(%dma_start3A_6 : memref<128x128xf32, #tpu.memory_space<vmem>>) offsets(%dma_start3A_8 : memref<128xi32, #tpu.memory_space<vmem>>) semaphore(%arg8 : memref<!tpu.dma_semaphore, #tpu.memory_space<semaphore_mem>>)
    %dma_start3A_12 = arith.constant 1 : i32
    %dma_start3A_13 = arith.constant 0 : i32
    %dma_start3A_14 = arith.constant 0 : i32
    %dma_start3A_15 = tpu.memref_slice %arg6[%dma_start3A_12, %dma_start3A_13, %dma_start3A_14] : memref<2x128x128xf32, #tpu.memory_space<vmem>> -> memref<1x128x128xf32, #tpu.memory_space<vmem>>
    %dma_start3A_16 = tpu.memref_squeeze %dma_start3A_15 : memref<1x128x128xf32, #tpu.memory_space<vmem>> -> memref<128x128xf32, #tpu.memory_space<vmem>>
    %dma_start3A_17 = arith.constant 128 : i32
    %dma_start3A_18 = tpu.memref_slice %arg5[%dma_start3A_17] : memref<25600xi32, #tpu.memory_space<vmem>> -> memref<128xi32, #tpu.memory_space<vmem>>
    %dma_start3A_19 = arith.constant 0 : i32
    %dma_start3A_20 = arith.constant 0 : i32
    %dma_start3A_21 = tpu.memref_slice %arg3[%dma_start3A_19, %dma_start3A_20] : memref<100000x128xf32, #tpu.memory_space<hbm>> -> memref<100000x128xf32, #tpu.memory_space<hbm>>
    tpu.enqueue_indirect_dma source(%dma_start3A_21 : memref<100000x128xf32, #tpu.memory_space<hbm>>) target(%dma_start3A_16 : memref<128x128xf32, #tpu.memory_space<vmem>>) offsets(%dma_start3A_18 : memref<128xi32, #tpu.memory_space<vmem>>) semaphore(%arg9 : memref<!tpu.dma_semaphore, #tpu.memory_space<semaphore_mem>>)
    %dma_wait3A = arith.constant 0 : i32
    %dma_wait3A_22 = arith.constant 0 : i32
    %dma_wait3A_23 = arith.constant 0 : i32
    %dma_wait3A_24 = tpu.memref_slice %arg6[%dma_wait3A, %dma_wait3A_22, %dma_wait3A_23] : memref<2x128x128xf32, #tpu.memory_space<vmem>> -> memref<1x128x128xf32, #tpu.memory_space<vmem>>
    %dma_wait3A_25 = tpu.memref_squeeze %dma_wait3A_24 : memref<1x128x128xf32, #tpu.memory_space<vmem>> -> memref<128x128xf32, #tpu.memory_space<vmem>>
    %dma_wait3A_26 = arith.constant 0 : i32
    %dma_wait3A_27 = tpu.memref_slice %arg5[%dma_wait3A_26] : memref<25600xi32, #tpu.memory_space<vmem>> -> memref<128xi32, #tpu.memory_space<vmem>>
    %dma_wait3A_28 = arith.constant 0 : i32
    %dma_wait3A_29 = arith.constant 0 : i32
    %dma_wait3A_30 = tpu.memref_slice %arg3[%dma_wait3A_28, %dma_wait3A_29] : memref<100000x128xf32, #tpu.memory_space<hbm>> -> memref<100000x128xf32, #tpu.memory_space<hbm>>
    tpu.wait_indirect_dma semaphore(%arg8 : memref<!tpu.dma_semaphore, #tpu.memory_space<semaphore_mem>>) src(%dma_wait3A_30 : memref<100000x128xf32, #tpu.memory_space<hbm>>) dst(%dma_wait3A_25 : memref<128x128xf32, #tpu.memory_space<vmem>>)
    %scan3A = arith.constant 0 : i32
    %scan3A_31 = arith.constant 0 : i32
    %scan3A_32 = arith.constant 16 : i32
    %scan3A_33 = arith.addi %scan3A_31, %scan3A_32 : i32
    %scan3A_34 = arith.constant 1 : i32
    %scan3A_35 = scf.for %scan3A_235 = %scan3A_31 to %scan3A_33 step %scan3A_34 iter_args(%scan3A_236 = %scan3A) -> (i32)  : i32 {
      %mul3A_237 = arith.constant 8 : i32
      %mul3A_238 = arith.muli %scan3A_235, %mul3A_237 : i32
      %add3A_239 = arith.constant 0 : i32
      %add3A_240 = arith.addi %mul3A_238, %add3A_239 : i32
      %get3A = arith.constant 0 : i32
      %get3A_241 = arith.index_cast %get3A : i32 to index
      %get3A_242 = arith.index_cast %add3A_240 : i32 to index
      %get3A_243 = arith.constant 0 : index
      %get3A_244 = tpu.vector_load %arg6[%get3A_241, %get3A_242, %get3A_243] {strides = array<i32>} : memref<2x128x128xf32, #tpu.memory_space<vmem>>, vector<1x1x16xf32>,
      %get3A_245 = vector.shape_cast %get3A_244 : vector<1x1x16xf32> to vector<16xf32>
      %mul3A_246 = arith.constant 8.000000e+00 : f32
      %mul3A_247 = vector.broadcast %mul3A_246 : f32 to vector<16xf32>
      %mul3A_248 = arith.mulf %get3A_245, %mul3A_247 : vector<16xf32>
      %add3A_249 = arith.constant 0 : i32
      %add3A_250 = arith.addi %mul3A_238, %add3A_249 : i32
      %swap3A = arith.constant 0 : i32
      %swap3A_251 = arith.index_cast %swap3A : i32 to index
      %swap3A_252 = arith.index_cast %add3A_250 : i32 to index
      %swap3A_253 = arith.constant 0 : index
      %swap3A_254 = tpu.vector_load %arg7[%swap3A_251, %swap3A_252, %swap3A_253] {strides = array<i32>} : memref<2x128x64xf32, #tpu.memory_space<vmem>>, vector<1x1x16xf32>,
      %swap3A_255 = vector.shape_cast %swap3A_254 : vector<1x1x16xf32> to vector<16xf32>
      %swap3A_256 = vector.shape_cast %mul3A_248 : vector<16xf32> to vector<1x1x16xf32>
      tpu.vector_store %arg7[%swap3A_251, %swap3A_252, %swap3A_253], %swap3A_256 {strides = array<i32>} : memref<2x128x64xf32, #tpu.memory_space<vmem>>, vector<1x1x16xf32>,
      %add3A_257 = arith.constant 0 : i32
      %add3A_258 = arith.addi %mul3A_238, %add3A_257 : i32
      %get3A_259 = arith.constant 0 : i32
      %get3A_260 = arith.index_cast %get3A_259 : i32 to index
      %get3A_261 = arith.index_cast %add3A_258 : i32 to index
      %get3A_262 = arith.constant 16 : index
      %get3A_263 = tpu.vector_load %arg6[%get3A_260, %get3A_261, %get3A_262] {strides = array<i32>} : memref<2x128x128xf32, #tpu.memory_space<vmem>>, vector<1x1x16xf32>,
      %get3A_264 = vector.shape_cast %get3A_263 : vector<1x1x16xf32> to vector<16xf32>
      %mul3A_265 = arith.constant 8.000000e+00 : f32
      %mul3A_266 = vector.broadcast %mul3A_265 : f32 to vector<16xf32>
      %mul3A_267 = arith.mulf %get3A_264, %mul3A_266 : vector<16xf32>
      %add3A_268 = arith.constant 0 : i32
      %add3A_269 = arith.addi %mul3A_238, %add3A_268 : i32
      %swap3A_270 = arith.constant 0 : i32
      %swap3A_271 = arith.index_cast %swap3A_270 : i32 to index
      %swap3A_272 = arith.index_cast %add3A_269 : i32 to index
      %swap3A_273 = arith.constant 16 : index
      %swap3A_274 = tpu.vector_load %arg7[%swap3A_271, %swap3A_272, %swap3A_273] {strides = array<i32>} : memref<2x128x64xf32, #tpu.memory_space<vmem>>, vector<1x1x16xf32>,
      %swap3A_275 = vector.shape_cast %swap3A_274 : vector<1x1x16xf32> to vector<16xf32>
      %swap3A_276 = vector.shape_cast %mul3A_267 : vector<16xf32> to vector<1x1x16xf32>
      tpu.vector_store %arg7[%swap3A_271, %swap3A_272, %swap3A_273], %swap3A_276 {strides = array<i32>} : memref<2x128x64xf32, #tpu.memory_space<vmem>>, vector<1x1x16xf32>,
      %add3A_277 = arith.constant 0 : i32
      %add3A_278 = arith.addi %mul3A_238, %add3A_277 : i32
      %get3A_279 = arith.constant 0 : i32
      %get3A_280 = arith.index_cast %get3A_279 : i32 to index
      %get3A_281 = arith.index_cast %add3A_278 : i32 to index
      %get3A_282 = arith.constant 32 : index
      %get3A_283 = tpu.vector_load %arg6[%get3A_280, %get3A_281, %get3A_282] {strides = array<i32>} : memref<2x128x128xf32, #tpu.memory_space<vmem>>, vector<1x1x16xf32>,
      %get3A_284 = vector.shape_cast %get3A_283 : vector<1x1x16xf32> to vector<16xf32>
      %mul3A_285 = arith.constant 8.000000e+00 : f32
      %mul3A_286 = vector.broadcast %mul3A_285 : f32 to vector<16xf32>
      %mul3A_287 = arith.mulf %get3A_284, %mul3A_286 : vector<16xf32>
      %add3A_288 = arith.constant 0 : i32
      %add3A_289 = arith.addi %mul3A_238, %add3A_288 : i32
      %swap3A_290 = arith.constant 0 : i32
      %swap3A_291 = arith.index_cast %swap3A_290 : i32 to index
      %swap3A_292 = arith.index_cast %add3A_289 : i32 to index
      %swap3A_293 = arith.constant 32 : index
      %swap3A_294 = tpu.vector_load %arg7[%swap3A_291, %swap3A_292, %swap3A_293] {strides = array<i32>} : memref<2x128x64xf32, #tpu.memory_space<vmem>>, vector<1x1x16xf32>,
      %swap3A_295 = vector.shape_cast %swap3A_294 : vector<1x1x16xf32> to vector<16xf32>
      %swap3A_296 = vector.shape_cast %mul3A_287 : vector<16xf32> to vector<1x1x16xf32>
      tpu.vector_store %arg7[%swap3A_291, %swap3A_292, %swap3A_293], %swap3A_296 {strides = array<i32>} : memref<2x128x64xf32, #tpu.memory_space<vmem>>, vector<1x1x16xf32>,
      %add3A_297 = arith.constant 0 : i32
      %add3A_298 = arith.addi %mul3A_238, %add3A_297 : i32
      %get3A_299 = arith.constant 0 : i32
      %get3A_300 = arith.index_cast %get3A_299 : i32 to index
      %get3A_301 = arith.index_cast %add3A_298 : i32 to index
      %get3A_302 = arith.constant 48 : index
      %get3A_303 = tpu.vector_load %arg6[%get3A_300, %get3A_301, %get3A_302] {strides = array<i32>} : memref<2x128x128xf32, #tpu.memory_space<vmem>>, vector<1x1x16xf32>,
      %get3A_304 = vector.shape_cast %get3A_303 : vector<1x1x16xf32> to vector<16xf32>
      %mul3A_305 = arith.constant 8.000000e+00 : f32
      %mul3A_306 = vector.broadcast %mul3A_305 : f32 to vector<16xf32>
      %mul3A_307 = arith.mulf %get3A_304, %mul3A_306 : vector<16xf32>
      %add3A_308 = arith.constant 0 : i32
      %add3A_309 = arith.addi %mul3A_238, %add3A_308 : i32
      %swap3A_310 = arith.constant 0 : i32
      %swap3A_311 = arith.index_cast %swap3A_310 : i32 to index
      %swap3A_312 = arith.index_cast %add3A_309 : i32 to index
      %swap3A_313 = arith.constant 48 : index
      %swap3A_314 = tpu.vector_load %arg7[%swap3A_311, %swap3A_312, %swap3A_313] {strides = array<i32>} : memref<2x128x64xf32, #tpu.memory_space<vmem>>, vector<1x1x16xf32>,
      %swap3A_315 = vector.shape_cast %swap3A_314 : vector<1x1x16xf32> to vector<16xf32>
      %swap3A_316 = vector.shape_cast %mul3A_307 : vector<16xf32> to vector<1x1x16xf32>
      tpu.vector_store %arg7[%swap3A_311, %swap3A_312, %swap3A_313], %swap3A_316 {strides = array<i32>} : memref<2x128x64xf32, #tpu.memory_space<vmem>>, vector<1x1x16xf32>,
      %add3A_317 = arith.constant 1 : i32
      %add3A_318 = arith.addi %mul3A_238, %add3A_317 : i32
      %get3A_319 = arith.constant 0 : i32
      %get3A_320 = arith.index_cast %get3A_319 : i32 to index
      %get3A_321 = arith.index_cast %add3A_318 : i32 to index
      %get3A_322 = arith.constant 0 : index
      %get3A_323 = tpu.vector_load %arg6[%get3A_320, %get3A_321, %get3A_322] {strides = array<i32>} : memref<2x128x128xf32, #tpu.memory_space<vmem>>, vector<1x1x16xf32>,
      %get3A_324 = vector.shape_cast %get3A_323 : vector<1x1x16xf32> to vector<16xf32>
      %mul3A_325 = arith.constant 8.000000e+00 : f32
      %mul3A_326 = vector.broadcast %mul3A_325 : f32 to vector<16xf32>
      %mul3A_327 = arith.mulf %get3A_324, %mul3A_326 : vector<16xf32>
      %add3A_328 = arith.constant 1 : i32
      %add3A_329 = arith.addi %mul3A_238, %add3A_328 : i32
      %swap3A_330 = arith.constant 0 : i32
      %swap3A_331 = arith.index_cast %swap3A_330 : i32 to index
      %swap3A_332 = arith.index_cast %add3A_329 : i32 to index
      %swap3A_333 = arith.constant 0 : index
      %swap3A_334 = tpu.vector_load %arg7[%swap3A_331, %swap3A_332, %swap3A_333] {strides = array<i32>} : memref<2x128x64xf32, #tpu.memory_space<vmem>>, vector<1x1x16xf32>,
      %swap3A_335 = vector.shape_cast %swap3A_334 : vector<1x1x16xf32> to vector<16xf32>
      %swap3A_336 = vector.shape_cast %mul3A_327 : vector<16xf32> to vector<1x1x16xf32>
      tpu.vector_store %arg7[%swap3A_331, %swap3A_332, %swap3A_333], %swap3A_336 {strides = array<i32>} : memref<2x128x64xf32, #tpu.memory_space<vmem>>, vector<1x1x16xf32>,
      %add3A_337 = arith.constant 1 : i32
      %add3A_338 = arith.addi %mul3A_238, %add3A_337 : i32
      %get3A_339 = arith.constant 0 : i32
      %get3A_340 = arith.index_cast %get3A_339 : i32 to index
      %get3A_341 = arith.index_cast %add3A_338 : i32 to index
      %get3A_342 = arith.constant 16 : index
      %get3A_343 = tpu.vector_load %arg6[%get3A_340, %get3A_341, %get3A_342] {strides = array<i32>} : memref<2x128x128xf32, #tpu.memory_space<vmem>>, vector<1x1x16xf32>,
      %get3A_344 = vector.shape_cast %get3A_343 : vector<1x1x16xf32> to vector<16xf32>
      %mul3A_345 = arith.constant 8.000000e+00 : f32
      %mul3A_346 = vector.broadcast %mul3A_345 : f32 to vector<16xf32>
      %mul3A_347 = arith.mulf %get3A_344, %mul3A_346 : vector<16xf32>
      %add3A_348 = arith.constant 1 : i32
      %add3A_349 = arith.addi %mul3A_238, %add3A_348 : i32
      %swap3A_350 = arith.constant 0 : i32
      %swap3A_351 = arith.index_cast %swap3A_350 : i32 to index
      %swap3A_352 = arith.index_cast %add3A_349 : i32 to index
      %swap3A_353 = arith.constant 16 : index
      %swap3A_354 = tpu.vector_load %arg7[%swap3A_351, %swap3A_352, %swap3A_353] {strides = array<i32>} : memref<2x128x64xf32, #tpu.memory_space<vmem>>, vector<1x1x16xf32>,
      %swap3A_355 = vector.shape_cast %swap3A_354 : vector<1x1x16xf32> to vector<16xf32>
      %swap3A_356 = vector.shape_cast %mul3A_347 : vector<16xf32> to vector<1x1x16xf32>
      tpu.vector_store %arg7[%swap3A_351, %swap3A_352, %swap3A_353], %swap3A_356 {strides = array<i32>} : memref<2x128x64xf32, #tpu.memory_space<vmem>>, vector<1x1x16xf32>,
      %add3A_357 = arith.constant 1 : i32
      %add3A_358 = arith.addi %mul3A_238, %add3A_357 : i32
      %get3A_359 = arith.constant 0 : i32
      %get3A_360 = arith.index_cast %get3A_359 : i32 to index
      %get3A_361 = arith.index_cast %add3A_358 : i32 to index
      %get3A_362 = arith.constant 32 : index
      %get3A_363 = tpu.vector_load %arg6[%get3A_360, %get3A_361, %get3A_362] {strides = array<i32>} : memref<2x128x128xf32, #tpu.memory_space<vmem>>, vector<1x1x16xf32>,
      %get3A_364 = vector.shape_cast %get3A_363 : vector<1x1x16xf32> to vector<16xf32>
      %mul3A_365 = arith.constant 8.000000e+00 : f32
      %mul3A_366 = vector.broadcast %mul3A_365 : f32 to vector<16xf32>
      %mul3A_367 = arith.mulf %get3A_364, %mul3A_366 : vector<16xf32>
      %add3A_368 = arith.constant 1 : i32
      %add3A_369 = arith.addi %mul3A_238, %add3A_368 : i32
      %swap3A_370 = arith.constant 0 : i32
      %swap3A_371 = arith.index_cast %swap3A_370 : i32 to index
      %swap3A_372 = arith.index_cast %add3A_369 : i32 to index
      %swap3A_373 = arith.constant 32 : index
      %swap3A_374 = tpu.vector_load %arg7[%swap3A_371, %swap3A_372, %swap3A_373] {strides = array<i32>} : memref<2x128x64xf32, #tpu.memory_space<vmem>>, vector<1x1x16xf32>,
      %swap3A_375 = vector.shape_cast %swap3A_374 : vector<1x1x16xf32> to vector<16xf32>
      %swap3A_376 = vector.shape_cast %mul3A_367 : vector<16xf32> to vector<1x1x16xf32>
      tpu.vector_store %arg7[%swap3A_371, %swap3A_372, %swap3A_373], %swap3A_376 {strides = array<i32>} : memref<2x128x64xf32, #tpu.memory_space<vmem>>, vector<1x1x16xf32>,
      %add3A_377 = arith.constant 1 : i32
      %add3A_378 = arith.addi %mul3A_238, %add3A_377 : i32
      %get3A_379 = arith.constant 0 : i32
      %get3A_380 = arith.index_cast %get3A_379 : i32 to index
      %get3A_381 = arith.index_cast %add3A_378 : i32 to index
      %get3A_382 = arith.constant 48 : index
      %get3A_383 = tpu.vector_load %arg6[%get3A_380, %get3A_381, %get3A_382] {strides = array<i32>} : memref<2x128x128xf32, #tpu.memory_space<vmem>>, vector<1x1x16xf32>,
      %get3A_384 = vector.shape_cast %get3A_383 : vector<1x1x16xf32> to vector<16xf32>
      %mul3A_385 = arith.constant 8.000000e+00 : f32
      %mul3A_386 = vector.broadcast %mul3A_385 : f32 to vector<16xf32>
      %mul3A_387 = arith.mulf %get3A_384, %mul3A_386 : vector<16xf32>
      %add3A_388 = arith.constant 1 : i32
      %add3A_389 = arith.addi %mul3A_238, %add3A_388 : i32
      %swap3A_390 = arith.constant 0 : i32
      %swap3A_391 = arith.index_cast %swap3A_390 : i32 to index
      %swap3A_392 = arith.index_cast %add3A_389 : i32 to index
      %swap3A_393 = arith.constant 48 : index
      %swap3A_394 = tpu.vector_load %arg7[%swap3A_391, %swap3A_392, %swap3A_393] {strides = array<i32>} : memref<2x128x64xf32, #tpu.memory_space<vmem>>, vector<1x1x16xf32>,
      %swap3A_395 = vector.shape_cast %swap3A_394 : vector<1x1x16xf32> to vector<16xf32>
      %swap3A_396 = vector.shape_cast %mul3A_387 : vector<16xf32> to vector<1x1x16xf32>
      tpu.vector_store %arg7[%swap3A_391, %swap3A_392, %swap3A_393], %swap3A_396 {strides = array<i32>} : memref<2x128x64xf32, #tpu.memory_space<vmem>>, vector<1x1x16xf32>,
      %add3A_397 = arith.constant 2 : i32
      %add3A_398 = arith.addi %mul3A_238, %add3A_397 : i32
      %get3A_399 = arith.constant 0 : i32
      %get3A_400 = arith.index_cast %get3A_399 : i32 to index
      %get3A_401 = arith.index_cast %add3A_398 : i32 to index
      %get3A_402 = arith.constant 0 : index
      %get3A_403 = tpu.vector_load %arg6[%get3A_400, %get3A_401, %get3A_402] {strides = array<i32>} : memref<2x128x128xf32, #tpu.memory_space<vmem>>, vector<1x1x16xf32>,
      %get3A_404 = vector.shape_cast %get3A_403 : vector<1x1x16xf32> to vector<16xf32>
      %mul3A_405 = arith.constant 8.000000e+00 : f32
      %mul3A_406 = vector.broadcast %mul3A_405 : f32 to vector<16xf32>
      %mul3A_407 = arith.mulf %get3A_404, %mul3A_406 : vector<16xf32>
      %add3A_408 = arith.constant 2 : i32
      %add3A_409 = arith.addi %mul3A_238, %add3A_408 : i32
      %swap3A_410 = arith.constant 0 : i32
      %swap3A_411 = arith.index_cast %swap3A_410 : i32 to index
      %swap3A_412 = arith.index_cast %add3A_409 : i32 to index
      %swap3A_413 = arith.constant 0 : index
      %swap3A_414 = tpu.vector_load %arg7[%swap3A_411, %swap3A_412, %swap3A_413] {strides = array<i32>} : memref<2x128x64xf32, #tpu.memory_space<vmem>>, vector<1x1x16xf32>,
      %swap3A_415 = vector.shape_cast %swap3A_414 : vector<1x1x16xf32> to vector<16xf32>
      %swap3A_416 = vector.shape_cast %mul3A_407 : vector<16xf32> to vector<1x1x16xf32>
      tpu.vector_store %arg7[%swap3A_411, %swap3A_412, %swap3A_413], %swap3A_416 {strides = array<i32>} : memref<2x128x64xf32, #tpu.memory_space<vmem>>, vector<1x1x16xf32>,
      %add3A_417 = arith.constant 2 : i32
      %add3A_418 = arith.addi %mul3A_238, %add3A_417 : i32
      %get3A_419 = arith.constant 0 : i32
      %get3A_420 = arith.index_cast %get3A_419 : i32 to index
      %get3A_421 = arith.index_cast %add3A_418 : i32 to index
      %get3A_422 = arith.constant 16 : index
      %get3A_423 = tpu.vector_load %arg6[%get3A_420, %get3A_421, %get3A_422] {strides = array<i32>} : memref<2x128x128xf32, #tpu.memory_space<vmem>>, vector<1x1x16xf32>,
      %get3A_424 = vector.shape_cast %get3A_423 : vector<1x1x16xf32> to vector<16xf32>
      %mul3A_425 = arith.constant 8.000000e+00 : f32
      %mul3A_426 = vector.broadcast %mul3A_425 : f32 to vector<16xf32>
      %mul3A_427 = arith.mulf %get3A_424, %mul3A_426 : vector<16xf32>
      %add3A_428 = arith.constant 2 : i32
      %add3A_429 = arith.addi %mul3A_238, %add3A_428 : i32
      %swap3A_430 = arith.constant 0 : i32
      %swap3A_431 = arith.index_cast %swap3A_430 : i32 to index
      %swap3A_432 = arith.index_cast %add3A_429 : i32 to index
      %swap3A_433 = arith.constant 16 : index
      %swap3A_434 = tpu.vector_load %arg7[%swap3A_431, %swap3A_432, %swap3A_433] {strides = array<i32>} : memref<2x128x64xf32, #tpu.memory_space<vmem>>, vector<1x1x16xf32>,
      %swap3A_435 = vector.shape_cast %swap3A_434 : vector<1x1x16xf32> to vector<16xf32>
      %swap3A_436 = vector.shape_cast %mul3A_427 : vector<16xf32> to vector<1x1x16xf32>
      tpu.vector_store %arg7[%swap3A_431, %swap3A_432, %swap3A_433], %swap3A_436 {strides = array<i32>} : memref<2x128x64xf32, #tpu.memory_space<vmem>>, vector<1x1x16xf32>,
      %add3A_437 = arith.constant 2 : i32
      %add3A_438 = arith.addi %mul3A_238, %add3A_437 : i32
      %get3A_439 = arith.constant 0 : i32
      %get3A_440 = arith.index_cast %get3A_439 : i32 to index
      %get3A_441 = arith.index_cast %add3A_438 : i32 to index
      %get3A_442 = arith.constant 32 : index
      %get3A_443 = tpu.vector_load %arg6[%get3A_440, %get3A_441, %get3A_442] {strides = array<i32>} : memref<2x128x128xf32, #tpu.memory_space<vmem>>, vector<1x1x16xf32>,
      %get3A_444 = vector.shape_cast %get3A_443 : vector<1x1x16xf32> to vector<16xf32>
      %mul3A_445 = arith.constant 8.000000e+00 : f32
      %mul3A_446 = vector.broadcast %mul3A_445 : f32 to vector<16xf32>
      %mul3A_447 = arith.mulf %get3A_444, %mul3A_446 : vector<16xf32>
      %add3A_448 = arith.constant 2 : i32
      %add3A_449 = arith.addi %mul3A_238, %add3A_448 : i32
      %swap3A_450 = arith.constant 0 : i32
      %swap3A_451 = arith.index_cast %swap3A_450 : i32 to index
      %swap3A_452 = arith.index_cast %add3A_449 : i32 to index
      %swap3A_453 = arith.constant 32 : index
      %swap3A_454 = tpu.vector_load %arg7[%swap3A_451, %swap3A_452, %swap3A_453] {strides = array<i32>} : memref<2x128x64xf32, #tpu.memory_space<vmem>>, vector<1x1x16xf32>,
      %swap3A_455 = vector.shape_cast %swap3A_454 : vector<1x1x16xf32> to vector<16xf32>
      %swap3A_456 = vector.shape_cast %mul3A_447 : vector<16xf32> to vector<1x1x16xf32>
      tpu.vector_store %arg7[%swap3A_451, %swap3A_452, %swap3A_453], %swap3A_456 {strides = array<i32>} : memref<2x128x64xf32, #tpu.memory_space<vmem>>, vector<1x1x16xf32>,
      %add3A_457 = arith.constant 2 : i32
      %add3A_458 = arith.addi %mul3A_238, %add3A_457 : i32
      %get3A_459 = arith.constant 0 : i32
      %get3A_460 = arith.index_cast %get3A_459 : i32 to index
      %get3A_461 = arith.index_cast %add3A_458 : i32 to index
      %get3A_462 = arith.constant 48 : index
      %get3A_463 = tpu.vector_load %arg6[%get3A_460, %get3A_461, %get3A_462] {strides = array<i32>} : memref<2x128x128xf32, #tpu.memory_space<vmem>>, vector<1x1x16xf32>,
      %get3A_464 = vector.shape_cast %get3A_463 : vector<1x1x16xf32> to vector<16xf32>
      %mul3A_465 = arith.constant 8.000000e+00 : f32
      %mul3A_466 = vector.broadcast %mul3A_465 : f32 to vector<16xf32>
      %mul3A_467 = arith.mulf %get3A_464, %mul3A_466 : vector<16xf32>
      %add3A_468 = arith.constant 2 : i32
      %add3A_469 = arith.addi %mul3A_238, %add3A_468 : i32
      %swap3A_470 = arith.constant 0 : i32
      %swap3A_471 = arith.index_cast %swap3A_470 : i32 to index
      %swap3A_472 = arith.index_cast %add3A_469 : i32 to index
      %swap3A_473 = arith.constant 48 : index
      %swap3A_474 = tpu.vector_load %arg7[%swap3A_471, %swap3A_472, %swap3A_473] {strides = array<i32>} : memref<2x128x64xf32, #tpu.memory_space<vmem>>, vector<1x1x16xf32>,
      %swap3A_475 = vector.shape_cast %swap3A_474 : vector<1x1x16xf32> to vector<16xf32>
      %swap3A_476 = vector.shape_cast %mul3A_467 : vector<16xf32> to vector<1x1x16xf32>
      tpu.vector_store %arg7[%swap3A_471, %swap3A_472, %swap3A_473], %swap3A_476 {strides = array<i32>} : memref<2x128x64xf32, #tpu.memory_space<vmem>>, vector<1x1x16xf32>,
      %add3A_477 = arith.constant 3 : i32
      %add3A_478 = arith.addi %mul3A_238, %add3A_477 : i32
      %get3A_479 = arith.constant 0 : i32
      %get3A_480 = arith.index_cast %get3A_479 : i32 to index
      %get3A_481 = arith.index_cast %add3A_478 : i32 to index
      %get3A_482 = arith.constant 0 : index
      %get3A_483 = tpu.vector_load %arg6[%get3A_480, %get3A_481, %get3A_482] {strides = array<i32>} : memref<2x128x128xf32, #tpu.memory_space<vmem>>, vector<1x1x16xf32>,
      %get3A_484 = vector.shape_cast %get3A_483 : vector<1x1x16xf32> to vector<16xf32>
      %mul3A_485 = arith.constant 8.000000e+00 : f32
      %mul3A_486 = vector.broadcast %mul3A_485 : f32 to vector<16xf32>
      %mul3A_487 = arith.mulf %get3A_484, %mul3A_486 : vector<16xf32>
      %add3A_488 = arith.constant 3 : i32
      %add3A_489 = arith.addi %mul3A_238, %add3A_488 : i32
      %swap3A_490 = arith.constant 0 : i32
      %swap3A_491 = arith.index_cast %swap3A_490 : i32 to index
      %swap3A_492 = arith.index_cast %add3A_489 : i32 to index
      %swap3A_493 = arith.constant 0 : index
      %swap3A_494 = tpu.vector_load %arg7[%swap3A_491, %swap3A_492, %swap3A_493] {strides = array<i32>} : memref<2x128x64xf32, #tpu.memory_space<vmem>>, vector<1x1x16xf32>,
      %swap3A_495 = vector.shape_cast %swap3A_494 : vector<1x1x16xf32> to vector<16xf32>
      %swap3A_496 = vector.shape_cast %mul3A_487 : vector<16xf32> to vector<1x1x16xf32>
      tpu.vector_store %arg7[%swap3A_491, %swap3A_492, %swap3A_493], %swap3A_496 {strides = array<i32>} : memref<2x128x64xf32, #tpu.memory_space<vmem>>, vector<1x1x16xf32>,
      %add3A_497 = arith.constant 3 : i32
      %add3A_498 = arith.addi %mul3A_238, %add3A_497 : i32
      %get3A_499 = arith.constant 0 : i32
      %get3A_500 = arith.index_cast %get3A_499 : i32 to index
      %get3A_501 = arith.index_cast %add3A_498 : i32 to index
      %get3A_502 = arith.constant 16 : index
      %get3A_503 = tpu.vector_load %arg6[%get3A_500, %get3A_501, %get3A_502] {strides = array<i32>} : memref<2x128x128xf32, #tpu.memory_space<vmem>>, vector<1x1x16xf32>,
      %get3A_504 = vector.shape_cast %get3A_503 : vector<1x1x16xf32> to vector<16xf32>
      %mul3A_505 = arith.constant 8.000000e+00 : f32
      %mul3A_506 = vector.broadcast %mul3A_505 : f32 to vector<16xf32>
      %mul3A_507 = arith.mulf %get3A_504, %mul3A_506 : vector<16xf32>
      %add3A_508 = arith.constant 3 : i32
      %add3A_509 = arith.addi %mul3A_238, %add3A_508 : i32
      %swap3A_510 = arith.constant 0 : i32
      %swap3A_511 = arith.index_cast %swap3A_510 : i32 to index
      %swap3A_512 = arith.index_cast %add3A_509 : i32 to index
      %swap3A_513 = arith.constant 16 : index
      %swap3A_514 = tpu.vector_load %arg7[%swap3A_511, %swap3A_512, %swap3A_513] {strides = array<i32>} : memref<2x128x64xf32, #tpu.memory_space<vmem>>, vector<1x1x16xf32>,
      %swap3A_515 = vector.shape_cast %swap3A_514 : vector<1x1x16xf32> to vector<16xf32>
      %swap3A_516 = vector.shape_cast %mul3A_507 : vector<16xf32> to vector<1x1x16xf32>
      tpu.vector_store %arg7[%swap3A_511, %swap3A_512, %swap3A_513], %swap3A_516 {strides = array<i32>} : memref<2x128x64xf32, #tpu.memory_space<vmem>>, vector<1x1x16xf32>,
      %add3A_517 = arith.constant 3 : i32
      %add3A_518 = arith.addi %mul3A_238, %add3A_517 : i32
      %get3A_519 = arith.constant 0 : i32
      %get3A_520 = arith.index_cast %get3A_519 : i32 to index
      %get3A_521 = arith.index_cast %add3A_518 : i32 to index
      %get3A_522 = arith.constant 32 : index
      %get3A_523 = tpu.vector_load %arg6[%get3A_520, %get3A_521, %get3A_522] {strides = array<i32>} : memref<2x128x128xf32, #tpu.memory_space<vmem>>, vector<1x1x16xf32>,
      %get3A_524 = vector.shape_cast %get3A_523 : vector<1x1x16xf32> to vector<16xf32>
      %mul3A_525 = arith.constant 8.000000e+00 : f32
      %mul3A_526 = vector.broadcast %mul3A_525 : f32 to vector<16xf32>
      %mul3A_527 = arith.mulf %get3A_524, %mul3A_526 : vector<16xf32>
      %add3A_528 = arith.constant 3 : i32
      %add3A_529 = arith.addi %mul3A_238, %add3A_528 : i32
      %swap3A_530 = arith.constant 0 : i32
      %swap3A_531 = arith.index_cast %swap3A_530 : i32 to index
      %swap3A_532 = arith.index_cast %add3A_529 : i32 to index
      %swap3A_533 = arith.constant 32 : index
      %swap3A_534 = tpu.vector_load %arg7[%swap3A_531, %swap3A_532, %swap3A_533] {strides = array<i32>} : memref<2x128x64xf32, #tpu.memory_space<vmem>>, vector<1x1x16xf32>,
      %swap3A_535 = vector.shape_cast %swap3A_534 : vector<1x1x16xf32> to vector<16xf32>
      %swap3A_536 = vector.shape_cast %mul3A_527 : vector<16xf32> to vector<1x1x16xf32>
      tpu.vector_store %arg7[%swap3A_531, %swap3A_532, %swap3A_533], %swap3A_536 {strides = array<i32>} : memref<2x128x64xf32, #tpu.memory_space<vmem>>, vector<1x1x16xf32>,
      %add3A_537 = arith.constant 3 : i32
      %add3A_538 = arith.addi %mul3A_238, %add3A_537 : i32
      %get3A_539 = arith.constant 0 : i32
      %get3A_540 = arith.index_cast %get3A_539 : i32 to index
      %get3A_541 = arith.index_cast %add3A_538 : i32 to index
      %get3A_542 = arith.constant 48 : index
      %get3A_543 = tpu.vector_load %arg6[%get3A_540, %get3A_541, %get3A_542] {strides = array<i32>} : memref<2x128x128xf32, #tpu.memory_space<vmem>>, vector<1x1x16xf32>,
      %get3A_544 = vector.shape_cast %get3A_543 : vector<1x1x16xf32> to vector<16xf32>
      %mul3A_545 = arith.constant 8.000000e+00 : f32
      %mul3A_546 = vector.broadcast %mul3A_545 : f32 to vector<16xf32>
      %mul3A_547 = arith.mulf %get3A_544, %mul3A_546 : vector<16xf32>
      %add3A_548 = arith.constant 3 : i32
      %add3A_549 = arith.addi %mul3A_238, %add3A_548 : i32
      %swap3A_550 = arith.constant 0 : i32
      %swap3A_551 = arith.index_cast %swap3A_550 : i32 to index
      %swap3A_552 = arith.index_cast %add3A_549 : i32 to index
      %swap3A_553 = arith.constant 48 : index
      %swap3A_554 = tpu.vector_load %arg7[%swap3A_551, %swap3A_552, %swap3A_553] {strides = array<i32>} : memref<2x128x64xf32, #tpu.memory_space<vmem>>, vector<1x1x16xf32>,
      %swap3A_555 = vector.shape_cast %swap3A_554 : vector<1x1x16xf32> to vector<16xf32>
      %swap3A_556 = vector.shape_cast %mul3A_547 : vector<16xf32> to vector<1x1x16xf32>
      tpu.vector_store %arg7[%swap3A_551, %swap3A_552, %swap3A_553], %swap3A_556 {strides = array<i32>} : memref<2x128x64xf32, #tpu.memory_space<vmem>>, vector<1x1x16xf32>,
      %add3A_557 = arith.constant 4 : i32
      %add3A_558 = arith.addi %mul3A_238, %add3A_557 : i32
      %get3A_559 = arith.constant 0 : i32
      %get3A_560 = arith.index_cast %get3A_559 : i32 to index
      %get3A_561 = arith.index_cast %add3A_558 : i32 to index
      %get3A_562 = arith.constant 0 : index
      %get3A_563 = tpu.vector_load %arg6[%get3A_560, %get3A_561, %get3A_562] {strides = array<i32>} : memref<2x128x128xf32, #tpu.memory_space<vmem>>, vector<1x1x16xf32>,
      %get3A_564 = vector.shape_cast %get3A_563 : vector<1x1x16xf32> to vector<16xf32>
      %mul3A_565 = arith.constant 8.000000e+00 : f32
      %mul3A_566 = vector.broadcast %mul3A_565 : f32 to vector<16xf32>
      %mul3A_567 = arith.mulf %get3A_564, %mul3A_566 : vector<16xf32>
      %add3A_568 = arith.constant 4 : i32
      %add3A_569 = arith.addi %mul3A_238, %add3A_568 : i32
      %swap3A_570 = arith.constant 0 : i32
      %swap3A_571 = arith.index_cast %swap3A_570 : i32 to index
      %swap3A_572 = arith.index_cast %add3A_569 : i32 to index
      %swap3A_573 = arith.constant 0 : index
      %swap3A_574 = tpu.vector_load %arg7[%swap3A_571, %swap3A_572, %swap3A_573] {strides = array<i32>} : memref<2x128x64xf32, #tpu.memory_space<vmem>>, vector<1x1x16xf32>,
      %swap3A_575 = vector.shape_cast %swap3A_574 : vector<1x1x16xf32> to vector<16xf32>
      %swap3A_576 = vector.shape_cast %mul3A_567 : vector<16xf32> to vector<1x1x16xf32>
      tpu.vector_store %arg7[%swap3A_571, %swap3A_572, %swap3A_573], %swap3A_576 {strides = array<i32>} : memref<2x128x64xf32, #tpu.memory_space<vmem>>, vector<1x1x16xf32>,
      %add3A_577 = arith.constant 4 : i32
      %add3A_578 = arith.addi %mul3A_238, %add3A_577 : i32
      %get3A_579 = arith.constant 0 : i32
      %get3A_580 = arith.index_cast %get3A_579 : i32 to index
      %get3A_581 = arith.index_cast %add3A_578 : i32 to index
      %get3A_582 = arith.constant 16 : index
      %get3A_583 = tpu.vector_load %arg6[%get3A_580, %get3A_581, %get3A_582] {strides = array<i32>} : memref<2x128x128xf32, #tpu.memory_space<vmem>>, vector<1x1x16xf32>,
      %get3A_584 = vector.shape_cast %get3A_583 : vector<1x1x16xf32> to vector<16xf32>
      %mul3A_585 = arith.constant 8.000000e+00 : f32
      %mul3A_586 = vector.broadcast %mul3A_585 : f32 to vector<16xf32>
      %mul3A_587 = arith.mulf %get3A_584, %mul3A_586 : vector<16xf32>
      %add3A_588 = arith.constant 4 : i32
      %add3A_589 = arith.addi %mul3A_238, %add3A_588 : i32
      %swap3A_590 = arith.constant 0 : i32
      %swap3A_591 = arith.index_cast %swap3A_590 : i32 to index
      %swap3A_592 = arith.index_cast %add3A_589 : i32 to index
      %swap3A_593 = arith.constant 16 : index
      %swap3A_594 = tpu.vector_load %arg7[%swap3A_591, %swap3A_592, %swap3A_593] {strides = array<i32>} : memref<2x128x64xf32, #tpu.memory_space<vmem>>, vector<1x1x16xf32>,
      %swap3A_595 = vector.shape_cast %swap3A_594 : vector<1x1x16xf32> to vector<16xf32>
      %swap3A_596 = vector.shape_cast %mul3A_587 : vector<16xf32> to vector<1x1x16xf32>
      tpu.vector_store %arg7[%swap3A_591, %swap3A_592, %swap3A_593], %swap3A_596 {strides = array<i32>} : memref<2x128x64xf32, #tpu.memory_space<vmem>>, vector<1x1x16xf32>,
      %add3A_597 = arith.constant 4 : i32
      %add3A_598 = arith.addi %mul3A_238, %add3A_597 : i32
      %get3A_599 = arith.constant 0 : i32
      %get3A_600 = arith.index_cast %get3A_599 : i32 to index
      %get3A_601 = arith.index_cast %add3A_598 : i32 to index
      %get3A_602 = arith.constant 32 : index
      %get3A_603 = tpu.vector_load %arg6[%get3A_600, %get3A_601, %get3A_602] {strides = array<i32>} : memref<2x128x128xf32, #tpu.memory_space<vmem>>, vector<1x1x16xf32>,
      %get3A_604 = vector.shape_cast %get3A_603 : vector<1x1x16xf32> to vector<16xf32>
      %mul3A_605 = arith.constant 8.000000e+00 : f32
      %mul3A_606 = vector.broadcast %mul3A_605 : f32 to vector<16xf32>
      %mul3A_607 = arith.mulf %get3A_604, %mul3A_606 : vector<16xf32>
      %add3A_608 = arith.constant 4 : i32
      %add3A_609 = arith.addi %mul3A_238, %add3A_608 : i32
      %swap3A_610 = arith.constant 0 : i32
      %swap3A_611 = arith.index_cast %swap3A_610 : i32 to index
      %swap3A_612 = arith.index_cast %add3A_609 : i32 to index
      %swap3A_613 = arith.constant 32 : index
      %swap3A_614 = tpu.vector_load %arg7[%swap3A_611, %swap3A_612, %swap3A_613] {strides = array<i32>} : memref<2x128x64xf32, #tpu.memory_space<vmem>>, vector<1x1x16xf32>,
      %swap3A_615 = vector.shape_cast %swap3A_614 : vector<1x1x16xf32> to vector<16xf32>
      %swap3A_616 = vector.shape_cast %mul3A_607 : vector<16xf32> to vector<1x1x16xf32>
      tpu.vector_store %arg7[%swap3A_611, %swap3A_612, %swap3A_613], %swap3A_616 {strides = array<i32>} : memref<2x128x64xf32, #tpu.memory_space<vmem>>, vector<1x1x16xf32>,
      %add3A_617 = arith.constant 4 : i32
      %add3A_618 = arith.addi %mul3A_238, %add3A_617 : i32
      %get3A_619 = arith.constant 0 : i32
      %get3A_620 = arith.index_cast %get3A_619 : i32 to index
      %get3A_621 = arith.index_cast %add3A_618 : i32 to index
      %get3A_622 = arith.constant 48 : index
      %get3A_623 = tpu.vector_load %arg6[%get3A_620, %get3A_621, %get3A_622] {strides = array<i32>} : memref<2x128x128xf32, #tpu.memory_space<vmem>>, vector<1x1x16xf32>,
      %get3A_624 = vector.shape_cast %get3A_623 : vector<1x1x16xf32> to vector<16xf32>
      %mul3A_625 = arith.constant 8.000000e+00 : f32
      %mul3A_626 = vector.broadcast %mul3A_625 : f32 to vector<16xf32>
      %mul3A_627 = arith.mulf %get3A_624, %mul3A_626 : vector<16xf32>
      %add3A_628 = arith.constant 4 : i32
      %add3A_629 = arith.addi %mul3A_238, %add3A_628 : i32
      %swap3A_630 = arith.constant 0 : i32
      %swap3A_631 = arith.index_cast %swap3A_630 : i32 to index
      %swap3A_632 = arith.index_cast %add3A_629 : i32 to index
      %swap3A_633 = arith.constant 48 : index
      %swap3A_634 = tpu.vector_load %arg7[%swap3A_631, %swap3A_632, %swap3A_633] {strides = array<i32>} : memref<2x128x64xf32, #tpu.memory_space<vmem>>, vector<1x1x16xf32>,
      %swap3A_635 = vector.shape_cast %swap3A_634 : vector<1x1x16xf32> to vector<16xf32>
      %swap3A_636 = vector.shape_cast %mul3A_627 : vector<16xf32> to vector<1x1x16xf32>
      tpu.vector_store %arg7[%swap3A_631, %swap3A_632, %swap3A_633], %swap3A_636 {strides = array<i32>} : memref<2x128x64xf32, #tpu.memory_space<vmem>>, vector<1x1x16xf32>,
      %add3A_637 = arith.constant 5 : i32
      %add3A_638 = arith.addi %mul3A_238, %add3A_637 : i32
      %get3A_639 = arith.constant 0 : i32
      %get3A_640 = arith.index_cast %get3A_639 : i32 to index
      %get3A_641 = arith.index_cast %add3A_638 : i32 to index
      %get3A_642 = arith.constant 0 : index
      %get3A_643 = tpu.vector_load %arg6[%get3A_640, %get3A_641, %get3A_642] {strides = array<i32>} : memref<2x128x128xf32, #tpu.memory_space<vmem>>, vector<1x1x16xf32>,
      %get3A_644 = vector.shape_cast %get3A_643 : vector<1x1x16xf32> to vector<16xf32>
      %mul3A_645 = arith.constant 8.000000e+00 : f32
      %mul3A_646 = vector.broadcast %mul3A_645 : f32 to vector<16xf32>
      %mul3A_647 = arith.mulf %get3A_644, %mul3A_646 : vector<16xf32>
      %add3A_648 = arith.constant 5 : i32
      %add3A_649 = arith.addi %mul3A_238, %add3A_648 : i32
      %swap3A_650 = arith.constant 0 : i32
      %swap3A_651 = arith.index_cast %swap3A_650 : i32 to index
      %swap3A_652 = arith.index_cast %add3A_649 : i32 to index
      %swap3A_653 = arith.constant 0 : index
      %swap3A_654 = tpu.vector_load %arg7[%swap3A_651, %swap3A_652, %swap3A_653] {strides = array<i32>} : memref<2x128x64xf32, #tpu.memory_space<vmem>>, vector<1x1x16xf32>,
      %swap3A_655 = vector.shape_cast %swap3A_654 : vector<1x1x16xf32> to vector<16xf32>
      %swap3A_656 = vector.shape_cast %mul3A_647 : vector<16xf32> to vector<1x1x16xf32>
      tpu.vector_store %arg7[%swap3A_651, %swap3A_652, %swap3A_653], %swap3A_656 {strides = array<i32>} : memref<2x128x64xf32, #tpu.memory_space<vmem>>, vector<1x1x16xf32>,
      %add3A_657 = arith.constant 5 : i32
      %add3A_658 = arith.addi %mul3A_238, %add3A_657 : i32
      %get3A_659 = arith.constant 0 : i32
      %get3A_660 = arith.index_cast %get3A_659 : i32 to index
      %get3A_661 = arith.index_cast %add3A_658 : i32 to index
      %get3A_662 = arith.constant 16 : index
      %get3A_663 = tpu.vector_load %arg6[%get3A_660, %get3A_661, %get3A_662] {strides = array<i32>} : memref<2x128x128xf32, #tpu.memory_space<vmem>>, vector<1x1x16xf32>,
      %get3A_664 = vector.shape_cast %get3A_663 : vector<1x1x16xf32> to vector<16xf32>
      %mul3A_665 = arith.constant 8.000000e+00 : f32
      %mul3A_666 = vector.broadcast %mul3A_665 : f32 to vector<16xf32>
      %mul3A_667 = arith.mulf %get3A_664, %mul3A_666 : vector<16xf32>
      %add3A_668 = arith.constant 5 : i32
      %add3A_669 = arith.addi %mul3A_238, %add3A_668 : i32
      %swap3A_670 = arith.constant 0 : i32
      %swap3A_671 = arith.index_cast %swap3A_670 : i32 to index
      %swap3A_672 = arith.index_cast %add3A_669 : i32 to index
      %swap3A_673 = arith.constant 16 : index
      %swap3A_674 = tpu.vector_load %arg7[%swap3A_671, %swap3A_672, %swap3A_673] {strides = array<i32>} : memref<2x128x64xf32, #tpu.memory_space<vmem>>, vector<1x1x16xf32>,
      %swap3A_675 = vector.shape_cast %swap3A_674 : vector<1x1x16xf32> to vector<16xf32>
      %swap3A_676 = vector.shape_cast %mul3A_667 : vector<16xf32> to vector<1x1x16xf32>
      tpu.vector_store %arg7[%swap3A_671, %swap3A_672, %swap3A_673], %swap3A_676 {strides = array<i32>} : memref<2x128x64xf32, #tpu.memory_space<vmem>>, vector<1x1x16xf32>,
      %add3A_677 = arith.constant 5 : i32
      %add3A_678 = arith.addi %mul3A_238, %add3A_677 : i32
      %get3A_679 = arith.constant 0 : i32
      %get3A_680 = arith.index_cast %get3A_679 : i32 to index
      %get3A_681 = arith.index_cast %add3A_678 : i32 to index
      %get3A_682 = arith.constant 32 : index
      %get3A_683 = tpu.vector_load %arg6[%get3A_680, %get3A_681, %get3A_682] {strides = array<i32>} : memref<2x128x128xf32, #tpu.memory_space<vmem>>, vector<1x1x16xf32>,
      %get3A_684 = vector.shape_cast %get3A_683 : vector<1x1x16xf32> to vector<16xf32>
      %mul3A_685 = arith.constant 8.000000e+00 : f32
      %mul3A_686 = vector.broadcast %mul3A_685 : f32 to vector<16xf32>
      %mul3A_687 = arith.mulf %get3A_684, %mul3A_686 : vector<16xf32>
      %add3A_688 = arith.constant 5 : i32
      %add3A_689 = arith.addi %mul3A_238, %add3A_688 : i32
      %swap3A_690 = arith.constant 0 : i32
      %swap3A_691 = arith.index_cast %swap3A_690 : i32 to index
      %swap3A_692 = arith.index_cast %add3A_689 : i32 to index
      %swap3A_693 = arith.constant 32 : index
      %swap3A_694 = tpu.vector_load %arg7[%swap3A_691, %swap3A_692, %swap3A_693] {strides = array<i32>} : memref<2x128x64xf32, #tpu.memory_space<vmem>>, vector<1x1x16xf32>,
      %swap3A_695 = vector.shape_cast %swap3A_694 : vector<1x1x16xf32> to vector<16xf32>
      %swap3A_696 = vector.shape_cast %mul3A_687 : vector<16xf32> to vector<1x1x16xf32>
      tpu.vector_store %arg7[%swap3A_691, %swap3A_692, %swap3A_693], %swap3A_696 {strides = array<i32>} : memref<2x128x64xf32, #tpu.memory_space<vmem>>, vector<1x1x16xf32>,
      %add3A_697 = arith.constant 5 : i32
      %add3A_698 = arith.addi %mul3A_238, %add3A_697 : i32
      %get3A_699 = arith.constant 0 : i32
      %get3A_700 = arith.index_cast %get3A_699 : i32 to index
      %get3A_701 = arith.index_cast %add3A_698 : i32 to index
      %get3A_702 = arith.constant 48 : index
      %get3A_703 = tpu.vector_load %arg6[%get3A_700, %get3A_701, %get3A_702] {strides = array<i32>} : memref<2x128x128xf32, #tpu.memory_space<vmem>>, vector<1x1x16xf32>,
      %get3A_704 = vector.shape_cast %get3A_703 : vector<1x1x16xf32> to vector<16xf32>
      %mul3A_705 = arith.constant 8.000000e+00 : f32
      %mul3A_706 = vector.broadcast %mul3A_705 : f32 to vector<16xf32>
      %mul3A_707 = arith.mulf %get3A_704, %mul3A_706 : vector<16xf32>
      %add3A_708 = arith.constant 5 : i32
      %add3A_709 = arith.addi %mul3A_238, %add3A_708 : i32
      %swap3A_710 = arith.constant 0 : i32
      %swap3A_711 = arith.index_cast %swap3A_710 : i32 to index
      %swap3A_712 = arith.index_cast %add3A_709 : i32 to index
      %swap3A_713 = arith.constant 48 : index
      %swap3A_714 = tpu.vector_load %arg7[%swap3A_711, %swap3A_712, %swap3A_713] {strides = array<i32>} : memref<2x128x64xf32, #tpu.memory_space<vmem>>, vector<1x1x16xf32>,
      %swap3A_715 = vector.shape_cast %swap3A_714 : vector<1x1x16xf32> to vector<16xf32>
      %swap3A_716 = vector.shape_cast %mul3A_707 : vector<16xf32> to vector<1x1x16xf32>
      tpu.vector_store %arg7[%swap3A_711, %swap3A_712, %swap3A_713], %swap3A_716 {strides = array<i32>} : memref<2x128x64xf32, #tpu.memory_space<vmem>>, vector<1x1x16xf32>,
      %add3A_717 = arith.constant 6 : i32
      %add3A_718 = arith.addi %mul3A_238, %add3A_717 : i32
      %get3A_719 = arith.constant 0 : i32
      %get3A_720 = arith.index_cast %get3A_719 : i32 to index
      %get3A_721 = arith.index_cast %add3A_718 : i32 to index
      %get3A_722 = arith.constant 0 : index
      %get3A_723 = tpu.vector_load %arg6[%get3A_720, %get3A_721, %get3A_722] {strides = array<i32>} : memref<2x128x128xf32, #tpu.memory_space<vmem>>, vector<1x1x16xf32>,
      %get3A_724 = vector.shape_cast %get3A_723 : vector<1x1x16xf32> to vector<16xf32>
      %mul3A_725 = arith.constant 8.000000e+00 : f32
      %mul3A_726 = vector.broadcast %mul3A_725 : f32 to vector<16xf32>
      %mul3A_727 = arith.mulf %get3A_724, %mul3A_726 : vector<16xf32>
      %add3A_728 = arith.constant 6 : i32
      %add3A_729 = arith.addi %mul3A_238, %add3A_728 : i32
      %swap3A_730 = arith.constant 0 : i32
      %swap3A_731 = arith.index_cast %swap3A_730 : i32 to index
      %swap3A_732 = arith.index_cast %add3A_729 : i32 to index
      %swap3A_733 = arith.constant 0 : index
      %swap3A_734 = tpu.vector_load %arg7[%swap3A_731, %swap3A_732, %swap3A_733] {strides = array<i32>} : memref<2x128x64xf32, #tpu.memory_space<vmem>>, vector<1x1x16xf32>,
      %swap3A_735 = vector.shape_cast %swap3A_734 : vector<1x1x16xf32> to vector<16xf32>
      %swap3A_736 = vector.shape_cast %mul3A_727 : vector<16xf32> to vector<1x1x16xf32>
      tpu.vector_store %arg7[%swap3A_731, %swap3A_732, %swap3A_733], %swap3A_736 {strides = array<i32>} : memref<2x128x64xf32, #tpu.memory_space<vmem>>, vector<1x1x16xf32>,
      %add3A_737 = arith.constant 6 : i32
      %add3A_738 = arith.addi %mul3A_238, %add3A_737 : i32
      %get3A_739 = arith.constant 0 : i32
      %get3A_740 = arith.index_cast %get3A_739 : i32 to index
      %get3A_741 = arith.index_cast %add3A_738 : i32 to index
      %get3A_742 = arith.constant 16 : index
      %get3A_743 = tpu.vector_load %arg6[%get3A_740, %get3A_741, %get3A_742] {strides = array<i32>} : memref<2x128x128xf32, #tpu.memory_space<vmem>>, vector<1x1x16xf32>,
      %get3A_744 = vector.shape_cast %get3A_743 : vector<1x1x16xf32> to vector<16xf32>
      %mul3A_745 = arith.constant 8.000000e+00 : f32
      %mul3A_746 = vector.broadcast %mul3A_745 : f32 to vector<16xf32>
      %mul3A_747 = arith.mulf %get3A_744, %mul3A_746 : vector<16xf32>
      %add3A_748 = arith.constant 6 : i32
      %add3A_749 = arith.addi %mul3A_238, %add3A_748 : i32
      %swap3A_750 = arith.constant 0 : i32
      %swap3A_751 = arith.index_cast %swap3A_750 : i32 to index
      %swap3A_752 = arith.index_cast %add3A_749 : i32 to index
      %swap3A_753 = arith.constant 16 : index
      %swap3A_754 = tpu.vector_load %arg7[%swap3A_751, %swap3A_752, %swap3A_753] {strides = array<i32>} : memref<2x128x64xf32, #tpu.memory_space<vmem>>, vector<1x1x16xf32>,
      %swap3A_755 = vector.shape_cast %swap3A_754 : vector<1x1x16xf32> to vector<16xf32>
      %swap3A_756 = vector.shape_cast %mul3A_747 : vector<16xf32> to vector<1x1x16xf32>
      tpu.vector_store %arg7[%swap3A_751, %swap3A_752, %swap3A_753], %swap3A_756 {strides = array<i32>} : memref<2x128x64xf32, #tpu.memory_space<vmem>>, vector<1x1x16xf32>,
      %add3A_757 = arith.constant 6 : i32
      %add3A_758 = arith.addi %mul3A_238, %add3A_757 : i32
      %get3A_759 = arith.constant 0 : i32
      %get3A_760 = arith.index_cast %get3A_759 : i32 to index
      %get3A_761 = arith.index_cast %add3A_758 : i32 to index
      %get3A_762 = arith.constant 32 : index
      %get3A_763 = tpu.vector_load %arg6[%get3A_760, %get3A_761, %get3A_762] {strides = array<i32>} : memref<2x128x128xf32, #tpu.memory_space<vmem>>, vector<1x1x16xf32>,
      %get3A_764 = vector.shape_cast %get3A_763 : vector<1x1x16xf32> to vector<16xf32>
      %mul3A_765 = arith.constant 8.000000e+00 : f32
      %mul3A_766 = vector.broadcast %mul3A_765 : f32 to vector<16xf32>
      %mul3A_767 = arith.mulf %get3A_764, %mul3A_766 : vector<16xf32>
      %add3A_768 = arith.constant 6 : i32
      %add3A_769 = arith.addi %mul3A_238, %add3A_768 : i32
      %swap3A_770 = arith.constant 0 : i32
      %swap3A_771 = arith.index_cast %swap3A_770 : i32 to index
      %swap3A_772 = arith.index_cast %add3A_769 : i32 to index
      %swap3A_773 = arith.constant 32 : index
      %swap3A_774 = tpu.vector_load %arg7[%swap3A_771, %swap3A_772, %swap3A_773] {strides = array<i32>} : memref<2x128x64xf32, #tpu.memory_space<vmem>>, vector<1x1x16xf32>,
      %swap3A_775 = vector.shape_cast %swap3A_774 : vector<1x1x16xf32> to vector<16xf32>
      %swap3A_776 = vector.shape_cast %mul3A_767 : vector<16xf32> to vector<1x1x16xf32>
      tpu.vector_store %arg7[%swap3A_771, %swap3A_772, %swap3A_773], %swap3A_776 {strides = array<i32>} : memref<2x128x64xf32, #tpu.memory_space<vmem>>, vector<1x1x16xf32>,
      %add3A_777 = arith.constant 6 : i32
      %add3A_778 = arith.addi %mul3A_238, %add3A_777 : i32
      %get3A_779 = arith.constant 0 : i32
      %get3A_780 = arith.index_cast %get3A_779 : i32 to index
      %get3A_781 = arith.index_cast %add3A_778 : i32 to index
      %get3A_782 = arith.constant 48 : index
      %get3A_783 = tpu.vector_load %arg6[%get3A_780, %get3A_781, %get3A_782] {strides = array<i32>} : memref<2x128x128xf32, #tpu.memory_space<vmem>>, vector<1x1x16xf32>,
      %get3A_784 = vector.shape_cast %get3A_783 : vector<1x1x16xf32> to vector<16xf32>
      %mul3A_785 = arith.constant 8.000000e+00 : f32
      %mul3A_786 = vector.broadcast %mul3A_785 : f32 to vector<16xf32>
      %mul3A_787 = arith.mulf %get3A_784, %mul3A_786 : vector<16xf32>
      %add3A_788 = arith.constant 6 : i32
      %add3A_789 = arith.addi %mul3A_238, %add3A_788 : i32
      %swap3A_790 = arith.constant 0 : i32
      %swap3A_791 = arith.index_cast %swap3A_790 : i32 to index
      %swap3A_792 = arith.index_cast %add3A_789 : i32 to index
      %swap3A_793 = arith.constant 48 : index
      %swap3A_794 = tpu.vector_load %arg7[%swap3A_791, %swap3A_792, %swap3A_793] {strides = array<i32>} : memref<2x128x64xf32, #tpu.memory_space<vmem>>, vector<1x1x16xf32>,
      %swap3A_795 = vector.shape_cast %swap3A_794 : vector<1x1x16xf32> to vector<16xf32>
      %swap3A_796 = vector.shape_cast %mul3A_787 : vector<16xf32> to vector<1x1x16xf32>
      tpu.vector_store %arg7[%swap3A_791, %swap3A_792, %swap3A_793], %swap3A_796 {strides = array<i32>} : memref<2x128x64xf32, #tpu.memory_space<vmem>>, vector<1x1x16xf32>,
      %add3A_797 = arith.constant 7 : i32
      %add3A_798 = arith.addi %mul3A_238, %add3A_797 : i32
      %get3A_799 = arith.constant 0 : i32
      %get3A_800 = arith.index_cast %get3A_799 : i32 to index
      %get3A_801 = arith.index_cast %add3A_798 : i32 to index
      %get3A_802 = arith.constant 0 : index
      %get3A_803 = tpu.vector_load %arg6[%get3A_800, %get3A_801, %get3A_802] {strides = array<i32>} : memref<2x128x128xf32, #tpu.memory_space<vmem>>, vector<1x1x16xf32>,
      %get3A_804 = vector.shape_cast %get3A_803 : vector<1x1x16xf32> to vector<16xf32>
      %mul3A_805 = arith.constant 8.000000e+00 : f32
      %mul3A_806 = vector.broadcast %mul3A_805 : f32 to vector<16xf32>
      %mul3A_807 = arith.mulf %get3A_804, %mul3A_806 : vector<16xf32>
      %add3A_808 = arith.constant 7 : i32
      %add3A_809 = arith.addi %mul3A_238, %add3A_808 : i32
      %swap3A_810 = arith.constant 0 : i32
      %swap3A_811 = arith.index_cast %swap3A_810 : i32 to index
      %swap3A_812 = arith.index_cast %add3A_809 : i32 to index
      %swap3A_813 = arith.constant 0 : index
      %swap3A_814 = tpu.vector_load %arg7[%swap3A_811, %swap3A_812, %swap3A_813] {strides = array<i32>} : memref<2x128x64xf32, #tpu.memory_space<vmem>>, vector<1x1x16xf32>,
      %swap3A_815 = vector.shape_cast %swap3A_814 : vector<1x1x16xf32> to vector<16xf32>
      %swap3A_816 = vector.shape_cast %mul3A_807 : vector<16xf32> to vector<1x1x16xf32>
      tpu.vector_store %arg7[%swap3A_811, %swap3A_812, %swap3A_813], %swap3A_816 {strides = array<i32>} : memref<2x128x64xf32, #tpu.memory_space<vmem>>, vector<1x1x16xf32>,
      %add3A_817 = arith.constant 7 : i32
      %add3A_818 = arith.addi %mul3A_238, %add3A_817 : i32
      %get3A_819 = arith.constant 0 : i32
      %get3A_820 = arith.index_cast %get3A_819 : i32 to index
      %get3A_821 = arith.index_cast %add3A_818 : i32 to index
      %get3A_822 = arith.constant 16 : index
      %get3A_823 = tpu.vector_load %arg6[%get3A_820, %get3A_821, %get3A_822] {strides = array<i32>} : memref<2x128x128xf32, #tpu.memory_space<vmem>>, vector<1x1x16xf32>,
      %get3A_824 = vector.shape_cast %get3A_823 : vector<1x1x16xf32> to vector<16xf32>
      %mul3A_825 = arith.constant 8.000000e+00 : f32
      %mul3A_826 = vector.broadcast %mul3A_825 : f32 to vector<16xf32>
      %mul3A_827 = arith.mulf %get3A_824, %mul3A_826 : vector<16xf32>
      %add3A_828 = arith.constant 7 : i32
      %add3A_829 = arith.addi %mul3A_238, %add3A_828 : i32
      %swap3A_830 = arith.constant 0 : i32
      %swap3A_831 = arith.index_cast %swap3A_830 : i32 to index
      %swap3A_832 = arith.index_cast %add3A_829 : i32 to index
      %swap3A_833 = arith.constant 16 : index
      %swap3A_834 = tpu.vector_load %arg7[%swap3A_831, %swap3A_832, %swap3A_833] {strides = array<i32>} : memref<2x128x64xf32, #tpu.memory_space<vmem>>, vector<1x1x16xf32>,
      %swap3A_835 = vector.shape_cast %swap3A_834 : vector<1x1x16xf32> to vector<16xf32>
      %swap3A_836 = vector.shape_cast %mul3A_827 : vector<16xf32> to vector<1x1x16xf32>
      tpu.vector_store %arg7[%swap3A_831, %swap3A_832, %swap3A_833], %swap3A_836 {strides = array<i32>} : memref<2x128x64xf32, #tpu.memory_space<vmem>>, vector<1x1x16xf32>,
      %add3A_837 = arith.constant 7 : i32
      %add3A_838 = arith.addi %mul3A_238, %add3A_837 : i32
      %get3A_839 = arith.constant 0 : i32
      %get3A_840 = arith.index_cast %get3A_839 : i32 to index
      %get3A_841 = arith.index_cast %add3A_838 : i32 to index
      %get3A_842 = arith.constant 32 : index
      %get3A_843 = tpu.vector_load %arg6[%get3A_840, %get3A_841, %get3A_842] {strides = array<i32>} : memref<2x128x128xf32, #tpu.memory_space<vmem>>, vector<1x1x16xf32>,
      %get3A_844 = vector.shape_cast %get3A_843 : vector<1x1x16xf32> to vector<16xf32>
      %mul3A_845 = arith.constant 8.000000e+00 : f32
      %mul3A_846 = vector.broadcast %mul3A_845 : f32 to vector<16xf32>
      %mul3A_847 = arith.mulf %get3A_844, %mul3A_846 : vector<16xf32>
      %add3A_848 = arith.constant 7 : i32
      %add3A_849 = arith.addi %mul3A_238, %add3A_848 : i32
      %swap3A_850 = arith.constant 0 : i32
      %swap3A_851 = arith.index_cast %swap3A_850 : i32 to index
      %swap3A_852 = arith.index_cast %add3A_849 : i32 to index
      %swap3A_853 = arith.constant 32 : index
      %swap3A_854 = tpu.vector_load %arg7[%swap3A_851, %swap3A_852, %swap3A_853] {strides = array<i32>} : memref<2x128x64xf32, #tpu.memory_space<vmem>>, vector<1x1x16xf32>,
      %swap3A_855 = vector.shape_cast %swap3A_854 : vector<1x1x16xf32> to vector<16xf32>
      %swap3A_856 = vector.shape_cast %mul3A_847 : vector<16xf32> to vector<1x1x16xf32>
      tpu.vector_store %arg7[%swap3A_851, %swap3A_852, %swap3A_853], %swap3A_856 {strides = array<i32>} : memref<2x128x64xf32, #tpu.memory_space<vmem>>, vector<1x1x16xf32>,
      %add3A_857 = arith.constant 7 : i32
      %add3A_858 = arith.addi %mul3A_238, %add3A_857 : i32
      %get3A_859 = arith.constant 0 : i32
      %get3A_860 = arith.index_cast %get3A_859 : i32 to index
      %get3A_861 = arith.index_cast %add3A_858 : i32 to index
      %get3A_862 = arith.constant 48 : index
      %get3A_863 = tpu.vector_load %arg6[%get3A_860, %get3A_861, %get3A_862] {strides = array<i32>} : memref<2x128x128xf32, #tpu.memory_space<vmem>>, vector<1x1x16xf32>,
      %get3A_864 = vector.shape_cast %get3A_863 : vector<1x1x16xf32> to vector<16xf32>
      %mul3A_865 = arith.constant 8.000000e+00 : f32
      %mul3A_866 = vector.broadcast %mul3A_865 : f32 to vector<16xf32>
      %mul3A_867 = arith.mulf %get3A_864, %mul3A_866 : vector<16xf32>
      %add3A_868 = arith.constant 7 : i32
      %add3A_869 = arith.addi %mul3A_238, %add3A_868 : i32
      %swap3A_870 = arith.constant 0 : i32
      %swap3A_871 = arith.index_cast %swap3A_870 : i32 to index
      %swap3A_872 = arith.index_cast %add3A_869 : i32 to index
      %swap3A_873 = arith.constant 48 : index
      %swap3A_874 = tpu.vector_load %arg7[%swap3A_871, %swap3A_872, %swap3A_873] {strides = array<i32>} : memref<2x128x64xf32, #tpu.memory_space<vmem>>, vector<1x1x16xf32>,
      %swap3A_875 = vector.shape_cast %swap3A_874 : vector<1x1x16xf32> to vector<16xf32>
      %swap3A_876 = vector.shape_cast %mul3A_867 : vector<16xf32> to vector<1x1x16xf32>
      tpu.vector_store %arg7[%swap3A_871, %swap3A_872, %swap3A_873], %swap3A_876 {strides = array<i32>} : memref<2x128x64xf32, #tpu.memory_space<vmem>>, vector<1x1x16xf32>,
      %scan3A_877 = arith.constant 0 : i32
      scf.yield %scan3A_877 : i32
    }
    %scan3A_36 = arith.constant 16 : i32
    %dma_start3A_37 = arith.constant 0 : i32
    %dma_start3A_38 = arith.constant 0 : i32
    %dma_start3A_39 = arith.constant 0 : i32
    %dma_start3A_40 = tpu.memref_slice %arg6[%dma_start3A_37, %dma_start3A_38, %dma_start3A_39] : memref<2x128x128xf32, #tpu.memory_space<vmem>> -> memref<1x128x128xf32, #tpu.memory_space<vmem>>
    %dma_start3A_41 = tpu.memref_squeeze %dma_start3A_40 : memref<1x128x128xf32, #tpu.memory_space<vmem>> -> memref<128x128xf32, #tpu.memory_space<vmem>>
    %dma_start3A_42 = arith.constant 256 : i32
    %dma_start3A_43 = tpu.memref_slice %arg5[%dma_start3A_42] : memref<25600xi32, #tpu.memory_space<vmem>> -> memref<128xi32, #tpu.memory_space<vmem>>
    %dma_start3A_44 = arith.constant 0 : i32
    %dma_start3A_45 = arith.constant 0 : i32
    %dma_start3A_46 = tpu.memref_slice %arg3[%dma_start3A_44, %dma_start3A_45] : memref<100000x128xf32, #tpu.memory_space<hbm>> -> memref<100000x128xf32, #tpu.memory_space<hbm>>
    tpu.enqueue_indirect_dma source(%dma_start3A_46 : memref<100000x128xf32, #tpu.memory_space<hbm>>) target(%dma_start3A_41 : memref<128x128xf32, #tpu.memory_space<vmem>>) offsets(%dma_start3A_43 : memref<128xi32, #tpu.memory_space<vmem>>) semaphore(%arg8 : memref<!tpu.dma_semaphore, #tpu.memory_space<semaphore_mem>>)
    %add3A_47 = arith.constant 0 : i32
    %add3A_48 = arith.addi %mul3A_2, %add3A_47 : i32
    %dma_start3A_49 = arith.constant 0 : i32
    %dma_start3A_50 = arith.constant 0 : i32
    %dma_start3A_51 = arith.constant 0 : i32
    %dma_start3A_52 = tpu.memref_slice %arg7[%dma_start3A_49, %dma_start3A_50, %dma_start3A_51] : memref<2x128x64xf32, #tpu.memory_space<vmem>> -> memref<1x128x64xf32, #tpu.memory_space<vmem>>
    %dma_start3A_53 = tpu.memref_squeeze %dma_start3A_52 : memref<1x128x64xf32, #tpu.memory_space<vmem>> -> memref<128x64xf32, #tpu.memory_space<vmem>>
    %dma_start3A_54 = arith.constant 0 : i32
    %dma_start3A_55 = tpu.memref_slice %arg4[%add3A_48, %dma_start3A_54] : memref<819200x64xf32, #tpu.memory_space<hbm>> -> memref<128x64xf32, #tpu.memory_space<hbm>>
    %dma_start3A_56 = arith.constant 0 : i32
    %dma_start3A_57 = tpu.memref_slice %arg4[%add3A_48, %dma_start3A_56] : memref<819200x64xf32, #tpu.memory_space<hbm>> -> memref<128x64xf32, #tpu.memory_space<hbm>>
    %dma_start3A_58 = arith.constant 0 : i32
    %dma_start3A_59 = arith.constant 0 : i32
    %dma_start3A_60 = tpu.memref_slice %arg7[%dma_start3A_49, %dma_start3A_58, %dma_start3A_59] : memref<2x128x64xf32, #tpu.memory_space<vmem>> -> memref<1x128x64xf32, #tpu.memory_space<vmem>>
    %dma_start3A_61 = tpu.memref_squeeze %dma_start3A_60 : memref<1x128x64xf32, #tpu.memory_space<vmem>> -> memref<128x64xf32, #tpu.memory_space<vmem>>
    tpu.enqueue_dma source(%dma_start3A_61 : memref<128x64xf32, #tpu.memory_space<vmem>>) target(%dma_start3A_57 : memref<128x64xf32, #tpu.memory_space<hbm>>) target_semaphore(%arg10 : memref<!tpu.dma_semaphore, #tpu.memory_space<semaphore_mem>>)
    %dma_wait3A_62 = arith.constant 1 : i32
    %dma_wait3A_63 = arith.constant 0 : i32
    %dma_wait3A_64 = arith.constant 0 : i32
    %dma_wait3A_65 = tpu.memref_slice %arg6[%dma_wait3A_62, %dma_wait3A_63, %dma_wait3A_64] : memref<2x128x128xf32, #tpu.memory_space<vmem>> -> memref<1x128x128xf32, #tpu.memory_space<vmem>>
    %dma_wait3A_66 = tpu.memref_squeeze %dma_wait3A_65 : memref<1x128x128xf32, #tpu.memory_space<vmem>> -> memref<128x128xf32, #tpu.memory_space<vmem>>
    %dma_wait3A_67 = arith.constant 128 : i32
    %dma_wait3A_68 = tpu.memref_slice %arg5[%dma_wait3A_67] : memref<25600xi32, #tpu.memory_space<vmem>> -> memref<128xi32, #tpu.memory_space<vmem>>
    %dma_wait3A_69 = arith.constant 0 : i32
    %dma_wait3A_70 = arith.constant 0 : i32
    %dma_wait3A_71 = tpu.memref_slice %arg3[%dma_wait3A_69, %dma_wait3A_70] : memref<100000x128xf32, #tpu.memory_space<hbm>> -> memref<100000x128xf32, #tpu.memory_space<hbm>>
    tpu.wait_indirect_dma semaphore(%arg9 : memref<!tpu.dma_semaphore, #tpu.memory_space<semaphore_mem>>) src(%dma_wait3A_71 : memref<100000x128xf32, #tpu.memory_space<hbm>>) dst(%dma_wait3A_66 : memref<128x128xf32, #tpu.memory_space<vmem>>)
    %scan3A_72 = arith.constant 0 : i32
    %scan3A_73 = arith.constant 0 : i32
    %scan3A_74 = arith.constant 16 : i32
    %scan3A_75 = arith.addi %scan3A_73, %scan3A_74 : i32
    %scan3A_76 = arith.constant 1 : i32
    %scan3A_77 = scf.for %scan3A_235 = %scan3A_73 to %scan3A_75 step %scan3A_76 iter_args(%scan3A_236 = %scan3A_72) -> (i32)  : i32 {
      %mul3A_237 = arith.constant 8 : i32
      %mul3A_238 = arith.muli %scan3A_235, %mul3A_237 : i32
      %add3A_239 = arith.constant 0 : i32
      %add3A_240 = arith.addi %mul3A_238, %add3A_239 : i32
      %get3A = arith.constant 1 : i32
      %get3A_241 = arith.index_cast %get3A : i32 to index
      %get3A_242 = arith.index_cast %add3A_240 : i32 to index
      %get3A_243 = arith.constant 0 : index
      %get3A_244 = tpu.vector_load %arg6[%get3A_241, %get3A_242, %get3A_243] {strides = array<i32>} : memref<2x128x128xf32, #tpu.memory_space<vmem>>, vector<1x1x16xf32>,
      %get3A_245 = vector.shape_cast %get3A_244 : vector<1x1x16xf32> to vector<16xf32>
      %mul3A_246 = arith.constant 8.000000e+00 : f32
      %mul3A_247 = vector.broadcast %mul3A_246 : f32 to vector<16xf32>
      %mul3A_248 = arith.mulf %get3A_245, %mul3A_247 : vector<16xf32>
      %add3A_249 = arith.constant 0 : i32
      %add3A_250 = arith.addi %mul3A_238, %add3A_249 : i32
      %swap3A = arith.constant 1 : i32
      %swap3A_251 = arith.index_cast %swap3A : i32 to index
      %swap3A_252 = arith.index_cast %add3A_250 : i32 to index
      %swap3A_253 = arith.constant 0 : index
      %swap3A_254 = tpu.vector_load %arg7[%swap3A_251, %swap3A_252, %swap3A_253] {strides = array<i32>} : memref<2x128x64xf32, #tpu.memory_space<vmem>>, vector<1x1x16xf32>,
      %swap3A_255 = vector.shape_cast %swap3A_254 : vector<1x1x16xf32> to vector<16xf32>
      %swap3A_256 = vector.shape_cast %mul3A_248 : vector<16xf32> to vector<1x1x16xf32>
      tpu.vector_store %arg7[%swap3A_251, %swap3A_252, %swap3A_253], %swap3A_256 {strides = array<i32>} : memref<2x128x64xf32, #tpu.memory_space<vmem>>, vector<1x1x16xf32>,
      %add3A_257 = arith.constant 0 : i32
      %add3A_258 = arith.addi %mul3A_238, %add3A_257 : i32
      %get3A_259 = arith.constant 1 : i32
      %get3A_260 = arith.index_cast %get3A_259 : i32 to index
      %get3A_261 = arith.index_cast %add3A_258 : i32 to index
      %get3A_262 = arith.constant 16 : index
      %get3A_263 = tpu.vector_load %arg6[%get3A_260, %get3A_261, %get3A_262] {strides = array<i32>} : memref<2x128x128xf32, #tpu.memory_space<vmem>>, vector<1x1x16xf32>,
      %get3A_264 = vector.shape_cast %get3A_263 : vector<1x1x16xf32> to vector<16xf32>
      %mul3A_265 = arith.constant 8.000000e+00 : f32
      %mul3A_266 = vector.broadcast %mul3A_265 : f32 to vector<16xf32>
      %mul3A_267 = arith.mulf %get3A_264, %mul3A_266 : vector<16xf32>
      %add3A_268 = arith.constant 0 : i32
      %add3A_269 = arith.addi %mul3A_238, %add3A_268 : i32
      %swap3A_270 = arith.constant 1 : i32
      %swap3A_271 = arith.index_cast %swap3A_270 : i32 to index
      %swap3A_272 = arith.index_cast %add3A_269 : i32 to index
      %swap3A_273 = arith.constant 16 : index
      %swap3A_274 = tpu.vector_load %arg7[%swap3A_271, %swap3A_272, %swap3A_273] {strides = array<i32>} : memref<2x128x64xf32, #tpu.memory_space<vmem>>, vector<1x1x16xf32>,
      %swap3A_275 = vector.shape_cast %swap3A_274 : vector<1x1x16xf32> to vector<16xf32>
      %swap3A_276 = vector.shape_cast %mul3A_267 : vector<16xf32> to vector<1x1x16xf32>
      tpu.vector_store %arg7[%swap3A_271, %swap3A_272, %swap3A_273], %swap3A_276 {strides = array<i32>} : memref<2x128x64xf32, #tpu.memory_space<vmem>>, vector<1x1x16xf32>,
      %add3A_277 = arith.constant 0 : i32
      %add3A_278 = arith.addi %mul3A_238, %add3A_277 : i32
      %get3A_279 = arith.constant 1 : i32
      %get3A_280 = arith.index_cast %get3A_279 : i32 to index
      %get3A_281 = arith.index_cast %add3A_278 : i32 to index
      %get3A_282 = arith.constant 32 : index
      %get3A_283 = tpu.vector_load %arg6[%get3A_280, %get3A_281, %get3A_282] {strides = array<i32>} : memref<2x128x128xf32, #tpu.memory_space<vmem>>, vector<1x1x16xf32>,
      %get3A_284 = vector.shape_cast %get3A_283 : vector<1x1x16xf32> to vector<16xf32>
      %mul3A_285 = arith.constant 8.000000e+00 : f32
      %mul3A_286 = vector.broadcast %mul3A_285 : f32 to vector<16xf32>
      %mul3A_287 = arith.mulf %get3A_284, %mul3A_286 : vector<16xf32>
      %add3A_288 = arith.constant 0 : i32
      %add3A_289 = arith.addi %mul3A_238, %add3A_288 : i32
      %swap3A_290 = arith.constant 1 : i32
      %swap3A_291 = arith.index_cast %swap3A_290 : i32 to index
      %swap3A_292 = arith.index_cast %add3A_289 : i32 to index
      %swap3A_293 = arith.constant 32 : index
      %swap3A_294 = tpu.vector_load %arg7[%swap3A_291, %swap3A_292, %swap3A_293] {strides = array<i32>} : memref<2x128x64xf32, #tpu.memory_space<vmem>>, vector<1x1x16xf32>,
      %swap3A_295 = vector.shape_cast %swap3A_294 : vector<1x1x16xf32> to vector<16xf32>
      %swap3A_296 = vector.shape_cast %mul3A_287 : vector<16xf32> to vector<1x1x16xf32>
      tpu.vector_store %arg7[%swap3A_291, %swap3A_292, %swap3A_293], %swap3A_296 {strides = array<i32>} : memref<2x128x64xf32, #tpu.memory_space<vmem>>, vector<1x1x16xf32>,
      %add3A_297 = arith.constant 0 : i32
      %add3A_298 = arith.addi %mul3A_238, %add3A_297 : i32
      %get3A_299 = arith.constant 1 : i32
      %get3A_300 = arith.index_cast %get3A_299 : i32 to index
      %get3A_301 = arith.index_cast %add3A_298 : i32 to index
      %get3A_302 = arith.constant 48 : index
      %get3A_303 = tpu.vector_load %arg6[%get3A_300, %get3A_301, %get3A_302] {strides = array<i32>} : memref<2x128x128xf32, #tpu.memory_space<vmem>>, vector<1x1x16xf32>,
      %get3A_304 = vector.shape_cast %get3A_303 : vector<1x1x16xf32> to vector<16xf32>
      %mul3A_305 = arith.constant 8.000000e+00 : f32
      %mul3A_306 = vector.broadcast %mul3A_305 : f32 to vector<16xf32>
      %mul3A_307 = arith.mulf %get3A_304, %mul3A_306 : vector<16xf32>
      %add3A_308 = arith.constant 0 : i32
      %add3A_309 = arith.addi %mul3A_238, %add3A_308 : i32
      %swap3A_310 = arith.constant 1 : i32
      %swap3A_311 = arith.index_cast %swap3A_310 : i32 to index
      %swap3A_312 = arith.index_cast %add3A_309 : i32 to index
      %swap3A_313 = arith.constant 48 : index
      %swap3A_314 = tpu.vector_load %arg7[%swap3A_311, %swap3A_312, %swap3A_313] {strides = array<i32>} : memref<2x128x64xf32, #tpu.memory_space<vmem>>, vector<1x1x16xf32>,
      %swap3A_315 = vector.shape_cast %swap3A_314 : vector<1x1x16xf32> to vector<16xf32>
      %swap3A_316 = vector.shape_cast %mul3A_307 : vector<16xf32> to vector<1x1x16xf32>
      tpu.vector_store %arg7[%swap3A_311, %swap3A_312, %swap3A_313], %swap3A_316 {strides = array<i32>} : memref<2x128x64xf32, #tpu.memory_space<vmem>>, vector<1x1x16xf32>,
      %add3A_317 = arith.constant 1 : i32
      %add3A_318 = arith.addi %mul3A_238, %add3A_317 : i32
      %get3A_319 = arith.constant 1 : i32
      %get3A_320 = arith.index_cast %get3A_319 : i32 to index
      %get3A_321 = arith.index_cast %add3A_318 : i32 to index
      %get3A_322 = arith.constant 0 : index
      %get3A_323 = tpu.vector_load %arg6[%get3A_320, %get3A_321, %get3A_322] {strides = array<i32>} : memref<2x128x128xf32, #tpu.memory_space<vmem>>, vector<1x1x16xf32>,
      %get3A_324 = vector.shape_cast %get3A_323 : vector<1x1x16xf32> to vector<16xf32>
      %mul3A_325 = arith.constant 8.000000e+00 : f32
      %mul3A_326 = vector.broadcast %mul3A_325 : f32 to vector<16xf32>
      %mul3A_327 = arith.mulf %get3A_324, %mul3A_326 : vector<16xf32>
      %add3A_328 = arith.constant 1 : i32
      %add3A_329 = arith.addi %mul3A_238, %add3A_328 : i32
      %swap3A_330 = arith.constant 1 : i32
      %swap3A_331 = arith.index_cast %swap3A_330 : i32 to index
      %swap3A_332 = arith.index_cast %add3A_329 : i32 to index
      %swap3A_333 = arith.constant 0 : index
      %swap3A_334 = tpu.vector_load %arg7[%swap3A_331, %swap3A_332, %swap3A_333] {strides = array<i32>} : memref<2x128x64xf32, #tpu.memory_space<vmem>>, vector<1x1x16xf32>,
      %swap3A_335 = vector.shape_cast %swap3A_334 : vector<1x1x16xf32> to vector<16xf32>
      %swap3A_336 = vector.shape_cast %mul3A_327 : vector<16xf32> to vector<1x1x16xf32>
      tpu.vector_store %arg7[%swap3A_331, %swap3A_332, %swap3A_333], %swap3A_336 {strides = array<i32>} : memref<2x128x64xf32, #tpu.memory_space<vmem>>, vector<1x1x16xf32>,
      %add3A_337 = arith.constant 1 : i32
      %add3A_338 = arith.addi %mul3A_238, %add3A_337 : i32
      %get3A_339 = arith.constant 1 : i32
      %get3A_340 = arith.index_cast %get3A_339 : i32 to index
      %get3A_341 = arith.index_cast %add3A_338 : i32 to index
      %get3A_342 = arith.constant 16 : index
      %get3A_343 = tpu.vector_load %arg6[%get3A_340, %get3A_341, %get3A_342] {strides = array<i32>} : memref<2x128x128xf32, #tpu.memory_space<vmem>>, vector<1x1x16xf32>,
      %get3A_344 = vector.shape_cast %get3A_343 : vector<1x1x16xf32> to vector<16xf32>
      %mul3A_345 = arith.constant 8.000000e+00 : f32
      %mul3A_346 = vector.broadcast %mul3A_345 : f32 to vector<16xf32>
      %mul3A_347 = arith.mulf %get3A_344, %mul3A_346 : vector<16xf32>
      %add3A_348 = arith.constant 1 : i32
      %add3A_349 = arith.addi %mul3A_238, %add3A_348 : i32
      %swap3A_350 = arith.constant 1 : i32
      %swap3A_351 = arith.index_cast %swap3A_350 : i32 to index
      %swap3A_352 = arith.index_cast %add3A_349 : i32 to index
      %swap3A_353 = arith.constant 16 : index
      %swap3A_354 = tpu.vector_load %arg7[%swap3A_351, %swap3A_352, %swap3A_353] {strides = array<i32>} : memref<2x128x64xf32, #tpu.memory_space<vmem>>, vector<1x1x16xf32>,
      %swap3A_355 = vector.shape_cast %swap3A_354 : vector<1x1x16xf32> to vector<16xf32>
      %swap3A_356 = vector.shape_cast %mul3A_347 : vector<16xf32> to vector<1x1x16xf32>
      tpu.vector_store %arg7[%swap3A_351, %swap3A_352, %swap3A_353], %swap3A_356 {strides = array<i32>} : memref<2x128x64xf32, #tpu.memory_space<vmem>>, vector<1x1x16xf32>,
      %add3A_357 = arith.constant 1 : i32
      %add3A_358 = arith.addi %mul3A_238, %add3A_357 : i32
      %get3A_359 = arith.constant 1 : i32
      %get3A_360 = arith.index_cast %get3A_359 : i32 to index
      %get3A_361 = arith.index_cast %add3A_358 : i32 to index
      %get3A_362 = arith.constant 32 : index
      %get3A_363 = tpu.vector_load %arg6[%get3A_360, %get3A_361, %get3A_362] {strides = array<i32>} : memref<2x128x128xf32, #tpu.memory_space<vmem>>, vector<1x1x16xf32>,
      %get3A_364 = vector.shape_cast %get3A_363 : vector<1x1x16xf32> to vector<16xf32>
      %mul3A_365 = arith.constant 8.000000e+00 : f32
      %mul3A_366 = vector.broadcast %mul3A_365 : f32 to vector<16xf32>
      %mul3A_367 = arith.mulf %get3A_364, %mul3A_366 : vector<16xf32>
      %add3A_368 = arith.constant 1 : i32
      %add3A_369 = arith.addi %mul3A_238, %add3A_368 : i32
      %swap3A_370 = arith.constant 1 : i32
      %swap3A_371 = arith.index_cast %swap3A_370 : i32 to index
      %swap3A_372 = arith.index_cast %add3A_369 : i32 to index
      %swap3A_373 = arith.constant 32 : index
      %swap3A_374 = tpu.vector_load %arg7[%swap3A_371, %swap3A_372, %swap3A_373] {strides = array<i32>} : memref<2x128x64xf32, #tpu.memory_space<vmem>>, vector<1x1x16xf32>,
      %swap3A_375 = vector.shape_cast %swap3A_374 : vector<1x1x16xf32> to vector<16xf32>
      %swap3A_376 = vector.shape_cast %mul3A_367 : vector<16xf32> to vector<1x1x16xf32>
      tpu.vector_store %arg7[%swap3A_371, %swap3A_372, %swap3A_373], %swap3A_376 {strides = array<i32>} : memref<2x128x64xf32, #tpu.memory_space<vmem>>, vector<1x1x16xf32>,
      %add3A_377 = arith.constant 1 : i32
      %add3A_378 = arith.addi %mul3A_238, %add3A_377 : i32
      %get3A_379 = arith.constant 1 : i32
      %get3A_380 = arith.index_cast %get3A_379 : i32 to index
      %get3A_381 = arith.index_cast %add3A_378 : i32 to index
      %get3A_382 = arith.constant 48 : index
      %get3A_383 = tpu.vector_load %arg6[%get3A_380, %get3A_381, %get3A_382] {strides = array<i32>} : memref<2x128x128xf32, #tpu.memory_space<vmem>>, vector<1x1x16xf32>,
      %get3A_384 = vector.shape_cast %get3A_383 : vector<1x1x16xf32> to vector<16xf32>
      %mul3A_385 = arith.constant 8.000000e+00 : f32
      %mul3A_386 = vector.broadcast %mul3A_385 : f32 to vector<16xf32>
      %mul3A_387 = arith.mulf %get3A_384, %mul3A_386 : vector<16xf32>
      %add3A_388 = arith.constant 1 : i32
      %add3A_389 = arith.addi %mul3A_238, %add3A_388 : i32
      %swap3A_390 = arith.constant 1 : i32
      %swap3A_391 = arith.index_cast %swap3A_390 : i32 to index
      %swap3A_392 = arith.index_cast %add3A_389 : i32 to index
      %swap3A_393 = arith.constant 48 : index
      %swap3A_394 = tpu.vector_load %arg7[%swap3A_391, %swap3A_392, %swap3A_393] {strides = array<i32>} : memref<2x128x64xf32, #tpu.memory_space<vmem>>, vector<1x1x16xf32>,
      %swap3A_395 = vector.shape_cast %swap3A_394 : vector<1x1x16xf32> to vector<16xf32>
      %swap3A_396 = vector.shape_cast %mul3A_387 : vector<16xf32> to vector<1x1x16xf32>
      tpu.vector_store %arg7[%swap3A_391, %swap3A_392, %swap3A_393], %swap3A_396 {strides = array<i32>} : memref<2x128x64xf32, #tpu.memory_space<vmem>>, vector<1x1x16xf32>,
      %add3A_397 = arith.constant 2 : i32
      %add3A_398 = arith.addi %mul3A_238, %add3A_397 : i32
      %get3A_399 = arith.constant 1 : i32
      %get3A_400 = arith.index_cast %get3A_399 : i32 to index
      %get3A_401 = arith.index_cast %add3A_398 : i32 to index
      %get3A_402 = arith.constant 0 : index
      %get3A_403 = tpu.vector_load %arg6[%get3A_400, %get3A_401, %get3A_402] {strides = array<i32>} : memref<2x128x128xf32, #tpu.memory_space<vmem>>, vector<1x1x16xf32>,
      %get3A_404 = vector.shape_cast %get3A_403 : vector<1x1x16xf32> to vector<16xf32>
      %mul3A_405 = arith.constant 8.000000e+00 : f32
      %mul3A_406 = vector.broadcast %mul3A_405 : f32 to vector<16xf32>
      %mul3A_407 = arith.mulf %get3A_404, %mul3A_406 : vector<16xf32>
      %add3A_408 = arith.constant 2 : i32
      %add3A_409 = arith.addi %mul3A_238, %add3A_408 : i32
      %swap3A_410 = arith.constant 1 : i32
      %swap3A_411 = arith.index_cast %swap3A_410 : i32 to index
      %swap3A_412 = arith.index_cast %add3A_409 : i32 to index
      %swap3A_413 = arith.constant 0 : index
      %swap3A_414 = tpu.vector_load %arg7[%swap3A_411, %swap3A_412, %swap3A_413] {strides = array<i32>} : memref<2x128x64xf32, #tpu.memory_space<vmem>>, vector<1x1x16xf32>,
      %swap3A_415 = vector.shape_cast %swap3A_414 : vector<1x1x16xf32> to vector<16xf32>
      %swap3A_416 = vector.shape_cast %mul3A_407 : vector<16xf32> to vector<1x1x16xf32>
      tpu.vector_store %arg7[%swap3A_411, %swap3A_412, %swap3A_413], %swap3A_416 {strides = array<i32>} : memref<2x128x64xf32, #tpu.memory_space<vmem>>, vector<1x1x16xf32>,
      %add3A_417 = arith.constant 2 : i32
      %add3A_418 = arith.addi %mul3A_238, %add3A_417 : i32
      %get3A_419 = arith.constant 1 : i32
      %get3A_420 = arith.index_cast %get3A_419 : i32 to index
      %get3A_421 = arith.index_cast %add3A_418 : i32 to index
      %get3A_422 = arith.constant 16 : index
      %get3A_423 = tpu.vector_load %arg6[%get3A_420, %get3A_421, %get3A_422] {strides = array<i32>} : memref<2x128x128xf32, #tpu.memory_space<vmem>>, vector<1x1x16xf32>,
      %get3A_424 = vector.shape_cast %get3A_423 : vector<1x1x16xf32> to vector<16xf32>
      %mul3A_425 = arith.constant 8.000000e+00 : f32
      %mul3A_426 = vector.broadcast %mul3A_425 : f32 to vector<16xf32>
      %mul3A_427 = arith.mulf %get3A_424, %mul3A_426 : vector<16xf32>
      %add3A_428 = arith.constant 2 : i32
      %add3A_429 = arith.addi %mul3A_238, %add3A_428 : i32
      %swap3A_430 = arith.constant 1 : i32
      %swap3A_431 = arith.index_cast %swap3A_430 : i32 to index
      %swap3A_432 = arith.index_cast %add3A_429 : i32 to index
      %swap3A_433 = arith.constant 16 : index
      %swap3A_434 = tpu.vector_load %arg7[%swap3A_431, %swap3A_432, %swap3A_433] {strides = array<i32>} : memref<2x128x64xf32, #tpu.memory_space<vmem>>, vector<1x1x16xf32>,
      %swap3A_435 = vector.shape_cast %swap3A_434 : vector<1x1x16xf32> to vector<16xf32>
      %swap3A_436 = vector.shape_cast %mul3A_427 : vector<16xf32> to vector<1x1x16xf32>
      tpu.vector_store %arg7[%swap3A_431, %swap3A_432, %swap3A_433], %swap3A_436 {strides = array<i32>} : memref<2x128x64xf32, #tpu.memory_space<vmem>>, vector<1x1x16xf32>,
      %add3A_437 = arith.constant 2 : i32
      %add3A_438 = arith.addi %mul3A_238, %add3A_437 : i32
      %get3A_439 = arith.constant 1 : i32
      %get3A_440 = arith.index_cast %get3A_439 : i32 to index
      %get3A_441 = arith.index_cast %add3A_438 : i32 to index
      %get3A_442 = arith.constant 32 : index
      %get3A_443 = tpu.vector_load %arg6[%get3A_440, %get3A_441, %get3A_442] {strides = array<i32>} : memref<2x128x128xf32, #tpu.memory_space<vmem>>, vector<1x1x16xf32>,
      %get3A_444 = vector.shape_cast %get3A_443 : vector<1x1x16xf32> to vector<16xf32>
      %mul3A_445 = arith.constant 8.000000e+00 : f32
      %mul3A_446 = vector.broadcast %mul3A_445 : f32 to vector<16xf32>
      %mul3A_447 = arith.mulf %get3A_444, %mul3A_446 : vector<16xf32>
      %add3A_448 = arith.constant 2 : i32
      %add3A_449 = arith.addi %mul3A_238, %add3A_448 : i32
      %swap3A_450 = arith.constant 1 : i32
      %swap3A_451 = arith.index_cast %swap3A_450 : i32 to index
      %swap3A_452 = arith.index_cast %add3A_449 : i32 to index
      %swap3A_453 = arith.constant 32 : index
      %swap3A_454 = tpu.vector_load %arg7[%swap3A_451, %swap3A_452, %swap3A_453] {strides = array<i32>} : memref<2x128x64xf32, #tpu.memory_space<vmem>>, vector<1x1x16xf32>,
      %swap3A_455 = vector.shape_cast %swap3A_454 : vector<1x1x16xf32> to vector<16xf32>
      %swap3A_456 = vector.shape_cast %mul3A_447 : vector<16xf32> to vector<1x1x16xf32>
      tpu.vector_store %arg7[%swap3A_451, %swap3A_452, %swap3A_453], %swap3A_456 {strides = array<i32>} : memref<2x128x64xf32, #tpu.memory_space<vmem>>, vector<1x1x16xf32>,
      %add3A_457 = arith.constant 2 : i32
      %add3A_458 = arith.addi %mul3A_238, %add3A_457 : i32
      %get3A_459 = arith.constant 1 : i32
      %get3A_460 = arith.index_cast %get3A_459 : i32 to index
      %get3A_461 = arith.index_cast %add3A_458 : i32 to index
      %get3A_462 = arith.constant 48 : index
      %get3A_463 = tpu.vector_load %arg6[%get3A_460, %get3A_461, %get3A_462] {strides = array<i32>} : memref<2x128x128xf32, #tpu.memory_space<vmem>>, vector<1x1x16xf32>,
      %get3A_464 = vector.shape_cast %get3A_463 : vector<1x1x16xf32> to vector<16xf32>
      %mul3A_465 = arith.constant 8.000000e+00 : f32
      %mul3A_466 = vector.broadcast %mul3A_465 : f32 to vector<16xf32>
      %mul3A_467 = arith.mulf %get3A_464, %mul3A_466 : vector<16xf32>
      %add3A_468 = arith.constant 2 : i32
      %add3A_469 = arith.addi %mul3A_238, %add3A_468 : i32
      %swap3A_470 = arith.constant 1 : i32
      %swap3A_471 = arith.index_cast %swap3A_470 : i32 to index
      %swap3A_472 = arith.index_cast %add3A_469 : i32 to index
      %swap3A_473 = arith.constant 48 : index
      %swap3A_474 = tpu.vector_load %arg7[%swap3A_471, %swap3A_472, %swap3A_473] {strides = array<i32>} : memref<2x128x64xf32, #tpu.memory_space<vmem>>, vector<1x1x16xf32>,
      %swap3A_475 = vector.shape_cast %swap3A_474 : vector<1x1x16xf32> to vector<16xf32>
      %swap3A_476 = vector.shape_cast %mul3A_467 : vector<16xf32> to vector<1x1x16xf32>
      tpu.vector_store %arg7[%swap3A_471, %swap3A_472, %swap3A_473], %swap3A_476 {strides = array<i32>} : memref<2x128x64xf32, #tpu.memory_space<vmem>>, vector<1x1x16xf32>,
      %add3A_477 = arith.constant 3 : i32
      %add3A_478 = arith.addi %mul3A_238, %add3A_477 : i32
      %get3A_479 = arith.constant 1 : i32
      %get3A_480 = arith.index_cast %get3A_479 : i32 to index
      %get3A_481 = arith.index_cast %add3A_478 : i32 to index
      %get3A_482 = arith.constant 0 : index
      %get3A_483 = tpu.vector_load %arg6[%get3A_480, %get3A_481, %get3A_482] {strides = array<i32>} : memref<2x128x128xf32, #tpu.memory_space<vmem>>, vector<1x1x16xf32>,
      %get3A_484 = vector.shape_cast %get3A_483 : vector<1x1x16xf32> to vector<16xf32>
      %mul3A_485 = arith.constant 8.000000e+00 : f32
      %mul3A_486 = vector.broadcast %mul3A_485 : f32 to vector<16xf32>
      %mul3A_487 = arith.mulf %get3A_484, %mul3A_486 : vector<16xf32>
      %add3A_488 = arith.constant 3 : i32
      %add3A_489 = arith.addi %mul3A_238, %add3A_488 : i32
      %swap3A_490 = arith.constant 1 : i32
      %swap3A_491 = arith.index_cast %swap3A_490 : i32 to index
      %swap3A_492 = arith.index_cast %add3A_489 : i32 to index
      %swap3A_493 = arith.constant 0 : index
      %swap3A_494 = tpu.vector_load %arg7[%swap3A_491, %swap3A_492, %swap3A_493] {strides = array<i32>} : memref<2x128x64xf32, #tpu.memory_space<vmem>>, vector<1x1x16xf32>,
      %swap3A_495 = vector.shape_cast %swap3A_494 : vector<1x1x16xf32> to vector<16xf32>
      %swap3A_496 = vector.shape_cast %mul3A_487 : vector<16xf32> to vector<1x1x16xf32>
      tpu.vector_store %arg7[%swap3A_491, %swap3A_492, %swap3A_493], %swap3A_496 {strides = array<i32>} : memref<2x128x64xf32, #tpu.memory_space<vmem>>, vector<1x1x16xf32>,
      %add3A_497 = arith.constant 3 : i32
      %add3A_498 = arith.addi %mul3A_238, %add3A_497 : i32
      %get3A_499 = arith.constant 1 : i32
      %get3A_500 = arith.index_cast %get3A_499 : i32 to index
      %get3A_501 = arith.index_cast %add3A_498 : i32 to index
      %get3A_502 = arith.constant 16 : index
      %get3A_503 = tpu.vector_load %arg6[%get3A_500, %get3A_501, %get3A_502] {strides = array<i32>} : memref<2x128x128xf32, #tpu.memory_space<vmem>>, vector<1x1x16xf32>,
      %get3A_504 = vector.shape_cast %get3A_503 : vector<1x1x16xf32> to vector<16xf32>
      %mul3A_505 = arith.constant 8.000000e+00 : f32
      %mul3A_506 = vector.broadcast %mul3A_505 : f32 to vector<16xf32>
      %mul3A_507 = arith.mulf %get3A_504, %mul3A_506 : vector<16xf32>
      %add3A_508 = arith.constant 3 : i32
      %add3A_509 = arith.addi %mul3A_238, %add3A_508 : i32
      %swap3A_510 = arith.constant 1 : i32
      %swap3A_511 = arith.index_cast %swap3A_510 : i32 to index
      %swap3A_512 = arith.index_cast %add3A_509 : i32 to index
      %swap3A_513 = arith.constant 16 : index
      %swap3A_514 = tpu.vector_load %arg7[%swap3A_511, %swap3A_512, %swap3A_513] {strides = array<i32>} : memref<2x128x64xf32, #tpu.memory_space<vmem>>, vector<1x1x16xf32>,
      %swap3A_515 = vector.shape_cast %swap3A_514 : vector<1x1x16xf32> to vector<16xf32>
      %swap3A_516 = vector.shape_cast %mul3A_507 : vector<16xf32> to vector<1x1x16xf32>
      tpu.vector_store %arg7[%swap3A_511, %swap3A_512, %swap3A_513], %swap3A_516 {strides = array<i32>} : memref<2x128x64xf32, #tpu.memory_space<vmem>>, vector<1x1x16xf32>,
      %add3A_517 = arith.constant 3 : i32
      %add3A_518 = arith.addi %mul3A_238, %add3A_517 : i32
      %get3A_519 = arith.constant 1 : i32
      %get3A_520 = arith.index_cast %get3A_519 : i32 to index
      %get3A_521 = arith.index_cast %add3A_518 : i32 to index
      %get3A_522 = arith.constant 32 : index
      %get3A_523 = tpu.vector_load %arg6[%get3A_520, %get3A_521, %get3A_522] {strides = array<i32>} : memref<2x128x128xf32, #tpu.memory_space<vmem>>, vector<1x1x16xf32>,
      %get3A_524 = vector.shape_cast %get3A_523 : vector<1x1x16xf32> to vector<16xf32>
      %mul3A_525 = arith.constant 8.000000e+00 : f32
      %mul3A_526 = vector.broadcast %mul3A_525 : f32 to vector<16xf32>
      %mul3A_527 = arith.mulf %get3A_524, %mul3A_526 : vector<16xf32>
      %add3A_528 = arith.constant 3 : i32
      %add3A_529 = arith.addi %mul3A_238, %add3A_528 : i32
      %swap3A_530 = arith.constant 1 : i32
      %swap3A_531 = arith.index_cast %swap3A_530 : i32 to index
      %swap3A_532 = arith.index_cast %add3A_529 : i32 to index
      %swap3A_533 = arith.constant 32 : index
      %swap3A_534 = tpu.vector_load %arg7[%swap3A_531, %swap3A_532, %swap3A_533] {strides = array<i32>} : memref<2x128x64xf32, #tpu.memory_space<vmem>>, vector<1x1x16xf32>,
      %swap3A_535 = vector.shape_cast %swap3A_534 : vector<1x1x16xf32> to vector<16xf32>
      %swap3A_536 = vector.shape_cast %mul3A_527 : vector<16xf32> to vector<1x1x16xf32>
      tpu.vector_store %arg7[%swap3A_531, %swap3A_532, %swap3A_533], %swap3A_536 {strides = array<i32>} : memref<2x128x64xf32, #tpu.memory_space<vmem>>, vector<1x1x16xf32>,
      %add3A_537 = arith.constant 3 : i32
      %add3A_538 = arith.addi %mul3A_238, %add3A_537 : i32
      %get3A_539 = arith.constant 1 : i32
      %get3A_540 = arith.index_cast %get3A_539 : i32 to index
      %get3A_541 = arith.index_cast %add3A_538 : i32 to index
      %get3A_542 = arith.constant 48 : index
      %get3A_543 = tpu.vector_load %arg6[%get3A_540, %get3A_541, %get3A_542] {strides = array<i32>} : memref<2x128x128xf32, #tpu.memory_space<vmem>>, vector<1x1x16xf32>,
      %get3A_544 = vector.shape_cast %get3A_543 : vector<1x1x16xf32> to vector<16xf32>
      %mul3A_545 = arith.constant 8.000000e+00 : f32
      %mul3A_546 = vector.broadcast %mul3A_545 : f32 to vector<16xf32>
      %mul3A_547 = arith.mulf %get3A_544, %mul3A_546 : vector<16xf32>
      %add3A_548 = arith.constant 3 : i32
      %add3A_549 = arith.addi %mul3A_238, %add3A_548 : i32
      %swap3A_550 = arith.constant 1 : i32
      %swap3A_551 = arith.index_cast %swap3A_550 : i32 to index
      %swap3A_552 = arith.index_cast %add3A_549 : i32 to index
      %swap3A_553 = arith.constant 48 : index
      %swap3A_554 = tpu.vector_load %arg7[%swap3A_551, %swap3A_552, %swap3A_553] {strides = array<i32>} : memref<2x128x64xf32, #tpu.memory_space<vmem>>, vector<1x1x16xf32>,
      %swap3A_555 = vector.shape_cast %swap3A_554 : vector<1x1x16xf32> to vector<16xf32>
      %swap3A_556 = vector.shape_cast %mul3A_547 : vector<16xf32> to vector<1x1x16xf32>
      tpu.vector_store %arg7[%swap3A_551, %swap3A_552, %swap3A_553], %swap3A_556 {strides = array<i32>} : memref<2x128x64xf32, #tpu.memory_space<vmem>>, vector<1x1x16xf32>,
      %add3A_557 = arith.constant 4 : i32
      %add3A_558 = arith.addi %mul3A_238, %add3A_557 : i32
      %get3A_559 = arith.constant 1 : i32
      %get3A_560 = arith.index_cast %get3A_559 : i32 to index
      %get3A_561 = arith.index_cast %add3A_558 : i32 to index
      %get3A_562 = arith.constant 0 : index
      %get3A_563 = tpu.vector_load %arg6[%get3A_560, %get3A_561, %get3A_562] {strides = array<i32>} : memref<2x128x128xf32, #tpu.memory_space<vmem>>, vector<1x1x16xf32>,
      %get3A_564 = vector.shape_cast %get3A_563 : vector<1x1x16xf32> to vector<16xf32>
      %mul3A_565 = arith.constant 8.000000e+00 : f32
      %mul3A_566 = vector.broadcast %mul3A_565 : f32 to vector<16xf32>
      %mul3A_567 = arith.mulf %get3A_564, %mul3A_566 : vector<16xf32>
      %add3A_568 = arith.constant 4 : i32
      %add3A_569 = arith.addi %mul3A_238, %add3A_568 : i32
      %swap3A_570 = arith.constant 1 : i32
      %swap3A_571 = arith.index_cast %swap3A_570 : i32 to index
      %swap3A_572 = arith.index_cast %add3A_569 : i32 to index
      %swap3A_573 = arith.constant 0 : index
      %swap3A_574 = tpu.vector_load %arg7[%swap3A_571, %swap3A_572, %swap3A_573] {strides = array<i32>} : memref<2x128x64xf32, #tpu.memory_space<vmem>>, vector<1x1x16xf32>,
      %swap3A_575 = vector.shape_cast %swap3A_574 : vector<1x1x16xf32> to vector<16xf32>
      %swap3A_576 = vector.shape_cast %mul3A_567 : vector<16xf32> to vector<1x1x16xf32>
      tpu.vector_store %arg7[%swap3A_571, %swap3A_572, %swap3A_573], %swap3A_576 {strides = array<i32>} : memref<2x128x64xf32, #tpu.memory_space<vmem>>, vector<1x1x16xf32>,
      %add3A_577 = arith.constant 4 : i32
      %add3A_578 = arith.addi %mul3A_238, %add3A_577 : i32
      %get3A_579 = arith.constant 1 : i32
      %get3A_580 = arith.index_cast %get3A_579 : i32 to index
      %get3A_581 = arith.index_cast %add3A_578 : i32 to index
      %get3A_582 = arith.constant 16 : index
      %get3A_583 = tpu.vector_load %arg6[%get3A_580, %get3A_581, %get3A_582] {strides = array<i32>} : memref<2x128x128xf32, #tpu.memory_space<vmem>>, vector<1x1x16xf32>,
      %get3A_584 = vector.shape_cast %get3A_583 : vector<1x1x16xf32> to vector<16xf32>
      %mul3A_585 = arith.constant 8.000000e+00 : f32
      %mul3A_586 = vector.broadcast %mul3A_585 : f32 to vector<16xf32>
      %mul3A_587 = arith.mulf %get3A_584, %mul3A_586 : vector<16xf32>
      %add3A_588 = arith.constant 4 : i32
      %add3A_589 = arith.addi %mul3A_238, %add3A_588 : i32
      %swap3A_590 = arith.constant 1 : i32
      %swap3A_591 = arith.index_cast %swap3A_590 : i32 to index
      %swap3A_592 = arith.index_cast %add3A_589 : i32 to index
      %swap3A_593 = arith.constant 16 : index
      %swap3A_594 = tpu.vector_load %arg7[%swap3A_591, %swap3A_592, %swap3A_593] {strides = array<i32>} : memref<2x128x64xf32, #tpu.memory_space<vmem>>, vector<1x1x16xf32>,
      %swap3A_595 = vector.shape_cast %swap3A_594 : vector<1x1x16xf32> to vector<16xf32>
      %swap3A_596 = vector.shape_cast %mul3A_587 : vector<16xf32> to vector<1x1x16xf32>
      tpu.vector_store %arg7[%swap3A_591, %swap3A_592, %swap3A_593], %swap3A_596 {strides = array<i32>} : memref<2x128x64xf32, #tpu.memory_space<vmem>>, vector<1x1x16xf32>,
      %add3A_597 = arith.constant 4 : i32
      %add3A_598 = arith.addi %mul3A_238, %add3A_597 : i32
      %get3A_599 = arith.constant 1 : i32
      %get3A_600 = arith.index_cast %get3A_599 : i32 to index
      %get3A_601 = arith.index_cast %add3A_598 : i32 to index
      %get3A_602 = arith.constant 32 : index
      %get3A_603 = tpu.vector_load %arg6[%get3A_600, %get3A_601, %get3A_602] {strides = array<i32>} : memref<2x128x128xf32, #tpu.memory_space<vmem>>, vector<1x1x16xf32>,
      %get3A_604 = vector.shape_cast %get3A_603 : vector<1x1x16xf32> to vector<16xf32>
      %mul3A_605 = arith.constant 8.000000e+00 : f32
      %mul3A_606 = vector.broadcast %mul3A_605 : f32 to vector<16xf32>
      %mul3A_607 = arith.mulf %get3A_604, %mul3A_606 : vector<16xf32>
      %add3A_608 = arith.constant 4 : i32
      %add3A_609 = arith.addi %mul3A_238, %add3A_608 : i32
      %swap3A_610 = arith.constant 1 : i32
      %swap3A_611 = arith.index_cast %swap3A_610 : i32 to index
      %swap3A_612 = arith.index_cast %add3A_609 : i32 to index
      %swap3A_613 = arith.constant 32 : index
      %swap3A_614 = tpu.vector_load %arg7[%swap3A_611, %swap3A_612, %swap3A_613] {strides = array<i32>} : memref<2x128x64xf32, #tpu.memory_space<vmem>>, vector<1x1x16xf32>,
      %swap3A_615 = vector.shape_cast %swap3A_614 : vector<1x1x16xf32> to vector<16xf32>
      %swap3A_616 = vector.shape_cast %mul3A_607 : vector<16xf32> to vector<1x1x16xf32>
      tpu.vector_store %arg7[%swap3A_611, %swap3A_612, %swap3A_613], %swap3A_616 {strides = array<i32>} : memref<2x128x64xf32, #tpu.memory_space<vmem>>, vector<1x1x16xf32>,
      %add3A_617 = arith.constant 4 : i32
      %add3A_618 = arith.addi %mul3A_238, %add3A_617 : i32
      %get3A_619 = arith.constant 1 : i32
      %get3A_620 = arith.index_cast %get3A_619 : i32 to index
      %get3A_621 = arith.index_cast %add3A_618 : i32 to index
      %get3A_622 = arith.constant 48 : index
      %get3A_623 = tpu.vector_load %arg6[%get3A_620, %get3A_621, %get3A_622] {strides = array<i32>} : memref<2x128x128xf32, #tpu.memory_space<vmem>>, vector<1x1x16xf32>,
      %get3A_624 = vector.shape_cast %get3A_623 : vector<1x1x16xf32> to vector<16xf32>
      %mul3A_625 = arith.constant 8.000000e+00 : f32
      %mul3A_626 = vector.broadcast %mul3A_625 : f32 to vector<16xf32>
      %mul3A_627 = arith.mulf %get3A_624, %mul3A_626 : vector<16xf32>
      %add3A_628 = arith.constant 4 : i32
      %add3A_629 = arith.addi %mul3A_238, %add3A_628 : i32
      %swap3A_630 = arith.constant 1 : i32
      %swap3A_631 = arith.index_cast %swap3A_630 : i32 to index
      %swap3A_632 = arith.index_cast %add3A_629 : i32 to index
      %swap3A_633 = arith.constant 48 : index
      %swap3A_634 = tpu.vector_load %arg7[%swap3A_631, %swap3A_632, %swap3A_633] {strides = array<i32>} : memref<2x128x64xf32, #tpu.memory_space<vmem>>, vector<1x1x16xf32>,
      %swap3A_635 = vector.shape_cast %swap3A_634 : vector<1x1x16xf32> to vector<16xf32>
      %swap3A_636 = vector.shape_cast %mul3A_627 : vector<16xf32> to vector<1x1x16xf32>
      tpu.vector_store %arg7[%swap3A_631, %swap3A_632, %swap3A_633], %swap3A_636 {strides = array<i32>} : memref<2x128x64xf32, #tpu.memory_space<vmem>>, vector<1x1x16xf32>,
      %add3A_637 = arith.constant 5 : i32
      %add3A_638 = arith.addi %mul3A_238, %add3A_637 : i32
      %get3A_639 = arith.constant 1 : i32
      %get3A_640 = arith.index_cast %get3A_639 : i32 to index
      %get3A_641 = arith.index_cast %add3A_638 : i32 to index
      %get3A_642 = arith.constant 0 : index
      %get3A_643 = tpu.vector_load %arg6[%get3A_640, %get3A_641, %get3A_642] {strides = array<i32>} : memref<2x128x128xf32, #tpu.memory_space<vmem>>, vector<1x1x16xf32>,
      %get3A_644 = vector.shape_cast %get3A_643 : vector<1x1x16xf32> to vector<16xf32>
      %mul3A_645 = arith.constant 8.000000e+00 : f32
      %mul3A_646 = vector.broadcast %mul3A_645 : f32 to vector<16xf32>
      %mul3A_647 = arith.mulf %get3A_644, %mul3A_646 : vector<16xf32>
      %add3A_648 = arith.constant 5 : i32
      %add3A_649 = arith.addi %mul3A_238, %add3A_648 : i32
      %swap3A_650 = arith.constant 1 : i32
      %swap3A_651 = arith.index_cast %swap3A_650 : i32 to index
      %swap3A_652 = arith.index_cast %add3A_649 : i32 to index
      %swap3A_653 = arith.constant 0 : index
      %swap3A_654 = tpu.vector_load %arg7[%swap3A_651, %swap3A_652, %swap3A_653] {strides = array<i32>} : memref<2x128x64xf32, #tpu.memory_space<vmem>>, vector<1x1x16xf32>,
      %swap3A_655 = vector.shape_cast %swap3A_654 : vector<1x1x16xf32> to vector<16xf32>
      %swap3A_656 = vector.shape_cast %mul3A_647 : vector<16xf32> to vector<1x1x16xf32>
      tpu.vector_store %arg7[%swap3A_651, %swap3A_652, %swap3A_653], %swap3A_656 {strides = array<i32>} : memref<2x128x64xf32, #tpu.memory_space<vmem>>, vector<1x1x16xf32>,
      %add3A_657 = arith.constant 5 : i32
      %add3A_658 = arith.addi %mul3A_238, %add3A_657 : i32
      %get3A_659 = arith.constant 1 : i32
      %get3A_660 = arith.index_cast %get3A_659 : i32 to index
      %get3A_661 = arith.index_cast %add3A_658 : i32 to index
      %get3A_662 = arith.constant 16 : index
      %get3A_663 = tpu.vector_load %arg6[%get3A_660, %get3A_661, %get3A_662] {strides = array<i32>} : memref<2x128x128xf32, #tpu.memory_space<vmem>>, vector<1x1x16xf32>,
      %get3A_664 = vector.shape_cast %get3A_663 : vector<1x1x16xf32> to vector<16xf32>
      %mul3A_665 = arith.constant 8.000000e+00 : f32
      %mul3A_666 = vector.broadcast %mul3A_665 : f32 to vector<16xf32>
      %mul3A_667 = arith.mulf %get3A_664, %mul3A_666 : vector<16xf32>
      %add3A_668 = arith.constant 5 : i32
      %add3A_669 = arith.addi %mul3A_238, %add3A_668 : i32
      %swap3A_670 = arith.constant 1 : i32
      %swap3A_671 = arith.index_cast %swap3A_670 : i32 to index
      %swap3A_672 = arith.index_cast %add3A_669 : i32 to index
      %swap3A_673 = arith.constant 16 : index
      %swap3A_674 = tpu.vector_load %arg7[%swap3A_671, %swap3A_672, %swap3A_673] {strides = array<i32>} : memref<2x128x64xf32, #tpu.memory_space<vmem>>, vector<1x1x16xf32>,
      %swap3A_675 = vector.shape_cast %swap3A_674 : vector<1x1x16xf32> to vector<16xf32>
      %swap3A_676 = vector.shape_cast %mul3A_667 : vector<16xf32> to vector<1x1x16xf32>
      tpu.vector_store %arg7[%swap3A_671, %swap3A_672, %swap3A_673], %swap3A_676 {strides = array<i32>} : memref<2x128x64xf32, #tpu.memory_space<vmem>>, vector<1x1x16xf32>,
      %add3A_677 = arith.constant 5 : i32
      %add3A_678 = arith.addi %mul3A_238, %add3A_677 : i32
      %get3A_679 = arith.constant 1 : i32
      %get3A_680 = arith.index_cast %get3A_679 : i32 to index
      %get3A_681 = arith.index_cast %add3A_678 : i32 to index
      %get3A_682 = arith.constant 32 : index
      %get3A_683 = tpu.vector_load %arg6[%get3A_680, %get3A_681, %get3A_682] {strides = array<i32>} : memref<2x128x128xf32, #tpu.memory_space<vmem>>, vector<1x1x16xf32>,
      %get3A_684 = vector.shape_cast %get3A_683 : vector<1x1x16xf32> to vector<16xf32>
      %mul3A_685 = arith.constant 8.000000e+00 : f32
      %mul3A_686 = vector.broadcast %mul3A_685 : f32 to vector<16xf32>
      %mul3A_687 = arith.mulf %get3A_684, %mul3A_686 : vector<16xf32>
      %add3A_688 = arith.constant 5 : i32
      %add3A_689 = arith.addi %mul3A_238, %add3A_688 : i32
      %swap3A_690 = arith.constant 1 : i32
      %swap3A_691 = arith.index_cast %swap3A_690 : i32 to index
      %swap3A_692 = arith.index_cast %add3A_689 : i32 to index
      %swap3A_693 = arith.constant 32 : index
      %swap3A_694 = tpu.vector_load %arg7[%swap3A_691, %swap3A_692, %swap3A_693] {strides = array<i32>} : memref<2x128x64xf32, #tpu.memory_space<vmem>>, vector<1x1x16xf32>,
      %swap3A_695 = vector.shape_cast %swap3A_694 : vector<1x1x16xf32> to vector<16xf32>
      %swap3A_696 = vector.shape_cast %mul3A_687 : vector<16xf32> to vector<1x1x16xf32>
      tpu.vector_store %arg7[%swap3A_691, %swap3A_692, %swap3A_693], %swap3A_696 {strides = array<i32>} : memref<2x128x64xf32, #tpu.memory_space<vmem>>, vector<1x1x16xf32>,
      %add3A_697 = arith.constant 5 : i32
      %add3A_698 = arith.addi %mul3A_238, %add3A_697 : i32
      %get3A_699 = arith.constant 1 : i32
      %get3A_700 = arith.index_cast %get3A_699 : i32 to index
      %get3A_701 = arith.index_cast %add3A_698 : i32 to index
      %get3A_702 = arith.constant 48 : index
      %get3A_703 = tpu.vector_load %arg6[%get3A_700, %get3A_701, %get3A_702] {strides = array<i32>} : memref<2x128x128xf32, #tpu.memory_space<vmem>>, vector<1x1x16xf32>,
      %get3A_704 = vector.shape_cast %get3A_703 : vector<1x1x16xf32> to vector<16xf32>
      %mul3A_705 = arith.constant 8.000000e+00 : f32
      %mul3A_706 = vector.broadcast %mul3A_705 : f32 to vector<16xf32>
      %mul3A_707 = arith.mulf %get3A_704, %mul3A_706 : vector<16xf32>
      %add3A_708 = arith.constant 5 : i32
      %add3A_709 = arith.addi %mul3A_238, %add3A_708 : i32
      %swap3A_710 = arith.constant 1 : i32
      %swap3A_711 = arith.index_cast %swap3A_710 : i32 to index
      %swap3A_712 = arith.index_cast %add3A_709 : i32 to index
      %swap3A_713 = arith.constant 48 : index
      %swap3A_714 = tpu.vector_load %arg7[%swap3A_711, %swap3A_712, %swap3A_713] {strides = array<i32>} : memref<2x128x64xf32, #tpu.memory_space<vmem>>, vector<1x1x16xf32>,
      %swap3A_715 = vector.shape_cast %swap3A_714 : vector<1x1x16xf32> to vector<16xf32>
      %swap3A_716 = vector.shape_cast %mul3A_707 : vector<16xf32> to vector<1x1x16xf32>
      tpu.vector_store %arg7[%swap3A_711, %swap3A_712, %swap3A_713], %swap3A_716 {strides = array<i32>} : memref<2x128x64xf32, #tpu.memory_space<vmem>>, vector<1x1x16xf32>,
      %add3A_717 = arith.constant 6 : i32
      %add3A_718 = arith.addi %mul3A_238, %add3A_717 : i32
      %get3A_719 = arith.constant 1 : i32
      %get3A_720 = arith.index_cast %get3A_719 : i32 to index
      %get3A_721 = arith.index_cast %add3A_718 : i32 to index
      %get3A_722 = arith.constant 0 : index
      %get3A_723 = tpu.vector_load %arg6[%get3A_720, %get3A_721, %get3A_722] {strides = array<i32>} : memref<2x128x128xf32, #tpu.memory_space<vmem>>, vector<1x1x16xf32>,
      %get3A_724 = vector.shape_cast %get3A_723 : vector<1x1x16xf32> to vector<16xf32>
      %mul3A_725 = arith.constant 8.000000e+00 : f32
      %mul3A_726 = vector.broadcast %mul3A_725 : f32 to vector<16xf32>
      %mul3A_727 = arith.mulf %get3A_724, %mul3A_726 : vector<16xf32>
      %add3A_728 = arith.constant 6 : i32
      %add3A_729 = arith.addi %mul3A_238, %add3A_728 : i32
      %swap3A_730 = arith.constant 1 : i32
      %swap3A_731 = arith.index_cast %swap3A_730 : i32 to index
      %swap3A_732 = arith.index_cast %add3A_729 : i32 to index
      %swap3A_733 = arith.constant 0 : index
      %swap3A_734 = tpu.vector_load %arg7[%swap3A_731, %swap3A_732, %swap3A_733] {strides = array<i32>} : memref<2x128x64xf32, #tpu.memory_space<vmem>>, vector<1x1x16xf32>,
      %swap3A_735 = vector.shape_cast %swap3A_734 : vector<1x1x16xf32> to vector<16xf32>
      %swap3A_736 = vector.shape_cast %mul3A_727 : vector<16xf32> to vector<1x1x16xf32>
      tpu.vector_store %arg7[%swap3A_731, %swap3A_732, %swap3A_733], %swap3A_736 {strides = array<i32>} : memref<2x128x64xf32, #tpu.memory_space<vmem>>, vector<1x1x16xf32>,
      %add3A_737 = arith.constant 6 : i32
      %add3A_738 = arith.addi %mul3A_238, %add3A_737 : i32
      %get3A_739 = arith.constant 1 : i32
      %get3A_740 = arith.index_cast %get3A_739 : i32 to index
      %get3A_741 = arith.index_cast %add3A_738 : i32 to index
      %get3A_742 = arith.constant 16 : index
      %get3A_743 = tpu.vector_load %arg6[%get3A_740, %get3A_741, %get3A_742] {strides = array<i32>} : memref<2x128x128xf32, #tpu.memory_space<vmem>>, vector<1x1x16xf32>,
      %get3A_744 = vector.shape_cast %get3A_743 : vector<1x1x16xf32> to vector<16xf32>
      %mul3A_745 = arith.constant 8.000000e+00 : f32
      %mul3A_746 = vector.broadcast %mul3A_745 : f32 to vector<16xf32>
      %mul3A_747 = arith.mulf %get3A_744, %mul3A_746 : vector<16xf32>
      %add3A_748 = arith.constant 6 : i32
      %add3A_749 = arith.addi %mul3A_238, %add3A_748 : i32
      %swap3A_750 = arith.constant 1 : i32
      %swap3A_751 = arith.index_cast %swap3A_750 : i32 to index
      %swap3A_752 = arith.index_cast %add3A_749 : i32 to index
      %swap3A_753 = arith.constant 16 : index
      %swap3A_754 = tpu.vector_load %arg7[%swap3A_751, %swap3A_752, %swap3A_753] {strides = array<i32>} : memref<2x128x64xf32, #tpu.memory_space<vmem>>, vector<1x1x16xf32>,
      %swap3A_755 = vector.shape_cast %swap3A_754 : vector<1x1x16xf32> to vector<16xf32>
      %swap3A_756 = vector.shape_cast %mul3A_747 : vector<16xf32> to vector<1x1x16xf32>
      tpu.vector_store %arg7[%swap3A_751, %swap3A_752, %swap3A_753], %swap3A_756 {strides = array<i32>} : memref<2x128x64xf32, #tpu.memory_space<vmem>>, vector<1x1x16xf32>,
      %add3A_757 = arith.constant 6 : i32
      %add3A_758 = arith.addi %mul3A_238, %add3A_757 : i32
      %get3A_759 = arith.constant 1 : i32
      %get3A_760 = arith.index_cast %get3A_759 : i32 to index
      %get3A_761 = arith.index_cast %add3A_758 : i32 to index
      %get3A_762 = arith.constant 32 : index
      %get3A_763 = tpu.vector_load %arg6[%get3A_760, %get3A_761, %get3A_762] {strides = array<i32>} : memref<2x128x128xf32, #tpu.memory_space<vmem>>, vector<1x1x16xf32>,
      %get3A_764 = vector.shape_cast %get3A_763 : vector<1x1x16xf32> to vector<16xf32>
      %mul3A_765 = arith.constant 8.000000e+00 : f32
      %mul3A_766 = vector.broadcast %mul3A_765 : f32 to vector<16xf32>
      %mul3A_767 = arith.mulf %get3A_764, %mul3A_766 : vector<16xf32>
      %add3A_768 = arith.constant 6 : i32
      %add3A_769 = arith.addi %mul3A_238, %add3A_768 : i32
      %swap3A_770 = arith.constant 1 : i32
      %swap3A_771 = arith.index_cast %swap3A_770 : i32 to index
      %swap3A_772 = arith.index_cast %add3A_769 : i32 to index
      %swap3A_773 = arith.constant 32 : index
      %swap3A_774 = tpu.vector_load %arg7[%swap3A_771, %swap3A_772, %swap3A_773] {strides = array<i32>} : memref<2x128x64xf32, #tpu.memory_space<vmem>>, vector<1x1x16xf32>,
      %swap3A_775 = vector.shape_cast %swap3A_774 : vector<1x1x16xf32> to vector<16xf32>
      %swap3A_776 = vector.shape_cast %mul3A_767 : vector<16xf32> to vector<1x1x16xf32>
      tpu.vector_store %arg7[%swap3A_771, %swap3A_772, %swap3A_773], %swap3A_776 {strides = array<i32>} : memref<2x128x64xf32, #tpu.memory_space<vmem>>, vector<1x1x16xf32>,
      %add3A_777 = arith.constant 6 : i32
      %add3A_778 = arith.addi %mul3A_238, %add3A_777 : i32
      %get3A_779 = arith.constant 1 : i32
      %get3A_780 = arith.index_cast %get3A_779 : i32 to index
      %get3A_781 = arith.index_cast %add3A_778 : i32 to index
      %get3A_782 = arith.constant 48 : index
      %get3A_783 = tpu.vector_load %arg6[%get3A_780, %get3A_781, %get3A_782] {strides = array<i32>} : memref<2x128x128xf32, #tpu.memory_space<vmem>>, vector<1x1x16xf32>,
      %get3A_784 = vector.shape_cast %get3A_783 : vector<1x1x16xf32> to vector<16xf32>
      %mul3A_785 = arith.constant 8.000000e+00 : f32
      %mul3A_786 = vector.broadcast %mul3A_785 : f32 to vector<16xf32>
      %mul3A_787 = arith.mulf %get3A_784, %mul3A_786 : vector<16xf32>
      %add3A_788 = arith.constant 6 : i32
      %add3A_789 = arith.addi %mul3A_238, %add3A_788 : i32
      %swap3A_790 = arith.constant 1 : i32
      %swap3A_791 = arith.index_cast %swap3A_790 : i32 to index
      %swap3A_792 = arith.index_cast %add3A_789 : i32 to index
      %swap3A_793 = arith.constant 48 : index
      %swap3A_794 = tpu.vector_load %arg7[%swap3A_791, %swap3A_792, %swap3A_793] {strides = array<i32>} : memref<2x128x64xf32, #tpu.memory_space<vmem>>, vector<1x1x16xf32>,
      %swap3A_795 = vector.shape_cast %swap3A_794 : vector<1x1x16xf32> to vector<16xf32>
      %swap3A_796 = vector.shape_cast %mul3A_787 : vector<16xf32> to vector<1x1x16xf32>
      tpu.vector_store %arg7[%swap3A_791, %swap3A_792, %swap3A_793], %swap3A_796 {strides = array<i32>} : memref<2x128x64xf32, #tpu.memory_space<vmem>>, vector<1x1x16xf32>,
      %add3A_797 = arith.constant 7 : i32
      %add3A_798 = arith.addi %mul3A_238, %add3A_797 : i32
      %get3A_799 = arith.constant 1 : i32
      %get3A_800 = arith.index_cast %get3A_799 : i32 to index
      %get3A_801 = arith.index_cast %add3A_798 : i32 to index
      %get3A_802 = arith.constant 0 : index
      %get3A_803 = tpu.vector_load %arg6[%get3A_800, %get3A_801, %get3A_802] {strides = array<i32>} : memref<2x128x128xf32, #tpu.memory_space<vmem>>, vector<1x1x16xf32>,
      %get3A_804 = vector.shape_cast %get3A_803 : vector<1x1x16xf32> to vector<16xf32>
      %mul3A_805 = arith.constant 8.000000e+00 : f32
      %mul3A_806 = vector.broadcast %mul3A_805 : f32 to vector<16xf32>
      %mul3A_807 = arith.mulf %get3A_804, %mul3A_806 : vector<16xf32>
      %add3A_808 = arith.constant 7 : i32
      %add3A_809 = arith.addi %mul3A_238, %add3A_808 : i32
      %swap3A_810 = arith.constant 1 : i32
      %swap3A_811 = arith.index_cast %swap3A_810 : i32 to index
      %swap3A_812 = arith.index_cast %add3A_809 : i32 to index
      %swap3A_813 = arith.constant 0 : index
      %swap3A_814 = tpu.vector_load %arg7[%swap3A_811, %swap3A_812, %swap3A_813] {strides = array<i32>} : memref<2x128x64xf32, #tpu.memory_space<vmem>>, vector<1x1x16xf32>,
      %swap3A_815 = vector.shape_cast %swap3A_814 : vector<1x1x16xf32> to vector<16xf32>
      %swap3A_816 = vector.shape_cast %mul3A_807 : vector<16xf32> to vector<1x1x16xf32>
      tpu.vector_store %arg7[%swap3A_811, %swap3A_812, %swap3A_813], %swap3A_816 {strides = array<i32>} : memref<2x128x64xf32, #tpu.memory_space<vmem>>, vector<1x1x16xf32>,
      %add3A_817 = arith.constant 7 : i32
      %add3A_818 = arith.addi %mul3A_238, %add3A_817 : i32
      %get3A_819 = arith.constant 1 : i32
      %get3A_820 = arith.index_cast %get3A_819 : i32 to index
      %get3A_821 = arith.index_cast %add3A_818 : i32 to index
      %get3A_822 = arith.constant 16 : index
      %get3A_823 = tpu.vector_load %arg6[%get3A_820, %get3A_821, %get3A_822] {strides = array<i32>} : memref<2x128x128xf32, #tpu.memory_space<vmem>>, vector<1x1x16xf32>,
      %get3A_824 = vector.shape_cast %get3A_823 : vector<1x1x16xf32> to vector<16xf32>
      %mul3A_825 = arith.constant 8.000000e+00 : f32
      %mul3A_826 = vector.broadcast %mul3A_825 : f32 to vector<16xf32>
      %mul3A_827 = arith.mulf %get3A_824, %mul3A_826 : vector<16xf32>
      %add3A_828 = arith.constant 7 : i32
      %add3A_829 = arith.addi %mul3A_238, %add3A_828 : i32
      %swap3A_830 = arith.constant 1 : i32
      %swap3A_831 = arith.index_cast %swap3A_830 : i32 to index
      %swap3A_832 = arith.index_cast %add3A_829 : i32 to index
      %swap3A_833 = arith.constant 16 : index
      %swap3A_834 = tpu.vector_load %arg7[%swap3A_831, %swap3A_832, %swap3A_833] {strides = array<i32>} : memref<2x128x64xf32, #tpu.memory_space<vmem>>, vector<1x1x16xf32>,
      %swap3A_835 = vector.shape_cast %swap3A_834 : vector<1x1x16xf32> to vector<16xf32>
      %swap3A_836 = vector.shape_cast %mul3A_827 : vector<16xf32> to vector<1x1x16xf32>
      tpu.vector_store %arg7[%swap3A_831, %swap3A_832, %swap3A_833], %swap3A_836 {strides = array<i32>} : memref<2x128x64xf32, #tpu.memory_space<vmem>>, vector<1x1x16xf32>,
      %add3A_837 = arith.constant 7 : i32
      %add3A_838 = arith.addi %mul3A_238, %add3A_837 : i32
      %get3A_839 = arith.constant 1 : i32
      %get3A_840 = arith.index_cast %get3A_839 : i32 to index
      %get3A_841 = arith.index_cast %add3A_838 : i32 to index
      %get3A_842 = arith.constant 32 : index
      %get3A_843 = tpu.vector_load %arg6[%get3A_840, %get3A_841, %get3A_842] {strides = array<i32>} : memref<2x128x128xf32, #tpu.memory_space<vmem>>, vector<1x1x16xf32>,
      %get3A_844 = vector.shape_cast %get3A_843 : vector<1x1x16xf32> to vector<16xf32>
      %mul3A_845 = arith.constant 8.000000e+00 : f32
      %mul3A_846 = vector.broadcast %mul3A_845 : f32 to vector<16xf32>
      %mul3A_847 = arith.mulf %get3A_844, %mul3A_846 : vector<16xf32>
      %add3A_848 = arith.constant 7 : i32
      %add3A_849 = arith.addi %mul3A_238, %add3A_848 : i32
      %swap3A_850 = arith.constant 1 : i32
      %swap3A_851 = arith.index_cast %swap3A_850 : i32 to index
      %swap3A_852 = arith.index_cast %add3A_849 : i32 to index
      %swap3A_853 = arith.constant 32 : index
      %swap3A_854 = tpu.vector_load %arg7[%swap3A_851, %swap3A_852, %swap3A_853] {strides = array<i32>} : memref<2x128x64xf32, #tpu.memory_space<vmem>>, vector<1x1x16xf32>,
      %swap3A_855 = vector.shape_cast %swap3A_854 : vector<1x1x16xf32> to vector<16xf32>
      %swap3A_856 = vector.shape_cast %mul3A_847 : vector<16xf32> to vector<1x1x16xf32>
      tpu.vector_store %arg7[%swap3A_851, %swap3A_852, %swap3A_853], %swap3A_856 {strides = array<i32>} : memref<2x128x64xf32, #tpu.memory_space<vmem>>, vector<1x1x16xf32>,
      %add3A_857 = arith.constant 7 : i32
      %add3A_858 = arith.addi %mul3A_238, %add3A_857 : i32
      %get3A_859 = arith.constant 1 : i32
      %get3A_860 = arith.index_cast %get3A_859 : i32 to index
      %get3A_861 = arith.index_cast %add3A_858 : i32 to index
      %get3A_862 = arith.constant 48 : index
      %get3A_863 = tpu.vector_load %arg6[%get3A_860, %get3A_861, %get3A_862] {strides = array<i32>} : memref<2x128x128xf32, #tpu.memory_space<vmem>>, vector<1x1x16xf32>,
      %get3A_864 = vector.shape_cast %get3A_863 : vector<1x1x16xf32> to vector<16xf32>
      %mul3A_865 = arith.constant 8.000000e+00 : f32
      %mul3A_866 = vector.broadcast %mul3A_865 : f32 to vector<16xf32>
      %mul3A_867 = arith.mulf %get3A_864, %mul3A_866 : vector<16xf32>
      %add3A_868 = arith.constant 7 : i32
      %add3A_869 = arith.addi %mul3A_238, %add3A_868 : i32
      %swap3A_870 = arith.constant 1 : i32
      %swap3A_871 = arith.index_cast %swap3A_870 : i32 to index
      %swap3A_872 = arith.index_cast %add3A_869 : i32 to index
      %swap3A_873 = arith.constant 48 : index
      %swap3A_874 = tpu.vector_load %arg7[%swap3A_871, %swap3A_872, %swap3A_873] {strides = array<i32>} : memref<2x128x64xf32, #tpu.memory_space<vmem>>, vector<1x1x16xf32>,
      %swap3A_875 = vector.shape_cast %swap3A_874 : vector<1x1x16xf32> to vector<16xf32>
      %swap3A_876 = vector.shape_cast %mul3A_867 : vector<16xf32> to vector<1x1x16xf32>
      tpu.vector_store %arg7[%swap3A_871, %swap3A_872, %swap3A_873], %swap3A_876 {strides = array<i32>} : memref<2x128x64xf32, #tpu.memory_space<vmem>>, vector<1x1x16xf32>,
      %scan3A_877 = arith.constant 0 : i32
      scf.yield %scan3A_877 : i32
    }
    %scan3A_78 = arith.constant 16 : i32
    %dma_start3A_79 = arith.constant 1 : i32
    %dma_start3A_80 = arith.constant 0 : i32
    %dma_start3A_81 = arith.constant 0 : i32
    %dma_start3A_82 = tpu.memref_slice %arg6[%dma_start3A_79, %dma_start3A_80, %dma_start3A_81] : memref<2x128x128xf32, #tpu.memory_space<vmem>> -> memref<1x128x128xf32, #tpu.memory_space<vmem>>
    %dma_start3A_83 = tpu.memref_squeeze %dma_start3A_82 : memref<1x128x128xf32, #tpu.memory_space<vmem>> -> memref<128x128xf32, #tpu.memory_space<vmem>>
    %dma_start3A_84 = arith.constant 384 : i32
    %dma_start3A_85 = tpu.memref_slice %arg5[%dma_start3A_84] : memref<25600xi32, #tpu.memory_space<vmem>> -> memref<128xi32, #tpu.memory_space<vmem>>
    %dma_start3A_86 = arith.constant 0 : i32
    %dma_start3A_87 = arith.constant 0 : i32
    %dma_start3A_88 = tpu.memref_slice %arg3[%dma_start3A_86, %dma_start3A_87] : memref<100000x128xf32, #tpu.memory_space<hbm>> -> memref<100000x128xf32, #tpu.memory_space<hbm>>
    tpu.enqueue_indirect_dma source(%dma_start3A_88 : memref<100000x128xf32, #tpu.memory_space<hbm>>) target(%dma_start3A_83 : memref<128x128xf32, #tpu.memory_space<vmem>>) offsets(%dma_start3A_85 : memref<128xi32, #tpu.memory_space<vmem>>) semaphore(%arg9 : memref<!tpu.dma_semaphore, #tpu.memory_space<semaphore_mem>>)
    %add3A_89 = arith.constant 128 : i32
    %add3A_90 = arith.addi %mul3A_2, %add3A_89 : i32
    %dma_start3A_91 = arith.constant 1 : i32
    %dma_start3A_92 = arith.constant 0 : i32
    %dma_start3A_93 = arith.constant 0 : i32
    %dma_start3A_94 = tpu.memref_slice %arg7[%dma_start3A_91, %dma_start3A_92, %dma_start3A_93] : memref<2x128x64xf32, #tpu.memory_space<vmem>> -> memref<1x128x64xf32, #tpu.memory_space<vmem>>
    %dma_start3A_95 = tpu.memref_squeeze %dma_start3A_94 : memref<1x128x64xf32, #tpu.memory_space<vmem>> -> memref<128x64xf32, #tpu.memory_space<vmem>>
    %dma_start3A_96 = arith.constant 0 : i32
    %dma_start3A_97 = tpu.memref_slice %arg4[%add3A_90, %dma_start3A_96] : memref<819200x64xf32, #tpu.memory_space<hbm>> -> memref<128x64xf32, #tpu.memory_space<hbm>>
    %dma_start3A_98 = arith.constant 0 : i32
    %dma_start3A_99 = tpu.memref_slice %arg4[%add3A_90, %dma_start3A_98] : memref<819200x64xf32, #tpu.memory_space<hbm>> -> memref<128x64xf32, #tpu.memory_space<hbm>>
    %dma_start3A_100 = arith.constant 0 : i32
    %dma_start3A_101 = arith.constant 0 : i32
    %dma_start3A_102 = tpu.memref_slice %arg7[%dma_start3A_91, %dma_start3A_100, %dma_start3A_101] : memref<2x128x64xf32, #tpu.memory_space<vmem>> -> memref<1x128x64xf32, #tpu.memory_space<vmem>>
    %dma_start3A_103 = tpu.memref_squeeze %dma_start3A_102 : memref<1x128x64xf32, #tpu.memory_space<vmem>> -> memref<128x64xf32, #tpu.memory_space<vmem>>
    tpu.enqueue_dma source(%dma_start3A_103 : memref<128x64xf32, #tpu.memory_space<vmem>>) target(%dma_start3A_99 : memref<128x64xf32, #tpu.memory_space<hbm>>) target_semaphore(%arg11 : memref<!tpu.dma_semaphore, #tpu.memory_space<semaphore_mem>>)
    %scan3A_104 = arith.constant 0 : i32
    %scan3A_105 = arith.constant 1 : i32
    %scan3A_106 = arith.constant 98 : i32
    %scan3A_107 = arith.addi %scan3A_105, %scan3A_106 : i32
    %scan3A_108 = arith.constant 1 : i32
    %scan3A_109 = scf.for %scan3A_235 = %scan3A_105 to %scan3A_107 step %scan3A_108 iter_args(%scan3A_236 = %scan3A_104) -> (i32)  : i32 {
      %mul3A_237 = arith.constant 2 : i32
      %mul3A_238 = arith.muli %scan3A_235, %mul3A_237 : i32
      %add3A_239 = arith.constant 0 : i32
      %add3A_240 = arith.addi %mul3A_238, %add3A_239 : i32
      %mul3A_241 = arith.constant 128 : i32
      %mul3A_242 = arith.muli %add3A_240, %mul3A_241 : i32
      %dma_wait3A_243 = arith.constant 0 : i32
      %dma_wait3A_244 = arith.constant 0 : i32
      %dma_wait3A_245 = arith.constant 0 : i32
      %dma_wait3A_246 = tpu.memref_slice %arg6[%dma_wait3A_243, %dma_wait3A_244, %dma_wait3A_245] : memref<2x128x128xf32, #tpu.memory_space<vmem>> -> memref<1x128x128xf32, #tpu.memory_space<vmem>>
      %dma_wait3A_247 = tpu.memref_squeeze %dma_wait3A_246 : memref<1x128x128xf32, #tpu.memory_space<vmem>> -> memref<128x128xf32, #tpu.memory_space<vmem>>
      %dma_wait3A_248 = tpu.memref_slice %arg5[%mul3A_242] : memref<25600xi32, #tpu.memory_space<vmem>> -> memref<128xi32, #tpu.memory_space<vmem>>
      %dma_wait3A_249 = arith.constant 0 : i32
      %dma_wait3A_250 = arith.constant 0 : i32
      %dma_wait3A_251 = tpu.memref_slice %arg3[%dma_wait3A_249, %dma_wait3A_250] : memref<100000x128xf32, #tpu.memory_space<hbm>> -> memref<100000x128xf32, #tpu.memory_space<hbm>>
      tpu.wait_indirect_dma semaphore(%arg8 : memref<!tpu.dma_semaphore, #tpu.memory_space<semaphore_mem>>) src(%dma_wait3A_251 : memref<100000x128xf32, #tpu.memory_space<hbm>>) dst(%dma_wait3A_247 : memref<128x128xf32, #tpu.memory_space<vmem>>)
      %sub3A = arith.constant 2 : i32
      %sub3A_252 = arith.subi %add3A_240, %sub3A : i32
      %mul3A_253 = arith.constant 128 : i32
      %mul3A_254 = arith.muli %sub3A_252, %mul3A_253 : i32
      %add3A_255 = arith.addi %mul3A_2, %mul3A_254 : i32
      %dma_wait3A_256 = arith.constant 0 : i32
      %dma_wait3A_257 = arith.constant 0 : i32
      %dma_wait3A_258 = arith.constant 0 : i32
      %dma_wait3A_259 = tpu.memref_slice %arg7[%dma_wait3A_256, %dma_wait3A_257, %dma_wait3A_258] : memref<2x128x64xf32, #tpu.memory_space<vmem>> -> memref<1x128x64xf32, #tpu.memory_space<vmem>>
      %dma_wait3A_260 = tpu.memref_squeeze %dma_wait3A_259 : memref<1x128x64xf32, #tpu.memory_space<vmem>> -> memref<128x64xf32, #tpu.memory_space<vmem>>
      %dma_wait3A_261 = arith.constant 0 : i32
      %dma_wait3A_262 = tpu.memref_slice %arg4[%add3A_255, %dma_wait3A_261] : memref<819200x64xf32, #tpu.memory_space<hbm>> -> memref<128x64xf32, #tpu.memory_space<hbm>>
      %dma_wait3A_263 = arith.constant 0 : i32
      %dma_wait3A_264 = tpu.memref_slice %arg4[%add3A_255, %dma_wait3A_263] : memref<819200x64xf32, #tpu.memory_space<hbm>> -> memref<128x64xf32, #tpu.memory_space<hbm>>
      %dma_wait3A_265 = arith.constant 0 : i32
      %dma_wait3A_266 = arith.constant 0 : i32
      %dma_wait3A_267 = tpu.memref_slice %arg7[%dma_wait3A_256, %dma_wait3A_265, %dma_wait3A_266] : memref<2x128x64xf32, #tpu.memory_space<vmem>> -> memref<1x128x64xf32, #tpu.memory_space<vmem>>
      %dma_wait3A_268 = tpu.memref_squeeze %dma_wait3A_267 : memref<1x128x64xf32, #tpu.memory_space<vmem>> -> memref<128x64xf32, #tpu.memory_space<vmem>>
      tpu.wait_dma2 semaphore(%arg10 : memref<!tpu.dma_semaphore, #tpu.memory_space<semaphore_mem>>) src(%dma_wait3A_268 : memref<128x64xf32, #tpu.memory_space<vmem>>) dst(%dma_wait3A_264 : memref<128x64xf32, #tpu.memory_space<hbm>>)
      %scan3A_269 = arith.constant 0 : i32
      %scan3A_270 = arith.constant 0 : i32
      %scan3A_271 = arith.constant 16 : i32
      %scan3A_272 = arith.addi %scan3A_270, %scan3A_271 : i32
      %scan3A_273 = arith.constant 1 : i32
      %scan3A_274 = scf.for %scan3A_375 = %scan3A_270 to %scan3A_272 step %scan3A_273 iter_args(%scan3A_376 = %scan3A_269) -> (i32)  : i32 {
        %mul3A_377 = arith.constant 8 : i32
        %mul3A_378 = arith.muli %scan3A_375, %mul3A_377 : i32
        %add3A_379 = arith.constant 0 : i32
        %add3A_380 = arith.addi %mul3A_378, %add3A_379 : i32
        %get3A = arith.constant 0 : i32
        %get3A_381 = arith.index_cast %get3A : i32 to index
        %get3A_382 = arith.index_cast %add3A_380 : i32 to index
        %get3A_383 = arith.constant 0 : index
        %get3A_384 = tpu.vector_load %arg6[%get3A_381, %get3A_382, %get3A_383] {strides = array<i32>} : memref<2x128x128xf32, #tpu.memory_space<vmem>>, vector<1x1x16xf32>,
        %get3A_385 = vector.shape_cast %get3A_384 : vector<1x1x16xf32> to vector<16xf32>
        %mul3A_386 = arith.constant 8.000000e+00 : f32
        %mul3A_387 = vector.broadcast %mul3A_386 : f32 to vector<16xf32>
        %mul3A_388 = arith.mulf %get3A_385, %mul3A_387 : vector<16xf32>
        %add3A_389 = arith.constant 0 : i32
        %add3A_390 = arith.addi %mul3A_378, %add3A_389 : i32
        %swap3A = arith.constant 0 : i32
        %swap3A_391 = arith.index_cast %swap3A : i32 to index
        %swap3A_392 = arith.index_cast %add3A_390 : i32 to index
        %swap3A_393 = arith.constant 0 : index
        %swap3A_394 = tpu.vector_load %arg7[%swap3A_391, %swap3A_392, %swap3A_393] {strides = array<i32>} : memref<2x128x64xf32, #tpu.memory_space<vmem>>, vector<1x1x16xf32>,
        %swap3A_395 = vector.shape_cast %swap3A_394 : vector<1x1x16xf32> to vector<16xf32>
        %swap3A_396 = vector.shape_cast %mul3A_388 : vector<16xf32> to vector<1x1x16xf32>
        tpu.vector_store %arg7[%swap3A_391, %swap3A_392, %swap3A_393], %swap3A_396 {strides = array<i32>} : memref<2x128x64xf32, #tpu.memory_space<vmem>>, vector<1x1x16xf32>,
        %add3A_397 = arith.constant 0 : i32
        %add3A_398 = arith.addi %mul3A_378, %add3A_397 : i32
        %get3A_399 = arith.constant 0 : i32
        %get3A_400 = arith.index_cast %get3A_399 : i32 to index
        %get3A_401 = arith.index_cast %add3A_398 : i32 to index
        %get3A_402 = arith.constant 16 : index
        %get3A_403 = tpu.vector_load %arg6[%get3A_400, %get3A_401, %get3A_402] {strides = array<i32>} : memref<2x128x128xf32, #tpu.memory_space<vmem>>, vector<1x1x16xf32>,
        %get3A_404 = vector.shape_cast %get3A_403 : vector<1x1x16xf32> to vector<16xf32>
        %mul3A_405 = arith.constant 8.000000e+00 : f32
        %mul3A_406 = vector.broadcast %mul3A_405 : f32 to vector<16xf32>
        %mul3A_407 = arith.mulf %get3A_404, %mul3A_406 : vector<16xf32>
        %add3A_408 = arith.constant 0 : i32
        %add3A_409 = arith.addi %mul3A_378, %add3A_408 : i32
        %swap3A_410 = arith.constant 0 : i32
        %swap3A_411 = arith.index_cast %swap3A_410 : i32 to index
        %swap3A_412 = arith.index_cast %add3A_409 : i32 to index
        %swap3A_413 = arith.constant 16 : index
        %swap3A_414 = tpu.vector_load %arg7[%swap3A_411, %swap3A_412, %swap3A_413] {strides = array<i32>} : memref<2x128x64xf32, #tpu.memory_space<vmem>>, vector<1x1x16xf32>,
        %swap3A_415 = vector.shape_cast %swap3A_414 : vector<1x1x16xf32> to vector<16xf32>
        %swap3A_416 = vector.shape_cast %mul3A_407 : vector<16xf32> to vector<1x1x16xf32>
        tpu.vector_store %arg7[%swap3A_411, %swap3A_412, %swap3A_413], %swap3A_416 {strides = array<i32>} : memref<2x128x64xf32, #tpu.memory_space<vmem>>, vector<1x1x16xf32>,
        %add3A_417 = arith.constant 0 : i32
        %add3A_418 = arith.addi %mul3A_378, %add3A_417 : i32
        %get3A_419 = arith.constant 0 : i32
        %get3A_420 = arith.index_cast %get3A_419 : i32 to index
        %get3A_421 = arith.index_cast %add3A_418 : i32 to index
        %get3A_422 = arith.constant 32 : index
        %get3A_423 = tpu.vector_load %arg6[%get3A_420, %get3A_421, %get3A_422] {strides = array<i32>} : memref<2x128x128xf32, #tpu.memory_space<vmem>>, vector<1x1x16xf32>,
        %get3A_424 = vector.shape_cast %get3A_423 : vector<1x1x16xf32> to vector<16xf32>
        %mul3A_425 = arith.constant 8.000000e+00 : f32
        %mul3A_426 = vector.broadcast %mul3A_425 : f32 to vector<16xf32>
        %mul3A_427 = arith.mulf %get3A_424, %mul3A_426 : vector<16xf32>
        %add3A_428 = arith.constant 0 : i32
        %add3A_429 = arith.addi %mul3A_378, %add3A_428 : i32
        %swap3A_430 = arith.constant 0 : i32
        %swap3A_431 = arith.index_cast %swap3A_430 : i32 to index
        %swap3A_432 = arith.index_cast %add3A_429 : i32 to index
        %swap3A_433 = arith.constant 32 : index
        %swap3A_434 = tpu.vector_load %arg7[%swap3A_431, %swap3A_432, %swap3A_433] {strides = array<i32>} : memref<2x128x64xf32, #tpu.memory_space<vmem>>, vector<1x1x16xf32>,
        %swap3A_435 = vector.shape_cast %swap3A_434 : vector<1x1x16xf32> to vector<16xf32>
        %swap3A_436 = vector.shape_cast %mul3A_427 : vector<16xf32> to vector<1x1x16xf32>
        tpu.vector_store %arg7[%swap3A_431, %swap3A_432, %swap3A_433], %swap3A_436 {strides = array<i32>} : memref<2x128x64xf32, #tpu.memory_space<vmem>>, vector<1x1x16xf32>,
        %add3A_437 = arith.constant 0 : i32
        %add3A_438 = arith.addi %mul3A_378, %add3A_437 : i32
        %get3A_439 = arith.constant 0 : i32
        %get3A_440 = arith.index_cast %get3A_439 : i32 to index
        %get3A_441 = arith.index_cast %add3A_438 : i32 to index
        %get3A_442 = arith.constant 48 : index
        %get3A_443 = tpu.vector_load %arg6[%get3A_440, %get3A_441, %get3A_442] {strides = array<i32>} : memref<2x128x128xf32, #tpu.memory_space<vmem>>, vector<1x1x16xf32>,
        %get3A_444 = vector.shape_cast %get3A_443 : vector<1x1x16xf32> to vector<16xf32>
        %mul3A_445 = arith.constant 8.000000e+00 : f32
        %mul3A_446 = vector.broadcast %mul3A_445 : f32 to vector<16xf32>
        %mul3A_447 = arith.mulf %get3A_444, %mul3A_446 : vector<16xf32>
        %add3A_448 = arith.constant 0 : i32
        %add3A_449 = arith.addi %mul3A_378, %add3A_448 : i32
        %swap3A_450 = arith.constant 0 : i32
        %swap3A_451 = arith.index_cast %swap3A_450 : i32 to index
        %swap3A_452 = arith.index_cast %add3A_449 : i32 to index
        %swap3A_453 = arith.constant 48 : index
        %swap3A_454 = tpu.vector_load %arg7[%swap3A_451, %swap3A_452, %swap3A_453] {strides = array<i32>} : memref<2x128x64xf32, #tpu.memory_space<vmem>>, vector<1x1x16xf32>,
        %swap3A_455 = vector.shape_cast %swap3A_454 : vector<1x1x16xf32> to vector<16xf32>
        %swap3A_456 = vector.shape_cast %mul3A_447 : vector<16xf32> to vector<1x1x16xf32>
        tpu.vector_store %arg7[%swap3A_451, %swap3A_452, %swap3A_453], %swap3A_456 {strides = array<i32>} : memref<2x128x64xf32, #tpu.memory_space<vmem>>, vector<1x1x16xf32>,
        %add3A_457 = arith.constant 1 : i32
        %add3A_458 = arith.addi %mul3A_378, %add3A_457 : i32
        %get3A_459 = arith.constant 0 : i32
        %get3A_460 = arith.index_cast %get3A_459 : i32 to index
        %get3A_461 = arith.index_cast %add3A_458 : i32 to index
        %get3A_462 = arith.constant 0 : index
        %get3A_463 = tpu.vector_load %arg6[%get3A_460, %get3A_461, %get3A_462] {strides = array<i32>} : memref<2x128x128xf32, #tpu.memory_space<vmem>>, vector<1x1x16xf32>,
        %get3A_464 = vector.shape_cast %get3A_463 : vector<1x1x16xf32> to vector<16xf32>
        %mul3A_465 = arith.constant 8.000000e+00 : f32
        %mul3A_466 = vector.broadcast %mul3A_465 : f32 to vector<16xf32>
        %mul3A_467 = arith.mulf %get3A_464, %mul3A_466 : vector<16xf32>
        %add3A_468 = arith.constant 1 : i32
        %add3A_469 = arith.addi %mul3A_378, %add3A_468 : i32
        %swap3A_470 = arith.constant 0 : i32
        %swap3A_471 = arith.index_cast %swap3A_470 : i32 to index
        %swap3A_472 = arith.index_cast %add3A_469 : i32 to index
        %swap3A_473 = arith.constant 0 : index
        %swap3A_474 = tpu.vector_load %arg7[%swap3A_471, %swap3A_472, %swap3A_473] {strides = array<i32>} : memref<2x128x64xf32, #tpu.memory_space<vmem>>, vector<1x1x16xf32>,
        %swap3A_475 = vector.shape_cast %swap3A_474 : vector<1x1x16xf32> to vector<16xf32>
        %swap3A_476 = vector.shape_cast %mul3A_467 : vector<16xf32> to vector<1x1x16xf32>
        tpu.vector_store %arg7[%swap3A_471, %swap3A_472, %swap3A_473], %swap3A_476 {strides = array<i32>} : memref<2x128x64xf32, #tpu.memory_space<vmem>>, vector<1x1x16xf32>,
        %add3A_477 = arith.constant 1 : i32
        %add3A_478 = arith.addi %mul3A_378, %add3A_477 : i32
        %get3A_479 = arith.constant 0 : i32
        %get3A_480 = arith.index_cast %get3A_479 : i32 to index
        %get3A_481 = arith.index_cast %add3A_478 : i32 to index
        %get3A_482 = arith.constant 16 : index
        %get3A_483 = tpu.vector_load %arg6[%get3A_480, %get3A_481, %get3A_482] {strides = array<i32>} : memref<2x128x128xf32, #tpu.memory_space<vmem>>, vector<1x1x16xf32>,
        %get3A_484 = vector.shape_cast %get3A_483 : vector<1x1x16xf32> to vector<16xf32>
        %mul3A_485 = arith.constant 8.000000e+00 : f32
        %mul3A_486 = vector.broadcast %mul3A_485 : f32 to vector<16xf32>
        %mul3A_487 = arith.mulf %get3A_484, %mul3A_486 : vector<16xf32>
        %add3A_488 = arith.constant 1 : i32
        %add3A_489 = arith.addi %mul3A_378, %add3A_488 : i32
        %swap3A_490 = arith.constant 0 : i32
        %swap3A_491 = arith.index_cast %swap3A_490 : i32 to index
        %swap3A_492 = arith.index_cast %add3A_489 : i32 to index
        %swap3A_493 = arith.constant 16 : index
        %swap3A_494 = tpu.vector_load %arg7[%swap3A_491, %swap3A_492, %swap3A_493] {strides = array<i32>} : memref<2x128x64xf32, #tpu.memory_space<vmem>>, vector<1x1x16xf32>,
        %swap3A_495 = vector.shape_cast %swap3A_494 : vector<1x1x16xf32> to vector<16xf32>
        %swap3A_496 = vector.shape_cast %mul3A_487 : vector<16xf32> to vector<1x1x16xf32>
        tpu.vector_store %arg7[%swap3A_491, %swap3A_492, %swap3A_493], %swap3A_496 {strides = array<i32>} : memref<2x128x64xf32, #tpu.memory_space<vmem>>, vector<1x1x16xf32>,
        %add3A_497 = arith.constant 1 : i32
        %add3A_498 = arith.addi %mul3A_378, %add3A_497 : i32
        %get3A_499 = arith.constant 0 : i32
        %get3A_500 = arith.index_cast %get3A_499 : i32 to index
        %get3A_501 = arith.index_cast %add3A_498 : i32 to index
        %get3A_502 = arith.constant 32 : index
        %get3A_503 = tpu.vector_load %arg6[%get3A_500, %get3A_501, %get3A_502] {strides = array<i32>} : memref<2x128x128xf32, #tpu.memory_space<vmem>>, vector<1x1x16xf32>,
        %get3A_504 = vector.shape_cast %get3A_503 : vector<1x1x16xf32> to vector<16xf32>
        %mul3A_505 = arith.constant 8.000000e+00 : f32
        %mul3A_506 = vector.broadcast %mul3A_505 : f32 to vector<16xf32>
        %mul3A_507 = arith.mulf %get3A_504, %mul3A_506 : vector<16xf32>
        %add3A_508 = arith.constant 1 : i32
        %add3A_509 = arith.addi %mul3A_378, %add3A_508 : i32
        %swap3A_510 = arith.constant 0 : i32
        %swap3A_511 = arith.index_cast %swap3A_510 : i32 to index
        %swap3A_512 = arith.index_cast %add3A_509 : i32 to index
        %swap3A_513 = arith.constant 32 : index
        %swap3A_514 = tpu.vector_load %arg7[%swap3A_511, %swap3A_512, %swap3A_513] {strides = array<i32>} : memref<2x128x64xf32, #tpu.memory_space<vmem>>, vector<1x1x16xf32>,
        %swap3A_515 = vector.shape_cast %swap3A_514 : vector<1x1x16xf32> to vector<16xf32>
        %swap3A_516 = vector.shape_cast %mul3A_507 : vector<16xf32> to vector<1x1x16xf32>
        tpu.vector_store %arg7[%swap3A_511, %swap3A_512, %swap3A_513], %swap3A_516 {strides = array<i32>} : memref<2x128x64xf32, #tpu.memory_space<vmem>>, vector<1x1x16xf32>,
        %add3A_517 = arith.constant 1 : i32
        %add3A_518 = arith.addi %mul3A_378, %add3A_517 : i32
        %get3A_519 = arith.constant 0 : i32
        %get3A_520 = arith.index_cast %get3A_519 : i32 to index
        %get3A_521 = arith.index_cast %add3A_518 : i32 to index
        %get3A_522 = arith.constant 48 : index
        %get3A_523 = tpu.vector_load %arg6[%get3A_520, %get3A_521, %get3A_522] {strides = array<i32>} : memref<2x128x128xf32, #tpu.memory_space<vmem>>, vector<1x1x16xf32>,
        %get3A_524 = vector.shape_cast %get3A_523 : vector<1x1x16xf32> to vector<16xf32>
        %mul3A_525 = arith.constant 8.000000e+00 : f32
        %mul3A_526 = vector.broadcast %mul3A_525 : f32 to vector<16xf32>
        %mul3A_527 = arith.mulf %get3A_524, %mul3A_526 : vector<16xf32>
        %add3A_528 = arith.constant 1 : i32
        %add3A_529 = arith.addi %mul3A_378, %add3A_528 : i32
        %swap3A_530 = arith.constant 0 : i32
        %swap3A_531 = arith.index_cast %swap3A_530 : i32 to index
        %swap3A_532 = arith.index_cast %add3A_529 : i32 to index
        %swap3A_533 = arith.constant 48 : index
        %swap3A_534 = tpu.vector_load %arg7[%swap3A_531, %swap3A_532, %swap3A_533] {strides = array<i32>} : memref<2x128x64xf32, #tpu.memory_space<vmem>>, vector<1x1x16xf32>,
        %swap3A_535 = vector.shape_cast %swap3A_534 : vector<1x1x16xf32> to vector<16xf32>
        %swap3A_536 = vector.shape_cast %mul3A_527 : vector<16xf32> to vector<1x1x16xf32>
        tpu.vector_store %arg7[%swap3A_531, %swap3A_532, %swap3A_533], %swap3A_536 {strides = array<i32>} : memref<2x128x64xf32, #tpu.memory_space<vmem>>, vector<1x1x16xf32>,
        %add3A_537 = arith.constant 2 : i32
        %add3A_538 = arith.addi %mul3A_378, %add3A_537 : i32
        %get3A_539 = arith.constant 0 : i32
        %get3A_540 = arith.index_cast %get3A_539 : i32 to index
        %get3A_541 = arith.index_cast %add3A_538 : i32 to index
        %get3A_542 = arith.constant 0 : index
        %get3A_543 = tpu.vector_load %arg6[%get3A_540, %get3A_541, %get3A_542] {strides = array<i32>} : memref<2x128x128xf32, #tpu.memory_space<vmem>>, vector<1x1x16xf32>,
        %get3A_544 = vector.shape_cast %get3A_543 : vector<1x1x16xf32> to vector<16xf32>
        %mul3A_545 = arith.constant 8.000000e+00 : f32
        %mul3A_546 = vector.broadcast %mul3A_545 : f32 to vector<16xf32>
        %mul3A_547 = arith.mulf %get3A_544, %mul3A_546 : vector<16xf32>
        %add3A_548 = arith.constant 2 : i32
        %add3A_549 = arith.addi %mul3A_378, %add3A_548 : i32
        %swap3A_550 = arith.constant 0 : i32
        %swap3A_551 = arith.index_cast %swap3A_550 : i32 to index
        %swap3A_552 = arith.index_cast %add3A_549 : i32 to index
        %swap3A_553 = arith.constant 0 : index
        %swap3A_554 = tpu.vector_load %arg7[%swap3A_551, %swap3A_552, %swap3A_553] {strides = array<i32>} : memref<2x128x64xf32, #tpu.memory_space<vmem>>, vector<1x1x16xf32>,
        %swap3A_555 = vector.shape_cast %swap3A_554 : vector<1x1x16xf32> to vector<16xf32>
        %swap3A_556 = vector.shape_cast %mul3A_547 : vector<16xf32> to vector<1x1x16xf32>
        tpu.vector_store %arg7[%swap3A_551, %swap3A_552, %swap3A_553], %swap3A_556 {strides = array<i32>} : memref<2x128x64xf32, #tpu.memory_space<vmem>>, vector<1x1x16xf32>,
        %add3A_557 = arith.constant 2 : i32
        %add3A_558 = arith.addi %mul3A_378, %add3A_557 : i32
        %get3A_559 = arith.constant 0 : i32
        %get3A_560 = arith.index_cast %get3A_559 : i32 to index
        %get3A_561 = arith.index_cast %add3A_558 : i32 to index
        %get3A_562 = arith.constant 16 : index
        %get3A_563 = tpu.vector_load %arg6[%get3A_560, %get3A_561, %get3A_562] {strides = array<i32>} : memref<2x128x128xf32, #tpu.memory_space<vmem>>, vector<1x1x16xf32>,
        %get3A_564 = vector.shape_cast %get3A_563 : vector<1x1x16xf32> to vector<16xf32>
        %mul3A_565 = arith.constant 8.000000e+00 : f32
        %mul3A_566 = vector.broadcast %mul3A_565 : f32 to vector<16xf32>
        %mul3A_567 = arith.mulf %get3A_564, %mul3A_566 : vector<16xf32>
        %add3A_568 = arith.constant 2 : i32
        %add3A_569 = arith.addi %mul3A_378, %add3A_568 : i32
        %swap3A_570 = arith.constant 0 : i32
        %swap3A_571 = arith.index_cast %swap3A_570 : i32 to index
        %swap3A_572 = arith.index_cast %add3A_569 : i32 to index
        %swap3A_573 = arith.constant 16 : index
        %swap3A_574 = tpu.vector_load %arg7[%swap3A_571, %swap3A_572, %swap3A_573] {strides = array<i32>} : memref<2x128x64xf32, #tpu.memory_space<vmem>>, vector<1x1x16xf32>,
        %swap3A_575 = vector.shape_cast %swap3A_574 : vector<1x1x16xf32> to vector<16xf32>
        %swap3A_576 = vector.shape_cast %mul3A_567 : vector<16xf32> to vector<1x1x16xf32>
        tpu.vector_store %arg7[%swap3A_571, %swap3A_572, %swap3A_573], %swap3A_576 {strides = array<i32>} : memref<2x128x64xf32, #tpu.memory_space<vmem>>, vector<1x1x16xf32>,
        %add3A_577 = arith.constant 2 : i32
        %add3A_578 = arith.addi %mul3A_378, %add3A_577 : i32
        %get3A_579 = arith.constant 0 : i32
        %get3A_580 = arith.index_cast %get3A_579 : i32 to index
        %get3A_581 = arith.index_cast %add3A_578 : i32 to index
        %get3A_582 = arith.constant 32 : index
        %get3A_583 = tpu.vector_load %arg6[%get3A_580, %get3A_581, %get3A_582] {strides = array<i32>} : memref<2x128x128xf32, #tpu.memory_space<vmem>>, vector<1x1x16xf32>,
        %get3A_584 = vector.shape_cast %get3A_583 : vector<1x1x16xf32> to vector<16xf32>
        %mul3A_585 = arith.constant 8.000000e+00 : f32
        %mul3A_586 = vector.broadcast %mul3A_585 : f32 to vector<16xf32>
        %mul3A_587 = arith.mulf %get3A_584, %mul3A_586 : vector<16xf32>
        %add3A_588 = arith.constant 2 : i32
        %add3A_589 = arith.addi %mul3A_378, %add3A_588 : i32
        %swap3A_590 = arith.constant 0 : i32
        %swap3A_591 = arith.index_cast %swap3A_590 : i32 to index
        %swap3A_592 = arith.index_cast %add3A_589 : i32 to index
        %swap3A_593 = arith.constant 32 : index
        %swap3A_594 = tpu.vector_load %arg7[%swap3A_591, %swap3A_592, %swap3A_593] {strides = array<i32>} : memref<2x128x64xf32, #tpu.memory_space<vmem>>, vector<1x1x16xf32>,
        %swap3A_595 = vector.shape_cast %swap3A_594 : vector<1x1x16xf32> to vector<16xf32>
        %swap3A_596 = vector.shape_cast %mul3A_587 : vector<16xf32> to vector<1x1x16xf32>
        tpu.vector_store %arg7[%swap3A_591, %swap3A_592, %swap3A_593], %swap3A_596 {strides = array<i32>} : memref<2x128x64xf32, #tpu.memory_space<vmem>>, vector<1x1x16xf32>,
        %add3A_597 = arith.constant 2 : i32
        %add3A_598 = arith.addi %mul3A_378, %add3A_597 : i32
        %get3A_599 = arith.constant 0 : i32
        %get3A_600 = arith.index_cast %get3A_599 : i32 to index
        %get3A_601 = arith.index_cast %add3A_598 : i32 to index
        %get3A_602 = arith.constant 48 : index
        %get3A_603 = tpu.vector_load %arg6[%get3A_600, %get3A_601, %get3A_602] {strides = array<i32>} : memref<2x128x128xf32, #tpu.memory_space<vmem>>, vector<1x1x16xf32>,
        %get3A_604 = vector.shape_cast %get3A_603 : vector<1x1x16xf32> to vector<16xf32>
        %mul3A_605 = arith.constant 8.000000e+00 : f32
        %mul3A_606 = vector.broadcast %mul3A_605 : f32 to vector<16xf32>
        %mul3A_607 = arith.mulf %get3A_604, %mul3A_606 : vector<16xf32>
        %add3A_608 = arith.constant 2 : i32
        %add3A_609 = arith.addi %mul3A_378, %add3A_608 : i32
        %swap3A_610 = arith.constant 0 : i32
        %swap3A_611 = arith.index_cast %swap3A_610 : i32 to index
        %swap3A_612 = arith.index_cast %add3A_609 : i32 to index
        %swap3A_613 = arith.constant 48 : index
        %swap3A_614 = tpu.vector_load %arg7[%swap3A_611, %swap3A_612, %swap3A_613] {strides = array<i32>} : memref<2x128x64xf32, #tpu.memory_space<vmem>>, vector<1x1x16xf32>,
        %swap3A_615 = vector.shape_cast %swap3A_614 : vector<1x1x16xf32> to vector<16xf32>
        %swap3A_616 = vector.shape_cast %mul3A_607 : vector<16xf32> to vector<1x1x16xf32>
        tpu.vector_store %arg7[%swap3A_611, %swap3A_612, %swap3A_613], %swap3A_616 {strides = array<i32>} : memref<2x128x64xf32, #tpu.memory_space<vmem>>, vector<1x1x16xf32>,
        %add3A_617 = arith.constant 3 : i32
        %add3A_618 = arith.addi %mul3A_378, %add3A_617 : i32
        %get3A_619 = arith.constant 0 : i32
        %get3A_620 = arith.index_cast %get3A_619 : i32 to index
        %get3A_621 = arith.index_cast %add3A_618 : i32 to index
        %get3A_622 = arith.constant 0 : index
        %get3A_623 = tpu.vector_load %arg6[%get3A_620, %get3A_621, %get3A_622] {strides = array<i32>} : memref<2x128x128xf32, #tpu.memory_space<vmem>>, vector<1x1x16xf32>,
        %get3A_624 = vector.shape_cast %get3A_623 : vector<1x1x16xf32> to vector<16xf32>
        %mul3A_625 = arith.constant 8.000000e+00 : f32
        %mul3A_626 = vector.broadcast %mul3A_625 : f32 to vector<16xf32>
        %mul3A_627 = arith.mulf %get3A_624, %mul3A_626 : vector<16xf32>
        %add3A_628 = arith.constant 3 : i32
        %add3A_629 = arith.addi %mul3A_378, %add3A_628 : i32
        %swap3A_630 = arith.constant 0 : i32
        %swap3A_631 = arith.index_cast %swap3A_630 : i32 to index
        %swap3A_632 = arith.index_cast %add3A_629 : i32 to index
        %swap3A_633 = arith.constant 0 : index
        %swap3A_634 = tpu.vector_load %arg7[%swap3A_631, %swap3A_632, %swap3A_633] {strides = array<i32>} : memref<2x128x64xf32, #tpu.memory_space<vmem>>, vector<1x1x16xf32>,
        %swap3A_635 = vector.shape_cast %swap3A_634 : vector<1x1x16xf32> to vector<16xf32>
        %swap3A_636 = vector.shape_cast %mul3A_627 : vector<16xf32> to vector<1x1x16xf32>
        tpu.vector_store %arg7[%swap3A_631, %swap3A_632, %swap3A_633], %swap3A_636 {strides = array<i32>} : memref<2x128x64xf32, #tpu.memory_space<vmem>>, vector<1x1x16xf32>,
        %add3A_637 = arith.constant 3 : i32
        %add3A_638 = arith.addi %mul3A_378, %add3A_637 : i32
        %get3A_639 = arith.constant 0 : i32
        %get3A_640 = arith.index_cast %get3A_639 : i32 to index
        %get3A_641 = arith.index_cast %add3A_638 : i32 to index
        %get3A_642 = arith.constant 16 : index
        %get3A_643 = tpu.vector_load %arg6[%get3A_640, %get3A_641, %get3A_642] {strides = array<i32>} : memref<2x128x128xf32, #tpu.memory_space<vmem>>, vector<1x1x16xf32>,
        %get3A_644 = vector.shape_cast %get3A_643 : vector<1x1x16xf32> to vector<16xf32>
        %mul3A_645 = arith.constant 8.000000e+00 : f32
        %mul3A_646 = vector.broadcast %mul3A_645 : f32 to vector<16xf32>
        %mul3A_647 = arith.mulf %get3A_644, %mul3A_646 : vector<16xf32>
        %add3A_648 = arith.constant 3 : i32
        %add3A_649 = arith.addi %mul3A_378, %add3A_648 : i32
        %swap3A_650 = arith.constant 0 : i32
        %swap3A_651 = arith.index_cast %swap3A_650 : i32 to index
        %swap3A_652 = arith.index_cast %add3A_649 : i32 to index
        %swap3A_653 = arith.constant 16 : index
        %swap3A_654 = tpu.vector_load %arg7[%swap3A_651, %swap3A_652, %swap3A_653] {strides = array<i32>} : memref<2x128x64xf32, #tpu.memory_space<vmem>>, vector<1x1x16xf32>,
        %swap3A_655 = vector.shape_cast %swap3A_654 : vector<1x1x16xf32> to vector<16xf32>
        %swap3A_656 = vector.shape_cast %mul3A_647 : vector<16xf32> to vector<1x1x16xf32>
        tpu.vector_store %arg7[%swap3A_651, %swap3A_652, %swap3A_653], %swap3A_656 {strides = array<i32>} : memref<2x128x64xf32, #tpu.memory_space<vmem>>, vector<1x1x16xf32>,
        %add3A_657 = arith.constant 3 : i32
        %add3A_658 = arith.addi %mul3A_378, %add3A_657 : i32
        %get3A_659 = arith.constant 0 : i32
        %get3A_660 = arith.index_cast %get3A_659 : i32 to index
        %get3A_661 = arith.index_cast %add3A_658 : i32 to index
        %get3A_662 = arith.constant 32 : index
        %get3A_663 = tpu.vector_load %arg6[%get3A_660, %get3A_661, %get3A_662] {strides = array<i32>} : memref<2x128x128xf32, #tpu.memory_space<vmem>>, vector<1x1x16xf32>,
        %get3A_664 = vector.shape_cast %get3A_663 : vector<1x1x16xf32> to vector<16xf32>
        %mul3A_665 = arith.constant 8.000000e+00 : f32
        %mul3A_666 = vector.broadcast %mul3A_665 : f32 to vector<16xf32>
        %mul3A_667 = arith.mulf %get3A_664, %mul3A_666 : vector<16xf32>
        %add3A_668 = arith.constant 3 : i32
        %add3A_669 = arith.addi %mul3A_378, %add3A_668 : i32
        %swap3A_670 = arith.constant 0 : i32
        %swap3A_671 = arith.index_cast %swap3A_670 : i32 to index
        %swap3A_672 = arith.index_cast %add3A_669 : i32 to index
        %swap3A_673 = arith.constant 32 : index
        %swap3A_674 = tpu.vector_load %arg7[%swap3A_671, %swap3A_672, %swap3A_673] {strides = array<i32>} : memref<2x128x64xf32, #tpu.memory_space<vmem>>, vector<1x1x16xf32>,
        %swap3A_675 = vector.shape_cast %swap3A_674 : vector<1x1x16xf32> to vector<16xf32>
        %swap3A_676 = vector.shape_cast %mul3A_667 : vector<16xf32> to vector<1x1x16xf32>
        tpu.vector_store %arg7[%swap3A_671, %swap3A_672, %swap3A_673], %swap3A_676 {strides = array<i32>} : memref<2x128x64xf32, #tpu.memory_space<vmem>>, vector<1x1x16xf32>,
        %add3A_677 = arith.constant 3 : i32
        %add3A_678 = arith.addi %mul3A_378, %add3A_677 : i32
        %get3A_679 = arith.constant 0 : i32
        %get3A_680 = arith.index_cast %get3A_679 : i32 to index
        %get3A_681 = arith.index_cast %add3A_678 : i32 to index
        %get3A_682 = arith.constant 48 : index
        %get3A_683 = tpu.vector_load %arg6[%get3A_680, %get3A_681, %get3A_682] {strides = array<i32>} : memref<2x128x128xf32, #tpu.memory_space<vmem>>, vector<1x1x16xf32>,
        %get3A_684 = vector.shape_cast %get3A_683 : vector<1x1x16xf32> to vector<16xf32>
        %mul3A_685 = arith.constant 8.000000e+00 : f32
        %mul3A_686 = vector.broadcast %mul3A_685 : f32 to vector<16xf32>
        %mul3A_687 = arith.mulf %get3A_684, %mul3A_686 : vector<16xf32>
        %add3A_688 = arith.constant 3 : i32
        %add3A_689 = arith.addi %mul3A_378, %add3A_688 : i32
        %swap3A_690 = arith.constant 0 : i32
        %swap3A_691 = arith.index_cast %swap3A_690 : i32 to index
        %swap3A_692 = arith.index_cast %add3A_689 : i32 to index
        %swap3A_693 = arith.constant 48 : index
        %swap3A_694 = tpu.vector_load %arg7[%swap3A_691, %swap3A_692, %swap3A_693] {strides = array<i32>} : memref<2x128x64xf32, #tpu.memory_space<vmem>>, vector<1x1x16xf32>,
        %swap3A_695 = vector.shape_cast %swap3A_694 : vector<1x1x16xf32> to vector<16xf32>
        %swap3A_696 = vector.shape_cast %mul3A_687 : vector<16xf32> to vector<1x1x16xf32>
        tpu.vector_store %arg7[%swap3A_691, %swap3A_692, %swap3A_693], %swap3A_696 {strides = array<i32>} : memref<2x128x64xf32, #tpu.memory_space<vmem>>, vector<1x1x16xf32>,
        %add3A_697 = arith.constant 4 : i32
        %add3A_698 = arith.addi %mul3A_378, %add3A_697 : i32
        %get3A_699 = arith.constant 0 : i32
        %get3A_700 = arith.index_cast %get3A_699 : i32 to index
        %get3A_701 = arith.index_cast %add3A_698 : i32 to index
        %get3A_702 = arith.constant 0 : index
        %get3A_703 = tpu.vector_load %arg6[%get3A_700, %get3A_701, %get3A_702] {strides = array<i32>} : memref<2x128x128xf32, #tpu.memory_space<vmem>>, vector<1x1x16xf32>,
        %get3A_704 = vector.shape_cast %get3A_703 : vector<1x1x16xf32> to vector<16xf32>
        %mul3A_705 = arith.constant 8.000000e+00 : f32
        %mul3A_706 = vector.broadcast %mul3A_705 : f32 to vector<16xf32>
        %mul3A_707 = arith.mulf %get3A_704, %mul3A_706 : vector<16xf32>
        %add3A_708 = arith.constant 4 : i32
        %add3A_709 = arith.addi %mul3A_378, %add3A_708 : i32
        %swap3A_710 = arith.constant 0 : i32
        %swap3A_711 = arith.index_cast %swap3A_710 : i32 to index
        %swap3A_712 = arith.index_cast %add3A_709 : i32 to index
        %swap3A_713 = arith.constant 0 : index
        %swap3A_714 = tpu.vector_load %arg7[%swap3A_711, %swap3A_712, %swap3A_713] {strides = array<i32>} : memref<2x128x64xf32, #tpu.memory_space<vmem>>, vector<1x1x16xf32>,
        %swap3A_715 = vector.shape_cast %swap3A_714 : vector<1x1x16xf32> to vector<16xf32>
        %swap3A_716 = vector.shape_cast %mul3A_707 : vector<16xf32> to vector<1x1x16xf32>
        tpu.vector_store %arg7[%swap3A_711, %swap3A_712, %swap3A_713], %swap3A_716 {strides = array<i32>} : memref<2x128x64xf32, #tpu.memory_space<vmem>>, vector<1x1x16xf32>,
        %add3A_717 = arith.constant 4 : i32
        %add3A_718 = arith.addi %mul3A_378, %add3A_717 : i32
        %get3A_719 = arith.constant 0 : i32
        %get3A_720 = arith.index_cast %get3A_719 : i32 to index
        %get3A_721 = arith.index_cast %add3A_718 : i32 to index
        %get3A_722 = arith.constant 16 : index
        %get3A_723 = tpu.vector_load %arg6[%get3A_720, %get3A_721, %get3A_722] {strides = array<i32>} : memref<2x128x128xf32, #tpu.memory_space<vmem>>, vector<1x1x16xf32>,
        %get3A_724 = vector.shape_cast %get3A_723 : vector<1x1x16xf32> to vector<16xf32>
        %mul3A_725 = arith.constant 8.000000e+00 : f32
        %mul3A_726 = vector.broadcast %mul3A_725 : f32 to vector<16xf32>
        %mul3A_727 = arith.mulf %get3A_724, %mul3A_726 : vector<16xf32>
        %add3A_728 = arith.constant 4 : i32
        %add3A_729 = arith.addi %mul3A_378, %add3A_728 : i32
        %swap3A_730 = arith.constant 0 : i32
        %swap3A_731 = arith.index_cast %swap3A_730 : i32 to index
        %swap3A_732 = arith.index_cast %add3A_729 : i32 to index
        %swap3A_733 = arith.constant 16 : index
        %swap3A_734 = tpu.vector_load %arg7[%swap3A_731, %swap3A_732, %swap3A_733] {strides = array<i32>} : memref<2x128x64xf32, #tpu.memory_space<vmem>>, vector<1x1x16xf32>,
        %swap3A_735 = vector.shape_cast %swap3A_734 : vector<1x1x16xf32> to vector<16xf32>
        %swap3A_736 = vector.shape_cast %mul3A_727 : vector<16xf32> to vector<1x1x16xf32>
        tpu.vector_store %arg7[%swap3A_731, %swap3A_732, %swap3A_733], %swap3A_736 {strides = array<i32>} : memref<2x128x64xf32, #tpu.memory_space<vmem>>, vector<1x1x16xf32>,
        %add3A_737 = arith.constant 4 : i32
        %add3A_738 = arith.addi %mul3A_378, %add3A_737 : i32
        %get3A_739 = arith.constant 0 : i32
        %get3A_740 = arith.index_cast %get3A_739 : i32 to index
        %get3A_741 = arith.index_cast %add3A_738 : i32 to index
        %get3A_742 = arith.constant 32 : index
        %get3A_743 = tpu.vector_load %arg6[%get3A_740, %get3A_741, %get3A_742] {strides = array<i32>} : memref<2x128x128xf32, #tpu.memory_space<vmem>>, vector<1x1x16xf32>,
        %get3A_744 = vector.shape_cast %get3A_743 : vector<1x1x16xf32> to vector<16xf32>
        %mul3A_745 = arith.constant 8.000000e+00 : f32
        %mul3A_746 = vector.broadcast %mul3A_745 : f32 to vector<16xf32>
        %mul3A_747 = arith.mulf %get3A_744, %mul3A_746 : vector<16xf32>
        %add3A_748 = arith.constant 4 : i32
        %add3A_749 = arith.addi %mul3A_378, %add3A_748 : i32
        %swap3A_750 = arith.constant 0 : i32
        %swap3A_751 = arith.index_cast %swap3A_750 : i32 to index
        %swap3A_752 = arith.index_cast %add3A_749 : i32 to index
        %swap3A_753 = arith.constant 32 : index
        %swap3A_754 = tpu.vector_load %arg7[%swap3A_751, %swap3A_752, %swap3A_753] {strides = array<i32>} : memref<2x128x64xf32, #tpu.memory_space<vmem>>, vector<1x1x16xf32>,
        %swap3A_755 = vector.shape_cast %swap3A_754 : vector<1x1x16xf32> to vector<16xf32>
        %swap3A_756 = vector.shape_cast %mul3A_747 : vector<16xf32> to vector<1x1x16xf32>
        tpu.vector_store %arg7[%swap3A_751, %swap3A_752, %swap3A_753], %swap3A_756 {strides = array<i32>} : memref<2x128x64xf32, #tpu.memory_space<vmem>>, vector<1x1x16xf32>,
        %add3A_757 = arith.constant 4 : i32
        %add3A_758 = arith.addi %mul3A_378, %add3A_757 : i32
        %get3A_759 = arith.constant 0 : i32
        %get3A_760 = arith.index_cast %get3A_759 : i32 to index
        %get3A_761 = arith.index_cast %add3A_758 : i32 to index
        %get3A_762 = arith.constant 48 : index
        %get3A_763 = tpu.vector_load %arg6[%get3A_760, %get3A_761, %get3A_762] {strides = array<i32>} : memref<2x128x128xf32, #tpu.memory_space<vmem>>, vector<1x1x16xf32>,
        %get3A_764 = vector.shape_cast %get3A_763 : vector<1x1x16xf32> to vector<16xf32>
        %mul3A_765 = arith.constant 8.000000e+00 : f32
        %mul3A_766 = vector.broadcast %mul3A_765 : f32 to vector<16xf32>
        %mul3A_767 = arith.mulf %get3A_764, %mul3A_766 : vector<16xf32>
        %add3A_768 = arith.constant 4 : i32
        %add3A_769 = arith.addi %mul3A_378, %add3A_768 : i32
        %swap3A_770 = arith.constant 0 : i32
        %swap3A_771 = arith.index_cast %swap3A_770 : i32 to index
        %swap3A_772 = arith.index_cast %add3A_769 : i32 to index
        %swap3A_773 = arith.constant 48 : index
        %swap3A_774 = tpu.vector_load %arg7[%swap3A_771, %swap3A_772, %swap3A_773] {strides = array<i32>} : memref<2x128x64xf32, #tpu.memory_space<vmem>>, vector<1x1x16xf32>,
        %swap3A_775 = vector.shape_cast %swap3A_774 : vector<1x1x16xf32> to vector<16xf32>
        %swap3A_776 = vector.shape_cast %mul3A_767 : vector<16xf32> to vector<1x1x16xf32>
        tpu.vector_store %arg7[%swap3A_771, %swap3A_772, %swap3A_773], %swap3A_776 {strides = array<i32>} : memref<2x128x64xf32, #tpu.memory_space<vmem>>, vector<1x1x16xf32>,
        %add3A_777 = arith.constant 5 : i32
        %add3A_778 = arith.addi %mul3A_378, %add3A_777 : i32
        %get3A_779 = arith.constant 0 : i32
        %get3A_780 = arith.index_cast %get3A_779 : i32 to index
        %get3A_781 = arith.index_cast %add3A_778 : i32 to index
        %get3A_782 = arith.constant 0 : index
        %get3A_783 = tpu.vector_load %arg6[%get3A_780, %get3A_781, %get3A_782] {strides = array<i32>} : memref<2x128x128xf32, #tpu.memory_space<vmem>>, vector<1x1x16xf32>,
        %get3A_784 = vector.shape_cast %get3A_783 : vector<1x1x16xf32> to vector<16xf32>
        %mul3A_785 = arith.constant 8.000000e+00 : f32
        %mul3A_786 = vector.broadcast %mul3A_785 : f32 to vector<16xf32>
        %mul3A_787 = arith.mulf %get3A_784, %mul3A_786 : vector<16xf32>
        %add3A_788 = arith.constant 5 : i32
        %add3A_789 = arith.addi %mul3A_378, %add3A_788 : i32
        %swap3A_790 = arith.constant 0 : i32
        %swap3A_791 = arith.index_cast %swap3A_790 : i32 to index
        %swap3A_792 = arith.index_cast %add3A_789 : i32 to index
        %swap3A_793 = arith.constant 0 : index
        %swap3A_794 = tpu.vector_load %arg7[%swap3A_791, %swap3A_792, %swap3A_793] {strides = array<i32>} : memref<2x128x64xf32, #tpu.memory_space<vmem>>, vector<1x1x16xf32>,
        %swap3A_795 = vector.shape_cast %swap3A_794 : vector<1x1x16xf32> to vector<16xf32>
        %swap3A_796 = vector.shape_cast %mul3A_787 : vector<16xf32> to vector<1x1x16xf32>
        tpu.vector_store %arg7[%swap3A_791, %swap3A_792, %swap3A_793], %swap3A_796 {strides = array<i32>} : memref<2x128x64xf32, #tpu.memory_space<vmem>>, vector<1x1x16xf32>,
        %add3A_797 = arith.constant 5 : i32
        %add3A_798 = arith.addi %mul3A_378, %add3A_797 : i32
        %get3A_799 = arith.constant 0 : i32
        %get3A_800 = arith.index_cast %get3A_799 : i32 to index
        %get3A_801 = arith.index_cast %add3A_798 : i32 to index
        %get3A_802 = arith.constant 16 : index
        %get3A_803 = tpu.vector_load %arg6[%get3A_800, %get3A_801, %get3A_802] {strides = array<i32>} : memref<2x128x128xf32, #tpu.memory_space<vmem>>, vector<1x1x16xf32>,
        %get3A_804 = vector.shape_cast %get3A_803 : vector<1x1x16xf32> to vector<16xf32>
        %mul3A_805 = arith.constant 8.000000e+00 : f32
        %mul3A_806 = vector.broadcast %mul3A_805 : f32 to vector<16xf32>
        %mul3A_807 = arith.mulf %get3A_804, %mul3A_806 : vector<16xf32>
        %add3A_808 = arith.constant 5 : i32
        %add3A_809 = arith.addi %mul3A_378, %add3A_808 : i32
        %swap3A_810 = arith.constant 0 : i32
        %swap3A_811 = arith.index_cast %swap3A_810 : i32 to index
        %swap3A_812 = arith.index_cast %add3A_809 : i32 to index
        %swap3A_813 = arith.constant 16 : index
        %swap3A_814 = tpu.vector_load %arg7[%swap3A_811, %swap3A_812, %swap3A_813] {strides = array<i32>} : memref<2x128x64xf32, #tpu.memory_space<vmem>>, vector<1x1x16xf32>,
        %swap3A_815 = vector.shape_cast %swap3A_814 : vector<1x1x16xf32> to vector<16xf32>
        %swap3A_816 = vector.shape_cast %mul3A_807 : vector<16xf32> to vector<1x1x16xf32>
        tpu.vector_store %arg7[%swap3A_811, %swap3A_812, %swap3A_813], %swap3A_816 {strides = array<i32>} : memref<2x128x64xf32, #tpu.memory_space<vmem>>, vector<1x1x16xf32>,
        %add3A_817 = arith.constant 5 : i32
        %add3A_818 = arith.addi %mul3A_378, %add3A_817 : i32
        %get3A_819 = arith.constant 0 : i32
        %get3A_820 = arith.index_cast %get3A_819 : i32 to index
        %get3A_821 = arith.index_cast %add3A_818 : i32 to index
        %get3A_822 = arith.constant 32 : index
        %get3A_823 = tpu.vector_load %arg6[%get3A_820, %get3A_821, %get3A_822] {strides = array<i32>} : memref<2x128x128xf32, #tpu.memory_space<vmem>>, vector<1x1x16xf32>,
        %get3A_824 = vector.shape_cast %get3A_823 : vector<1x1x16xf32> to vector<16xf32>
        %mul3A_825 = arith.constant 8.000000e+00 : f32
        %mul3A_826 = vector.broadcast %mul3A_825 : f32 to vector<16xf32>
        %mul3A_827 = arith.mulf %get3A_824, %mul3A_826 : vector<16xf32>
        %add3A_828 = arith.constant 5 : i32
        %add3A_829 = arith.addi %mul3A_378, %add3A_828 : i32
        %swap3A_830 = arith.constant 0 : i32
        %swap3A_831 = arith.index_cast %swap3A_830 : i32 to index
        %swap3A_832 = arith.index_cast %add3A_829 : i32 to index
        %swap3A_833 = arith.constant 32 : index
        %swap3A_834 = tpu.vector_load %arg7[%swap3A_831, %swap3A_832, %swap3A_833] {strides = array<i32>} : memref<2x128x64xf32, #tpu.memory_space<vmem>>, vector<1x1x16xf32>,
        %swap3A_835 = vector.shape_cast %swap3A_834 : vector<1x1x16xf32> to vector<16xf32>
        %swap3A_836 = vector.shape_cast %mul3A_827 : vector<16xf32> to vector<1x1x16xf32>
        tpu.vector_store %arg7[%swap3A_831, %swap3A_832, %swap3A_833], %swap3A_836 {strides = array<i32>} : memref<2x128x64xf32, #tpu.memory_space<vmem>>, vector<1x1x16xf32>,
        %add3A_837 = arith.constant 5 : i32
        %add3A_838 = arith.addi %mul3A_378, %add3A_837 : i32
        %get3A_839 = arith.constant 0 : i32
        %get3A_840 = arith.index_cast %get3A_839 : i32 to index
        %get3A_841 = arith.index_cast %add3A_838 : i32 to index
        %get3A_842 = arith.constant 48 : index
        %get3A_843 = tpu.vector_load %arg6[%get3A_840, %get3A_841, %get3A_842] {strides = array<i32>} : memref<2x128x128xf32, #tpu.memory_space<vmem>>, vector<1x1x16xf32>,
        %get3A_844 = vector.shape_cast %get3A_843 : vector<1x1x16xf32> to vector<16xf32>
        %mul3A_845 = arith.constant 8.000000e+00 : f32
        %mul3A_846 = vector.broadcast %mul3A_845 : f32 to vector<16xf32>
        %mul3A_847 = arith.mulf %get3A_844, %mul3A_846 : vector<16xf32>
        %add3A_848 = arith.constant 5 : i32
        %add3A_849 = arith.addi %mul3A_378, %add3A_848 : i32
        %swap3A_850 = arith.constant 0 : i32
        %swap3A_851 = arith.index_cast %swap3A_850 : i32 to index
        %swap3A_852 = arith.index_cast %add3A_849 : i32 to index
        %swap3A_853 = arith.constant 48 : index
        %swap3A_854 = tpu.vector_load %arg7[%swap3A_851, %swap3A_852, %swap3A_853] {strides = array<i32>} : memref<2x128x64xf32, #tpu.memory_space<vmem>>, vector<1x1x16xf32>,
        %swap3A_855 = vector.shape_cast %swap3A_854 : vector<1x1x16xf32> to vector<16xf32>
        %swap3A_856 = vector.shape_cast %mul3A_847 : vector<16xf32> to vector<1x1x16xf32>
        tpu.vector_store %arg7[%swap3A_851, %swap3A_852, %swap3A_853], %swap3A_856 {strides = array<i32>} : memref<2x128x64xf32, #tpu.memory_space<vmem>>, vector<1x1x16xf32>,
        %add3A_857 = arith.constant 6 : i32
        %add3A_858 = arith.addi %mul3A_378, %add3A_857 : i32
        %get3A_859 = arith.constant 0 : i32
        %get3A_860 = arith.index_cast %get3A_859 : i32 to index
        %get3A_861 = arith.index_cast %add3A_858 : i32 to index
        %get3A_862 = arith.constant 0 : index
        %get3A_863 = tpu.vector_load %arg6[%get3A_860, %get3A_861, %get3A_862] {strides = array<i32>} : memref<2x128x128xf32, #tpu.memory_space<vmem>>, vector<1x1x16xf32>,
        %get3A_864 = vector.shape_cast %get3A_863 : vector<1x1x16xf32> to vector<16xf32>
        %mul3A_865 = arith.constant 8.000000e+00 : f32
        %mul3A_866 = vector.broadcast %mul3A_865 : f32 to vector<16xf32>
        %mul3A_867 = arith.mulf %get3A_864, %mul3A_866 : vector<16xf32>
        %add3A_868 = arith.constant 6 : i32
        %add3A_869 = arith.addi %mul3A_378, %add3A_868 : i32
        %swap3A_870 = arith.constant 0 : i32
        %swap3A_871 = arith.index_cast %swap3A_870 : i32 to index
        %swap3A_872 = arith.index_cast %add3A_869 : i32 to index
        %swap3A_873 = arith.constant 0 : index
        %swap3A_874 = tpu.vector_load %arg7[%swap3A_871, %swap3A_872, %swap3A_873] {strides = array<i32>} : memref<2x128x64xf32, #tpu.memory_space<vmem>>, vector<1x1x16xf32>,
        %swap3A_875 = vector.shape_cast %swap3A_874 : vector<1x1x16xf32> to vector<16xf32>
        %swap3A_876 = vector.shape_cast %mul3A_867 : vector<16xf32> to vector<1x1x16xf32>
        tpu.vector_store %arg7[%swap3A_871, %swap3A_872, %swap3A_873], %swap3A_876 {strides = array<i32>} : memref<2x128x64xf32, #tpu.memory_space<vmem>>, vector<1x1x16xf32>,
        %add3A_877 = arith.constant 6 : i32
        %add3A_878 = arith.addi %mul3A_378, %add3A_877 : i32
        %get3A_879 = arith.constant 0 : i32
        %get3A_880 = arith.index_cast %get3A_879 : i32 to index
        %get3A_881 = arith.index_cast %add3A_878 : i32 to index
        %get3A_882 = arith.constant 16 : index
        %get3A_883 = tpu.vector_load %arg6[%get3A_880, %get3A_881, %get3A_882] {strides = array<i32>} : memref<2x128x128xf32, #tpu.memory_space<vmem>>, vector<1x1x16xf32>,
        %get3A_884 = vector.shape_cast %get3A_883 : vector<1x1x16xf32> to vector<16xf32>
        %mul3A_885 = arith.constant 8.000000e+00 : f32
        %mul3A_886 = vector.broadcast %mul3A_885 : f32 to vector<16xf32>
        %mul3A_887 = arith.mulf %get3A_884, %mul3A_886 : vector<16xf32>
        %add3A_888 = arith.constant 6 : i32
        %add3A_889 = arith.addi %mul3A_378, %add3A_888 : i32
        %swap3A_890 = arith.constant 0 : i32
        %swap3A_891 = arith.index_cast %swap3A_890 : i32 to index
        %swap3A_892 = arith.index_cast %add3A_889 : i32 to index
        %swap3A_893 = arith.constant 16 : index
        %swap3A_894 = tpu.vector_load %arg7[%swap3A_891, %swap3A_892, %swap3A_893] {strides = array<i32>} : memref<2x128x64xf32, #tpu.memory_space<vmem>>, vector<1x1x16xf32>,
        %swap3A_895 = vector.shape_cast %swap3A_894 : vector<1x1x16xf32> to vector<16xf32>
        %swap3A_896 = vector.shape_cast %mul3A_887 : vector<16xf32> to vector<1x1x16xf32>
        tpu.vector_store %arg7[%swap3A_891, %swap3A_892, %swap3A_893], %swap3A_896 {strides = array<i32>} : memref<2x128x64xf32, #tpu.memory_space<vmem>>, vector<1x1x16xf32>,
        %add3A_897 = arith.constant 6 : i32
        %add3A_898 = arith.addi %mul3A_378, %add3A_897 : i32
        %get3A_899 = arith.constant 0 : i32
        %get3A_900 = arith.index_cast %get3A_899 : i32 to index
        %get3A_901 = arith.index_cast %add3A_898 : i32 to index
        %get3A_902 = arith.constant 32 : index
        %get3A_903 = tpu.vector_load %arg6[%get3A_900, %get3A_901, %get3A_902] {strides = array<i32>} : memref<2x128x128xf32, #tpu.memory_space<vmem>>, vector<1x1x16xf32>,
        %get3A_904 = vector.shape_cast %get3A_903 : vector<1x1x16xf32> to vector<16xf32>
        %mul3A_905 = arith.constant 8.000000e+00 : f32
        %mul3A_906 = vector.broadcast %mul3A_905 : f32 to vector<16xf32>
        %mul3A_907 = arith.mulf %get3A_904, %mul3A_906 : vector<16xf32>
        %add3A_908 = arith.constant 6 : i32
        %add3A_909 = arith.addi %mul3A_378, %add3A_908 : i32
        %swap3A_910 = arith.constant 0 : i32
        %swap3A_911 = arith.index_cast %swap3A_910 : i32 to index
        %swap3A_912 = arith.index_cast %add3A_909 : i32 to index
        %swap3A_913 = arith.constant 32 : index
        %swap3A_914 = tpu.vector_load %arg7[%swap3A_911, %swap3A_912, %swap3A_913] {strides = array<i32>} : memref<2x128x64xf32, #tpu.memory_space<vmem>>, vector<1x1x16xf32>,
        %swap3A_915 = vector.shape_cast %swap3A_914 : vector<1x1x16xf32> to vector<16xf32>
        %swap3A_916 = vector.shape_cast %mul3A_907 : vector<16xf32> to vector<1x1x16xf32>
        tpu.vector_store %arg7[%swap3A_911, %swap3A_912, %swap3A_913], %swap3A_916 {strides = array<i32>} : memref<2x128x64xf32, #tpu.memory_space<vmem>>, vector<1x1x16xf32>,
        %add3A_917 = arith.constant 6 : i32
        %add3A_918 = arith.addi %mul3A_378, %add3A_917 : i32
        %get3A_919 = arith.constant 0 : i32
        %get3A_920 = arith.index_cast %get3A_919 : i32 to index
        %get3A_921 = arith.index_cast %add3A_918 : i32 to index
        %get3A_922 = arith.constant 48 : index
        %get3A_923 = tpu.vector_load %arg6[%get3A_920, %get3A_921, %get3A_922] {strides = array<i32>} : memref<2x128x128xf32, #tpu.memory_space<vmem>>, vector<1x1x16xf32>,
        %get3A_924 = vector.shape_cast %get3A_923 : vector<1x1x16xf32> to vector<16xf32>
        %mul3A_925 = arith.constant 8.000000e+00 : f32
        %mul3A_926 = vector.broadcast %mul3A_925 : f32 to vector<16xf32>
        %mul3A_927 = arith.mulf %get3A_924, %mul3A_926 : vector<16xf32>
        %add3A_928 = arith.constant 6 : i32
        %add3A_929 = arith.addi %mul3A_378, %add3A_928 : i32
        %swap3A_930 = arith.constant 0 : i32
        %swap3A_931 = arith.index_cast %swap3A_930 : i32 to index
        %swap3A_932 = arith.index_cast %add3A_929 : i32 to index
        %swap3A_933 = arith.constant 48 : index
        %swap3A_934 = tpu.vector_load %arg7[%swap3A_931, %swap3A_932, %swap3A_933] {strides = array<i32>} : memref<2x128x64xf32, #tpu.memory_space<vmem>>, vector<1x1x16xf32>,
        %swap3A_935 = vector.shape_cast %swap3A_934 : vector<1x1x16xf32> to vector<16xf32>
        %swap3A_936 = vector.shape_cast %mul3A_927 : vector<16xf32> to vector<1x1x16xf32>
        tpu.vector_store %arg7[%swap3A_931, %swap3A_932, %swap3A_933], %swap3A_936 {strides = array<i32>} : memref<2x128x64xf32, #tpu.memory_space<vmem>>, vector<1x1x16xf32>,
        %add3A_937 = arith.constant 7 : i32
        %add3A_938 = arith.addi %mul3A_378, %add3A_937 : i32
        %get3A_939 = arith.constant 0 : i32
        %get3A_940 = arith.index_cast %get3A_939 : i32 to index
        %get3A_941 = arith.index_cast %add3A_938 : i32 to index
        %get3A_942 = arith.constant 0 : index
        %get3A_943 = tpu.vector_load %arg6[%get3A_940, %get3A_941, %get3A_942] {strides = array<i32>} : memref<2x128x128xf32, #tpu.memory_space<vmem>>, vector<1x1x16xf32>,
        %get3A_944 = vector.shape_cast %get3A_943 : vector<1x1x16xf32> to vector<16xf32>
        %mul3A_945 = arith.constant 8.000000e+00 : f32
        %mul3A_946 = vector.broadcast %mul3A_945 : f32 to vector<16xf32>
        %mul3A_947 = arith.mulf %get3A_944, %mul3A_946 : vector<16xf32>
        %add3A_948 = arith.constant 7 : i32
        %add3A_949 = arith.addi %mul3A_378, %add3A_948 : i32
        %swap3A_950 = arith.constant 0 : i32
        %swap3A_951 = arith.index_cast %swap3A_950 : i32 to index
        %swap3A_952 = arith.index_cast %add3A_949 : i32 to index
        %swap3A_953 = arith.constant 0 : index
        %swap3A_954 = tpu.vector_load %arg7[%swap3A_951, %swap3A_952, %swap3A_953] {strides = array<i32>} : memref<2x128x64xf32, #tpu.memory_space<vmem>>, vector<1x1x16xf32>,
        %swap3A_955 = vector.shape_cast %swap3A_954 : vector<1x1x16xf32> to vector<16xf32>
        %swap3A_956 = vector.shape_cast %mul3A_947 : vector<16xf32> to vector<1x1x16xf32>
        tpu.vector_store %arg7[%swap3A_951, %swap3A_952, %swap3A_953], %swap3A_956 {strides = array<i32>} : memref<2x128x64xf32, #tpu.memory_space<vmem>>, vector<1x1x16xf32>,
        %add3A_957 = arith.constant 7 : i32
        %add3A_958 = arith.addi %mul3A_378, %add3A_957 : i32
        %get3A_959 = arith.constant 0 : i32
        %get3A_960 = arith.index_cast %get3A_959 : i32 to index
        %get3A_961 = arith.index_cast %add3A_958 : i32 to index
        %get3A_962 = arith.constant 16 : index
        %get3A_963 = tpu.vector_load %arg6[%get3A_960, %get3A_961, %get3A_962] {strides = array<i32>} : memref<2x128x128xf32, #tpu.memory_space<vmem>>, vector<1x1x16xf32>,
        %get3A_964 = vector.shape_cast %get3A_963 : vector<1x1x16xf32> to vector<16xf32>
        %mul3A_965 = arith.constant 8.000000e+00 : f32
        %mul3A_966 = vector.broadcast %mul3A_965 : f32 to vector<16xf32>
        %mul3A_967 = arith.mulf %get3A_964, %mul3A_966 : vector<16xf32>
        %add3A_968 = arith.constant 7 : i32
        %add3A_969 = arith.addi %mul3A_378, %add3A_968 : i32
        %swap3A_970 = arith.constant 0 : i32
        %swap3A_971 = arith.index_cast %swap3A_970 : i32 to index
        %swap3A_972 = arith.index_cast %add3A_969 : i32 to index
        %swap3A_973 = arith.constant 16 : index
        %swap3A_974 = tpu.vector_load %arg7[%swap3A_971, %swap3A_972, %swap3A_973] {strides = array<i32>} : memref<2x128x64xf32, #tpu.memory_space<vmem>>, vector<1x1x16xf32>,
        %swap3A_975 = vector.shape_cast %swap3A_974 : vector<1x1x16xf32> to vector<16xf32>
        %swap3A_976 = vector.shape_cast %mul3A_967 : vector<16xf32> to vector<1x1x16xf32>
        tpu.vector_store %arg7[%swap3A_971, %swap3A_972, %swap3A_973], %swap3A_976 {strides = array<i32>} : memref<2x128x64xf32, #tpu.memory_space<vmem>>, vector<1x1x16xf32>,
        %add3A_977 = arith.constant 7 : i32
        %add3A_978 = arith.addi %mul3A_378, %add3A_977 : i32
        %get3A_979 = arith.constant 0 : i32
        %get3A_980 = arith.index_cast %get3A_979 : i32 to index
        %get3A_981 = arith.index_cast %add3A_978 : i32 to index
        %get3A_982 = arith.constant 32 : index
        %get3A_983 = tpu.vector_load %arg6[%get3A_980, %get3A_981, %get3A_982] {strides = array<i32>} : memref<2x128x128xf32, #tpu.memory_space<vmem>>, vector<1x1x16xf32>,
        %get3A_984 = vector.shape_cast %get3A_983 : vector<1x1x16xf32> to vector<16xf32>
        %mul3A_985 = arith.constant 8.000000e+00 : f32
        %mul3A_986 = vector.broadcast %mul3A_985 : f32 to vector<16xf32>
        %mul3A_987 = arith.mulf %get3A_984, %mul3A_986 : vector<16xf32>
        %add3A_988 = arith.constant 7 : i32
        %add3A_989 = arith.addi %mul3A_378, %add3A_988 : i32
        %swap3A_990 = arith.constant 0 : i32
        %swap3A_991 = arith.index_cast %swap3A_990 : i32 to index
        %swap3A_992 = arith.index_cast %add3A_989 : i32 to index
        %swap3A_993 = arith.constant 32 : index
        %swap3A_994 = tpu.vector_load %arg7[%swap3A_991, %swap3A_992, %swap3A_993] {strides = array<i32>} : memref<2x128x64xf32, #tpu.memory_space<vmem>>, vector<1x1x16xf32>,
        %swap3A_995 = vector.shape_cast %swap3A_994 : vector<1x1x16xf32> to vector<16xf32>
        %swap3A_996 = vector.shape_cast %mul3A_987 : vector<16xf32> to vector<1x1x16xf32>
        tpu.vector_store %arg7[%swap3A_991, %swap3A_992, %swap3A_993], %swap3A_996 {strides = array<i32>} : memref<2x128x64xf32, #tpu.memory_space<vmem>>, vector<1x1x16xf32>,
        %add3A_997 = arith.constant 7 : i32
        %add3A_998 = arith.addi %mul3A_378, %add3A_997 : i32
        %get3A_999 = arith.constant 0 : i32
        %get3A_1000 = arith.index_cast %get3A_999 : i32 to index
        %get3A_1001 = arith.index_cast %add3A_998 : i32 to index
        %get3A_1002 = arith.constant 48 : index
        %get3A_1003 = tpu.vector_load %arg6[%get3A_1000, %get3A_1001, %get3A_1002] {strides = array<i32>} : memref<2x128x128xf32, #tpu.memory_space<vmem>>, vector<1x1x16xf32>,
        %get3A_1004 = vector.shape_cast %get3A_1003 : vector<1x1x16xf32> to vector<16xf32>
        %mul3A_1005 = arith.constant 8.000000e+00 : f32
        %mul3A_1006 = vector.broadcast %mul3A_1005 : f32 to vector<16xf32>
        %mul3A_1007 = arith.mulf %get3A_1004, %mul3A_1006 : vector<16xf32>
        %add3A_1008 = arith.constant 7 : i32
        %add3A_1009 = arith.addi %mul3A_378, %add3A_1008 : i32
        %swap3A_1010 = arith.constant 0 : i32
        %swap3A_1011 = arith.index_cast %swap3A_1010 : i32 to index
        %swap3A_1012 = arith.index_cast %add3A_1009 : i32 to index
        %swap3A_1013 = arith.constant 48 : index
        %swap3A_1014 = tpu.vector_load %arg7[%swap3A_1011, %swap3A_1012, %swap3A_1013] {strides = array<i32>} : memref<2x128x64xf32, #tpu.memory_space<vmem>>, vector<1x1x16xf32>,
        %swap3A_1015 = vector.shape_cast %swap3A_1014 : vector<1x1x16xf32> to vector<16xf32>
        %swap3A_1016 = vector.shape_cast %mul3A_1007 : vector<16xf32> to vector<1x1x16xf32>
        tpu.vector_store %arg7[%swap3A_1011, %swap3A_1012, %swap3A_1013], %swap3A_1016 {strides = array<i32>} : memref<2x128x64xf32, #tpu.memory_space<vmem>>, vector<1x1x16xf32>,
        %scan3A_1017 = arith.constant 0 : i32
        scf.yield %scan3A_1017 : i32
      }
      %scan3A_275 = arith.constant 16 : i32
      %add3A_276 = arith.constant 2 : i32
      %add3A_277 = arith.addi %add3A_240, %add3A_276 : i32
      %mul3A_278 = arith.constant 128 : i32
      %mul3A_279 = arith.muli %add3A_277, %mul3A_278 : i32
      %dma_start3A_280 = arith.constant 0 : i32
      %dma_start3A_281 = arith.constant 0 : i32
      %dma_start3A_282 = arith.constant 0 : i32
      %dma_start3A_283 = tpu.memref_slice %arg6[%dma_start3A_280, %dma_start3A_281, %dma_start3A_282] : memref<2x128x128xf32, #tpu.memory_space<vmem>> -> memref<1x128x128xf32, #tpu.memory_space<vmem>>
      %dma_start3A_284 = tpu.memref_squeeze %dma_start3A_283 : memref<1x128x128xf32, #tpu.memory_space<vmem>> -> memref<128x128xf32, #tpu.memory_space<vmem>>
      %dma_start3A_285 = tpu.memref_slice %arg5[%mul3A_279] : memref<25600xi32, #tpu.memory_space<vmem>> -> memref<128xi32, #tpu.memory_space<vmem>>
      %dma_start3A_286 = arith.constant 0 : i32
      %dma_start3A_287 = arith.constant 0 : i32
      %dma_start3A_288 = tpu.memref_slice %arg3[%dma_start3A_286, %dma_start3A_287] : memref<100000x128xf32, #tpu.memory_space<hbm>> -> memref<100000x128xf32, #tpu.memory_space<hbm>>
      tpu.enqueue_indirect_dma source(%dma_start3A_288 : memref<100000x128xf32, #tpu.memory_space<hbm>>) target(%dma_start3A_284 : memref<128x128xf32, #tpu.memory_space<vmem>>) offsets(%dma_start3A_285 : memref<128xi32, #tpu.memory_space<vmem>>) semaphore(%arg8 : memref<!tpu.dma_semaphore, #tpu.memory_space<semaphore_mem>>)
      %mul3A_289 = arith.constant 128 : i32
      %mul3A_290 = arith.muli %add3A_240, %mul3A_289 : i32
      %add3A_291 = arith.addi %mul3A_2, %mul3A_290 : i32
      %dma_start3A_292 = arith.constant 0 : i32
      %dma_start3A_293 = arith.constant 0 : i32
      %dma_start3A_294 = arith.constant 0 : i32
      %dma_start3A_295 = tpu.memref_slice %arg7[%dma_start3A_292, %dma_start3A_293, %dma_start3A_294] : memref<2x128x64xf32, #tpu.memory_space<vmem>> -> memref<1x128x64xf32, #tpu.memory_space<vmem>>
      %dma_start3A_296 = tpu.memref_squeeze %dma_start3A_295 : memref<1x128x64xf32, #tpu.memory_space<vmem>> -> memref<128x64xf32, #tpu.memory_space<vmem>>
      %dma_start3A_297 = arith.constant 0 : i32
      %dma_start3A_298 = tpu.memref_slice %arg4[%add3A_291, %dma_start3A_297] : memref<819200x64xf32, #tpu.memory_space<hbm>> -> memref<128x64xf32, #tpu.memory_space<hbm>>
      %dma_start3A_299 = arith.constant 0 : i32
      %dma_start3A_300 = tpu.memref_slice %arg4[%add3A_291, %dma_start3A_299] : memref<819200x64xf32, #tpu.memory_space<hbm>> -> memref<128x64xf32, #tpu.memory_space<hbm>>
      %dma_start3A_301 = arith.constant 0 : i32
      %dma_start3A_302 = arith.constant 0 : i32
      %dma_start3A_303 = tpu.memref_slice %arg7[%dma_start3A_292, %dma_start3A_301, %dma_start3A_302] : memref<2x128x64xf32, #tpu.memory_space<vmem>> -> memref<1x128x64xf32, #tpu.memory_space<vmem>>
      %dma_start3A_304 = tpu.memref_squeeze %dma_start3A_303 : memref<1x128x64xf32, #tpu.memory_space<vmem>> -> memref<128x64xf32, #tpu.memory_space<vmem>>
      tpu.enqueue_dma source(%dma_start3A_304 : memref<128x64xf32, #tpu.memory_space<vmem>>) target(%dma_start3A_300 : memref<128x64xf32, #tpu.memory_space<hbm>>) target_semaphore(%arg10 : memref<!tpu.dma_semaphore, #tpu.memory_space<semaphore_mem>>)
      %mul3A_305 = arith.constant 2 : i32
      %mul3A_306 = arith.muli %scan3A_235, %mul3A_305 : i32
      %add3A_307 = arith.constant 1 : i32
      %add3A_308 = arith.addi %mul3A_306, %add3A_307 : i32
      %mul3A_309 = arith.constant 128 : i32
      %mul3A_310 = arith.muli %add3A_308, %mul3A_309 : i32
      %dma_wait3A_311 = arith.constant 1 : i32
      %dma_wait3A_312 = arith.constant 0 : i32
      %dma_wait3A_313 = arith.constant 0 : i32
      %dma_wait3A_314 = tpu.memref_slice %arg6[%dma_wait3A_311, %dma_wait3A_312, %dma_wait3A_313] : memref<2x128x128xf32, #tpu.memory_space<vmem>> -> memref<1x128x128xf32, #tpu.memory_space<vmem>>
      %dma_wait3A_315 = tpu.memref_squeeze %dma_wait3A_314 : memref<1x128x128xf32, #tpu.memory_space<vmem>> -> memref<128x128xf32, #tpu.memory_space<vmem>>
      %dma_wait3A_316 = tpu.memref_slice %arg5[%mul3A_310] : memref<25600xi32, #tpu.memory_space<vmem>> -> memref<128xi32, #tpu.memory_space<vmem>>
      %dma_wait3A_317 = arith.constant 0 : i32
      %dma_wait3A_318 = arith.constant 0 : i32
      %dma_wait3A_319 = tpu.memref_slice %arg3[%dma_wait3A_317, %dma_wait3A_318] : memref<100000x128xf32, #tpu.memory_space<hbm>> -> memref<100000x128xf32, #tpu.memory_space<hbm>>
      tpu.wait_indirect_dma semaphore(%arg9 : memref<!tpu.dma_semaphore, #tpu.memory_space<semaphore_mem>>) src(%dma_wait3A_319 : memref<100000x128xf32, #tpu.memory_space<hbm>>) dst(%dma_wait3A_315 : memref<128x128xf32, #tpu.memory_space<vmem>>)
      %sub3A_320 = arith.constant 2 : i32
      %sub3A_321 = arith.subi %add3A_308, %sub3A_320 : i32
      %mul3A_322 = arith.constant 128 : i32
      %mul3A_323 = arith.muli %sub3A_321, %mul3A_322 : i32
      %add3A_324 = arith.addi %mul3A_2, %mul3A_323 : i32
      %dma_wait3A_325 = arith.constant 1 : i32
      %dma_wait3A_326 = arith.constant 0 : i32
      %dma_wait3A_327 = arith.constant 0 : i32
      %dma_wait3A_328 = tpu.memref_slice %arg7[%dma_wait3A_325, %dma_wait3A_326, %dma_wait3A_327] : memref<2x128x64xf32, #tpu.memory_space<vmem>> -> memref<1x128x64xf32, #tpu.memory_space<vmem>>
      %dma_wait3A_329 = tpu.memref_squeeze %dma_wait3A_328 : memref<1x128x64xf32, #tpu.memory_space<vmem>> -> memref<128x64xf32, #tpu.memory_space<vmem>>
      %dma_wait3A_330 = arith.constant 0 : i32
      %dma_wait3A_331 = tpu.memref_slice %arg4[%add3A_324, %dma_wait3A_330] : memref<819200x64xf32, #tpu.memory_space<hbm>> -> memref<128x64xf32, #tpu.memory_space<hbm>>
      %dma_wait3A_332 = arith.constant 0 : i32
      %dma_wait3A_333 = tpu.memref_slice %arg4[%add3A_324, %dma_wait3A_332] : memref<819200x64xf32, #tpu.memory_space<hbm>> -> memref<128x64xf32, #tpu.memory_space<hbm>>
      %dma_wait3A_334 = arith.constant 0 : i32
      %dma_wait3A_335 = arith.constant 0 : i32
      %dma_wait3A_336 = tpu.memref_slice %arg7[%dma_wait3A_325, %dma_wait3A_334, %dma_wait3A_335] : memref<2x128x64xf32, #tpu.memory_space<vmem>> -> memref<1x128x64xf32, #tpu.memory_space<vmem>>
      %dma_wait3A_337 = tpu.memref_squeeze %dma_wait3A_336 : memref<1x128x64xf32, #tpu.memory_space<vmem>> -> memref<128x64xf32, #tpu.memory_space<vmem>>
      tpu.wait_dma2 semaphore(%arg11 : memref<!tpu.dma_semaphore, #tpu.memory_space<semaphore_mem>>) src(%dma_wait3A_337 : memref<128x64xf32, #tpu.memory_space<vmem>>) dst(%dma_wait3A_333 : memref<128x64xf32, #tpu.memory_space<hbm>>)
      %scan3A_338 = arith.constant 0 : i32
      %scan3A_339 = arith.constant 0 : i32
      %scan3A_340 = arith.constant 16 : i32
      %scan3A_341 = arith.addi %scan3A_339, %scan3A_340 : i32
      %scan3A_342 = arith.constant 1 : i32
      %scan3A_343 = scf.for %scan3A_375 = %scan3A_339 to %scan3A_341 step %scan3A_342 iter_args(%scan3A_376 = %scan3A_338) -> (i32)  : i32 {
        %mul3A_377 = arith.constant 8 : i32
        %mul3A_378 = arith.muli %scan3A_375, %mul3A_377 : i32
        %add3A_379 = arith.constant 0 : i32
        %add3A_380 = arith.addi %mul3A_378, %add3A_379 : i32
        %get3A = arith.constant 1 : i32
        %get3A_381 = arith.index_cast %get3A : i32 to index
        %get3A_382 = arith.index_cast %add3A_380 : i32 to index
        %get3A_383 = arith.constant 0 : index
        %get3A_384 = tpu.vector_load %arg6[%get3A_381, %get3A_382, %get3A_383] {strides = array<i32>} : memref<2x128x128xf32, #tpu.memory_space<vmem>>, vector<1x1x16xf32>,
        %get3A_385 = vector.shape_cast %get3A_384 : vector<1x1x16xf32> to vector<16xf32>
        %mul3A_386 = arith.constant 8.000000e+00 : f32
        %mul3A_387 = vector.broadcast %mul3A_386 : f32 to vector<16xf32>
        %mul3A_388 = arith.mulf %get3A_385, %mul3A_387 : vector<16xf32>
        %add3A_389 = arith.constant 0 : i32
        %add3A_390 = arith.addi %mul3A_378, %add3A_389 : i32
        %swap3A = arith.constant 1 : i32
        %swap3A_391 = arith.index_cast %swap3A : i32 to index
        %swap3A_392 = arith.index_cast %add3A_390 : i32 to index
        %swap3A_393 = arith.constant 0 : index
        %swap3A_394 = tpu.vector_load %arg7[%swap3A_391, %swap3A_392, %swap3A_393] {strides = array<i32>} : memref<2x128x64xf32, #tpu.memory_space<vmem>>, vector<1x1x16xf32>,
        %swap3A_395 = vector.shape_cast %swap3A_394 : vector<1x1x16xf32> to vector<16xf32>
        %swap3A_396 = vector.shape_cast %mul3A_388 : vector<16xf32> to vector<1x1x16xf32>
        tpu.vector_store %arg7[%swap3A_391, %swap3A_392, %swap3A_393], %swap3A_396 {strides = array<i32>} : memref<2x128x64xf32, #tpu.memory_space<vmem>>, vector<1x1x16xf32>,
        %add3A_397 = arith.constant 0 : i32
        %add3A_398 = arith.addi %mul3A_378, %add3A_397 : i32
        %get3A_399 = arith.constant 1 : i32
        %get3A_400 = arith.index_cast %get3A_399 : i32 to index
        %get3A_401 = arith.index_cast %add3A_398 : i32 to index
        %get3A_402 = arith.constant 16 : index
        %get3A_403 = tpu.vector_load %arg6[%get3A_400, %get3A_401, %get3A_402] {strides = array<i32>} : memref<2x128x128xf32, #tpu.memory_space<vmem>>, vector<1x1x16xf32>,
        %get3A_404 = vector.shape_cast %get3A_403 : vector<1x1x16xf32> to vector<16xf32>
        %mul3A_405 = arith.constant 8.000000e+00 : f32
        %mul3A_406 = vector.broadcast %mul3A_405 : f32 to vector<16xf32>
        %mul3A_407 = arith.mulf %get3A_404, %mul3A_406 : vector<16xf32>
        %add3A_408 = arith.constant 0 : i32
        %add3A_409 = arith.addi %mul3A_378, %add3A_408 : i32
        %swap3A_410 = arith.constant 1 : i32
        %swap3A_411 = arith.index_cast %swap3A_410 : i32 to index
        %swap3A_412 = arith.index_cast %add3A_409 : i32 to index
        %swap3A_413 = arith.constant 16 : index
        %swap3A_414 = tpu.vector_load %arg7[%swap3A_411, %swap3A_412, %swap3A_413] {strides = array<i32>} : memref<2x128x64xf32, #tpu.memory_space<vmem>>, vector<1x1x16xf32>,
        %swap3A_415 = vector.shape_cast %swap3A_414 : vector<1x1x16xf32> to vector<16xf32>
        %swap3A_416 = vector.shape_cast %mul3A_407 : vector<16xf32> to vector<1x1x16xf32>
        tpu.vector_store %arg7[%swap3A_411, %swap3A_412, %swap3A_413], %swap3A_416 {strides = array<i32>} : memref<2x128x64xf32, #tpu.memory_space<vmem>>, vector<1x1x16xf32>,
        %add3A_417 = arith.constant 0 : i32
        %add3A_418 = arith.addi %mul3A_378, %add3A_417 : i32
        %get3A_419 = arith.constant 1 : i32
        %get3A_420 = arith.index_cast %get3A_419 : i32 to index
        %get3A_421 = arith.index_cast %add3A_418 : i32 to index
        %get3A_422 = arith.constant 32 : index
        %get3A_423 = tpu.vector_load %arg6[%get3A_420, %get3A_421, %get3A_422] {strides = array<i32>} : memref<2x128x128xf32, #tpu.memory_space<vmem>>, vector<1x1x16xf32>,
        %get3A_424 = vector.shape_cast %get3A_423 : vector<1x1x16xf32> to vector<16xf32>
        %mul3A_425 = arith.constant 8.000000e+00 : f32
        %mul3A_426 = vector.broadcast %mul3A_425 : f32 to vector<16xf32>
        %mul3A_427 = arith.mulf %get3A_424, %mul3A_426 : vector<16xf32>
        %add3A_428 = arith.constant 0 : i32
        %add3A_429 = arith.addi %mul3A_378, %add3A_428 : i32
        %swap3A_430 = arith.constant 1 : i32
        %swap3A_431 = arith.index_cast %swap3A_430 : i32 to index
        %swap3A_432 = arith.index_cast %add3A_429 : i32 to index
        %swap3A_433 = arith.constant 32 : index
        %swap3A_434 = tpu.vector_load %arg7[%swap3A_431, %swap3A_432, %swap3A_433] {strides = array<i32>} : memref<2x128x64xf32, #tpu.memory_space<vmem>>, vector<1x1x16xf32>,
        %swap3A_435 = vector.shape_cast %swap3A_434 : vector<1x1x16xf32> to vector<16xf32>
        %swap3A_436 = vector.shape_cast %mul3A_427 : vector<16xf32> to vector<1x1x16xf32>
        tpu.vector_store %arg7[%swap3A_431, %swap3A_432, %swap3A_433], %swap3A_436 {strides = array<i32>} : memref<2x128x64xf32, #tpu.memory_space<vmem>>, vector<1x1x16xf32>,
        %add3A_437 = arith.constant 0 : i32
        %add3A_438 = arith.addi %mul3A_378, %add3A_437 : i32
        %get3A_439 = arith.constant 1 : i32
        %get3A_440 = arith.index_cast %get3A_439 : i32 to index
        %get3A_441 = arith.index_cast %add3A_438 : i32 to index
        %get3A_442 = arith.constant 48 : index
        %get3A_443 = tpu.vector_load %arg6[%get3A_440, %get3A_441, %get3A_442] {strides = array<i32>} : memref<2x128x128xf32, #tpu.memory_space<vmem>>, vector<1x1x16xf32>,
        %get3A_444 = vector.shape_cast %get3A_443 : vector<1x1x16xf32> to vector<16xf32>
        %mul3A_445 = arith.constant 8.000000e+00 : f32
        %mul3A_446 = vector.broadcast %mul3A_445 : f32 to vector<16xf32>
        %mul3A_447 = arith.mulf %get3A_444, %mul3A_446 : vector<16xf32>
        %add3A_448 = arith.constant 0 : i32
        %add3A_449 = arith.addi %mul3A_378, %add3A_448 : i32
        %swap3A_450 = arith.constant 1 : i32
        %swap3A_451 = arith.index_cast %swap3A_450 : i32 to index
        %swap3A_452 = arith.index_cast %add3A_449 : i32 to index
        %swap3A_453 = arith.constant 48 : index
        %swap3A_454 = tpu.vector_load %arg7[%swap3A_451, %swap3A_452, %swap3A_453] {strides = array<i32>} : memref<2x128x64xf32, #tpu.memory_space<vmem>>, vector<1x1x16xf32>,
        %swap3A_455 = vector.shape_cast %swap3A_454 : vector<1x1x16xf32> to vector<16xf32>
        %swap3A_456 = vector.shape_cast %mul3A_447 : vector<16xf32> to vector<1x1x16xf32>
        tpu.vector_store %arg7[%swap3A_451, %swap3A_452, %swap3A_453], %swap3A_456 {strides = array<i32>} : memref<2x128x64xf32, #tpu.memory_space<vmem>>, vector<1x1x16xf32>,
        %add3A_457 = arith.constant 1 : i32
        %add3A_458 = arith.addi %mul3A_378, %add3A_457 : i32
        %get3A_459 = arith.constant 1 : i32
        %get3A_460 = arith.index_cast %get3A_459 : i32 to index
        %get3A_461 = arith.index_cast %add3A_458 : i32 to index
        %get3A_462 = arith.constant 0 : index
        %get3A_463 = tpu.vector_load %arg6[%get3A_460, %get3A_461, %get3A_462] {strides = array<i32>} : memref<2x128x128xf32, #tpu.memory_space<vmem>>, vector<1x1x16xf32>,
        %get3A_464 = vector.shape_cast %get3A_463 : vector<1x1x16xf32> to vector<16xf32>
        %mul3A_465 = arith.constant 8.000000e+00 : f32
        %mul3A_466 = vector.broadcast %mul3A_465 : f32 to vector<16xf32>
        %mul3A_467 = arith.mulf %get3A_464, %mul3A_466 : vector<16xf32>
        %add3A_468 = arith.constant 1 : i32
        %add3A_469 = arith.addi %mul3A_378, %add3A_468 : i32
        %swap3A_470 = arith.constant 1 : i32
        %swap3A_471 = arith.index_cast %swap3A_470 : i32 to index
        %swap3A_472 = arith.index_cast %add3A_469 : i32 to index
        %swap3A_473 = arith.constant 0 : index
        %swap3A_474 = tpu.vector_load %arg7[%swap3A_471, %swap3A_472, %swap3A_473] {strides = array<i32>} : memref<2x128x64xf32, #tpu.memory_space<vmem>>, vector<1x1x16xf32>,
        %swap3A_475 = vector.shape_cast %swap3A_474 : vector<1x1x16xf32> to vector<16xf32>
        %swap3A_476 = vector.shape_cast %mul3A_467 : vector<16xf32> to vector<1x1x16xf32>
        tpu.vector_store %arg7[%swap3A_471, %swap3A_472, %swap3A_473], %swap3A_476 {strides = array<i32>} : memref<2x128x64xf32, #tpu.memory_space<vmem>>, vector<1x1x16xf32>,
        %add3A_477 = arith.constant 1 : i32
        %add3A_478 = arith.addi %mul3A_378, %add3A_477 : i32
        %get3A_479 = arith.constant 1 : i32
        %get3A_480 = arith.index_cast %get3A_479 : i32 to index
        %get3A_481 = arith.index_cast %add3A_478 : i32 to index
        %get3A_482 = arith.constant 16 : index
        %get3A_483 = tpu.vector_load %arg6[%get3A_480, %get3A_481, %get3A_482] {strides = array<i32>} : memref<2x128x128xf32, #tpu.memory_space<vmem>>, vector<1x1x16xf32>,
        %get3A_484 = vector.shape_cast %get3A_483 : vector<1x1x16xf32> to vector<16xf32>
        %mul3A_485 = arith.constant 8.000000e+00 : f32
        %mul3A_486 = vector.broadcast %mul3A_485 : f32 to vector<16xf32>
        %mul3A_487 = arith.mulf %get3A_484, %mul3A_486 : vector<16xf32>
        %add3A_488 = arith.constant 1 : i32
        %add3A_489 = arith.addi %mul3A_378, %add3A_488 : i32
        %swap3A_490 = arith.constant 1 : i32
        %swap3A_491 = arith.index_cast %swap3A_490 : i32 to index
        %swap3A_492 = arith.index_cast %add3A_489 : i32 to index
        %swap3A_493 = arith.constant 16 : index
        %swap3A_494 = tpu.vector_load %arg7[%swap3A_491, %swap3A_492, %swap3A_493] {strides = array<i32>} : memref<2x128x64xf32, #tpu.memory_space<vmem>>, vector<1x1x16xf32>,
        %swap3A_495 = vector.shape_cast %swap3A_494 : vector<1x1x16xf32> to vector<16xf32>
        %swap3A_496 = vector.shape_cast %mul3A_487 : vector<16xf32> to vector<1x1x16xf32>
        tpu.vector_store %arg7[%swap3A_491, %swap3A_492, %swap3A_493], %swap3A_496 {strides = array<i32>} : memref<2x128x64xf32, #tpu.memory_space<vmem>>, vector<1x1x16xf32>,
        %add3A_497 = arith.constant 1 : i32
        %add3A_498 = arith.addi %mul3A_378, %add3A_497 : i32
        %get3A_499 = arith.constant 1 : i32
        %get3A_500 = arith.index_cast %get3A_499 : i32 to index
        %get3A_501 = arith.index_cast %add3A_498 : i32 to index
        %get3A_502 = arith.constant 32 : index
        %get3A_503 = tpu.vector_load %arg6[%get3A_500, %get3A_501, %get3A_502] {strides = array<i32>} : memref<2x128x128xf32, #tpu.memory_space<vmem>>, vector<1x1x16xf32>,
        %get3A_504 = vector.shape_cast %get3A_503 : vector<1x1x16xf32> to vector<16xf32>
        %mul3A_505 = arith.constant 8.000000e+00 : f32
        %mul3A_506 = vector.broadcast %mul3A_505 : f32 to vector<16xf32>
        %mul3A_507 = arith.mulf %get3A_504, %mul3A_506 : vector<16xf32>
        %add3A_508 = arith.constant 1 : i32
        %add3A_509 = arith.addi %mul3A_378, %add3A_508 : i32
        %swap3A_510 = arith.constant 1 : i32
        %swap3A_511 = arith.index_cast %swap3A_510 : i32 to index
        %swap3A_512 = arith.index_cast %add3A_509 : i32 to index
        %swap3A_513 = arith.constant 32 : index
        %swap3A_514 = tpu.vector_load %arg7[%swap3A_511, %swap3A_512, %swap3A_513] {strides = array<i32>} : memref<2x128x64xf32, #tpu.memory_space<vmem>>, vector<1x1x16xf32>,
        %swap3A_515 = vector.shape_cast %swap3A_514 : vector<1x1x16xf32> to vector<16xf32>
        %swap3A_516 = vector.shape_cast %mul3A_507 : vector<16xf32> to vector<1x1x16xf32>
        tpu.vector_store %arg7[%swap3A_511, %swap3A_512, %swap3A_513], %swap3A_516 {strides = array<i32>} : memref<2x128x64xf32, #tpu.memory_space<vmem>>, vector<1x1x16xf32>,
        %add3A_517 = arith.constant 1 : i32
        %add3A_518 = arith.addi %mul3A_378, %add3A_517 : i32
        %get3A_519 = arith.constant 1 : i32
        %get3A_520 = arith.index_cast %get3A_519 : i32 to index
        %get3A_521 = arith.index_cast %add3A_518 : i32 to index
        %get3A_522 = arith.constant 48 : index
        %get3A_523 = tpu.vector_load %arg6[%get3A_520, %get3A_521, %get3A_522] {strides = array<i32>} : memref<2x128x128xf32, #tpu.memory_space<vmem>>, vector<1x1x16xf32>,
        %get3A_524 = vector.shape_cast %get3A_523 : vector<1x1x16xf32> to vector<16xf32>
        %mul3A_525 = arith.constant 8.000000e+00 : f32
        %mul3A_526 = vector.broadcast %mul3A_525 : f32 to vector<16xf32>
        %mul3A_527 = arith.mulf %get3A_524, %mul3A_526 : vector<16xf32>
        %add3A_528 = arith.constant 1 : i32
        %add3A_529 = arith.addi %mul3A_378, %add3A_528 : i32
        %swap3A_530 = arith.constant 1 : i32
        %swap3A_531 = arith.index_cast %swap3A_530 : i32 to index
        %swap3A_532 = arith.index_cast %add3A_529 : i32 to index
        %swap3A_533 = arith.constant 48 : index
        %swap3A_534 = tpu.vector_load %arg7[%swap3A_531, %swap3A_532, %swap3A_533] {strides = array<i32>} : memref<2x128x64xf32, #tpu.memory_space<vmem>>, vector<1x1x16xf32>,
        %swap3A_535 = vector.shape_cast %swap3A_534 : vector<1x1x16xf32> to vector<16xf32>
        %swap3A_536 = vector.shape_cast %mul3A_527 : vector<16xf32> to vector<1x1x16xf32>
        tpu.vector_store %arg7[%swap3A_531, %swap3A_532, %swap3A_533], %swap3A_536 {strides = array<i32>} : memref<2x128x64xf32, #tpu.memory_space<vmem>>, vector<1x1x16xf32>,
        %add3A_537 = arith.constant 2 : i32
        %add3A_538 = arith.addi %mul3A_378, %add3A_537 : i32
        %get3A_539 = arith.constant 1 : i32
        %get3A_540 = arith.index_cast %get3A_539 : i32 to index
        %get3A_541 = arith.index_cast %add3A_538 : i32 to index
        %get3A_542 = arith.constant 0 : index
        %get3A_543 = tpu.vector_load %arg6[%get3A_540, %get3A_541, %get3A_542] {strides = array<i32>} : memref<2x128x128xf32, #tpu.memory_space<vmem>>, vector<1x1x16xf32>,
        %get3A_544 = vector.shape_cast %get3A_543 : vector<1x1x16xf32> to vector<16xf32>
        %mul3A_545 = arith.constant 8.000000e+00 : f32
        %mul3A_546 = vector.broadcast %mul3A_545 : f32 to vector<16xf32>
        %mul3A_547 = arith.mulf %get3A_544, %mul3A_546 : vector<16xf32>
        %add3A_548 = arith.constant 2 : i32
        %add3A_549 = arith.addi %mul3A_378, %add3A_548 : i32
        %swap3A_550 = arith.constant 1 : i32
        %swap3A_551 = arith.index_cast %swap3A_550 : i32 to index
        %swap3A_552 = arith.index_cast %add3A_549 : i32 to index
        %swap3A_553 = arith.constant 0 : index
        %swap3A_554 = tpu.vector_load %arg7[%swap3A_551, %swap3A_552, %swap3A_553] {strides = array<i32>} : memref<2x128x64xf32, #tpu.memory_space<vmem>>, vector<1x1x16xf32>,
        %swap3A_555 = vector.shape_cast %swap3A_554 : vector<1x1x16xf32> to vector<16xf32>
        %swap3A_556 = vector.shape_cast %mul3A_547 : vector<16xf32> to vector<1x1x16xf32>
        tpu.vector_store %arg7[%swap3A_551, %swap3A_552, %swap3A_553], %swap3A_556 {strides = array<i32>} : memref<2x128x64xf32, #tpu.memory_space<vmem>>, vector<1x1x16xf32>,
        %add3A_557 = arith.constant 2 : i32
        %add3A_558 = arith.addi %mul3A_378, %add3A_557 : i32
        %get3A_559 = arith.constant 1 : i32
        %get3A_560 = arith.index_cast %get3A_559 : i32 to index
        %get3A_561 = arith.index_cast %add3A_558 : i32 to index
        %get3A_562 = arith.constant 16 : index
        %get3A_563 = tpu.vector_load %arg6[%get3A_560, %get3A_561, %get3A_562] {strides = array<i32>} : memref<2x128x128xf32, #tpu.memory_space<vmem>>, vector<1x1x16xf32>,
        %get3A_564 = vector.shape_cast %get3A_563 : vector<1x1x16xf32> to vector<16xf32>
        %mul3A_565 = arith.constant 8.000000e+00 : f32
        %mul3A_566 = vector.broadcast %mul3A_565 : f32 to vector<16xf32>
        %mul3A_567 = arith.mulf %get3A_564, %mul3A_566 : vector<16xf32>
        %add3A_568 = arith.constant 2 : i32
        %add3A_569 = arith.addi %mul3A_378, %add3A_568 : i32
        %swap3A_570 = arith.constant 1 : i32
        %swap3A_571 = arith.index_cast %swap3A_570 : i32 to index
        %swap3A_572 = arith.index_cast %add3A_569 : i32 to index
        %swap3A_573 = arith.constant 16 : index
        %swap3A_574 = tpu.vector_load %arg7[%swap3A_571, %swap3A_572, %swap3A_573] {strides = array<i32>} : memref<2x128x64xf32, #tpu.memory_space<vmem>>, vector<1x1x16xf32>,
        %swap3A_575 = vector.shape_cast %swap3A_574 : vector<1x1x16xf32> to vector<16xf32>
        %swap3A_576 = vector.shape_cast %mul3A_567 : vector<16xf32> to vector<1x1x16xf32>
        tpu.vector_store %arg7[%swap3A_571, %swap3A_572, %swap3A_573], %swap3A_576 {strides = array<i32>} : memref<2x128x64xf32, #tpu.memory_space<vmem>>, vector<1x1x16xf32>,
        %add3A_577 = arith.constant 2 : i32
        %add3A_578 = arith.addi %mul3A_378, %add3A_577 : i32
        %get3A_579 = arith.constant 1 : i32
        %get3A_580 = arith.index_cast %get3A_579 : i32 to index
        %get3A_581 = arith.index_cast %add3A_578 : i32 to index
        %get3A_582 = arith.constant 32 : index
        %get3A_583 = tpu.vector_load %arg6[%get3A_580, %get3A_581, %get3A_582] {strides = array<i32>} : memref<2x128x128xf32, #tpu.memory_space<vmem>>, vector<1x1x16xf32>,
        %get3A_584 = vector.shape_cast %get3A_583 : vector<1x1x16xf32> to vector<16xf32>
        %mul3A_585 = arith.constant 8.000000e+00 : f32
        %mul3A_586 = vector.broadcast %mul3A_585 : f32 to vector<16xf32>
        %mul3A_587 = arith.mulf %get3A_584, %mul3A_586 : vector<16xf32>
        %add3A_588 = arith.constant 2 : i32
        %add3A_589 = arith.addi %mul3A_378, %add3A_588 : i32
        %swap3A_590 = arith.constant 1 : i32
        %swap3A_591 = arith.index_cast %swap3A_590 : i32 to index
        %swap3A_592 = arith.index_cast %add3A_589 : i32 to index
        %swap3A_593 = arith.constant 32 : index
        %swap3A_594 = tpu.vector_load %arg7[%swap3A_591, %swap3A_592, %swap3A_593] {strides = array<i32>} : memref<2x128x64xf32, #tpu.memory_space<vmem>>, vector<1x1x16xf32>,
        %swap3A_595 = vector.shape_cast %swap3A_594 : vector<1x1x16xf32> to vector<16xf32>
        %swap3A_596 = vector.shape_cast %mul3A_587 : vector<16xf32> to vector<1x1x16xf32>
        tpu.vector_store %arg7[%swap3A_591, %swap3A_592, %swap3A_593], %swap3A_596 {strides = array<i32>} : memref<2x128x64xf32, #tpu.memory_space<vmem>>, vector<1x1x16xf32>,
        %add3A_597 = arith.constant 2 : i32
        %add3A_598 = arith.addi %mul3A_378, %add3A_597 : i32
        %get3A_599 = arith.constant 1 : i32
        %get3A_600 = arith.index_cast %get3A_599 : i32 to index
        %get3A_601 = arith.index_cast %add3A_598 : i32 to index
        %get3A_602 = arith.constant 48 : index
        %get3A_603 = tpu.vector_load %arg6[%get3A_600, %get3A_601, %get3A_602] {strides = array<i32>} : memref<2x128x128xf32, #tpu.memory_space<vmem>>, vector<1x1x16xf32>,
        %get3A_604 = vector.shape_cast %get3A_603 : vector<1x1x16xf32> to vector<16xf32>
        %mul3A_605 = arith.constant 8.000000e+00 : f32
        %mul3A_606 = vector.broadcast %mul3A_605 : f32 to vector<16xf32>
        %mul3A_607 = arith.mulf %get3A_604, %mul3A_606 : vector<16xf32>
        %add3A_608 = arith.constant 2 : i32
        %add3A_609 = arith.addi %mul3A_378, %add3A_608 : i32
        %swap3A_610 = arith.constant 1 : i32
        %swap3A_611 = arith.index_cast %swap3A_610 : i32 to index
        %swap3A_612 = arith.index_cast %add3A_609 : i32 to index
        %swap3A_613 = arith.constant 48 : index
        %swap3A_614 = tpu.vector_load %arg7[%swap3A_611, %swap3A_612, %swap3A_613] {strides = array<i32>} : memref<2x128x64xf32, #tpu.memory_space<vmem>>, vector<1x1x16xf32>,
        %swap3A_615 = vector.shape_cast %swap3A_614 : vector<1x1x16xf32> to vector<16xf32>
        %swap3A_616 = vector.shape_cast %mul3A_607 : vector<16xf32> to vector<1x1x16xf32>
        tpu.vector_store %arg7[%swap3A_611, %swap3A_612, %swap3A_613], %swap3A_616 {strides = array<i32>} : memref<2x128x64xf32, #tpu.memory_space<vmem>>, vector<1x1x16xf32>,
        %add3A_617 = arith.constant 3 : i32
        %add3A_618 = arith.addi %mul3A_378, %add3A_617 : i32
        %get3A_619 = arith.constant 1 : i32
        %get3A_620 = arith.index_cast %get3A_619 : i32 to index
        %get3A_621 = arith.index_cast %add3A_618 : i32 to index
        %get3A_622 = arith.constant 0 : index
        %get3A_623 = tpu.vector_load %arg6[%get3A_620, %get3A_621, %get3A_622] {strides = array<i32>} : memref<2x128x128xf32, #tpu.memory_space<vmem>>, vector<1x1x16xf32>,
        %get3A_624 = vector.shape_cast %get3A_623 : vector<1x1x16xf32> to vector<16xf32>
        %mul3A_625 = arith.constant 8.000000e+00 : f32
        %mul3A_626 = vector.broadcast %mul3A_625 : f32 to vector<16xf32>
        %mul3A_627 = arith.mulf %get3A_624, %mul3A_626 : vector<16xf32>
        %add3A_628 = arith.constant 3 : i32
        %add3A_629 = arith.addi %mul3A_378, %add3A_628 : i32
        %swap3A_630 = arith.constant 1 : i32
        %swap3A_631 = arith.index_cast %swap3A_630 : i32 to index
        %swap3A_632 = arith.index_cast %add3A_629 : i32 to index
        %swap3A_633 = arith.constant 0 : index
        %swap3A_634 = tpu.vector_load %arg7[%swap3A_631, %swap3A_632, %swap3A_633] {strides = array<i32>} : memref<2x128x64xf32, #tpu.memory_space<vmem>>, vector<1x1x16xf32>,
        %swap3A_635 = vector.shape_cast %swap3A_634 : vector<1x1x16xf32> to vector<16xf32>
        %swap3A_636 = vector.shape_cast %mul3A_627 : vector<16xf32> to vector<1x1x16xf32>
        tpu.vector_store %arg7[%swap3A_631, %swap3A_632, %swap3A_633], %swap3A_636 {strides = array<i32>} : memref<2x128x64xf32, #tpu.memory_space<vmem>>, vector<1x1x16xf32>,
        %add3A_637 = arith.constant 3 : i32
        %add3A_638 = arith.addi %mul3A_378, %add3A_637 : i32
        %get3A_639 = arith.constant 1 : i32
        %get3A_640 = arith.index_cast %get3A_639 : i32 to index
        %get3A_641 = arith.index_cast %add3A_638 : i32 to index
        %get3A_642 = arith.constant 16 : index
        %get3A_643 = tpu.vector_load %arg6[%get3A_640, %get3A_641, %get3A_642] {strides = array<i32>} : memref<2x128x128xf32, #tpu.memory_space<vmem>>, vector<1x1x16xf32>,
        %get3A_644 = vector.shape_cast %get3A_643 : vector<1x1x16xf32> to vector<16xf32>
        %mul3A_645 = arith.constant 8.000000e+00 : f32
        %mul3A_646 = vector.broadcast %mul3A_645 : f32 to vector<16xf32>
        %mul3A_647 = arith.mulf %get3A_644, %mul3A_646 : vector<16xf32>
        %add3A_648 = arith.constant 3 : i32
        %add3A_649 = arith.addi %mul3A_378, %add3A_648 : i32
        %swap3A_650 = arith.constant 1 : i32
        %swap3A_651 = arith.index_cast %swap3A_650 : i32 to index
        %swap3A_652 = arith.index_cast %add3A_649 : i32 to index
        %swap3A_653 = arith.constant 16 : index
        %swap3A_654 = tpu.vector_load %arg7[%swap3A_651, %swap3A_652, %swap3A_653] {strides = array<i32>} : memref<2x128x64xf32, #tpu.memory_space<vmem>>, vector<1x1x16xf32>,
        %swap3A_655 = vector.shape_cast %swap3A_654 : vector<1x1x16xf32> to vector<16xf32>
        %swap3A_656 = vector.shape_cast %mul3A_647 : vector<16xf32> to vector<1x1x16xf32>
        tpu.vector_store %arg7[%swap3A_651, %swap3A_652, %swap3A_653], %swap3A_656 {strides = array<i32>} : memref<2x128x64xf32, #tpu.memory_space<vmem>>, vector<1x1x16xf32>,
        %add3A_657 = arith.constant 3 : i32
        %add3A_658 = arith.addi %mul3A_378, %add3A_657 : i32
        %get3A_659 = arith.constant 1 : i32
        %get3A_660 = arith.index_cast %get3A_659 : i32 to index
        %get3A_661 = arith.index_cast %add3A_658 : i32 to index
        %get3A_662 = arith.constant 32 : index
        %get3A_663 = tpu.vector_load %arg6[%get3A_660, %get3A_661, %get3A_662] {strides = array<i32>} : memref<2x128x128xf32, #tpu.memory_space<vmem>>, vector<1x1x16xf32>,
        %get3A_664 = vector.shape_cast %get3A_663 : vector<1x1x16xf32> to vector<16xf32>
        %mul3A_665 = arith.constant 8.000000e+00 : f32
        %mul3A_666 = vector.broadcast %mul3A_665 : f32 to vector<16xf32>
        %mul3A_667 = arith.mulf %get3A_664, %mul3A_666 : vector<16xf32>
        %add3A_668 = arith.constant 3 : i32
        %add3A_669 = arith.addi %mul3A_378, %add3A_668 : i32
        %swap3A_670 = arith.constant 1 : i32
        %swap3A_671 = arith.index_cast %swap3A_670 : i32 to index
        %swap3A_672 = arith.index_cast %add3A_669 : i32 to index
        %swap3A_673 = arith.constant 32 : index
        %swap3A_674 = tpu.vector_load %arg7[%swap3A_671, %swap3A_672, %swap3A_673] {strides = array<i32>} : memref<2x128x64xf32, #tpu.memory_space<vmem>>, vector<1x1x16xf32>,
        %swap3A_675 = vector.shape_cast %swap3A_674 : vector<1x1x16xf32> to vector<16xf32>
        %swap3A_676 = vector.shape_cast %mul3A_667 : vector<16xf32> to vector<1x1x16xf32>
        tpu.vector_store %arg7[%swap3A_671, %swap3A_672, %swap3A_673], %swap3A_676 {strides = array<i32>} : memref<2x128x64xf32, #tpu.memory_space<vmem>>, vector<1x1x16xf32>,
        %add3A_677 = arith.constant 3 : i32
        %add3A_678 = arith.addi %mul3A_378, %add3A_677 : i32
        %get3A_679 = arith.constant 1 : i32
        %get3A_680 = arith.index_cast %get3A_679 : i32 to index
        %get3A_681 = arith.index_cast %add3A_678 : i32 to index
        %get3A_682 = arith.constant 48 : index
        %get3A_683 = tpu.vector_load %arg6[%get3A_680, %get3A_681, %get3A_682] {strides = array<i32>} : memref<2x128x128xf32, #tpu.memory_space<vmem>>, vector<1x1x16xf32>,
        %get3A_684 = vector.shape_cast %get3A_683 : vector<1x1x16xf32> to vector<16xf32>
        %mul3A_685 = arith.constant 8.000000e+00 : f32
        %mul3A_686 = vector.broadcast %mul3A_685 : f32 to vector<16xf32>
        %mul3A_687 = arith.mulf %get3A_684, %mul3A_686 : vector<16xf32>
        %add3A_688 = arith.constant 3 : i32
        %add3A_689 = arith.addi %mul3A_378, %add3A_688 : i32
        %swap3A_690 = arith.constant 1 : i32
        %swap3A_691 = arith.index_cast %swap3A_690 : i32 to index
        %swap3A_692 = arith.index_cast %add3A_689 : i32 to index
        %swap3A_693 = arith.constant 48 : index
        %swap3A_694 = tpu.vector_load %arg7[%swap3A_691, %swap3A_692, %swap3A_693] {strides = array<i32>} : memref<2x128x64xf32, #tpu.memory_space<vmem>>, vector<1x1x16xf32>,
        %swap3A_695 = vector.shape_cast %swap3A_694 : vector<1x1x16xf32> to vector<16xf32>
        %swap3A_696 = vector.shape_cast %mul3A_687 : vector<16xf32> to vector<1x1x16xf32>
        tpu.vector_store %arg7[%swap3A_691, %swap3A_692, %swap3A_693], %swap3A_696 {strides = array<i32>} : memref<2x128x64xf32, #tpu.memory_space<vmem>>, vector<1x1x16xf32>,
        %add3A_697 = arith.constant 4 : i32
        %add3A_698 = arith.addi %mul3A_378, %add3A_697 : i32
        %get3A_699 = arith.constant 1 : i32
        %get3A_700 = arith.index_cast %get3A_699 : i32 to index
        %get3A_701 = arith.index_cast %add3A_698 : i32 to index
        %get3A_702 = arith.constant 0 : index
        %get3A_703 = tpu.vector_load %arg6[%get3A_700, %get3A_701, %get3A_702] {strides = array<i32>} : memref<2x128x128xf32, #tpu.memory_space<vmem>>, vector<1x1x16xf32>,
        %get3A_704 = vector.shape_cast %get3A_703 : vector<1x1x16xf32> to vector<16xf32>
        %mul3A_705 = arith.constant 8.000000e+00 : f32
        %mul3A_706 = vector.broadcast %mul3A_705 : f32 to vector<16xf32>
        %mul3A_707 = arith.mulf %get3A_704, %mul3A_706 : vector<16xf32>
        %add3A_708 = arith.constant 4 : i32
        %add3A_709 = arith.addi %mul3A_378, %add3A_708 : i32
        %swap3A_710 = arith.constant 1 : i32
        %swap3A_711 = arith.index_cast %swap3A_710 : i32 to index
        %swap3A_712 = arith.index_cast %add3A_709 : i32 to index
        %swap3A_713 = arith.constant 0 : index
        %swap3A_714 = tpu.vector_load %arg7[%swap3A_711, %swap3A_712, %swap3A_713] {strides = array<i32>} : memref<2x128x64xf32, #tpu.memory_space<vmem>>, vector<1x1x16xf32>,
        %swap3A_715 = vector.shape_cast %swap3A_714 : vector<1x1x16xf32> to vector<16xf32>
        %swap3A_716 = vector.shape_cast %mul3A_707 : vector<16xf32> to vector<1x1x16xf32>
        tpu.vector_store %arg7[%swap3A_711, %swap3A_712, %swap3A_713], %swap3A_716 {strides = array<i32>} : memref<2x128x64xf32, #tpu.memory_space<vmem>>, vector<1x1x16xf32>,
        %add3A_717 = arith.constant 4 : i32
        %add3A_718 = arith.addi %mul3A_378, %add3A_717 : i32
        %get3A_719 = arith.constant 1 : i32
        %get3A_720 = arith.index_cast %get3A_719 : i32 to index
        %get3A_721 = arith.index_cast %add3A_718 : i32 to index
        %get3A_722 = arith.constant 16 : index
        %get3A_723 = tpu.vector_load %arg6[%get3A_720, %get3A_721, %get3A_722] {strides = array<i32>} : memref<2x128x128xf32, #tpu.memory_space<vmem>>, vector<1x1x16xf32>,
        %get3A_724 = vector.shape_cast %get3A_723 : vector<1x1x16xf32> to vector<16xf32>
        %mul3A_725 = arith.constant 8.000000e+00 : f32
        %mul3A_726 = vector.broadcast %mul3A_725 : f32 to vector<16xf32>
        %mul3A_727 = arith.mulf %get3A_724, %mul3A_726 : vector<16xf32>
        %add3A_728 = arith.constant 4 : i32
        %add3A_729 = arith.addi %mul3A_378, %add3A_728 : i32
        %swap3A_730 = arith.constant 1 : i32
        %swap3A_731 = arith.index_cast %swap3A_730 : i32 to index
        %swap3A_732 = arith.index_cast %add3A_729 : i32 to index
        %swap3A_733 = arith.constant 16 : index
        %swap3A_734 = tpu.vector_load %arg7[%swap3A_731, %swap3A_732, %swap3A_733] {strides = array<i32>} : memref<2x128x64xf32, #tpu.memory_space<vmem>>, vector<1x1x16xf32>,
        %swap3A_735 = vector.shape_cast %swap3A_734 : vector<1x1x16xf32> to vector<16xf32>
        %swap3A_736 = vector.shape_cast %mul3A_727 : vector<16xf32> to vector<1x1x16xf32>
        tpu.vector_store %arg7[%swap3A_731, %swap3A_732, %swap3A_733], %swap3A_736 {strides = array<i32>} : memref<2x128x64xf32, #tpu.memory_space<vmem>>, vector<1x1x16xf32>,
        %add3A_737 = arith.constant 4 : i32
        %add3A_738 = arith.addi %mul3A_378, %add3A_737 : i32
        %get3A_739 = arith.constant 1 : i32
        %get3A_740 = arith.index_cast %get3A_739 : i32 to index
        %get3A_741 = arith.index_cast %add3A_738 : i32 to index
        %get3A_742 = arith.constant 32 : index
        %get3A_743 = tpu.vector_load %arg6[%get3A_740, %get3A_741, %get3A_742] {strides = array<i32>} : memref<2x128x128xf32, #tpu.memory_space<vmem>>, vector<1x1x16xf32>,
        %get3A_744 = vector.shape_cast %get3A_743 : vector<1x1x16xf32> to vector<16xf32>
        %mul3A_745 = arith.constant 8.000000e+00 : f32
        %mul3A_746 = vector.broadcast %mul3A_745 : f32 to vector<16xf32>
        %mul3A_747 = arith.mulf %get3A_744, %mul3A_746 : vector<16xf32>
        %add3A_748 = arith.constant 4 : i32
        %add3A_749 = arith.addi %mul3A_378, %add3A_748 : i32
        %swap3A_750 = arith.constant 1 : i32
        %swap3A_751 = arith.index_cast %swap3A_750 : i32 to index
        %swap3A_752 = arith.index_cast %add3A_749 : i32 to index
        %swap3A_753 = arith.constant 32 : index
        %swap3A_754 = tpu.vector_load %arg7[%swap3A_751, %swap3A_752, %swap3A_753] {strides = array<i32>} : memref<2x128x64xf32, #tpu.memory_space<vmem>>, vector<1x1x16xf32>,
        %swap3A_755 = vector.shape_cast %swap3A_754 : vector<1x1x16xf32> to vector<16xf32>
        %swap3A_756 = vector.shape_cast %mul3A_747 : vector<16xf32> to vector<1x1x16xf32>
        tpu.vector_store %arg7[%swap3A_751, %swap3A_752, %swap3A_753], %swap3A_756 {strides = array<i32>} : memref<2x128x64xf32, #tpu.memory_space<vmem>>, vector<1x1x16xf32>,
        %add3A_757 = arith.constant 4 : i32
        %add3A_758 = arith.addi %mul3A_378, %add3A_757 : i32
        %get3A_759 = arith.constant 1 : i32
        %get3A_760 = arith.index_cast %get3A_759 : i32 to index
        %get3A_761 = arith.index_cast %add3A_758 : i32 to index
        %get3A_762 = arith.constant 48 : index
        %get3A_763 = tpu.vector_load %arg6[%get3A_760, %get3A_761, %get3A_762] {strides = array<i32>} : memref<2x128x128xf32, #tpu.memory_space<vmem>>, vector<1x1x16xf32>,
        %get3A_764 = vector.shape_cast %get3A_763 : vector<1x1x16xf32> to vector<16xf32>
        %mul3A_765 = arith.constant 8.000000e+00 : f32
        %mul3A_766 = vector.broadcast %mul3A_765 : f32 to vector<16xf32>
        %mul3A_767 = arith.mulf %get3A_764, %mul3A_766 : vector<16xf32>
        %add3A_768 = arith.constant 4 : i32
        %add3A_769 = arith.addi %mul3A_378, %add3A_768 : i32
        %swap3A_770 = arith.constant 1 : i32
        %swap3A_771 = arith.index_cast %swap3A_770 : i32 to index
        %swap3A_772 = arith.index_cast %add3A_769 : i32 to index
        %swap3A_773 = arith.constant 48 : index
        %swap3A_774 = tpu.vector_load %arg7[%swap3A_771, %swap3A_772, %swap3A_773] {strides = array<i32>} : memref<2x128x64xf32, #tpu.memory_space<vmem>>, vector<1x1x16xf32>,
        %swap3A_775 = vector.shape_cast %swap3A_774 : vector<1x1x16xf32> to vector<16xf32>
        %swap3A_776 = vector.shape_cast %mul3A_767 : vector<16xf32> to vector<1x1x16xf32>
        tpu.vector_store %arg7[%swap3A_771, %swap3A_772, %swap3A_773], %swap3A_776 {strides = array<i32>} : memref<2x128x64xf32, #tpu.memory_space<vmem>>, vector<1x1x16xf32>,
        %add3A_777 = arith.constant 5 : i32
        %add3A_778 = arith.addi %mul3A_378, %add3A_777 : i32
        %get3A_779 = arith.constant 1 : i32
        %get3A_780 = arith.index_cast %get3A_779 : i32 to index
        %get3A_781 = arith.index_cast %add3A_778 : i32 to index
        %get3A_782 = arith.constant 0 : index
        %get3A_783 = tpu.vector_load %arg6[%get3A_780, %get3A_781, %get3A_782] {strides = array<i32>} : memref<2x128x128xf32, #tpu.memory_space<vmem>>, vector<1x1x16xf32>,
        %get3A_784 = vector.shape_cast %get3A_783 : vector<1x1x16xf32> to vector<16xf32>
        %mul3A_785 = arith.constant 8.000000e+00 : f32
        %mul3A_786 = vector.broadcast %mul3A_785 : f32 to vector<16xf32>
        %mul3A_787 = arith.mulf %get3A_784, %mul3A_786 : vector<16xf32>
        %add3A_788 = arith.constant 5 : i32
        %add3A_789 = arith.addi %mul3A_378, %add3A_788 : i32
        %swap3A_790 = arith.constant 1 : i32
        %swap3A_791 = arith.index_cast %swap3A_790 : i32 to index
        %swap3A_792 = arith.index_cast %add3A_789 : i32 to index
        %swap3A_793 = arith.constant 0 : index
        %swap3A_794 = tpu.vector_load %arg7[%swap3A_791, %swap3A_792, %swap3A_793] {strides = array<i32>} : memref<2x128x64xf32, #tpu.memory_space<vmem>>, vector<1x1x16xf32>,
        %swap3A_795 = vector.shape_cast %swap3A_794 : vector<1x1x16xf32> to vector<16xf32>
        %swap3A_796 = vector.shape_cast %mul3A_787 : vector<16xf32> to vector<1x1x16xf32>
        tpu.vector_store %arg7[%swap3A_791, %swap3A_792, %swap3A_793], %swap3A_796 {strides = array<i32>} : memref<2x128x64xf32, #tpu.memory_space<vmem>>, vector<1x1x16xf32>,
        %add3A_797 = arith.constant 5 : i32
        %add3A_798 = arith.addi %mul3A_378, %add3A_797 : i32
        %get3A_799 = arith.constant 1 : i32
        %get3A_800 = arith.index_cast %get3A_799 : i32 to index
        %get3A_801 = arith.index_cast %add3A_798 : i32 to index
        %get3A_802 = arith.constant 16 : index
        %get3A_803 = tpu.vector_load %arg6[%get3A_800, %get3A_801, %get3A_802] {strides = array<i32>} : memref<2x128x128xf32, #tpu.memory_space<vmem>>, vector<1x1x16xf32>,
        %get3A_804 = vector.shape_cast %get3A_803 : vector<1x1x16xf32> to vector<16xf32>
        %mul3A_805 = arith.constant 8.000000e+00 : f32
        %mul3A_806 = vector.broadcast %mul3A_805 : f32 to vector<16xf32>
        %mul3A_807 = arith.mulf %get3A_804, %mul3A_806 : vector<16xf32>
        %add3A_808 = arith.constant 5 : i32
        %add3A_809 = arith.addi %mul3A_378, %add3A_808 : i32
        %swap3A_810 = arith.constant 1 : i32
        %swap3A_811 = arith.index_cast %swap3A_810 : i32 to index
        %swap3A_812 = arith.index_cast %add3A_809 : i32 to index
        %swap3A_813 = arith.constant 16 : index
        %swap3A_814 = tpu.vector_load %arg7[%swap3A_811, %swap3A_812, %swap3A_813] {strides = array<i32>} : memref<2x128x64xf32, #tpu.memory_space<vmem>>, vector<1x1x16xf32>,
        %swap3A_815 = vector.shape_cast %swap3A_814 : vector<1x1x16xf32> to vector<16xf32>
        %swap3A_816 = vector.shape_cast %mul3A_807 : vector<16xf32> to vector<1x1x16xf32>
        tpu.vector_store %arg7[%swap3A_811, %swap3A_812, %swap3A_813], %swap3A_816 {strides = array<i32>} : memref<2x128x64xf32, #tpu.memory_space<vmem>>, vector<1x1x16xf32>,
        %add3A_817 = arith.constant 5 : i32
        %add3A_818 = arith.addi %mul3A_378, %add3A_817 : i32
        %get3A_819 = arith.constant 1 : i32
        %get3A_820 = arith.index_cast %get3A_819 : i32 to index
        %get3A_821 = arith.index_cast %add3A_818 : i32 to index
        %get3A_822 = arith.constant 32 : index
        %get3A_823 = tpu.vector_load %arg6[%get3A_820, %get3A_821, %get3A_822] {strides = array<i32>} : memref<2x128x128xf32, #tpu.memory_space<vmem>>, vector<1x1x16xf32>,
        %get3A_824 = vector.shape_cast %get3A_823 : vector<1x1x16xf32> to vector<16xf32>
        %mul3A_825 = arith.constant 8.000000e+00 : f32
        %mul3A_826 = vector.broadcast %mul3A_825 : f32 to vector<16xf32>
        %mul3A_827 = arith.mulf %get3A_824, %mul3A_826 : vector<16xf32>
        %add3A_828 = arith.constant 5 : i32
        %add3A_829 = arith.addi %mul3A_378, %add3A_828 : i32
        %swap3A_830 = arith.constant 1 : i32
        %swap3A_831 = arith.index_cast %swap3A_830 : i32 to index
        %swap3A_832 = arith.index_cast %add3A_829 : i32 to index
        %swap3A_833 = arith.constant 32 : index
        %swap3A_834 = tpu.vector_load %arg7[%swap3A_831, %swap3A_832, %swap3A_833] {strides = array<i32>} : memref<2x128x64xf32, #tpu.memory_space<vmem>>, vector<1x1x16xf32>,
        %swap3A_835 = vector.shape_cast %swap3A_834 : vector<1x1x16xf32> to vector<16xf32>
        %swap3A_836 = vector.shape_cast %mul3A_827 : vector<16xf32> to vector<1x1x16xf32>
        tpu.vector_store %arg7[%swap3A_831, %swap3A_832, %swap3A_833], %swap3A_836 {strides = array<i32>} : memref<2x128x64xf32, #tpu.memory_space<vmem>>, vector<1x1x16xf32>,
        %add3A_837 = arith.constant 5 : i32
        %add3A_838 = arith.addi %mul3A_378, %add3A_837 : i32
        %get3A_839 = arith.constant 1 : i32
        %get3A_840 = arith.index_cast %get3A_839 : i32 to index
        %get3A_841 = arith.index_cast %add3A_838 : i32 to index
        %get3A_842 = arith.constant 48 : index
        %get3A_843 = tpu.vector_load %arg6[%get3A_840, %get3A_841, %get3A_842] {strides = array<i32>} : memref<2x128x128xf32, #tpu.memory_space<vmem>>, vector<1x1x16xf32>,
        %get3A_844 = vector.shape_cast %get3A_843 : vector<1x1x16xf32> to vector<16xf32>
        %mul3A_845 = arith.constant 8.000000e+00 : f32
        %mul3A_846 = vector.broadcast %mul3A_845 : f32 to vector<16xf32>
        %mul3A_847 = arith.mulf %get3A_844, %mul3A_846 : vector<16xf32>
        %add3A_848 = arith.constant 5 : i32
        %add3A_849 = arith.addi %mul3A_378, %add3A_848 : i32
        %swap3A_850 = arith.constant 1 : i32
        %swap3A_851 = arith.index_cast %swap3A_850 : i32 to index
        %swap3A_852 = arith.index_cast %add3A_849 : i32 to index
        %swap3A_853 = arith.constant 48 : index
        %swap3A_854 = tpu.vector_load %arg7[%swap3A_851, %swap3A_852, %swap3A_853] {strides = array<i32>} : memref<2x128x64xf32, #tpu.memory_space<vmem>>, vector<1x1x16xf32>,
        %swap3A_855 = vector.shape_cast %swap3A_854 : vector<1x1x16xf32> to vector<16xf32>
        %swap3A_856 = vector.shape_cast %mul3A_847 : vector<16xf32> to vector<1x1x16xf32>
        tpu.vector_store %arg7[%swap3A_851, %swap3A_852, %swap3A_853], %swap3A_856 {strides = array<i32>} : memref<2x128x64xf32, #tpu.memory_space<vmem>>, vector<1x1x16xf32>,
        %add3A_857 = arith.constant 6 : i32
        %add3A_858 = arith.addi %mul3A_378, %add3A_857 : i32
        %get3A_859 = arith.constant 1 : i32
        %get3A_860 = arith.index_cast %get3A_859 : i32 to index
        %get3A_861 = arith.index_cast %add3A_858 : i32 to index
        %get3A_862 = arith.constant 0 : index
        %get3A_863 = tpu.vector_load %arg6[%get3A_860, %get3A_861, %get3A_862] {strides = array<i32>} : memref<2x128x128xf32, #tpu.memory_space<vmem>>, vector<1x1x16xf32>,
        %get3A_864 = vector.shape_cast %get3A_863 : vector<1x1x16xf32> to vector<16xf32>
        %mul3A_865 = arith.constant 8.000000e+00 : f32
        %mul3A_866 = vector.broadcast %mul3A_865 : f32 to vector<16xf32>
        %mul3A_867 = arith.mulf %get3A_864, %mul3A_866 : vector<16xf32>
        %add3A_868 = arith.constant 6 : i32
        %add3A_869 = arith.addi %mul3A_378, %add3A_868 : i32
        %swap3A_870 = arith.constant 1 : i32
        %swap3A_871 = arith.index_cast %swap3A_870 : i32 to index
        %swap3A_872 = arith.index_cast %add3A_869 : i32 to index
        %swap3A_873 = arith.constant 0 : index
        %swap3A_874 = tpu.vector_load %arg7[%swap3A_871, %swap3A_872, %swap3A_873] {strides = array<i32>} : memref<2x128x64xf32, #tpu.memory_space<vmem>>, vector<1x1x16xf32>,
        %swap3A_875 = vector.shape_cast %swap3A_874 : vector<1x1x16xf32> to vector<16xf32>
        %swap3A_876 = vector.shape_cast %mul3A_867 : vector<16xf32> to vector<1x1x16xf32>
        tpu.vector_store %arg7[%swap3A_871, %swap3A_872, %swap3A_873], %swap3A_876 {strides = array<i32>} : memref<2x128x64xf32, #tpu.memory_space<vmem>>, vector<1x1x16xf32>,
        %add3A_877 = arith.constant 6 : i32
        %add3A_878 = arith.addi %mul3A_378, %add3A_877 : i32
        %get3A_879 = arith.constant 1 : i32
        %get3A_880 = arith.index_cast %get3A_879 : i32 to index
        %get3A_881 = arith.index_cast %add3A_878 : i32 to index
        %get3A_882 = arith.constant 16 : index
        %get3A_883 = tpu.vector_load %arg6[%get3A_880, %get3A_881, %get3A_882] {strides = array<i32>} : memref<2x128x128xf32, #tpu.memory_space<vmem>>, vector<1x1x16xf32>,
        %get3A_884 = vector.shape_cast %get3A_883 : vector<1x1x16xf32> to vector<16xf32>
        %mul3A_885 = arith.constant 8.000000e+00 : f32
        %mul3A_886 = vector.broadcast %mul3A_885 : f32 to vector<16xf32>
        %mul3A_887 = arith.mulf %get3A_884, %mul3A_886 : vector<16xf32>
        %add3A_888 = arith.constant 6 : i32
        %add3A_889 = arith.addi %mul3A_378, %add3A_888 : i32
        %swap3A_890 = arith.constant 1 : i32
        %swap3A_891 = arith.index_cast %swap3A_890 : i32 to index
        %swap3A_892 = arith.index_cast %add3A_889 : i32 to index
        %swap3A_893 = arith.constant 16 : index
        %swap3A_894 = tpu.vector_load %arg7[%swap3A_891, %swap3A_892, %swap3A_893] {strides = array<i32>} : memref<2x128x64xf32, #tpu.memory_space<vmem>>, vector<1x1x16xf32>,
        %swap3A_895 = vector.shape_cast %swap3A_894 : vector<1x1x16xf32> to vector<16xf32>
        %swap3A_896 = vector.shape_cast %mul3A_887 : vector<16xf32> to vector<1x1x16xf32>
        tpu.vector_store %arg7[%swap3A_891, %swap3A_892, %swap3A_893], %swap3A_896 {strides = array<i32>} : memref<2x128x64xf32, #tpu.memory_space<vmem>>, vector<1x1x16xf32>,
        %add3A_897 = arith.constant 6 : i32
        %add3A_898 = arith.addi %mul3A_378, %add3A_897 : i32
        %get3A_899 = arith.constant 1 : i32
        %get3A_900 = arith.index_cast %get3A_899 : i32 to index
        %get3A_901 = arith.index_cast %add3A_898 : i32 to index
        %get3A_902 = arith.constant 32 : index
        %get3A_903 = tpu.vector_load %arg6[%get3A_900, %get3A_901, %get3A_902] {strides = array<i32>} : memref<2x128x128xf32, #tpu.memory_space<vmem>>, vector<1x1x16xf32>,
        %get3A_904 = vector.shape_cast %get3A_903 : vector<1x1x16xf32> to vector<16xf32>
        %mul3A_905 = arith.constant 8.000000e+00 : f32
        %mul3A_906 = vector.broadcast %mul3A_905 : f32 to vector<16xf32>
        %mul3A_907 = arith.mulf %get3A_904, %mul3A_906 : vector<16xf32>
        %add3A_908 = arith.constant 6 : i32
        %add3A_909 = arith.addi %mul3A_378, %add3A_908 : i32
        %swap3A_910 = arith.constant 1 : i32
        %swap3A_911 = arith.index_cast %swap3A_910 : i32 to index
        %swap3A_912 = arith.index_cast %add3A_909 : i32 to index
        %swap3A_913 = arith.constant 32 : index
        %swap3A_914 = tpu.vector_load %arg7[%swap3A_911, %swap3A_912, %swap3A_913] {strides = array<i32>} : memref<2x128x64xf32, #tpu.memory_space<vmem>>, vector<1x1x16xf32>,
        %swap3A_915 = vector.shape_cast %swap3A_914 : vector<1x1x16xf32> to vector<16xf32>
        %swap3A_916 = vector.shape_cast %mul3A_907 : vector<16xf32> to vector<1x1x16xf32>
        tpu.vector_store %arg7[%swap3A_911, %swap3A_912, %swap3A_913], %swap3A_916 {strides = array<i32>} : memref<2x128x64xf32, #tpu.memory_space<vmem>>, vector<1x1x16xf32>,
        %add3A_917 = arith.constant 6 : i32
        %add3A_918 = arith.addi %mul3A_378, %add3A_917 : i32
        %get3A_919 = arith.constant 1 : i32
        %get3A_920 = arith.index_cast %get3A_919 : i32 to index
        %get3A_921 = arith.index_cast %add3A_918 : i32 to index
        %get3A_922 = arith.constant 48 : index
        %get3A_923 = tpu.vector_load %arg6[%get3A_920, %get3A_921, %get3A_922] {strides = array<i32>} : memref<2x128x128xf32, #tpu.memory_space<vmem>>, vector<1x1x16xf32>,
        %get3A_924 = vector.shape_cast %get3A_923 : vector<1x1x16xf32> to vector<16xf32>
        %mul3A_925 = arith.constant 8.000000e+00 : f32
        %mul3A_926 = vector.broadcast %mul3A_925 : f32 to vector<16xf32>
        %mul3A_927 = arith.mulf %get3A_924, %mul3A_926 : vector<16xf32>
        %add3A_928 = arith.constant 6 : i32
        %add3A_929 = arith.addi %mul3A_378, %add3A_928 : i32
        %swap3A_930 = arith.constant 1 : i32
        %swap3A_931 = arith.index_cast %swap3A_930 : i32 to index
        %swap3A_932 = arith.index_cast %add3A_929 : i32 to index
        %swap3A_933 = arith.constant 48 : index
        %swap3A_934 = tpu.vector_load %arg7[%swap3A_931, %swap3A_932, %swap3A_933] {strides = array<i32>} : memref<2x128x64xf32, #tpu.memory_space<vmem>>, vector<1x1x16xf32>,
        %swap3A_935 = vector.shape_cast %swap3A_934 : vector<1x1x16xf32> to vector<16xf32>
        %swap3A_936 = vector.shape_cast %mul3A_927 : vector<16xf32> to vector<1x1x16xf32>
        tpu.vector_store %arg7[%swap3A_931, %swap3A_932, %swap3A_933], %swap3A_936 {strides = array<i32>} : memref<2x128x64xf32, #tpu.memory_space<vmem>>, vector<1x1x16xf32>,
        %add3A_937 = arith.constant 7 : i32
        %add3A_938 = arith.addi %mul3A_378, %add3A_937 : i32
        %get3A_939 = arith.constant 1 : i32
        %get3A_940 = arith.index_cast %get3A_939 : i32 to index
        %get3A_941 = arith.index_cast %add3A_938 : i32 to index
        %get3A_942 = arith.constant 0 : index
        %get3A_943 = tpu.vector_load %arg6[%get3A_940, %get3A_941, %get3A_942] {strides = array<i32>} : memref<2x128x128xf32, #tpu.memory_space<vmem>>, vector<1x1x16xf32>,
        %get3A_944 = vector.shape_cast %get3A_943 : vector<1x1x16xf32> to vector<16xf32>
        %mul3A_945 = arith.constant 8.000000e+00 : f32
        %mul3A_946 = vector.broadcast %mul3A_945 : f32 to vector<16xf32>
        %mul3A_947 = arith.mulf %get3A_944, %mul3A_946 : vector<16xf32>
        %add3A_948 = arith.constant 7 : i32
        %add3A_949 = arith.addi %mul3A_378, %add3A_948 : i32
        %swap3A_950 = arith.constant 1 : i32
        %swap3A_951 = arith.index_cast %swap3A_950 : i32 to index
        %swap3A_952 = arith.index_cast %add3A_949 : i32 to index
        %swap3A_953 = arith.constant 0 : index
        %swap3A_954 = tpu.vector_load %arg7[%swap3A_951, %swap3A_952, %swap3A_953] {strides = array<i32>} : memref<2x128x64xf32, #tpu.memory_space<vmem>>, vector<1x1x16xf32>,
        %swap3A_955 = vector.shape_cast %swap3A_954 : vector<1x1x16xf32> to vector<16xf32>
        %swap3A_956 = vector.shape_cast %mul3A_947 : vector<16xf32> to vector<1x1x16xf32>
        tpu.vector_store %arg7[%swap3A_951, %swap3A_952, %swap3A_953], %swap3A_956 {strides = array<i32>} : memref<2x128x64xf32, #tpu.memory_space<vmem>>, vector<1x1x16xf32>,
        %add3A_957 = arith.constant 7 : i32
        %add3A_958 = arith.addi %mul3A_378, %add3A_957 : i32
        %get3A_959 = arith.constant 1 : i32
        %get3A_960 = arith.index_cast %get3A_959 : i32 to index
        %get3A_961 = arith.index_cast %add3A_958 : i32 to index
        %get3A_962 = arith.constant 16 : index
        %get3A_963 = tpu.vector_load %arg6[%get3A_960, %get3A_961, %get3A_962] {strides = array<i32>} : memref<2x128x128xf32, #tpu.memory_space<vmem>>, vector<1x1x16xf32>,
        %get3A_964 = vector.shape_cast %get3A_963 : vector<1x1x16xf32> to vector<16xf32>
        %mul3A_965 = arith.constant 8.000000e+00 : f32
        %mul3A_966 = vector.broadcast %mul3A_965 : f32 to vector<16xf32>
        %mul3A_967 = arith.mulf %get3A_964, %mul3A_966 : vector<16xf32>
        %add3A_968 = arith.constant 7 : i32
        %add3A_969 = arith.addi %mul3A_378, %add3A_968 : i32
        %swap3A_970 = arith.constant 1 : i32
        %swap3A_971 = arith.index_cast %swap3A_970 : i32 to index
        %swap3A_972 = arith.index_cast %add3A_969 : i32 to index
        %swap3A_973 = arith.constant 16 : index
        %swap3A_974 = tpu.vector_load %arg7[%swap3A_971, %swap3A_972, %swap3A_973] {strides = array<i32>} : memref<2x128x64xf32, #tpu.memory_space<vmem>>, vector<1x1x16xf32>,
        %swap3A_975 = vector.shape_cast %swap3A_974 : vector<1x1x16xf32> to vector<16xf32>
        %swap3A_976 = vector.shape_cast %mul3A_967 : vector<16xf32> to vector<1x1x16xf32>
        tpu.vector_store %arg7[%swap3A_971, %swap3A_972, %swap3A_973], %swap3A_976 {strides = array<i32>} : memref<2x128x64xf32, #tpu.memory_space<vmem>>, vector<1x1x16xf32>,
        %add3A_977 = arith.constant 7 : i32
        %add3A_978 = arith.addi %mul3A_378, %add3A_977 : i32
        %get3A_979 = arith.constant 1 : i32
        %get3A_980 = arith.index_cast %get3A_979 : i32 to index
        %get3A_981 = arith.index_cast %add3A_978 : i32 to index
        %get3A_982 = arith.constant 32 : index
        %get3A_983 = tpu.vector_load %arg6[%get3A_980, %get3A_981, %get3A_982] {strides = array<i32>} : memref<2x128x128xf32, #tpu.memory_space<vmem>>, vector<1x1x16xf32>,
        %get3A_984 = vector.shape_cast %get3A_983 : vector<1x1x16xf32> to vector<16xf32>
        %mul3A_985 = arith.constant 8.000000e+00 : f32
        %mul3A_986 = vector.broadcast %mul3A_985 : f32 to vector<16xf32>
        %mul3A_987 = arith.mulf %get3A_984, %mul3A_986 : vector<16xf32>
        %add3A_988 = arith.constant 7 : i32
        %add3A_989 = arith.addi %mul3A_378, %add3A_988 : i32
        %swap3A_990 = arith.constant 1 : i32
        %swap3A_991 = arith.index_cast %swap3A_990 : i32 to index
        %swap3A_992 = arith.index_cast %add3A_989 : i32 to index
        %swap3A_993 = arith.constant 32 : index
        %swap3A_994 = tpu.vector_load %arg7[%swap3A_991, %swap3A_992, %swap3A_993] {strides = array<i32>} : memref<2x128x64xf32, #tpu.memory_space<vmem>>, vector<1x1x16xf32>,
        %swap3A_995 = vector.shape_cast %swap3A_994 : vector<1x1x16xf32> to vector<16xf32>
        %swap3A_996 = vector.shape_cast %mul3A_987 : vector<16xf32> to vector<1x1x16xf32>
        tpu.vector_store %arg7[%swap3A_991, %swap3A_992, %swap3A_993], %swap3A_996 {strides = array<i32>} : memref<2x128x64xf32, #tpu.memory_space<vmem>>, vector<1x1x16xf32>,
        %add3A_997 = arith.constant 7 : i32
        %add3A_998 = arith.addi %mul3A_378, %add3A_997 : i32
        %get3A_999 = arith.constant 1 : i32
        %get3A_1000 = arith.index_cast %get3A_999 : i32 to index
        %get3A_1001 = arith.index_cast %add3A_998 : i32 to index
        %get3A_1002 = arith.constant 48 : index
        %get3A_1003 = tpu.vector_load %arg6[%get3A_1000, %get3A_1001, %get3A_1002] {strides = array<i32>} : memref<2x128x128xf32, #tpu.memory_space<vmem>>, vector<1x1x16xf32>,
        %get3A_1004 = vector.shape_cast %get3A_1003 : vector<1x1x16xf32> to vector<16xf32>
        %mul3A_1005 = arith.constant 8.000000e+00 : f32
        %mul3A_1006 = vector.broadcast %mul3A_1005 : f32 to vector<16xf32>
        %mul3A_1007 = arith.mulf %get3A_1004, %mul3A_1006 : vector<16xf32>
        %add3A_1008 = arith.constant 7 : i32
        %add3A_1009 = arith.addi %mul3A_378, %add3A_1008 : i32
        %swap3A_1010 = arith.constant 1 : i32
        %swap3A_1011 = arith.index_cast %swap3A_1010 : i32 to index
        %swap3A_1012 = arith.index_cast %add3A_1009 : i32 to index
        %swap3A_1013 = arith.constant 48 : index
        %swap3A_1014 = tpu.vector_load %arg7[%swap3A_1011, %swap3A_1012, %swap3A_1013] {strides = array<i32>} : memref<2x128x64xf32, #tpu.memory_space<vmem>>, vector<1x1x16xf32>,
        %swap3A_1015 = vector.shape_cast %swap3A_1014 : vector<1x1x16xf32> to vector<16xf32>
        %swap3A_1016 = vector.shape_cast %mul3A_1007 : vector<16xf32> to vector<1x1x16xf32>
        tpu.vector_store %arg7[%swap3A_1011, %swap3A_1012, %swap3A_1013], %swap3A_1016 {strides = array<i32>} : memref<2x128x64xf32, #tpu.memory_space<vmem>>, vector<1x1x16xf32>,
        %scan3A_1017 = arith.constant 0 : i32
        scf.yield %scan3A_1017 : i32
      }
      %scan3A_344 = arith.constant 16 : i32
      %add3A_345 = arith.constant 2 : i32
      %add3A_346 = arith.addi %add3A_308, %add3A_345 : i32
      %mul3A_347 = arith.constant 128 : i32
      %mul3A_348 = arith.muli %add3A_346, %mul3A_347 : i32
      %dma_start3A_349 = arith.constant 1 : i32
      %dma_start3A_350 = arith.constant 0 : i32
      %dma_start3A_351 = arith.constant 0 : i32
      %dma_start3A_352 = tpu.memref_slice %arg6[%dma_start3A_349, %dma_start3A_350, %dma_start3A_351] : memref<2x128x128xf32, #tpu.memory_space<vmem>> -> memref<1x128x128xf32, #tpu.memory_space<vmem>>
      %dma_start3A_353 = tpu.memref_squeeze %dma_start3A_352 : memref<1x128x128xf32, #tpu.memory_space<vmem>> -> memref<128x128xf32, #tpu.memory_space<vmem>>
      %dma_start3A_354 = tpu.memref_slice %arg5[%mul3A_348] : memref<25600xi32, #tpu.memory_space<vmem>> -> memref<128xi32, #tpu.memory_space<vmem>>
      %dma_start3A_355 = arith.constant 0 : i32
      %dma_start3A_356 = arith.constant 0 : i32
      %dma_start3A_357 = tpu.memref_slice %arg3[%dma_start3A_355, %dma_start3A_356] : memref<100000x128xf32, #tpu.memory_space<hbm>> -> memref<100000x128xf32, #tpu.memory_space<hbm>>
      tpu.enqueue_indirect_dma source(%dma_start3A_357 : memref<100000x128xf32, #tpu.memory_space<hbm>>) target(%dma_start3A_353 : memref<128x128xf32, #tpu.memory_space<vmem>>) offsets(%dma_start3A_354 : memref<128xi32, #tpu.memory_space<vmem>>) semaphore(%arg9 : memref<!tpu.dma_semaphore, #tpu.memory_space<semaphore_mem>>)
      %mul3A_358 = arith.constant 128 : i32
      %mul3A_359 = arith.muli %add3A_308, %mul3A_358 : i32
      %add3A_360 = arith.addi %mul3A_2, %mul3A_359 : i32
      %dma_start3A_361 = arith.constant 1 : i32
      %dma_start3A_362 = arith.constant 0 : i32
      %dma_start3A_363 = arith.constant 0 : i32
      %dma_start3A_364 = tpu.memref_slice %arg7[%dma_start3A_361, %dma_start3A_362, %dma_start3A_363] : memref<2x128x64xf32, #tpu.memory_space<vmem>> -> memref<1x128x64xf32, #tpu.memory_space<vmem>>
      %dma_start3A_365 = tpu.memref_squeeze %dma_start3A_364 : memref<1x128x64xf32, #tpu.memory_space<vmem>> -> memref<128x64xf32, #tpu.memory_space<vmem>>
      %dma_start3A_366 = arith.constant 0 : i32
      %dma_start3A_367 = tpu.memref_slice %arg4[%add3A_360, %dma_start3A_366] : memref<819200x64xf32, #tpu.memory_space<hbm>> -> memref<128x64xf32, #tpu.memory_space<hbm>>
      %dma_start3A_368 = arith.constant 0 : i32
      %dma_start3A_369 = tpu.memref_slice %arg4[%add3A_360, %dma_start3A_368] : memref<819200x64xf32, #tpu.memory_space<hbm>> -> memref<128x64xf32, #tpu.memory_space<hbm>>
      %dma_start3A_370 = arith.constant 0 : i32
      %dma_start3A_371 = arith.constant 0 : i32
      %dma_start3A_372 = tpu.memref_slice %arg7[%dma_start3A_361, %dma_start3A_370, %dma_start3A_371] : memref<2x128x64xf32, #tpu.memory_space<vmem>> -> memref<1x128x64xf32, #tpu.memory_space<vmem>>
      %dma_start3A_373 = tpu.memref_squeeze %dma_start3A_372 : memref<1x128x64xf32, #tpu.memory_space<vmem>> -> memref<128x64xf32, #tpu.memory_space<vmem>>
      tpu.enqueue_dma source(%dma_start3A_373 : memref<128x64xf32, #tpu.memory_space<vmem>>) target(%dma_start3A_369 : memref<128x64xf32, #tpu.memory_space<hbm>>) target_semaphore(%arg11 : memref<!tpu.dma_semaphore, #tpu.memory_space<semaphore_mem>>)
      %scan3A_374 = arith.constant 0 : i32
      scf.yield %scan3A_374 : i32
    }
    %scan3A_110 = arith.constant 98 : i32
    %dma_wait3A_111 = arith.constant 0 : i32
    %dma_wait3A_112 = arith.constant 0 : i32
    %dma_wait3A_113 = arith.constant 0 : i32
    %dma_wait3A_114 = tpu.memref_slice %arg6[%dma_wait3A_111, %dma_wait3A_112, %dma_wait3A_113] : memref<2x128x128xf32, #tpu.memory_space<vmem>> -> memref<1x128x128xf32, #tpu.memory_space<vmem>>
    %dma_wait3A_115 = tpu.memref_squeeze %dma_wait3A_114 : memref<1x128x128xf32, #tpu.memory_space<vmem>> -> memref<128x128xf32, #tpu.memory_space<vmem>>
    %dma_wait3A_116 = arith.constant 25344 : i32
    %dma_wait3A_117 = tpu.memref_slice %arg5[%dma_wait3A_116] : memref<25600xi32, #tpu.memory_space<vmem>> -> memref<128xi32, #tpu.memory_space<vmem>>
    %dma_wait3A_118 = arith.constant 0 : i32
    %dma_wait3A_119 = arith.constant 0 : i32
    %dma_wait3A_120 = tpu.memref_slice %arg3[%dma_wait3A_118, %dma_wait3A_119] : memref<100000x128xf32, #tpu.memory_space<hbm>> -> memref<100000x128xf32, #tpu.memory_space<hbm>>
    tpu.wait_indirect_dma semaphore(%arg8 : memref<!tpu.dma_semaphore, #tpu.memory_space<semaphore_mem>>) src(%dma_wait3A_120 : memref<100000x128xf32, #tpu.memory_space<hbm>>) dst(%dma_wait3A_115 : memref<128x128xf32, #tpu.memory_space<vmem>>)
    %add3A_121 = arith.constant 25088 : i32
    %add3A_122 = arith.addi %mul3A_2, %add3A_121 : i32
    %dma_wait3A_123 = arith.constant 0 : i32
    %dma_wait3A_124 = arith.constant 0 : i32
    %dma_wait3A_125 = arith.constant 0 : i32
    %dma_wait3A_126 = tpu.memref_slice %arg7[%dma_wait3A_123, %dma_wait3A_124, %dma_wait3A_125] : memref<2x128x64xf32, #tpu.memory_space<vmem>> -> memref<1x128x64xf32, #tpu.memory_space<vmem>>
    %dma_wait3A_127 = tpu.memref_squeeze %dma_wait3A_126 : memref<1x128x64xf32, #tpu.memory_space<vmem>> -> memref<128x64xf32, #tpu.memory_space<vmem>>
    %dma_wait3A_128 = arith.constant 0 : i32
    %dma_wait3A_129 = tpu.memref_slice %arg4[%add3A_122, %dma_wait3A_128] : memref<819200x64xf32, #tpu.memory_space<hbm>> -> memref<128x64xf32, #tpu.memory_space<hbm>>
    %dma_wait3A_130 = arith.constant 0 : i32
    %dma_wait3A_131 = tpu.memref_slice %arg4[%add3A_122, %dma_wait3A_130] : memref<819200x64xf32, #tpu.memory_space<hbm>> -> memref<128x64xf32, #tpu.memory_space<hbm>>
    %dma_wait3A_132 = arith.constant 0 : i32
    %dma_wait3A_133 = arith.constant 0 : i32
    %dma_wait3A_134 = tpu.memref_slice %arg7[%dma_wait3A_123, %dma_wait3A_132, %dma_wait3A_133] : memref<2x128x64xf32, #tpu.memory_space<vmem>> -> memref<1x128x64xf32, #tpu.memory_space<vmem>>
    %dma_wait3A_135 = tpu.memref_squeeze %dma_wait3A_134 : memref<1x128x64xf32, #tpu.memory_space<vmem>> -> memref<128x64xf32, #tpu.memory_space<vmem>>
    tpu.wait_dma2 semaphore(%arg10 : memref<!tpu.dma_semaphore, #tpu.memory_space<semaphore_mem>>) src(%dma_wait3A_135 : memref<128x64xf32, #tpu.memory_space<vmem>>) dst(%dma_wait3A_131 : memref<128x64xf32, #tpu.memory_space<hbm>>)
    %scan3A_136 = arith.constant 0 : i32
    %scan3A_137 = arith.constant 0 : i32
    %scan3A_138 = arith.constant 16 : i32
    %scan3A_139 = arith.addi %scan3A_137, %scan3A_138 : i32
    %scan3A_140 = arith.constant 1 : i32
    %scan3A_141 = scf.for %scan3A_235 = %scan3A_137 to %scan3A_139 step %scan3A_140 iter_args(%scan3A_236 = %scan3A_136) -> (i32)  : i32 {
      %mul3A_237 = arith.constant 8 : i32
      %mul3A_238 = arith.muli %scan3A_235, %mul3A_237 : i32
      %add3A_239 = arith.constant 0 : i32
      %add3A_240 = arith.addi %mul3A_238, %add3A_239 : i32
      %get3A = arith.constant 0 : i32
      %get3A_241 = arith.index_cast %get3A : i32 to index
      %get3A_242 = arith.index_cast %add3A_240 : i32 to index
      %get3A_243 = arith.constant 0 : index
      %get3A_244 = tpu.vector_load %arg6[%get3A_241, %get3A_242, %get3A_243] {strides = array<i32>} : memref<2x128x128xf32, #tpu.memory_space<vmem>>, vector<1x1x16xf32>,
      %get3A_245 = vector.shape_cast %get3A_244 : vector<1x1x16xf32> to vector<16xf32>
      %mul3A_246 = arith.constant 8.000000e+00 : f32
      %mul3A_247 = vector.broadcast %mul3A_246 : f32 to vector<16xf32>
      %mul3A_248 = arith.mulf %get3A_245, %mul3A_247 : vector<16xf32>
      %add3A_249 = arith.constant 0 : i32
      %add3A_250 = arith.addi %mul3A_238, %add3A_249 : i32
      %swap3A = arith.constant 0 : i32
      %swap3A_251 = arith.index_cast %swap3A : i32 to index
      %swap3A_252 = arith.index_cast %add3A_250 : i32 to index
      %swap3A_253 = arith.constant 0 : index
      %swap3A_254 = tpu.vector_load %arg7[%swap3A_251, %swap3A_252, %swap3A_253] {strides = array<i32>} : memref<2x128x64xf32, #tpu.memory_space<vmem>>, vector<1x1x16xf32>,
      %swap3A_255 = vector.shape_cast %swap3A_254 : vector<1x1x16xf32> to vector<16xf32>
      %swap3A_256 = vector.shape_cast %mul3A_248 : vector<16xf32> to vector<1x1x16xf32>
      tpu.vector_store %arg7[%swap3A_251, %swap3A_252, %swap3A_253], %swap3A_256 {strides = array<i32>} : memref<2x128x64xf32, #tpu.memory_space<vmem>>, vector<1x1x16xf32>,
      %add3A_257 = arith.constant 0 : i32
      %add3A_258 = arith.addi %mul3A_238, %add3A_257 : i32
      %get3A_259 = arith.constant 0 : i32
      %get3A_260 = arith.index_cast %get3A_259 : i32 to index
      %get3A_261 = arith.index_cast %add3A_258 : i32 to index
      %get3A_262 = arith.constant 16 : index
      %get3A_263 = tpu.vector_load %arg6[%get3A_260, %get3A_261, %get3A_262] {strides = array<i32>} : memref<2x128x128xf32, #tpu.memory_space<vmem>>, vector<1x1x16xf32>,
      %get3A_264 = vector.shape_cast %get3A_263 : vector<1x1x16xf32> to vector<16xf32>
      %mul3A_265 = arith.constant 8.000000e+00 : f32
      %mul3A_266 = vector.broadcast %mul3A_265 : f32 to vector<16xf32>
      %mul3A_267 = arith.mulf %get3A_264, %mul3A_266 : vector<16xf32>
      %add3A_268 = arith.constant 0 : i32
      %add3A_269 = arith.addi %mul3A_238, %add3A_268 : i32
      %swap3A_270 = arith.constant 0 : i32
      %swap3A_271 = arith.index_cast %swap3A_270 : i32 to index
      %swap3A_272 = arith.index_cast %add3A_269 : i32 to index
      %swap3A_273 = arith.constant 16 : index
      %swap3A_274 = tpu.vector_load %arg7[%swap3A_271, %swap3A_272, %swap3A_273] {strides = array<i32>} : memref<2x128x64xf32, #tpu.memory_space<vmem>>, vector<1x1x16xf32>,
      %swap3A_275 = vector.shape_cast %swap3A_274 : vector<1x1x16xf32> to vector<16xf32>
      %swap3A_276 = vector.shape_cast %mul3A_267 : vector<16xf32> to vector<1x1x16xf32>
      tpu.vector_store %arg7[%swap3A_271, %swap3A_272, %swap3A_273], %swap3A_276 {strides = array<i32>} : memref<2x128x64xf32, #tpu.memory_space<vmem>>, vector<1x1x16xf32>,
      %add3A_277 = arith.constant 0 : i32
      %add3A_278 = arith.addi %mul3A_238, %add3A_277 : i32
      %get3A_279 = arith.constant 0 : i32
      %get3A_280 = arith.index_cast %get3A_279 : i32 to index
      %get3A_281 = arith.index_cast %add3A_278 : i32 to index
      %get3A_282 = arith.constant 32 : index
      %get3A_283 = tpu.vector_load %arg6[%get3A_280, %get3A_281, %get3A_282] {strides = array<i32>} : memref<2x128x128xf32, #tpu.memory_space<vmem>>, vector<1x1x16xf32>,
      %get3A_284 = vector.shape_cast %get3A_283 : vector<1x1x16xf32> to vector<16xf32>
      %mul3A_285 = arith.constant 8.000000e+00 : f32
      %mul3A_286 = vector.broadcast %mul3A_285 : f32 to vector<16xf32>
      %mul3A_287 = arith.mulf %get3A_284, %mul3A_286 : vector<16xf32>
      %add3A_288 = arith.constant 0 : i32
      %add3A_289 = arith.addi %mul3A_238, %add3A_288 : i32
      %swap3A_290 = arith.constant 0 : i32
      %swap3A_291 = arith.index_cast %swap3A_290 : i32 to index
      %swap3A_292 = arith.index_cast %add3A_289 : i32 to index
      %swap3A_293 = arith.constant 32 : index
      %swap3A_294 = tpu.vector_load %arg7[%swap3A_291, %swap3A_292, %swap3A_293] {strides = array<i32>} : memref<2x128x64xf32, #tpu.memory_space<vmem>>, vector<1x1x16xf32>,
      %swap3A_295 = vector.shape_cast %swap3A_294 : vector<1x1x16xf32> to vector<16xf32>
      %swap3A_296 = vector.shape_cast %mul3A_287 : vector<16xf32> to vector<1x1x16xf32>
      tpu.vector_store %arg7[%swap3A_291, %swap3A_292, %swap3A_293], %swap3A_296 {strides = array<i32>} : memref<2x128x64xf32, #tpu.memory_space<vmem>>, vector<1x1x16xf32>,
      %add3A_297 = arith.constant 0 : i32
      %add3A_298 = arith.addi %mul3A_238, %add3A_297 : i32
      %get3A_299 = arith.constant 0 : i32
      %get3A_300 = arith.index_cast %get3A_299 : i32 to index
      %get3A_301 = arith.index_cast %add3A_298 : i32 to index
      %get3A_302 = arith.constant 48 : index
      %get3A_303 = tpu.vector_load %arg6[%get3A_300, %get3A_301, %get3A_302] {strides = array<i32>} : memref<2x128x128xf32, #tpu.memory_space<vmem>>, vector<1x1x16xf32>,
      %get3A_304 = vector.shape_cast %get3A_303 : vector<1x1x16xf32> to vector<16xf32>
      %mul3A_305 = arith.constant 8.000000e+00 : f32
      %mul3A_306 = vector.broadcast %mul3A_305 : f32 to vector<16xf32>
      %mul3A_307 = arith.mulf %get3A_304, %mul3A_306 : vector<16xf32>
      %add3A_308 = arith.constant 0 : i32
      %add3A_309 = arith.addi %mul3A_238, %add3A_308 : i32
      %swap3A_310 = arith.constant 0 : i32
      %swap3A_311 = arith.index_cast %swap3A_310 : i32 to index
      %swap3A_312 = arith.index_cast %add3A_309 : i32 to index
      %swap3A_313 = arith.constant 48 : index
      %swap3A_314 = tpu.vector_load %arg7[%swap3A_311, %swap3A_312, %swap3A_313] {strides = array<i32>} : memref<2x128x64xf32, #tpu.memory_space<vmem>>, vector<1x1x16xf32>,
      %swap3A_315 = vector.shape_cast %swap3A_314 : vector<1x1x16xf32> to vector<16xf32>
      %swap3A_316 = vector.shape_cast %mul3A_307 : vector<16xf32> to vector<1x1x16xf32>
      tpu.vector_store %arg7[%swap3A_311, %swap3A_312, %swap3A_313], %swap3A_316 {strides = array<i32>} : memref<2x128x64xf32, #tpu.memory_space<vmem>>, vector<1x1x16xf32>,
      %add3A_317 = arith.constant 1 : i32
      %add3A_318 = arith.addi %mul3A_238, %add3A_317 : i32
      %get3A_319 = arith.constant 0 : i32
      %get3A_320 = arith.index_cast %get3A_319 : i32 to index
      %get3A_321 = arith.index_cast %add3A_318 : i32 to index
      %get3A_322 = arith.constant 0 : index
      %get3A_323 = tpu.vector_load %arg6[%get3A_320, %get3A_321, %get3A_322] {strides = array<i32>} : memref<2x128x128xf32, #tpu.memory_space<vmem>>, vector<1x1x16xf32>,
      %get3A_324 = vector.shape_cast %get3A_323 : vector<1x1x16xf32> to vector<16xf32>
      %mul3A_325 = arith.constant 8.000000e+00 : f32
      %mul3A_326 = vector.broadcast %mul3A_325 : f32 to vector<16xf32>
      %mul3A_327 = arith.mulf %get3A_324, %mul3A_326 : vector<16xf32>
      %add3A_328 = arith.constant 1 : i32
      %add3A_329 = arith.addi %mul3A_238, %add3A_328 : i32
      %swap3A_330 = arith.constant 0 : i32
      %swap3A_331 = arith.index_cast %swap3A_330 : i32 to index
      %swap3A_332 = arith.index_cast %add3A_329 : i32 to index
      %swap3A_333 = arith.constant 0 : index
      %swap3A_334 = tpu.vector_load %arg7[%swap3A_331, %swap3A_332, %swap3A_333] {strides = array<i32>} : memref<2x128x64xf32, #tpu.memory_space<vmem>>, vector<1x1x16xf32>,
      %swap3A_335 = vector.shape_cast %swap3A_334 : vector<1x1x16xf32> to vector<16xf32>
      %swap3A_336 = vector.shape_cast %mul3A_327 : vector<16xf32> to vector<1x1x16xf32>
      tpu.vector_store %arg7[%swap3A_331, %swap3A_332, %swap3A_333], %swap3A_336 {strides = array<i32>} : memref<2x128x64xf32, #tpu.memory_space<vmem>>, vector<1x1x16xf32>,
      %add3A_337 = arith.constant 1 : i32
      %add3A_338 = arith.addi %mul3A_238, %add3A_337 : i32
      %get3A_339 = arith.constant 0 : i32
      %get3A_340 = arith.index_cast %get3A_339 : i32 to index
      %get3A_341 = arith.index_cast %add3A_338 : i32 to index
      %get3A_342 = arith.constant 16 : index
      %get3A_343 = tpu.vector_load %arg6[%get3A_340, %get3A_341, %get3A_342] {strides = array<i32>} : memref<2x128x128xf32, #tpu.memory_space<vmem>>, vector<1x1x16xf32>,
      %get3A_344 = vector.shape_cast %get3A_343 : vector<1x1x16xf32> to vector<16xf32>
      %mul3A_345 = arith.constant 8.000000e+00 : f32
      %mul3A_346 = vector.broadcast %mul3A_345 : f32 to vector<16xf32>
      %mul3A_347 = arith.mulf %get3A_344, %mul3A_346 : vector<16xf32>
      %add3A_348 = arith.constant 1 : i32
      %add3A_349 = arith.addi %mul3A_238, %add3A_348 : i32
      %swap3A_350 = arith.constant 0 : i32
      %swap3A_351 = arith.index_cast %swap3A_350 : i32 to index
      %swap3A_352 = arith.index_cast %add3A_349 : i32 to index
      %swap3A_353 = arith.constant 16 : index
      %swap3A_354 = tpu.vector_load %arg7[%swap3A_351, %swap3A_352, %swap3A_353] {strides = array<i32>} : memref<2x128x64xf32, #tpu.memory_space<vmem>>, vector<1x1x16xf32>,
      %swap3A_355 = vector.shape_cast %swap3A_354 : vector<1x1x16xf32> to vector<16xf32>
      %swap3A_356 = vector.shape_cast %mul3A_347 : vector<16xf32> to vector<1x1x16xf32>
      tpu.vector_store %arg7[%swap3A_351, %swap3A_352, %swap3A_353], %swap3A_356 {strides = array<i32>} : memref<2x128x64xf32, #tpu.memory_space<vmem>>, vector<1x1x16xf32>,
      %add3A_357 = arith.constant 1 : i32
      %add3A_358 = arith.addi %mul3A_238, %add3A_357 : i32
      %get3A_359 = arith.constant 0 : i32
      %get3A_360 = arith.index_cast %get3A_359 : i32 to index
      %get3A_361 = arith.index_cast %add3A_358 : i32 to index
      %get3A_362 = arith.constant 32 : index
      %get3A_363 = tpu.vector_load %arg6[%get3A_360, %get3A_361, %get3A_362] {strides = array<i32>} : memref<2x128x128xf32, #tpu.memory_space<vmem>>, vector<1x1x16xf32>,
      %get3A_364 = vector.shape_cast %get3A_363 : vector<1x1x16xf32> to vector<16xf32>
      %mul3A_365 = arith.constant 8.000000e+00 : f32
      %mul3A_366 = vector.broadcast %mul3A_365 : f32 to vector<16xf32>
      %mul3A_367 = arith.mulf %get3A_364, %mul3A_366 : vector<16xf32>
      %add3A_368 = arith.constant 1 : i32
      %add3A_369 = arith.addi %mul3A_238, %add3A_368 : i32
      %swap3A_370 = arith.constant 0 : i32
      %swap3A_371 = arith.index_cast %swap3A_370 : i32 to index
      %swap3A_372 = arith.index_cast %add3A_369 : i32 to index
      %swap3A_373 = arith.constant 32 : index
      %swap3A_374 = tpu.vector_load %arg7[%swap3A_371, %swap3A_372, %swap3A_373] {strides = array<i32>} : memref<2x128x64xf32, #tpu.memory_space<vmem>>, vector<1x1x16xf32>,
      %swap3A_375 = vector.shape_cast %swap3A_374 : vector<1x1x16xf32> to vector<16xf32>
      %swap3A_376 = vector.shape_cast %mul3A_367 : vector<16xf32> to vector<1x1x16xf32>
      tpu.vector_store %arg7[%swap3A_371, %swap3A_372, %swap3A_373], %swap3A_376 {strides = array<i32>} : memref<2x128x64xf32, #tpu.memory_space<vmem>>, vector<1x1x16xf32>,
      %add3A_377 = arith.constant 1 : i32
      %add3A_378 = arith.addi %mul3A_238, %add3A_377 : i32
      %get3A_379 = arith.constant 0 : i32
      %get3A_380 = arith.index_cast %get3A_379 : i32 to index
      %get3A_381 = arith.index_cast %add3A_378 : i32 to index
      %get3A_382 = arith.constant 48 : index
      %get3A_383 = tpu.vector_load %arg6[%get3A_380, %get3A_381, %get3A_382] {strides = array<i32>} : memref<2x128x128xf32, #tpu.memory_space<vmem>>, vector<1x1x16xf32>,
      %get3A_384 = vector.shape_cast %get3A_383 : vector<1x1x16xf32> to vector<16xf32>
      %mul3A_385 = arith.constant 8.000000e+00 : f32
      %mul3A_386 = vector.broadcast %mul3A_385 : f32 to vector<16xf32>
      %mul3A_387 = arith.mulf %get3A_384, %mul3A_386 : vector<16xf32>
      %add3A_388 = arith.constant 1 : i32
      %add3A_389 = arith.addi %mul3A_238, %add3A_388 : i32
      %swap3A_390 = arith.constant 0 : i32
      %swap3A_391 = arith.index_cast %swap3A_390 : i32 to index
      %swap3A_392 = arith.index_cast %add3A_389 : i32 to index
      %swap3A_393 = arith.constant 48 : index
      %swap3A_394 = tpu.vector_load %arg7[%swap3A_391, %swap3A_392, %swap3A_393] {strides = array<i32>} : memref<2x128x64xf32, #tpu.memory_space<vmem>>, vector<1x1x16xf32>,
      %swap3A_395 = vector.shape_cast %swap3A_394 : vector<1x1x16xf32> to vector<16xf32>
      %swap3A_396 = vector.shape_cast %mul3A_387 : vector<16xf32> to vector<1x1x16xf32>
      tpu.vector_store %arg7[%swap3A_391, %swap3A_392, %swap3A_393], %swap3A_396 {strides = array<i32>} : memref<2x128x64xf32, #tpu.memory_space<vmem>>, vector<1x1x16xf32>,
      %add3A_397 = arith.constant 2 : i32
      %add3A_398 = arith.addi %mul3A_238, %add3A_397 : i32
      %get3A_399 = arith.constant 0 : i32
      %get3A_400 = arith.index_cast %get3A_399 : i32 to index
      %get3A_401 = arith.index_cast %add3A_398 : i32 to index
      %get3A_402 = arith.constant 0 : index
      %get3A_403 = tpu.vector_load %arg6[%get3A_400, %get3A_401, %get3A_402] {strides = array<i32>} : memref<2x128x128xf32, #tpu.memory_space<vmem>>, vector<1x1x16xf32>,
      %get3A_404 = vector.shape_cast %get3A_403 : vector<1x1x16xf32> to vector<16xf32>
      %mul3A_405 = arith.constant 8.000000e+00 : f32
      %mul3A_406 = vector.broadcast %mul3A_405 : f32 to vector<16xf32>
      %mul3A_407 = arith.mulf %get3A_404, %mul3A_406 : vector<16xf32>
      %add3A_408 = arith.constant 2 : i32
      %add3A_409 = arith.addi %mul3A_238, %add3A_408 : i32
      %swap3A_410 = arith.constant 0 : i32
      %swap3A_411 = arith.index_cast %swap3A_410 : i32 to index
      %swap3A_412 = arith.index_cast %add3A_409 : i32 to index
      %swap3A_413 = arith.constant 0 : index
      %swap3A_414 = tpu.vector_load %arg7[%swap3A_411, %swap3A_412, %swap3A_413] {strides = array<i32>} : memref<2x128x64xf32, #tpu.memory_space<vmem>>, vector<1x1x16xf32>,
      %swap3A_415 = vector.shape_cast %swap3A_414 : vector<1x1x16xf32> to vector<16xf32>
      %swap3A_416 = vector.shape_cast %mul3A_407 : vector<16xf32> to vector<1x1x16xf32>
      tpu.vector_store %arg7[%swap3A_411, %swap3A_412, %swap3A_413], %swap3A_416 {strides = array<i32>} : memref<2x128x64xf32, #tpu.memory_space<vmem>>, vector<1x1x16xf32>,
      %add3A_417 = arith.constant 2 : i32
      %add3A_418 = arith.addi %mul3A_238, %add3A_417 : i32
      %get3A_419 = arith.constant 0 : i32
      %get3A_420 = arith.index_cast %get3A_419 : i32 to index
      %get3A_421 = arith.index_cast %add3A_418 : i32 to index
      %get3A_422 = arith.constant 16 : index
      %get3A_423 = tpu.vector_load %arg6[%get3A_420, %get3A_421, %get3A_422] {strides = array<i32>} : memref<2x128x128xf32, #tpu.memory_space<vmem>>, vector<1x1x16xf32>,
      %get3A_424 = vector.shape_cast %get3A_423 : vector<1x1x16xf32> to vector<16xf32>
      %mul3A_425 = arith.constant 8.000000e+00 : f32
      %mul3A_426 = vector.broadcast %mul3A_425 : f32 to vector<16xf32>
      %mul3A_427 = arith.mulf %get3A_424, %mul3A_426 : vector<16xf32>
      %add3A_428 = arith.constant 2 : i32
      %add3A_429 = arith.addi %mul3A_238, %add3A_428 : i32
      %swap3A_430 = arith.constant 0 : i32
      %swap3A_431 = arith.index_cast %swap3A_430 : i32 to index
      %swap3A_432 = arith.index_cast %add3A_429 : i32 to index
      %swap3A_433 = arith.constant 16 : index
      %swap3A_434 = tpu.vector_load %arg7[%swap3A_431, %swap3A_432, %swap3A_433] {strides = array<i32>} : memref<2x128x64xf32, #tpu.memory_space<vmem>>, vector<1x1x16xf32>,
      %swap3A_435 = vector.shape_cast %swap3A_434 : vector<1x1x16xf32> to vector<16xf32>
      %swap3A_436 = vector.shape_cast %mul3A_427 : vector<16xf32> to vector<1x1x16xf32>
      tpu.vector_store %arg7[%swap3A_431, %swap3A_432, %swap3A_433], %swap3A_436 {strides = array<i32>} : memref<2x128x64xf32, #tpu.memory_space<vmem>>, vector<1x1x16xf32>,
      %add3A_437 = arith.constant 2 : i32
      %add3A_438 = arith.addi %mul3A_238, %add3A_437 : i32
      %get3A_439 = arith.constant 0 : i32
      %get3A_440 = arith.index_cast %get3A_439 : i32 to index
      %get3A_441 = arith.index_cast %add3A_438 : i32 to index
      %get3A_442 = arith.constant 32 : index
      %get3A_443 = tpu.vector_load %arg6[%get3A_440, %get3A_441, %get3A_442] {strides = array<i32>} : memref<2x128x128xf32, #tpu.memory_space<vmem>>, vector<1x1x16xf32>,
      %get3A_444 = vector.shape_cast %get3A_443 : vector<1x1x16xf32> to vector<16xf32>
      %mul3A_445 = arith.constant 8.000000e+00 : f32
      %mul3A_446 = vector.broadcast %mul3A_445 : f32 to vector<16xf32>
      %mul3A_447 = arith.mulf %get3A_444, %mul3A_446 : vector<16xf32>
      %add3A_448 = arith.constant 2 : i32
      %add3A_449 = arith.addi %mul3A_238, %add3A_448 : i32
      %swap3A_450 = arith.constant 0 : i32
      %swap3A_451 = arith.index_cast %swap3A_450 : i32 to index
      %swap3A_452 = arith.index_cast %add3A_449 : i32 to index
      %swap3A_453 = arith.constant 32 : index
      %swap3A_454 = tpu.vector_load %arg7[%swap3A_451, %swap3A_452, %swap3A_453] {strides = array<i32>} : memref<2x128x64xf32, #tpu.memory_space<vmem>>, vector<1x1x16xf32>,
      %swap3A_455 = vector.shape_cast %swap3A_454 : vector<1x1x16xf32> to vector<16xf32>
      %swap3A_456 = vector.shape_cast %mul3A_447 : vector<16xf32> to vector<1x1x16xf32>
      tpu.vector_store %arg7[%swap3A_451, %swap3A_452, %swap3A_453], %swap3A_456 {strides = array<i32>} : memref<2x128x64xf32, #tpu.memory_space<vmem>>, vector<1x1x16xf32>,
      %add3A_457 = arith.constant 2 : i32
      %add3A_458 = arith.addi %mul3A_238, %add3A_457 : i32
      %get3A_459 = arith.constant 0 : i32
      %get3A_460 = arith.index_cast %get3A_459 : i32 to index
      %get3A_461 = arith.index_cast %add3A_458 : i32 to index
      %get3A_462 = arith.constant 48 : index
      %get3A_463 = tpu.vector_load %arg6[%get3A_460, %get3A_461, %get3A_462] {strides = array<i32>} : memref<2x128x128xf32, #tpu.memory_space<vmem>>, vector<1x1x16xf32>,
      %get3A_464 = vector.shape_cast %get3A_463 : vector<1x1x16xf32> to vector<16xf32>
      %mul3A_465 = arith.constant 8.000000e+00 : f32
      %mul3A_466 = vector.broadcast %mul3A_465 : f32 to vector<16xf32>
      %mul3A_467 = arith.mulf %get3A_464, %mul3A_466 : vector<16xf32>
      %add3A_468 = arith.constant 2 : i32
      %add3A_469 = arith.addi %mul3A_238, %add3A_468 : i32
      %swap3A_470 = arith.constant 0 : i32
      %swap3A_471 = arith.index_cast %swap3A_470 : i32 to index
      %swap3A_472 = arith.index_cast %add3A_469 : i32 to index
      %swap3A_473 = arith.constant 48 : index
      %swap3A_474 = tpu.vector_load %arg7[%swap3A_471, %swap3A_472, %swap3A_473] {strides = array<i32>} : memref<2x128x64xf32, #tpu.memory_space<vmem>>, vector<1x1x16xf32>,
      %swap3A_475 = vector.shape_cast %swap3A_474 : vector<1x1x16xf32> to vector<16xf32>
      %swap3A_476 = vector.shape_cast %mul3A_467 : vector<16xf32> to vector<1x1x16xf32>
      tpu.vector_store %arg7[%swap3A_471, %swap3A_472, %swap3A_473], %swap3A_476 {strides = array<i32>} : memref<2x128x64xf32, #tpu.memory_space<vmem>>, vector<1x1x16xf32>,
      %add3A_477 = arith.constant 3 : i32
      %add3A_478 = arith.addi %mul3A_238, %add3A_477 : i32
      %get3A_479 = arith.constant 0 : i32
      %get3A_480 = arith.index_cast %get3A_479 : i32 to index
      %get3A_481 = arith.index_cast %add3A_478 : i32 to index
      %get3A_482 = arith.constant 0 : index
      %get3A_483 = tpu.vector_load %arg6[%get3A_480, %get3A_481, %get3A_482] {strides = array<i32>} : memref<2x128x128xf32, #tpu.memory_space<vmem>>, vector<1x1x16xf32>,
      %get3A_484 = vector.shape_cast %get3A_483 : vector<1x1x16xf32> to vector<16xf32>
      %mul3A_485 = arith.constant 8.000000e+00 : f32
      %mul3A_486 = vector.broadcast %mul3A_485 : f32 to vector<16xf32>
      %mul3A_487 = arith.mulf %get3A_484, %mul3A_486 : vector<16xf32>
      %add3A_488 = arith.constant 3 : i32
      %add3A_489 = arith.addi %mul3A_238, %add3A_488 : i32
      %swap3A_490 = arith.constant 0 : i32
      %swap3A_491 = arith.index_cast %swap3A_490 : i32 to index
      %swap3A_492 = arith.index_cast %add3A_489 : i32 to index
      %swap3A_493 = arith.constant 0 : index
      %swap3A_494 = tpu.vector_load %arg7[%swap3A_491, %swap3A_492, %swap3A_493] {strides = array<i32>} : memref<2x128x64xf32, #tpu.memory_space<vmem>>, vector<1x1x16xf32>,
      %swap3A_495 = vector.shape_cast %swap3A_494 : vector<1x1x16xf32> to vector<16xf32>
      %swap3A_496 = vector.shape_cast %mul3A_487 : vector<16xf32> to vector<1x1x16xf32>
      tpu.vector_store %arg7[%swap3A_491, %swap3A_492, %swap3A_493], %swap3A_496 {strides = array<i32>} : memref<2x128x64xf32, #tpu.memory_space<vmem>>, vector<1x1x16xf32>,
      %add3A_497 = arith.constant 3 : i32
      %add3A_498 = arith.addi %mul3A_238, %add3A_497 : i32
      %get3A_499 = arith.constant 0 : i32
      %get3A_500 = arith.index_cast %get3A_499 : i32 to index
      %get3A_501 = arith.index_cast %add3A_498 : i32 to index
      %get3A_502 = arith.constant 16 : index
      %get3A_503 = tpu.vector_load %arg6[%get3A_500, %get3A_501, %get3A_502] {strides = array<i32>} : memref<2x128x128xf32, #tpu.memory_space<vmem>>, vector<1x1x16xf32>,
      %get3A_504 = vector.shape_cast %get3A_503 : vector<1x1x16xf32> to vector<16xf32>
      %mul3A_505 = arith.constant 8.000000e+00 : f32
      %mul3A_506 = vector.broadcast %mul3A_505 : f32 to vector<16xf32>
      %mul3A_507 = arith.mulf %get3A_504, %mul3A_506 : vector<16xf32>
      %add3A_508 = arith.constant 3 : i32
      %add3A_509 = arith.addi %mul3A_238, %add3A_508 : i32
      %swap3A_510 = arith.constant 0 : i32
      %swap3A_511 = arith.index_cast %swap3A_510 : i32 to index
      %swap3A_512 = arith.index_cast %add3A_509 : i32 to index
      %swap3A_513 = arith.constant 16 : index
      %swap3A_514 = tpu.vector_load %arg7[%swap3A_511, %swap3A_512, %swap3A_513] {strides = array<i32>} : memref<2x128x64xf32, #tpu.memory_space<vmem>>, vector<1x1x16xf32>,
      %swap3A_515 = vector.shape_cast %swap3A_514 : vector<1x1x16xf32> to vector<16xf32>
      %swap3A_516 = vector.shape_cast %mul3A_507 : vector<16xf32> to vector<1x1x16xf32>
      tpu.vector_store %arg7[%swap3A_511, %swap3A_512, %swap3A_513], %swap3A_516 {strides = array<i32>} : memref<2x128x64xf32, #tpu.memory_space<vmem>>, vector<1x1x16xf32>,
      %add3A_517 = arith.constant 3 : i32
      %add3A_518 = arith.addi %mul3A_238, %add3A_517 : i32
      %get3A_519 = arith.constant 0 : i32
      %get3A_520 = arith.index_cast %get3A_519 : i32 to index
      %get3A_521 = arith.index_cast %add3A_518 : i32 to index
      %get3A_522 = arith.constant 32 : index
      %get3A_523 = tpu.vector_load %arg6[%get3A_520, %get3A_521, %get3A_522] {strides = array<i32>} : memref<2x128x128xf32, #tpu.memory_space<vmem>>, vector<1x1x16xf32>,
      %get3A_524 = vector.shape_cast %get3A_523 : vector<1x1x16xf32> to vector<16xf32>
      %mul3A_525 = arith.constant 8.000000e+00 : f32
      %mul3A_526 = vector.broadcast %mul3A_525 : f32 to vector<16xf32>
      %mul3A_527 = arith.mulf %get3A_524, %mul3A_526 : vector<16xf32>
      %add3A_528 = arith.constant 3 : i32
      %add3A_529 = arith.addi %mul3A_238, %add3A_528 : i32
      %swap3A_530 = arith.constant 0 : i32
      %swap3A_531 = arith.index_cast %swap3A_530 : i32 to index
      %swap3A_532 = arith.index_cast %add3A_529 : i32 to index
      %swap3A_533 = arith.constant 32 : index
      %swap3A_534 = tpu.vector_load %arg7[%swap3A_531, %swap3A_532, %swap3A_533] {strides = array<i32>} : memref<2x128x64xf32, #tpu.memory_space<vmem>>, vector<1x1x16xf32>,
      %swap3A_535 = vector.shape_cast %swap3A_534 : vector<1x1x16xf32> to vector<16xf32>
      %swap3A_536 = vector.shape_cast %mul3A_527 : vector<16xf32> to vector<1x1x16xf32>
      tpu.vector_store %arg7[%swap3A_531, %swap3A_532, %swap3A_533], %swap3A_536 {strides = array<i32>} : memref<2x128x64xf32, #tpu.memory_space<vmem>>, vector<1x1x16xf32>,
      %add3A_537 = arith.constant 3 : i32
      %add3A_538 = arith.addi %mul3A_238, %add3A_537 : i32
      %get3A_539 = arith.constant 0 : i32
      %get3A_540 = arith.index_cast %get3A_539 : i32 to index
      %get3A_541 = arith.index_cast %add3A_538 : i32 to index
      %get3A_542 = arith.constant 48 : index
      %get3A_543 = tpu.vector_load %arg6[%get3A_540, %get3A_541, %get3A_542] {strides = array<i32>} : memref<2x128x128xf32, #tpu.memory_space<vmem>>, vector<1x1x16xf32>,
      %get3A_544 = vector.shape_cast %get3A_543 : vector<1x1x16xf32> to vector<16xf32>
      %mul3A_545 = arith.constant 8.000000e+00 : f32
      %mul3A_546 = vector.broadcast %mul3A_545 : f32 to vector<16xf32>
      %mul3A_547 = arith.mulf %get3A_544, %mul3A_546 : vector<16xf32>
      %add3A_548 = arith.constant 3 : i32
      %add3A_549 = arith.addi %mul3A_238, %add3A_548 : i32
      %swap3A_550 = arith.constant 0 : i32
      %swap3A_551 = arith.index_cast %swap3A_550 : i32 to index
      %swap3A_552 = arith.index_cast %add3A_549 : i32 to index
      %swap3A_553 = arith.constant 48 : index
      %swap3A_554 = tpu.vector_load %arg7[%swap3A_551, %swap3A_552, %swap3A_553] {strides = array<i32>} : memref<2x128x64xf32, #tpu.memory_space<vmem>>, vector<1x1x16xf32>,
      %swap3A_555 = vector.shape_cast %swap3A_554 : vector<1x1x16xf32> to vector<16xf32>
      %swap3A_556 = vector.shape_cast %mul3A_547 : vector<16xf32> to vector<1x1x16xf32>
      tpu.vector_store %arg7[%swap3A_551, %swap3A_552, %swap3A_553], %swap3A_556 {strides = array<i32>} : memref<2x128x64xf32, #tpu.memory_space<vmem>>, vector<1x1x16xf32>,
      %add3A_557 = arith.constant 4 : i32
      %add3A_558 = arith.addi %mul3A_238, %add3A_557 : i32
      %get3A_559 = arith.constant 0 : i32
      %get3A_560 = arith.index_cast %get3A_559 : i32 to index
      %get3A_561 = arith.index_cast %add3A_558 : i32 to index
      %get3A_562 = arith.constant 0 : index
      %get3A_563 = tpu.vector_load %arg6[%get3A_560, %get3A_561, %get3A_562] {strides = array<i32>} : memref<2x128x128xf32, #tpu.memory_space<vmem>>, vector<1x1x16xf32>,
      %get3A_564 = vector.shape_cast %get3A_563 : vector<1x1x16xf32> to vector<16xf32>
      %mul3A_565 = arith.constant 8.000000e+00 : f32
      %mul3A_566 = vector.broadcast %mul3A_565 : f32 to vector<16xf32>
      %mul3A_567 = arith.mulf %get3A_564, %mul3A_566 : vector<16xf32>
      %add3A_568 = arith.constant 4 : i32
      %add3A_569 = arith.addi %mul3A_238, %add3A_568 : i32
      %swap3A_570 = arith.constant 0 : i32
      %swap3A_571 = arith.index_cast %swap3A_570 : i32 to index
      %swap3A_572 = arith.index_cast %add3A_569 : i32 to index
      %swap3A_573 = arith.constant 0 : index
      %swap3A_574 = tpu.vector_load %arg7[%swap3A_571, %swap3A_572, %swap3A_573] {strides = array<i32>} : memref<2x128x64xf32, #tpu.memory_space<vmem>>, vector<1x1x16xf32>,
      %swap3A_575 = vector.shape_cast %swap3A_574 : vector<1x1x16xf32> to vector<16xf32>
      %swap3A_576 = vector.shape_cast %mul3A_567 : vector<16xf32> to vector<1x1x16xf32>
      tpu.vector_store %arg7[%swap3A_571, %swap3A_572, %swap3A_573], %swap3A_576 {strides = array<i32>} : memref<2x128x64xf32, #tpu.memory_space<vmem>>, vector<1x1x16xf32>,
      %add3A_577 = arith.constant 4 : i32
      %add3A_578 = arith.addi %mul3A_238, %add3A_577 : i32
      %get3A_579 = arith.constant 0 : i32
      %get3A_580 = arith.index_cast %get3A_579 : i32 to index
      %get3A_581 = arith.index_cast %add3A_578 : i32 to index
      %get3A_582 = arith.constant 16 : index
      %get3A_583 = tpu.vector_load %arg6[%get3A_580, %get3A_581, %get3A_582] {strides = array<i32>} : memref<2x128x128xf32, #tpu.memory_space<vmem>>, vector<1x1x16xf32>,
      %get3A_584 = vector.shape_cast %get3A_583 : vector<1x1x16xf32> to vector<16xf32>
      %mul3A_585 = arith.constant 8.000000e+00 : f32
      %mul3A_586 = vector.broadcast %mul3A_585 : f32 to vector<16xf32>
      %mul3A_587 = arith.mulf %get3A_584, %mul3A_586 : vector<16xf32>
      %add3A_588 = arith.constant 4 : i32
      %add3A_589 = arith.addi %mul3A_238, %add3A_588 : i32
      %swap3A_590 = arith.constant 0 : i32
      %swap3A_591 = arith.index_cast %swap3A_590 : i32 to index
      %swap3A_592 = arith.index_cast %add3A_589 : i32 to index
      %swap3A_593 = arith.constant 16 : index
      %swap3A_594 = tpu.vector_load %arg7[%swap3A_591, %swap3A_592, %swap3A_593] {strides = array<i32>} : memref<2x128x64xf32, #tpu.memory_space<vmem>>, vector<1x1x16xf32>,
      %swap3A_595 = vector.shape_cast %swap3A_594 : vector<1x1x16xf32> to vector<16xf32>
      %swap3A_596 = vector.shape_cast %mul3A_587 : vector<16xf32> to vector<1x1x16xf32>
      tpu.vector_store %arg7[%swap3A_591, %swap3A_592, %swap3A_593], %swap3A_596 {strides = array<i32>} : memref<2x128x64xf32, #tpu.memory_space<vmem>>, vector<1x1x16xf32>,
      %add3A_597 = arith.constant 4 : i32
      %add3A_598 = arith.addi %mul3A_238, %add3A_597 : i32
      %get3A_599 = arith.constant 0 : i32
      %get3A_600 = arith.index_cast %get3A_599 : i32 to index
      %get3A_601 = arith.index_cast %add3A_598 : i32 to index
      %get3A_602 = arith.constant 32 : index
      %get3A_603 = tpu.vector_load %arg6[%get3A_600, %get3A_601, %get3A_602] {strides = array<i32>} : memref<2x128x128xf32, #tpu.memory_space<vmem>>, vector<1x1x16xf32>,
      %get3A_604 = vector.shape_cast %get3A_603 : vector<1x1x16xf32> to vector<16xf32>
      %mul3A_605 = arith.constant 8.000000e+00 : f32
      %mul3A_606 = vector.broadcast %mul3A_605 : f32 to vector<16xf32>
      %mul3A_607 = arith.mulf %get3A_604, %mul3A_606 : vector<16xf32>
      %add3A_608 = arith.constant 4 : i32
      %add3A_609 = arith.addi %mul3A_238, %add3A_608 : i32
      %swap3A_610 = arith.constant 0 : i32
      %swap3A_611 = arith.index_cast %swap3A_610 : i32 to index
      %swap3A_612 = arith.index_cast %add3A_609 : i32 to index
      %swap3A_613 = arith.constant 32 : index
      %swap3A_614 = tpu.vector_load %arg7[%swap3A_611, %swap3A_612, %swap3A_613] {strides = array<i32>} : memref<2x128x64xf32, #tpu.memory_space<vmem>>, vector<1x1x16xf32>,
      %swap3A_615 = vector.shape_cast %swap3A_614 : vector<1x1x16xf32> to vector<16xf32>
      %swap3A_616 = vector.shape_cast %mul3A_607 : vector<16xf32> to vector<1x1x16xf32>
      tpu.vector_store %arg7[%swap3A_611, %swap3A_612, %swap3A_613], %swap3A_616 {strides = array<i32>} : memref<2x128x64xf32, #tpu.memory_space<vmem>>, vector<1x1x16xf32>,
      %add3A_617 = arith.constant 4 : i32
      %add3A_618 = arith.addi %mul3A_238, %add3A_617 : i32
      %get3A_619 = arith.constant 0 : i32
      %get3A_620 = arith.index_cast %get3A_619 : i32 to index
      %get3A_621 = arith.index_cast %add3A_618 : i32 to index
      %get3A_622 = arith.constant 48 : index
      %get3A_623 = tpu.vector_load %arg6[%get3A_620, %get3A_621, %get3A_622] {strides = array<i32>} : memref<2x128x128xf32, #tpu.memory_space<vmem>>, vector<1x1x16xf32>,
      %get3A_624 = vector.shape_cast %get3A_623 : vector<1x1x16xf32> to vector<16xf32>
      %mul3A_625 = arith.constant 8.000000e+00 : f32
      %mul3A_626 = vector.broadcast %mul3A_625 : f32 to vector<16xf32>
      %mul3A_627 = arith.mulf %get3A_624, %mul3A_626 : vector<16xf32>
      %add3A_628 = arith.constant 4 : i32
      %add3A_629 = arith.addi %mul3A_238, %add3A_628 : i32
      %swap3A_630 = arith.constant 0 : i32
      %swap3A_631 = arith.index_cast %swap3A_630 : i32 to index
      %swap3A_632 = arith.index_cast %add3A_629 : i32 to index
      %swap3A_633 = arith.constant 48 : index
      %swap3A_634 = tpu.vector_load %arg7[%swap3A_631, %swap3A_632, %swap3A_633] {strides = array<i32>} : memref<2x128x64xf32, #tpu.memory_space<vmem>>, vector<1x1x16xf32>,
      %swap3A_635 = vector.shape_cast %swap3A_634 : vector<1x1x16xf32> to vector<16xf32>
      %swap3A_636 = vector.shape_cast %mul3A_627 : vector<16xf32> to vector<1x1x16xf32>
      tpu.vector_store %arg7[%swap3A_631, %swap3A_632, %swap3A_633], %swap3A_636 {strides = array<i32>} : memref<2x128x64xf32, #tpu.memory_space<vmem>>, vector<1x1x16xf32>,
      %add3A_637 = arith.constant 5 : i32
      %add3A_638 = arith.addi %mul3A_238, %add3A_637 : i32
      %get3A_639 = arith.constant 0 : i32
      %get3A_640 = arith.index_cast %get3A_639 : i32 to index
      %get3A_641 = arith.index_cast %add3A_638 : i32 to index
      %get3A_642 = arith.constant 0 : index
      %get3A_643 = tpu.vector_load %arg6[%get3A_640, %get3A_641, %get3A_642] {strides = array<i32>} : memref<2x128x128xf32, #tpu.memory_space<vmem>>, vector<1x1x16xf32>,
      %get3A_644 = vector.shape_cast %get3A_643 : vector<1x1x16xf32> to vector<16xf32>
      %mul3A_645 = arith.constant 8.000000e+00 : f32
      %mul3A_646 = vector.broadcast %mul3A_645 : f32 to vector<16xf32>
      %mul3A_647 = arith.mulf %get3A_644, %mul3A_646 : vector<16xf32>
      %add3A_648 = arith.constant 5 : i32
      %add3A_649 = arith.addi %mul3A_238, %add3A_648 : i32
      %swap3A_650 = arith.constant 0 : i32
      %swap3A_651 = arith.index_cast %swap3A_650 : i32 to index
      %swap3A_652 = arith.index_cast %add3A_649 : i32 to index
      %swap3A_653 = arith.constant 0 : index
      %swap3A_654 = tpu.vector_load %arg7[%swap3A_651, %swap3A_652, %swap3A_653] {strides = array<i32>} : memref<2x128x64xf32, #tpu.memory_space<vmem>>, vector<1x1x16xf32>,
      %swap3A_655 = vector.shape_cast %swap3A_654 : vector<1x1x16xf32> to vector<16xf32>
      %swap3A_656 = vector.shape_cast %mul3A_647 : vector<16xf32> to vector<1x1x16xf32>
      tpu.vector_store %arg7[%swap3A_651, %swap3A_652, %swap3A_653], %swap3A_656 {strides = array<i32>} : memref<2x128x64xf32, #tpu.memory_space<vmem>>, vector<1x1x16xf32>,
      %add3A_657 = arith.constant 5 : i32
      %add3A_658 = arith.addi %mul3A_238, %add3A_657 : i32
      %get3A_659 = arith.constant 0 : i32
      %get3A_660 = arith.index_cast %get3A_659 : i32 to index
      %get3A_661 = arith.index_cast %add3A_658 : i32 to index
      %get3A_662 = arith.constant 16 : index
      %get3A_663 = tpu.vector_load %arg6[%get3A_660, %get3A_661, %get3A_662] {strides = array<i32>} : memref<2x128x128xf32, #tpu.memory_space<vmem>>, vector<1x1x16xf32>,
      %get3A_664 = vector.shape_cast %get3A_663 : vector<1x1x16xf32> to vector<16xf32>
      %mul3A_665 = arith.constant 8.000000e+00 : f32
      %mul3A_666 = vector.broadcast %mul3A_665 : f32 to vector<16xf32>
      %mul3A_667 = arith.mulf %get3A_664, %mul3A_666 : vector<16xf32>
      %add3A_668 = arith.constant 5 : i32
      %add3A_669 = arith.addi %mul3A_238, %add3A_668 : i32
      %swap3A_670 = arith.constant 0 : i32
      %swap3A_671 = arith.index_cast %swap3A_670 : i32 to index
      %swap3A_672 = arith.index_cast %add3A_669 : i32 to index
      %swap3A_673 = arith.constant 16 : index
      %swap3A_674 = tpu.vector_load %arg7[%swap3A_671, %swap3A_672, %swap3A_673] {strides = array<i32>} : memref<2x128x64xf32, #tpu.memory_space<vmem>>, vector<1x1x16xf32>,
      %swap3A_675 = vector.shape_cast %swap3A_674 : vector<1x1x16xf32> to vector<16xf32>
      %swap3A_676 = vector.shape_cast %mul3A_667 : vector<16xf32> to vector<1x1x16xf32>
      tpu.vector_store %arg7[%swap3A_671, %swap3A_672, %swap3A_673], %swap3A_676 {strides = array<i32>} : memref<2x128x64xf32, #tpu.memory_space<vmem>>, vector<1x1x16xf32>,
      %add3A_677 = arith.constant 5 : i32
      %add3A_678 = arith.addi %mul3A_238, %add3A_677 : i32
      %get3A_679 = arith.constant 0 : i32
      %get3A_680 = arith.index_cast %get3A_679 : i32 to index
      %get3A_681 = arith.index_cast %add3A_678 : i32 to index
      %get3A_682 = arith.constant 32 : index
      %get3A_683 = tpu.vector_load %arg6[%get3A_680, %get3A_681, %get3A_682] {strides = array<i32>} : memref<2x128x128xf32, #tpu.memory_space<vmem>>, vector<1x1x16xf32>,
      %get3A_684 = vector.shape_cast %get3A_683 : vector<1x1x16xf32> to vector<16xf32>
      %mul3A_685 = arith.constant 8.000000e+00 : f32
      %mul3A_686 = vector.broadcast %mul3A_685 : f32 to vector<16xf32>
      %mul3A_687 = arith.mulf %get3A_684, %mul3A_686 : vector<16xf32>
      %add3A_688 = arith.constant 5 : i32
      %add3A_689 = arith.addi %mul3A_238, %add3A_688 : i32
      %swap3A_690 = arith.constant 0 : i32
      %swap3A_691 = arith.index_cast %swap3A_690 : i32 to index
      %swap3A_692 = arith.index_cast %add3A_689 : i32 to index
      %swap3A_693 = arith.constant 32 : index
      %swap3A_694 = tpu.vector_load %arg7[%swap3A_691, %swap3A_692, %swap3A_693] {strides = array<i32>} : memref<2x128x64xf32, #tpu.memory_space<vmem>>, vector<1x1x16xf32>,
      %swap3A_695 = vector.shape_cast %swap3A_694 : vector<1x1x16xf32> to vector<16xf32>
      %swap3A_696 = vector.shape_cast %mul3A_687 : vector<16xf32> to vector<1x1x16xf32>
      tpu.vector_store %arg7[%swap3A_691, %swap3A_692, %swap3A_693], %swap3A_696 {strides = array<i32>} : memref<2x128x64xf32, #tpu.memory_space<vmem>>, vector<1x1x16xf32>,
      %add3A_697 = arith.constant 5 : i32
      %add3A_698 = arith.addi %mul3A_238, %add3A_697 : i32
      %get3A_699 = arith.constant 0 : i32
      %get3A_700 = arith.index_cast %get3A_699 : i32 to index
      %get3A_701 = arith.index_cast %add3A_698 : i32 to index
      %get3A_702 = arith.constant 48 : index
      %get3A_703 = tpu.vector_load %arg6[%get3A_700, %get3A_701, %get3A_702] {strides = array<i32>} : memref<2x128x128xf32, #tpu.memory_space<vmem>>, vector<1x1x16xf32>,
      %get3A_704 = vector.shape_cast %get3A_703 : vector<1x1x16xf32> to vector<16xf32>
      %mul3A_705 = arith.constant 8.000000e+00 : f32
      %mul3A_706 = vector.broadcast %mul3A_705 : f32 to vector<16xf32>
      %mul3A_707 = arith.mulf %get3A_704, %mul3A_706 : vector<16xf32>
      %add3A_708 = arith.constant 5 : i32
      %add3A_709 = arith.addi %mul3A_238, %add3A_708 : i32
      %swap3A_710 = arith.constant 0 : i32
      %swap3A_711 = arith.index_cast %swap3A_710 : i32 to index
      %swap3A_712 = arith.index_cast %add3A_709 : i32 to index
      %swap3A_713 = arith.constant 48 : index
      %swap3A_714 = tpu.vector_load %arg7[%swap3A_711, %swap3A_712, %swap3A_713] {strides = array<i32>} : memref<2x128x64xf32, #tpu.memory_space<vmem>>, vector<1x1x16xf32>,
      %swap3A_715 = vector.shape_cast %swap3A_714 : vector<1x1x16xf32> to vector<16xf32>
      %swap3A_716 = vector.shape_cast %mul3A_707 : vector<16xf32> to vector<1x1x16xf32>
      tpu.vector_store %arg7[%swap3A_711, %swap3A_712, %swap3A_713], %swap3A_716 {strides = array<i32>} : memref<2x128x64xf32, #tpu.memory_space<vmem>>, vector<1x1x16xf32>,
      %add3A_717 = arith.constant 6 : i32
      %add3A_718 = arith.addi %mul3A_238, %add3A_717 : i32
      %get3A_719 = arith.constant 0 : i32
      %get3A_720 = arith.index_cast %get3A_719 : i32 to index
      %get3A_721 = arith.index_cast %add3A_718 : i32 to index
      %get3A_722 = arith.constant 0 : index
      %get3A_723 = tpu.vector_load %arg6[%get3A_720, %get3A_721, %get3A_722] {strides = array<i32>} : memref<2x128x128xf32, #tpu.memory_space<vmem>>, vector<1x1x16xf32>,
      %get3A_724 = vector.shape_cast %get3A_723 : vector<1x1x16xf32> to vector<16xf32>
      %mul3A_725 = arith.constant 8.000000e+00 : f32
      %mul3A_726 = vector.broadcast %mul3A_725 : f32 to vector<16xf32>
      %mul3A_727 = arith.mulf %get3A_724, %mul3A_726 : vector<16xf32>
      %add3A_728 = arith.constant 6 : i32
      %add3A_729 = arith.addi %mul3A_238, %add3A_728 : i32
      %swap3A_730 = arith.constant 0 : i32
      %swap3A_731 = arith.index_cast %swap3A_730 : i32 to index
      %swap3A_732 = arith.index_cast %add3A_729 : i32 to index
      %swap3A_733 = arith.constant 0 : index
      %swap3A_734 = tpu.vector_load %arg7[%swap3A_731, %swap3A_732, %swap3A_733] {strides = array<i32>} : memref<2x128x64xf32, #tpu.memory_space<vmem>>, vector<1x1x16xf32>,
      %swap3A_735 = vector.shape_cast %swap3A_734 : vector<1x1x16xf32> to vector<16xf32>
      %swap3A_736 = vector.shape_cast %mul3A_727 : vector<16xf32> to vector<1x1x16xf32>
      tpu.vector_store %arg7[%swap3A_731, %swap3A_732, %swap3A_733], %swap3A_736 {strides = array<i32>} : memref<2x128x64xf32, #tpu.memory_space<vmem>>, vector<1x1x16xf32>,
      %add3A_737 = arith.constant 6 : i32
      %add3A_738 = arith.addi %mul3A_238, %add3A_737 : i32
      %get3A_739 = arith.constant 0 : i32
      %get3A_740 = arith.index_cast %get3A_739 : i32 to index
      %get3A_741 = arith.index_cast %add3A_738 : i32 to index
      %get3A_742 = arith.constant 16 : index
      %get3A_743 = tpu.vector_load %arg6[%get3A_740, %get3A_741, %get3A_742] {strides = array<i32>} : memref<2x128x128xf32, #tpu.memory_space<vmem>>, vector<1x1x16xf32>,
      %get3A_744 = vector.shape_cast %get3A_743 : vector<1x1x16xf32> to vector<16xf32>
      %mul3A_745 = arith.constant 8.000000e+00 : f32
      %mul3A_746 = vector.broadcast %mul3A_745 : f32 to vector<16xf32>
      %mul3A_747 = arith.mulf %get3A_744, %mul3A_746 : vector<16xf32>
      %add3A_748 = arith.constant 6 : i32
      %add3A_749 = arith.addi %mul3A_238, %add3A_748 : i32
      %swap3A_750 = arith.constant 0 : i32
      %swap3A_751 = arith.index_cast %swap3A_750 : i32 to index
      %swap3A_752 = arith.index_cast %add3A_749 : i32 to index
      %swap3A_753 = arith.constant 16 : index
      %swap3A_754 = tpu.vector_load %arg7[%swap3A_751, %swap3A_752, %swap3A_753] {strides = array<i32>} : memref<2x128x64xf32, #tpu.memory_space<vmem>>, vector<1x1x16xf32>,
      %swap3A_755 = vector.shape_cast %swap3A_754 : vector<1x1x16xf32> to vector<16xf32>
      %swap3A_756 = vector.shape_cast %mul3A_747 : vector<16xf32> to vector<1x1x16xf32>
      tpu.vector_store %arg7[%swap3A_751, %swap3A_752, %swap3A_753], %swap3A_756 {strides = array<i32>} : memref<2x128x64xf32, #tpu.memory_space<vmem>>, vector<1x1x16xf32>,
      %add3A_757 = arith.constant 6 : i32
      %add3A_758 = arith.addi %mul3A_238, %add3A_757 : i32
      %get3A_759 = arith.constant 0 : i32
      %get3A_760 = arith.index_cast %get3A_759 : i32 to index
      %get3A_761 = arith.index_cast %add3A_758 : i32 to index
      %get3A_762 = arith.constant 32 : index
      %get3A_763 = tpu.vector_load %arg6[%get3A_760, %get3A_761, %get3A_762] {strides = array<i32>} : memref<2x128x128xf32, #tpu.memory_space<vmem>>, vector<1x1x16xf32>,
      %get3A_764 = vector.shape_cast %get3A_763 : vector<1x1x16xf32> to vector<16xf32>
      %mul3A_765 = arith.constant 8.000000e+00 : f32
      %mul3A_766 = vector.broadcast %mul3A_765 : f32 to vector<16xf32>
      %mul3A_767 = arith.mulf %get3A_764, %mul3A_766 : vector<16xf32>
      %add3A_768 = arith.constant 6 : i32
      %add3A_769 = arith.addi %mul3A_238, %add3A_768 : i32
      %swap3A_770 = arith.constant 0 : i32
      %swap3A_771 = arith.index_cast %swap3A_770 : i32 to index
      %swap3A_772 = arith.index_cast %add3A_769 : i32 to index
      %swap3A_773 = arith.constant 32 : index
      %swap3A_774 = tpu.vector_load %arg7[%swap3A_771, %swap3A_772, %swap3A_773] {strides = array<i32>} : memref<2x128x64xf32, #tpu.memory_space<vmem>>, vector<1x1x16xf32>,
      %swap3A_775 = vector.shape_cast %swap3A_774 : vector<1x1x16xf32> to vector<16xf32>
      %swap3A_776 = vector.shape_cast %mul3A_767 : vector<16xf32> to vector<1x1x16xf32>
      tpu.vector_store %arg7[%swap3A_771, %swap3A_772, %swap3A_773], %swap3A_776 {strides = array<i32>} : memref<2x128x64xf32, #tpu.memory_space<vmem>>, vector<1x1x16xf32>,
      %add3A_777 = arith.constant 6 : i32
      %add3A_778 = arith.addi %mul3A_238, %add3A_777 : i32
      %get3A_779 = arith.constant 0 : i32
      %get3A_780 = arith.index_cast %get3A_779 : i32 to index
      %get3A_781 = arith.index_cast %add3A_778 : i32 to index
      %get3A_782 = arith.constant 48 : index
      %get3A_783 = tpu.vector_load %arg6[%get3A_780, %get3A_781, %get3A_782] {strides = array<i32>} : memref<2x128x128xf32, #tpu.memory_space<vmem>>, vector<1x1x16xf32>,
      %get3A_784 = vector.shape_cast %get3A_783 : vector<1x1x16xf32> to vector<16xf32>
      %mul3A_785 = arith.constant 8.000000e+00 : f32
      %mul3A_786 = vector.broadcast %mul3A_785 : f32 to vector<16xf32>
      %mul3A_787 = arith.mulf %get3A_784, %mul3A_786 : vector<16xf32>
      %add3A_788 = arith.constant 6 : i32
      %add3A_789 = arith.addi %mul3A_238, %add3A_788 : i32
      %swap3A_790 = arith.constant 0 : i32
      %swap3A_791 = arith.index_cast %swap3A_790 : i32 to index
      %swap3A_792 = arith.index_cast %add3A_789 : i32 to index
      %swap3A_793 = arith.constant 48 : index
      %swap3A_794 = tpu.vector_load %arg7[%swap3A_791, %swap3A_792, %swap3A_793] {strides = array<i32>} : memref<2x128x64xf32, #tpu.memory_space<vmem>>, vector<1x1x16xf32>,
      %swap3A_795 = vector.shape_cast %swap3A_794 : vector<1x1x16xf32> to vector<16xf32>
      %swap3A_796 = vector.shape_cast %mul3A_787 : vector<16xf32> to vector<1x1x16xf32>
      tpu.vector_store %arg7[%swap3A_791, %swap3A_792, %swap3A_793], %swap3A_796 {strides = array<i32>} : memref<2x128x64xf32, #tpu.memory_space<vmem>>, vector<1x1x16xf32>,
      %add3A_797 = arith.constant 7 : i32
      %add3A_798 = arith.addi %mul3A_238, %add3A_797 : i32
      %get3A_799 = arith.constant 0 : i32
      %get3A_800 = arith.index_cast %get3A_799 : i32 to index
      %get3A_801 = arith.index_cast %add3A_798 : i32 to index
      %get3A_802 = arith.constant 0 : index
      %get3A_803 = tpu.vector_load %arg6[%get3A_800, %get3A_801, %get3A_802] {strides = array<i32>} : memref<2x128x128xf32, #tpu.memory_space<vmem>>, vector<1x1x16xf32>,
      %get3A_804 = vector.shape_cast %get3A_803 : vector<1x1x16xf32> to vector<16xf32>
      %mul3A_805 = arith.constant 8.000000e+00 : f32
      %mul3A_806 = vector.broadcast %mul3A_805 : f32 to vector<16xf32>
      %mul3A_807 = arith.mulf %get3A_804, %mul3A_806 : vector<16xf32>
      %add3A_808 = arith.constant 7 : i32
      %add3A_809 = arith.addi %mul3A_238, %add3A_808 : i32
      %swap3A_810 = arith.constant 0 : i32
      %swap3A_811 = arith.index_cast %swap3A_810 : i32 to index
      %swap3A_812 = arith.index_cast %add3A_809 : i32 to index
      %swap3A_813 = arith.constant 0 : index
      %swap3A_814 = tpu.vector_load %arg7[%swap3A_811, %swap3A_812, %swap3A_813] {strides = array<i32>} : memref<2x128x64xf32, #tpu.memory_space<vmem>>, vector<1x1x16xf32>,
      %swap3A_815 = vector.shape_cast %swap3A_814 : vector<1x1x16xf32> to vector<16xf32>
      %swap3A_816 = vector.shape_cast %mul3A_807 : vector<16xf32> to vector<1x1x16xf32>
      tpu.vector_store %arg7[%swap3A_811, %swap3A_812, %swap3A_813], %swap3A_816 {strides = array<i32>} : memref<2x128x64xf32, #tpu.memory_space<vmem>>, vector<1x1x16xf32>,
      %add3A_817 = arith.constant 7 : i32
      %add3A_818 = arith.addi %mul3A_238, %add3A_817 : i32
      %get3A_819 = arith.constant 0 : i32
      %get3A_820 = arith.index_cast %get3A_819 : i32 to index
      %get3A_821 = arith.index_cast %add3A_818 : i32 to index
      %get3A_822 = arith.constant 16 : index
      %get3A_823 = tpu.vector_load %arg6[%get3A_820, %get3A_821, %get3A_822] {strides = array<i32>} : memref<2x128x128xf32, #tpu.memory_space<vmem>>, vector<1x1x16xf32>,
      %get3A_824 = vector.shape_cast %get3A_823 : vector<1x1x16xf32> to vector<16xf32>
      %mul3A_825 = arith.constant 8.000000e+00 : f32
      %mul3A_826 = vector.broadcast %mul3A_825 : f32 to vector<16xf32>
      %mul3A_827 = arith.mulf %get3A_824, %mul3A_826 : vector<16xf32>
      %add3A_828 = arith.constant 7 : i32
      %add3A_829 = arith.addi %mul3A_238, %add3A_828 : i32
      %swap3A_830 = arith.constant 0 : i32
      %swap3A_831 = arith.index_cast %swap3A_830 : i32 to index
      %swap3A_832 = arith.index_cast %add3A_829 : i32 to index
      %swap3A_833 = arith.constant 16 : index
      %swap3A_834 = tpu.vector_load %arg7[%swap3A_831, %swap3A_832, %swap3A_833] {strides = array<i32>} : memref<2x128x64xf32, #tpu.memory_space<vmem>>, vector<1x1x16xf32>,
      %swap3A_835 = vector.shape_cast %swap3A_834 : vector<1x1x16xf32> to vector<16xf32>
      %swap3A_836 = vector.shape_cast %mul3A_827 : vector<16xf32> to vector<1x1x16xf32>
      tpu.vector_store %arg7[%swap3A_831, %swap3A_832, %swap3A_833], %swap3A_836 {strides = array<i32>} : memref<2x128x64xf32, #tpu.memory_space<vmem>>, vector<1x1x16xf32>,
      %add3A_837 = arith.constant 7 : i32
      %add3A_838 = arith.addi %mul3A_238, %add3A_837 : i32
      %get3A_839 = arith.constant 0 : i32
      %get3A_840 = arith.index_cast %get3A_839 : i32 to index
      %get3A_841 = arith.index_cast %add3A_838 : i32 to index
      %get3A_842 = arith.constant 32 : index
      %get3A_843 = tpu.vector_load %arg6[%get3A_840, %get3A_841, %get3A_842] {strides = array<i32>} : memref<2x128x128xf32, #tpu.memory_space<vmem>>, vector<1x1x16xf32>,
      %get3A_844 = vector.shape_cast %get3A_843 : vector<1x1x16xf32> to vector<16xf32>
      %mul3A_845 = arith.constant 8.000000e+00 : f32
      %mul3A_846 = vector.broadcast %mul3A_845 : f32 to vector<16xf32>
      %mul3A_847 = arith.mulf %get3A_844, %mul3A_846 : vector<16xf32>
      %add3A_848 = arith.constant 7 : i32
      %add3A_849 = arith.addi %mul3A_238, %add3A_848 : i32
      %swap3A_850 = arith.constant 0 : i32
      %swap3A_851 = arith.index_cast %swap3A_850 : i32 to index
      %swap3A_852 = arith.index_cast %add3A_849 : i32 to index
      %swap3A_853 = arith.constant 32 : index
      %swap3A_854 = tpu.vector_load %arg7[%swap3A_851, %swap3A_852, %swap3A_853] {strides = array<i32>} : memref<2x128x64xf32, #tpu.memory_space<vmem>>, vector<1x1x16xf32>,
      %swap3A_855 = vector.shape_cast %swap3A_854 : vector<1x1x16xf32> to vector<16xf32>
      %swap3A_856 = vector.shape_cast %mul3A_847 : vector<16xf32> to vector<1x1x16xf32>
      tpu.vector_store %arg7[%swap3A_851, %swap3A_852, %swap3A_853], %swap3A_856 {strides = array<i32>} : memref<2x128x64xf32, #tpu.memory_space<vmem>>, vector<1x1x16xf32>,
      %add3A_857 = arith.constant 7 : i32
      %add3A_858 = arith.addi %mul3A_238, %add3A_857 : i32
      %get3A_859 = arith.constant 0 : i32
      %get3A_860 = arith.index_cast %get3A_859 : i32 to index
      %get3A_861 = arith.index_cast %add3A_858 : i32 to index
      %get3A_862 = arith.constant 48 : index
      %get3A_863 = tpu.vector_load %arg6[%get3A_860, %get3A_861, %get3A_862] {strides = array<i32>} : memref<2x128x128xf32, #tpu.memory_space<vmem>>, vector<1x1x16xf32>,
      %get3A_864 = vector.shape_cast %get3A_863 : vector<1x1x16xf32> to vector<16xf32>
      %mul3A_865 = arith.constant 8.000000e+00 : f32
      %mul3A_866 = vector.broadcast %mul3A_865 : f32 to vector<16xf32>
      %mul3A_867 = arith.mulf %get3A_864, %mul3A_866 : vector<16xf32>
      %add3A_868 = arith.constant 7 : i32
      %add3A_869 = arith.addi %mul3A_238, %add3A_868 : i32
      %swap3A_870 = arith.constant 0 : i32
      %swap3A_871 = arith.index_cast %swap3A_870 : i32 to index
      %swap3A_872 = arith.index_cast %add3A_869 : i32 to index
      %swap3A_873 = arith.constant 48 : index
      %swap3A_874 = tpu.vector_load %arg7[%swap3A_871, %swap3A_872, %swap3A_873] {strides = array<i32>} : memref<2x128x64xf32, #tpu.memory_space<vmem>>, vector<1x1x16xf32>,
      %swap3A_875 = vector.shape_cast %swap3A_874 : vector<1x1x16xf32> to vector<16xf32>
      %swap3A_876 = vector.shape_cast %mul3A_867 : vector<16xf32> to vector<1x1x16xf32>
      tpu.vector_store %arg7[%swap3A_871, %swap3A_872, %swap3A_873], %swap3A_876 {strides = array<i32>} : memref<2x128x64xf32, #tpu.memory_space<vmem>>, vector<1x1x16xf32>,
      %scan3A_877 = arith.constant 0 : i32
      scf.yield %scan3A_877 : i32
    }
    %scan3A_142 = arith.constant 16 : i32
    %add3A_143 = arith.constant 25344 : i32
    %add3A_144 = arith.addi %mul3A_2, %add3A_143 : i32
    %dma_start3A_145 = arith.constant 0 : i32
    %dma_start3A_146 = arith.constant 0 : i32
    %dma_start3A_147 = arith.constant 0 : i32
    %dma_start3A_148 = tpu.memref_slice %arg7[%dma_start3A_145, %dma_start3A_146, %dma_start3A_147] : memref<2x128x64xf32, #tpu.memory_space<vmem>> -> memref<1x128x64xf32, #tpu.memory_space<vmem>>
    %dma_start3A_149 = tpu.memref_squeeze %dma_start3A_148 : memref<1x128x64xf32, #tpu.memory_space<vmem>> -> memref<128x64xf32, #tpu.memory_space<vmem>>
    %dma_start3A_150 = arith.constant 0 : i32
    %dma_start3A_151 = tpu.memref_slice %arg4[%add3A_144, %dma_start3A_150] : memref<819200x64xf32, #tpu.memory_space<hbm>> -> memref<128x64xf32, #tpu.memory_space<hbm>>
    %dma_start3A_152 = arith.constant 0 : i32
    %dma_start3A_153 = tpu.memref_slice %arg4[%add3A_144, %dma_start3A_152] : memref<819200x64xf32, #tpu.memory_space<hbm>> -> memref<128x64xf32, #tpu.memory_space<hbm>>
    %dma_start3A_154 = arith.constant 0 : i32
    %dma_start3A_155 = arith.constant 0 : i32
    %dma_start3A_156 = tpu.memref_slice %arg7[%dma_start3A_145, %dma_start3A_154, %dma_start3A_155] : memref<2x128x64xf32, #tpu.memory_space<vmem>> -> memref<1x128x64xf32, #tpu.memory_space<vmem>>
    %dma_start3A_157 = tpu.memref_squeeze %dma_start3A_156 : memref<1x128x64xf32, #tpu.memory_space<vmem>> -> memref<128x64xf32, #tpu.memory_space<vmem>>
    tpu.enqueue_dma source(%dma_start3A_157 : memref<128x64xf32, #tpu.memory_space<vmem>>) target(%dma_start3A_153 : memref<128x64xf32, #tpu.memory_space<hbm>>) target_semaphore(%arg10 : memref<!tpu.dma_semaphore, #tpu.memory_space<semaphore_mem>>)
    %dma_wait3A_158 = arith.constant 1 : i32
    %dma_wait3A_159 = arith.constant 0 : i32
    %dma_wait3A_160 = arith.constant 0 : i32
    %dma_wait3A_161 = tpu.memref_slice %arg6[%dma_wait3A_158, %dma_wait3A_159, %dma_wait3A_160] : memref<2x128x128xf32, #tpu.memory_space<vmem>> -> memref<1x128x128xf32, #tpu.memory_space<vmem>>
    %dma_wait3A_162 = tpu.memref_squeeze %dma_wait3A_161 : memref<1x128x128xf32, #tpu.memory_space<vmem>> -> memref<128x128xf32, #tpu.memory_space<vmem>>
    %dma_wait3A_163 = arith.constant 25472 : i32
    %dma_wait3A_164 = tpu.memref_slice %arg5[%dma_wait3A_163] : memref<25600xi32, #tpu.memory_space<vmem>> -> memref<128xi32, #tpu.memory_space<vmem>>
    %dma_wait3A_165 = arith.constant 0 : i32
    %dma_wait3A_166 = arith.constant 0 : i32
    %dma_wait3A_167 = tpu.memref_slice %arg3[%dma_wait3A_165, %dma_wait3A_166] : memref<100000x128xf32, #tpu.memory_space<hbm>> -> memref<100000x128xf32, #tpu.memory_space<hbm>>
    tpu.wait_indirect_dma semaphore(%arg9 : memref<!tpu.dma_semaphore, #tpu.memory_space<semaphore_mem>>) src(%dma_wait3A_167 : memref<100000x128xf32, #tpu.memory_space<hbm>>) dst(%dma_wait3A_162 : memref<128x128xf32, #tpu.memory_space<vmem>>)
    %add3A_168 = arith.constant 25216 : i32
    %add3A_169 = arith.addi %mul3A_2, %add3A_168 : i32
    %dma_wait3A_170 = arith.constant 1 : i32
    %dma_wait3A_171 = arith.constant 0 : i32
    %dma_wait3A_172 = arith.constant 0 : i32
    %dma_wait3A_173 = tpu.memref_slice %arg7[%dma_wait3A_170, %dma_wait3A_171, %dma_wait3A_172] : memref<2x128x64xf32, #tpu.memory_space<vmem>> -> memref<1x128x64xf32, #tpu.memory_space<vmem>>
    %dma_wait3A_174 = tpu.memref_squeeze %dma_wait3A_173 : memref<1x128x64xf32, #tpu.memory_space<vmem>> -> memref<128x64xf32, #tpu.memory_space<vmem>>
    %dma_wait3A_175 = arith.constant 0 : i32
    %dma_wait3A_176 = tpu.memref_slice %arg4[%add3A_169, %dma_wait3A_175] : memref<819200x64xf32, #tpu.memory_space<hbm>> -> memref<128x64xf32, #tpu.memory_space<hbm>>
    %dma_wait3A_177 = arith.constant 0 : i32
    %dma_wait3A_178 = tpu.memref_slice %arg4[%add3A_169, %dma_wait3A_177] : memref<819200x64xf32, #tpu.memory_space<hbm>> -> memref<128x64xf32, #tpu.memory_space<hbm>>
    %dma_wait3A_179 = arith.constant 0 : i32
    %dma_wait3A_180 = arith.constant 0 : i32
    %dma_wait3A_181 = tpu.memref_slice %arg7[%dma_wait3A_170, %dma_wait3A_179, %dma_wait3A_180] : memref<2x128x64xf32, #tpu.memory_space<vmem>> -> memref<1x128x64xf32, #tpu.memory_space<vmem>>
    %dma_wait3A_182 = tpu.memref_squeeze %dma_wait3A_181 : memref<1x128x64xf32, #tpu.memory_space<vmem>> -> memref<128x64xf32, #tpu.memory_space<vmem>>
    tpu.wait_dma2 semaphore(%arg11 : memref<!tpu.dma_semaphore, #tpu.memory_space<semaphore_mem>>) src(%dma_wait3A_182 : memref<128x64xf32, #tpu.memory_space<vmem>>) dst(%dma_wait3A_178 : memref<128x64xf32, #tpu.memory_space<hbm>>)
    %scan3A_183 = arith.constant 0 : i32
    %scan3A_184 = arith.constant 0 : i32
    %scan3A_185 = arith.constant 16 : i32
    %scan3A_186 = arith.addi %scan3A_184, %scan3A_185 : i32
    %scan3A_187 = arith.constant 1 : i32
    %scan3A_188 = scf.for %scan3A_235 = %scan3A_184 to %scan3A_186 step %scan3A_187 iter_args(%scan3A_236 = %scan3A_183) -> (i32)  : i32 {
      %mul3A_237 = arith.constant 8 : i32
      %mul3A_238 = arith.muli %scan3A_235, %mul3A_237 : i32
      %add3A_239 = arith.constant 0 : i32
      %add3A_240 = arith.addi %mul3A_238, %add3A_239 : i32
      %get3A = arith.constant 1 : i32
      %get3A_241 = arith.index_cast %get3A : i32 to index
      %get3A_242 = arith.index_cast %add3A_240 : i32 to index
      %get3A_243 = arith.constant 0 : index
      %get3A_244 = tpu.vector_load %arg6[%get3A_241, %get3A_242, %get3A_243] {strides = array<i32>} : memref<2x128x128xf32, #tpu.memory_space<vmem>>, vector<1x1x16xf32>,
      %get3A_245 = vector.shape_cast %get3A_244 : vector<1x1x16xf32> to vector<16xf32>
      %mul3A_246 = arith.constant 8.000000e+00 : f32
      %mul3A_247 = vector.broadcast %mul3A_246 : f32 to vector<16xf32>
      %mul3A_248 = arith.mulf %get3A_245, %mul3A_247 : vector<16xf32>
      %add3A_249 = arith.constant 0 : i32
      %add3A_250 = arith.addi %mul3A_238, %add3A_249 : i32
      %swap3A = arith.constant 1 : i32
      %swap3A_251 = arith.index_cast %swap3A : i32 to index
      %swap3A_252 = arith.index_cast %add3A_250 : i32 to index
      %swap3A_253 = arith.constant 0 : index
      %swap3A_254 = tpu.vector_load %arg7[%swap3A_251, %swap3A_252, %swap3A_253] {strides = array<i32>} : memref<2x128x64xf32, #tpu.memory_space<vmem>>, vector<1x1x16xf32>,
      %swap3A_255 = vector.shape_cast %swap3A_254 : vector<1x1x16xf32> to vector<16xf32>
      %swap3A_256 = vector.shape_cast %mul3A_248 : vector<16xf32> to vector<1x1x16xf32>
      tpu.vector_store %arg7[%swap3A_251, %swap3A_252, %swap3A_253], %swap3A_256 {strides = array<i32>} : memref<2x128x64xf32, #tpu.memory_space<vmem>>, vector<1x1x16xf32>,
      %add3A_257 = arith.constant 0 : i32
      %add3A_258 = arith.addi %mul3A_238, %add3A_257 : i32
      %get3A_259 = arith.constant 1 : i32
      %get3A_260 = arith.index_cast %get3A_259 : i32 to index
      %get3A_261 = arith.index_cast %add3A_258 : i32 to index
      %get3A_262 = arith.constant 16 : index
      %get3A_263 = tpu.vector_load %arg6[%get3A_260, %get3A_261, %get3A_262] {strides = array<i32>} : memref<2x128x128xf32, #tpu.memory_space<vmem>>, vector<1x1x16xf32>,
      %get3A_264 = vector.shape_cast %get3A_263 : vector<1x1x16xf32> to vector<16xf32>
      %mul3A_265 = arith.constant 8.000000e+00 : f32
      %mul3A_266 = vector.broadcast %mul3A_265 : f32 to vector<16xf32>
      %mul3A_267 = arith.mulf %get3A_264, %mul3A_266 : vector<16xf32>
      %add3A_268 = arith.constant 0 : i32
      %add3A_269 = arith.addi %mul3A_238, %add3A_268 : i32
      %swap3A_270 = arith.constant 1 : i32
      %swap3A_271 = arith.index_cast %swap3A_270 : i32 to index
      %swap3A_272 = arith.index_cast %add3A_269 : i32 to index
      %swap3A_273 = arith.constant 16 : index
      %swap3A_274 = tpu.vector_load %arg7[%swap3A_271, %swap3A_272, %swap3A_273] {strides = array<i32>} : memref<2x128x64xf32, #tpu.memory_space<vmem>>, vector<1x1x16xf32>,
      %swap3A_275 = vector.shape_cast %swap3A_274 : vector<1x1x16xf32> to vector<16xf32>
      %swap3A_276 = vector.shape_cast %mul3A_267 : vector<16xf32> to vector<1x1x16xf32>
      tpu.vector_store %arg7[%swap3A_271, %swap3A_272, %swap3A_273], %swap3A_276 {strides = array<i32>} : memref<2x128x64xf32, #tpu.memory_space<vmem>>, vector<1x1x16xf32>,
      %add3A_277 = arith.constant 0 : i32
      %add3A_278 = arith.addi %mul3A_238, %add3A_277 : i32
      %get3A_279 = arith.constant 1 : i32
      %get3A_280 = arith.index_cast %get3A_279 : i32 to index
      %get3A_281 = arith.index_cast %add3A_278 : i32 to index
      %get3A_282 = arith.constant 32 : index
      %get3A_283 = tpu.vector_load %arg6[%get3A_280, %get3A_281, %get3A_282] {strides = array<i32>} : memref<2x128x128xf32, #tpu.memory_space<vmem>>, vector<1x1x16xf32>,
      %get3A_284 = vector.shape_cast %get3A_283 : vector<1x1x16xf32> to vector<16xf32>
      %mul3A_285 = arith.constant 8.000000e+00 : f32
      %mul3A_286 = vector.broadcast %mul3A_285 : f32 to vector<16xf32>
      %mul3A_287 = arith.mulf %get3A_284, %mul3A_286 : vector<16xf32>
      %add3A_288 = arith.constant 0 : i32
      %add3A_289 = arith.addi %mul3A_238, %add3A_288 : i32
      %swap3A_290 = arith.constant 1 : i32
      %swap3A_291 = arith.index_cast %swap3A_290 : i32 to index
      %swap3A_292 = arith.index_cast %add3A_289 : i32 to index
      %swap3A_293 = arith.constant 32 : index
      %swap3A_294 = tpu.vector_load %arg7[%swap3A_291, %swap3A_292, %swap3A_293] {strides = array<i32>} : memref<2x128x64xf32, #tpu.memory_space<vmem>>, vector<1x1x16xf32>,
      %swap3A_295 = vector.shape_cast %swap3A_294 : vector<1x1x16xf32> to vector<16xf32>
      %swap3A_296 = vector.shape_cast %mul3A_287 : vector<16xf32> to vector<1x1x16xf32>
      tpu.vector_store %arg7[%swap3A_291, %swap3A_292, %swap3A_293], %swap3A_296 {strides = array<i32>} : memref<2x128x64xf32, #tpu.memory_space<vmem>>, vector<1x1x16xf32>,
      %add3A_297 = arith.constant 0 : i32
      %add3A_298 = arith.addi %mul3A_238, %add3A_297 : i32
      %get3A_299 = arith.constant 1 : i32
      %get3A_300 = arith.index_cast %get3A_299 : i32 to index
      %get3A_301 = arith.index_cast %add3A_298 : i32 to index
      %get3A_302 = arith.constant 48 : index
      %get3A_303 = tpu.vector_load %arg6[%get3A_300, %get3A_301, %get3A_302] {strides = array<i32>} : memref<2x128x128xf32, #tpu.memory_space<vmem>>, vector<1x1x16xf32>,
      %get3A_304 = vector.shape_cast %get3A_303 : vector<1x1x16xf32> to vector<16xf32>
      %mul3A_305 = arith.constant 8.000000e+00 : f32
      %mul3A_306 = vector.broadcast %mul3A_305 : f32 to vector<16xf32>
      %mul3A_307 = arith.mulf %get3A_304, %mul3A_306 : vector<16xf32>
      %add3A_308 = arith.constant 0 : i32
      %add3A_309 = arith.addi %mul3A_238, %add3A_308 : i32
      %swap3A_310 = arith.constant 1 : i32
      %swap3A_311 = arith.index_cast %swap3A_310 : i32 to index
      %swap3A_312 = arith.index_cast %add3A_309 : i32 to index
      %swap3A_313 = arith.constant 48 : index
      %swap3A_314 = tpu.vector_load %arg7[%swap3A_311, %swap3A_312, %swap3A_313] {strides = array<i32>} : memref<2x128x64xf32, #tpu.memory_space<vmem>>, vector<1x1x16xf32>,
      %swap3A_315 = vector.shape_cast %swap3A_314 : vector<1x1x16xf32> to vector<16xf32>
      %swap3A_316 = vector.shape_cast %mul3A_307 : vector<16xf32> to vector<1x1x16xf32>
      tpu.vector_store %arg7[%swap3A_311, %swap3A_312, %swap3A_313], %swap3A_316 {strides = array<i32>} : memref<2x128x64xf32, #tpu.memory_space<vmem>>, vector<1x1x16xf32>,
      %add3A_317 = arith.constant 1 : i32
      %add3A_318 = arith.addi %mul3A_238, %add3A_317 : i32
      %get3A_319 = arith.constant 1 : i32
      %get3A_320 = arith.index_cast %get3A_319 : i32 to index
      %get3A_321 = arith.index_cast %add3A_318 : i32 to index
      %get3A_322 = arith.constant 0 : index
      %get3A_323 = tpu.vector_load %arg6[%get3A_320, %get3A_321, %get3A_322] {strides = array<i32>} : memref<2x128x128xf32, #tpu.memory_space<vmem>>, vector<1x1x16xf32>,
      %get3A_324 = vector.shape_cast %get3A_323 : vector<1x1x16xf32> to vector<16xf32>
      %mul3A_325 = arith.constant 8.000000e+00 : f32
      %mul3A_326 = vector.broadcast %mul3A_325 : f32 to vector<16xf32>
      %mul3A_327 = arith.mulf %get3A_324, %mul3A_326 : vector<16xf32>
      %add3A_328 = arith.constant 1 : i32
      %add3A_329 = arith.addi %mul3A_238, %add3A_328 : i32
      %swap3A_330 = arith.constant 1 : i32
      %swap3A_331 = arith.index_cast %swap3A_330 : i32 to index
      %swap3A_332 = arith.index_cast %add3A_329 : i32 to index
      %swap3A_333 = arith.constant 0 : index
      %swap3A_334 = tpu.vector_load %arg7[%swap3A_331, %swap3A_332, %swap3A_333] {strides = array<i32>} : memref<2x128x64xf32, #tpu.memory_space<vmem>>, vector<1x1x16xf32>,
      %swap3A_335 = vector.shape_cast %swap3A_334 : vector<1x1x16xf32> to vector<16xf32>
      %swap3A_336 = vector.shape_cast %mul3A_327 : vector<16xf32> to vector<1x1x16xf32>
      tpu.vector_store %arg7[%swap3A_331, %swap3A_332, %swap3A_333], %swap3A_336 {strides = array<i32>} : memref<2x128x64xf32, #tpu.memory_space<vmem>>, vector<1x1x16xf32>,
      %add3A_337 = arith.constant 1 : i32
      %add3A_338 = arith.addi %mul3A_238, %add3A_337 : i32
      %get3A_339 = arith.constant 1 : i32
      %get3A_340 = arith.index_cast %get3A_339 : i32 to index
      %get3A_341 = arith.index_cast %add3A_338 : i32 to index
      %get3A_342 = arith.constant 16 : index
      %get3A_343 = tpu.vector_load %arg6[%get3A_340, %get3A_341, %get3A_342] {strides = array<i32>} : memref<2x128x128xf32, #tpu.memory_space<vmem>>, vector<1x1x16xf32>,
      %get3A_344 = vector.shape_cast %get3A_343 : vector<1x1x16xf32> to vector<16xf32>
      %mul3A_345 = arith.constant 8.000000e+00 : f32
      %mul3A_346 = vector.broadcast %mul3A_345 : f32 to vector<16xf32>
      %mul3A_347 = arith.mulf %get3A_344, %mul3A_346 : vector<16xf32>
      %add3A_348 = arith.constant 1 : i32
      %add3A_349 = arith.addi %mul3A_238, %add3A_348 : i32
      %swap3A_350 = arith.constant 1 : i32
      %swap3A_351 = arith.index_cast %swap3A_350 : i32 to index
      %swap3A_352 = arith.index_cast %add3A_349 : i32 to index
      %swap3A_353 = arith.constant 16 : index
      %swap3A_354 = tpu.vector_load %arg7[%swap3A_351, %swap3A_352, %swap3A_353] {strides = array<i32>} : memref<2x128x64xf32, #tpu.memory_space<vmem>>, vector<1x1x16xf32>,
      %swap3A_355 = vector.shape_cast %swap3A_354 : vector<1x1x16xf32> to vector<16xf32>
      %swap3A_356 = vector.shape_cast %mul3A_347 : vector<16xf32> to vector<1x1x16xf32>
      tpu.vector_store %arg7[%swap3A_351, %swap3A_352, %swap3A_353], %swap3A_356 {strides = array<i32>} : memref<2x128x64xf32, #tpu.memory_space<vmem>>, vector<1x1x16xf32>,
      %add3A_357 = arith.constant 1 : i32
      %add3A_358 = arith.addi %mul3A_238, %add3A_357 : i32
      %get3A_359 = arith.constant 1 : i32
      %get3A_360 = arith.index_cast %get3A_359 : i32 to index
      %get3A_361 = arith.index_cast %add3A_358 : i32 to index
      %get3A_362 = arith.constant 32 : index
      %get3A_363 = tpu.vector_load %arg6[%get3A_360, %get3A_361, %get3A_362] {strides = array<i32>} : memref<2x128x128xf32, #tpu.memory_space<vmem>>, vector<1x1x16xf32>,
      %get3A_364 = vector.shape_cast %get3A_363 : vector<1x1x16xf32> to vector<16xf32>
      %mul3A_365 = arith.constant 8.000000e+00 : f32
      %mul3A_366 = vector.broadcast %mul3A_365 : f32 to vector<16xf32>
      %mul3A_367 = arith.mulf %get3A_364, %mul3A_366 : vector<16xf32>
      %add3A_368 = arith.constant 1 : i32
      %add3A_369 = arith.addi %mul3A_238, %add3A_368 : i32
      %swap3A_370 = arith.constant 1 : i32
      %swap3A_371 = arith.index_cast %swap3A_370 : i32 to index
      %swap3A_372 = arith.index_cast %add3A_369 : i32 to index
      %swap3A_373 = arith.constant 32 : index
      %swap3A_374 = tpu.vector_load %arg7[%swap3A_371, %swap3A_372, %swap3A_373] {strides = array<i32>} : memref<2x128x64xf32, #tpu.memory_space<vmem>>, vector<1x1x16xf32>,
      %swap3A_375 = vector.shape_cast %swap3A_374 : vector<1x1x16xf32> to vector<16xf32>
      %swap3A_376 = vector.shape_cast %mul3A_367 : vector<16xf32> to vector<1x1x16xf32>
      tpu.vector_store %arg7[%swap3A_371, %swap3A_372, %swap3A_373], %swap3A_376 {strides = array<i32>} : memref<2x128x64xf32, #tpu.memory_space<vmem>>, vector<1x1x16xf32>,
      %add3A_377 = arith.constant 1 : i32
      %add3A_378 = arith.addi %mul3A_238, %add3A_377 : i32
      %get3A_379 = arith.constant 1 : i32
      %get3A_380 = arith.index_cast %get3A_379 : i32 to index
      %get3A_381 = arith.index_cast %add3A_378 : i32 to index
      %get3A_382 = arith.constant 48 : index
      %get3A_383 = tpu.vector_load %arg6[%get3A_380, %get3A_381, %get3A_382] {strides = array<i32>} : memref<2x128x128xf32, #tpu.memory_space<vmem>>, vector<1x1x16xf32>,
      %get3A_384 = vector.shape_cast %get3A_383 : vector<1x1x16xf32> to vector<16xf32>
      %mul3A_385 = arith.constant 8.000000e+00 : f32
      %mul3A_386 = vector.broadcast %mul3A_385 : f32 to vector<16xf32>
      %mul3A_387 = arith.mulf %get3A_384, %mul3A_386 : vector<16xf32>
      %add3A_388 = arith.constant 1 : i32
      %add3A_389 = arith.addi %mul3A_238, %add3A_388 : i32
      %swap3A_390 = arith.constant 1 : i32
      %swap3A_391 = arith.index_cast %swap3A_390 : i32 to index
      %swap3A_392 = arith.index_cast %add3A_389 : i32 to index
      %swap3A_393 = arith.constant 48 : index
      %swap3A_394 = tpu.vector_load %arg7[%swap3A_391, %swap3A_392, %swap3A_393] {strides = array<i32>} : memref<2x128x64xf32, #tpu.memory_space<vmem>>, vector<1x1x16xf32>,
      %swap3A_395 = vector.shape_cast %swap3A_394 : vector<1x1x16xf32> to vector<16xf32>
      %swap3A_396 = vector.shape_cast %mul3A_387 : vector<16xf32> to vector<1x1x16xf32>
      tpu.vector_store %arg7[%swap3A_391, %swap3A_392, %swap3A_393], %swap3A_396 {strides = array<i32>} : memref<2x128x64xf32, #tpu.memory_space<vmem>>, vector<1x1x16xf32>,
      %add3A_397 = arith.constant 2 : i32
      %add3A_398 = arith.addi %mul3A_238, %add3A_397 : i32
      %get3A_399 = arith.constant 1 : i32
      %get3A_400 = arith.index_cast %get3A_399 : i32 to index
      %get3A_401 = arith.index_cast %add3A_398 : i32 to index
      %get3A_402 = arith.constant 0 : index
      %get3A_403 = tpu.vector_load %arg6[%get3A_400, %get3A_401, %get3A_402] {strides = array<i32>} : memref<2x128x128xf32, #tpu.memory_space<vmem>>, vector<1x1x16xf32>,
      %get3A_404 = vector.shape_cast %get3A_403 : vector<1x1x16xf32> to vector<16xf32>
      %mul3A_405 = arith.constant 8.000000e+00 : f32
      %mul3A_406 = vector.broadcast %mul3A_405 : f32 to vector<16xf32>
      %mul3A_407 = arith.mulf %get3A_404, %mul3A_406 : vector<16xf32>
      %add3A_408 = arith.constant 2 : i32
      %add3A_409 = arith.addi %mul3A_238, %add3A_408 : i32
      %swap3A_410 = arith.constant 1 : i32
      %swap3A_411 = arith.index_cast %swap3A_410 : i32 to index
      %swap3A_412 = arith.index_cast %add3A_409 : i32 to index
      %swap3A_413 = arith.constant 0 : index
      %swap3A_414 = tpu.vector_load %arg7[%swap3A_411, %swap3A_412, %swap3A_413] {strides = array<i32>} : memref<2x128x64xf32, #tpu.memory_space<vmem>>, vector<1x1x16xf32>,
      %swap3A_415 = vector.shape_cast %swap3A_414 : vector<1x1x16xf32> to vector<16xf32>
      %swap3A_416 = vector.shape_cast %mul3A_407 : vector<16xf32> to vector<1x1x16xf32>
      tpu.vector_store %arg7[%swap3A_411, %swap3A_412, %swap3A_413], %swap3A_416 {strides = array<i32>} : memref<2x128x64xf32, #tpu.memory_space<vmem>>, vector<1x1x16xf32>,
      %add3A_417 = arith.constant 2 : i32
      %add3A_418 = arith.addi %mul3A_238, %add3A_417 : i32
      %get3A_419 = arith.constant 1 : i32
      %get3A_420 = arith.index_cast %get3A_419 : i32 to index
      %get3A_421 = arith.index_cast %add3A_418 : i32 to index
      %get3A_422 = arith.constant 16 : index
      %get3A_423 = tpu.vector_load %arg6[%get3A_420, %get3A_421, %get3A_422] {strides = array<i32>} : memref<2x128x128xf32, #tpu.memory_space<vmem>>, vector<1x1x16xf32>,
      %get3A_424 = vector.shape_cast %get3A_423 : vector<1x1x16xf32> to vector<16xf32>
      %mul3A_425 = arith.constant 8.000000e+00 : f32
      %mul3A_426 = vector.broadcast %mul3A_425 : f32 to vector<16xf32>
      %mul3A_427 = arith.mulf %get3A_424, %mul3A_426 : vector<16xf32>
      %add3A_428 = arith.constant 2 : i32
      %add3A_429 = arith.addi %mul3A_238, %add3A_428 : i32
      %swap3A_430 = arith.constant 1 : i32
      %swap3A_431 = arith.index_cast %swap3A_430 : i32 to index
      %swap3A_432 = arith.index_cast %add3A_429 : i32 to index
      %swap3A_433 = arith.constant 16 : index
      %swap3A_434 = tpu.vector_load %arg7[%swap3A_431, %swap3A_432, %swap3A_433] {strides = array<i32>} : memref<2x128x64xf32, #tpu.memory_space<vmem>>, vector<1x1x16xf32>,
      %swap3A_435 = vector.shape_cast %swap3A_434 : vector<1x1x16xf32> to vector<16xf32>
      %swap3A_436 = vector.shape_cast %mul3A_427 : vector<16xf32> to vector<1x1x16xf32>
      tpu.vector_store %arg7[%swap3A_431, %swap3A_432, %swap3A_433], %swap3A_436 {strides = array<i32>} : memref<2x128x64xf32, #tpu.memory_space<vmem>>, vector<1x1x16xf32>,
      %add3A_437 = arith.constant 2 : i32
      %add3A_438 = arith.addi %mul3A_238, %add3A_437 : i32
      %get3A_439 = arith.constant 1 : i32
      %get3A_440 = arith.index_cast %get3A_439 : i32 to index
      %get3A_441 = arith.index_cast %add3A_438 : i32 to index
      %get3A_442 = arith.constant 32 : index
      %get3A_443 = tpu.vector_load %arg6[%get3A_440, %get3A_441, %get3A_442] {strides = array<i32>} : memref<2x128x128xf32, #tpu.memory_space<vmem>>, vector<1x1x16xf32>,
      %get3A_444 = vector.shape_cast %get3A_443 : vector<1x1x16xf32> to vector<16xf32>
      %mul3A_445 = arith.constant 8.000000e+00 : f32
      %mul3A_446 = vector.broadcast %mul3A_445 : f32 to vector<16xf32>
      %mul3A_447 = arith.mulf %get3A_444, %mul3A_446 : vector<16xf32>
      %add3A_448 = arith.constant 2 : i32
      %add3A_449 = arith.addi %mul3A_238, %add3A_448 : i32
      %swap3A_450 = arith.constant 1 : i32
      %swap3A_451 = arith.index_cast %swap3A_450 : i32 to index
      %swap3A_452 = arith.index_cast %add3A_449 : i32 to index
      %swap3A_453 = arith.constant 32 : index
      %swap3A_454 = tpu.vector_load %arg7[%swap3A_451, %swap3A_452, %swap3A_453] {strides = array<i32>} : memref<2x128x64xf32, #tpu.memory_space<vmem>>, vector<1x1x16xf32>,
      %swap3A_455 = vector.shape_cast %swap3A_454 : vector<1x1x16xf32> to vector<16xf32>
      %swap3A_456 = vector.shape_cast %mul3A_447 : vector<16xf32> to vector<1x1x16xf32>
      tpu.vector_store %arg7[%swap3A_451, %swap3A_452, %swap3A_453], %swap3A_456 {strides = array<i32>} : memref<2x128x64xf32, #tpu.memory_space<vmem>>, vector<1x1x16xf32>,
      %add3A_457 = arith.constant 2 : i32
      %add3A_458 = arith.addi %mul3A_238, %add3A_457 : i32
      %get3A_459 = arith.constant 1 : i32
      %get3A_460 = arith.index_cast %get3A_459 : i32 to index
      %get3A_461 = arith.index_cast %add3A_458 : i32 to index
      %get3A_462 = arith.constant 48 : index
      %get3A_463 = tpu.vector_load %arg6[%get3A_460, %get3A_461, %get3A_462] {strides = array<i32>} : memref<2x128x128xf32, #tpu.memory_space<vmem>>, vector<1x1x16xf32>,
      %get3A_464 = vector.shape_cast %get3A_463 : vector<1x1x16xf32> to vector<16xf32>
      %mul3A_465 = arith.constant 8.000000e+00 : f32
      %mul3A_466 = vector.broadcast %mul3A_465 : f32 to vector<16xf32>
      %mul3A_467 = arith.mulf %get3A_464, %mul3A_466 : vector<16xf32>
      %add3A_468 = arith.constant 2 : i32
      %add3A_469 = arith.addi %mul3A_238, %add3A_468 : i32
      %swap3A_470 = arith.constant 1 : i32
      %swap3A_471 = arith.index_cast %swap3A_470 : i32 to index
      %swap3A_472 = arith.index_cast %add3A_469 : i32 to index
      %swap3A_473 = arith.constant 48 : index
      %swap3A_474 = tpu.vector_load %arg7[%swap3A_471, %swap3A_472, %swap3A_473] {strides = array<i32>} : memref<2x128x64xf32, #tpu.memory_space<vmem>>, vector<1x1x16xf32>,
      %swap3A_475 = vector.shape_cast %swap3A_474 : vector<1x1x16xf32> to vector<16xf32>
      %swap3A_476 = vector.shape_cast %mul3A_467 : vector<16xf32> to vector<1x1x16xf32>
      tpu.vector_store %arg7[%swap3A_471, %swap3A_472, %swap3A_473], %swap3A_476 {strides = array<i32>} : memref<2x128x64xf32, #tpu.memory_space<vmem>>, vector<1x1x16xf32>,
      %add3A_477 = arith.constant 3 : i32
      %add3A_478 = arith.addi %mul3A_238, %add3A_477 : i32
      %get3A_479 = arith.constant 1 : i32
      %get3A_480 = arith.index_cast %get3A_479 : i32 to index
      %get3A_481 = arith.index_cast %add3A_478 : i32 to index
      %get3A_482 = arith.constant 0 : index
      %get3A_483 = tpu.vector_load %arg6[%get3A_480, %get3A_481, %get3A_482] {strides = array<i32>} : memref<2x128x128xf32, #tpu.memory_space<vmem>>, vector<1x1x16xf32>,
      %get3A_484 = vector.shape_cast %get3A_483 : vector<1x1x16xf32> to vector<16xf32>
      %mul3A_485 = arith.constant 8.000000e+00 : f32
      %mul3A_486 = vector.broadcast %mul3A_485 : f32 to vector<16xf32>
      %mul3A_487 = arith.mulf %get3A_484, %mul3A_486 : vector<16xf32>
      %add3A_488 = arith.constant 3 : i32
      %add3A_489 = arith.addi %mul3A_238, %add3A_488 : i32
      %swap3A_490 = arith.constant 1 : i32
      %swap3A_491 = arith.index_cast %swap3A_490 : i32 to index
      %swap3A_492 = arith.index_cast %add3A_489 : i32 to index
      %swap3A_493 = arith.constant 0 : index
      %swap3A_494 = tpu.vector_load %arg7[%swap3A_491, %swap3A_492, %swap3A_493] {strides = array<i32>} : memref<2x128x64xf32, #tpu.memory_space<vmem>>, vector<1x1x16xf32>,
      %swap3A_495 = vector.shape_cast %swap3A_494 : vector<1x1x16xf32> to vector<16xf32>
      %swap3A_496 = vector.shape_cast %mul3A_487 : vector<16xf32> to vector<1x1x16xf32>
      tpu.vector_store %arg7[%swap3A_491, %swap3A_492, %swap3A_493], %swap3A_496 {strides = array<i32>} : memref<2x128x64xf32, #tpu.memory_space<vmem>>, vector<1x1x16xf32>,
      %add3A_497 = arith.constant 3 : i32
      %add3A_498 = arith.addi %mul3A_238, %add3A_497 : i32
      %get3A_499 = arith.constant 1 : i32
      %get3A_500 = arith.index_cast %get3A_499 : i32 to index
      %get3A_501 = arith.index_cast %add3A_498 : i32 to index
      %get3A_502 = arith.constant 16 : index
      %get3A_503 = tpu.vector_load %arg6[%get3A_500, %get3A_501, %get3A_502] {strides = array<i32>} : memref<2x128x128xf32, #tpu.memory_space<vmem>>, vector<1x1x16xf32>,
      %get3A_504 = vector.shape_cast %get3A_503 : vector<1x1x16xf32> to vector<16xf32>
      %mul3A_505 = arith.constant 8.000000e+00 : f32
      %mul3A_506 = vector.broadcast %mul3A_505 : f32 to vector<16xf32>
      %mul3A_507 = arith.mulf %get3A_504, %mul3A_506 : vector<16xf32>
      %add3A_508 = arith.constant 3 : i32
      %add3A_509 = arith.addi %mul3A_238, %add3A_508 : i32
      %swap3A_510 = arith.constant 1 : i32
      %swap3A_511 = arith.index_cast %swap3A_510 : i32 to index
      %swap3A_512 = arith.index_cast %add3A_509 : i32 to index
      %swap3A_513 = arith.constant 16 : index
      %swap3A_514 = tpu.vector_load %arg7[%swap3A_511, %swap3A_512, %swap3A_513] {strides = array<i32>} : memref<2x128x64xf32, #tpu.memory_space<vmem>>, vector<1x1x16xf32>,
      %swap3A_515 = vector.shape_cast %swap3A_514 : vector<1x1x16xf32> to vector<16xf32>
      %swap3A_516 = vector.shape_cast %mul3A_507 : vector<16xf32> to vector<1x1x16xf32>
      tpu.vector_store %arg7[%swap3A_511, %swap3A_512, %swap3A_513], %swap3A_516 {strides = array<i32>} : memref<2x128x64xf32, #tpu.memory_space<vmem>>, vector<1x1x16xf32>,
      %add3A_517 = arith.constant 3 : i32
      %add3A_518 = arith.addi %mul3A_238, %add3A_517 : i32
      %get3A_519 = arith.constant 1 : i32
      %get3A_520 = arith.index_cast %get3A_519 : i32 to index
      %get3A_521 = arith.index_cast %add3A_518 : i32 to index
      %get3A_522 = arith.constant 32 : index
      %get3A_523 = tpu.vector_load %arg6[%get3A_520, %get3A_521, %get3A_522] {strides = array<i32>} : memref<2x128x128xf32, #tpu.memory_space<vmem>>, vector<1x1x16xf32>,
      %get3A_524 = vector.shape_cast %get3A_523 : vector<1x1x16xf32> to vector<16xf32>
      %mul3A_525 = arith.constant 8.000000e+00 : f32
      %mul3A_526 = vector.broadcast %mul3A_525 : f32 to vector<16xf32>
      %mul3A_527 = arith.mulf %get3A_524, %mul3A_526 : vector<16xf32>
      %add3A_528 = arith.constant 3 : i32
      %add3A_529 = arith.addi %mul3A_238, %add3A_528 : i32
      %swap3A_530 = arith.constant 1 : i32
      %swap3A_531 = arith.index_cast %swap3A_530 : i32 to index
      %swap3A_532 = arith.index_cast %add3A_529 : i32 to index
      %swap3A_533 = arith.constant 32 : index
      %swap3A_534 = tpu.vector_load %arg7[%swap3A_531, %swap3A_532, %swap3A_533] {strides = array<i32>} : memref<2x128x64xf32, #tpu.memory_space<vmem>>, vector<1x1x16xf32>,
      %swap3A_535 = vector.shape_cast %swap3A_534 : vector<1x1x16xf32> to vector<16xf32>
      %swap3A_536 = vector.shape_cast %mul3A_527 : vector<16xf32> to vector<1x1x16xf32>
      tpu.vector_store %arg7[%swap3A_531, %swap3A_532, %swap3A_533], %swap3A_536 {strides = array<i32>} : memref<2x128x64xf32, #tpu.memory_space<vmem>>, vector<1x1x16xf32>,
      %add3A_537 = arith.constant 3 : i32
      %add3A_538 = arith.addi %mul3A_238, %add3A_537 : i32
      %get3A_539 = arith.constant 1 : i32
      %get3A_540 = arith.index_cast %get3A_539 : i32 to index
      %get3A_541 = arith.index_cast %add3A_538 : i32 to index
      %get3A_542 = arith.constant 48 : index
      %get3A_543 = tpu.vector_load %arg6[%get3A_540, %get3A_541, %get3A_542] {strides = array<i32>} : memref<2x128x128xf32, #tpu.memory_space<vmem>>, vector<1x1x16xf32>,
      %get3A_544 = vector.shape_cast %get3A_543 : vector<1x1x16xf32> to vector<16xf32>
      %mul3A_545 = arith.constant 8.000000e+00 : f32
      %mul3A_546 = vector.broadcast %mul3A_545 : f32 to vector<16xf32>
      %mul3A_547 = arith.mulf %get3A_544, %mul3A_546 : vector<16xf32>
      %add3A_548 = arith.constant 3 : i32
      %add3A_549 = arith.addi %mul3A_238, %add3A_548 : i32
      %swap3A_550 = arith.constant 1 : i32
      %swap3A_551 = arith.index_cast %swap3A_550 : i32 to index
      %swap3A_552 = arith.index_cast %add3A_549 : i32 to index
      %swap3A_553 = arith.constant 48 : index
      %swap3A_554 = tpu.vector_load %arg7[%swap3A_551, %swap3A_552, %swap3A_553] {strides = array<i32>} : memref<2x128x64xf32, #tpu.memory_space<vmem>>, vector<1x1x16xf32>,
      %swap3A_555 = vector.shape_cast %swap3A_554 : vector<1x1x16xf32> to vector<16xf32>
      %swap3A_556 = vector.shape_cast %mul3A_547 : vector<16xf32> to vector<1x1x16xf32>
      tpu.vector_store %arg7[%swap3A_551, %swap3A_552, %swap3A_553], %swap3A_556 {strides = array<i32>} : memref<2x128x64xf32, #tpu.memory_space<vmem>>, vector<1x1x16xf32>,
      %add3A_557 = arith.constant 4 : i32
      %add3A_558 = arith.addi %mul3A_238, %add3A_557 : i32
      %get3A_559 = arith.constant 1 : i32
      %get3A_560 = arith.index_cast %get3A_559 : i32 to index
      %get3A_561 = arith.index_cast %add3A_558 : i32 to index
      %get3A_562 = arith.constant 0 : index
      %get3A_563 = tpu.vector_load %arg6[%get3A_560, %get3A_561, %get3A_562] {strides = array<i32>} : memref<2x128x128xf32, #tpu.memory_space<vmem>>, vector<1x1x16xf32>,
      %get3A_564 = vector.shape_cast %get3A_563 : vector<1x1x16xf32> to vector<16xf32>
      %mul3A_565 = arith.constant 8.000000e+00 : f32
      %mul3A_566 = vector.broadcast %mul3A_565 : f32 to vector<16xf32>
      %mul3A_567 = arith.mulf %get3A_564, %mul3A_566 : vector<16xf32>
      %add3A_568 = arith.constant 4 : i32
      %add3A_569 = arith.addi %mul3A_238, %add3A_568 : i32
      %swap3A_570 = arith.constant 1 : i32
      %swap3A_571 = arith.index_cast %swap3A_570 : i32 to index
      %swap3A_572 = arith.index_cast %add3A_569 : i32 to index
      %swap3A_573 = arith.constant 0 : index
      %swap3A_574 = tpu.vector_load %arg7[%swap3A_571, %swap3A_572, %swap3A_573] {strides = array<i32>} : memref<2x128x64xf32, #tpu.memory_space<vmem>>, vector<1x1x16xf32>,
      %swap3A_575 = vector.shape_cast %swap3A_574 : vector<1x1x16xf32> to vector<16xf32>
      %swap3A_576 = vector.shape_cast %mul3A_567 : vector<16xf32> to vector<1x1x16xf32>
      tpu.vector_store %arg7[%swap3A_571, %swap3A_572, %swap3A_573], %swap3A_576 {strides = array<i32>} : memref<2x128x64xf32, #tpu.memory_space<vmem>>, vector<1x1x16xf32>,
      %add3A_577 = arith.constant 4 : i32
      %add3A_578 = arith.addi %mul3A_238, %add3A_577 : i32
      %get3A_579 = arith.constant 1 : i32
      %get3A_580 = arith.index_cast %get3A_579 : i32 to index
      %get3A_581 = arith.index_cast %add3A_578 : i32 to index
      %get3A_582 = arith.constant 16 : index
      %get3A_583 = tpu.vector_load %arg6[%get3A_580, %get3A_581, %get3A_582] {strides = array<i32>} : memref<2x128x128xf32, #tpu.memory_space<vmem>>, vector<1x1x16xf32>,
      %get3A_584 = vector.shape_cast %get3A_583 : vector<1x1x16xf32> to vector<16xf32>
      %mul3A_585 = arith.constant 8.000000e+00 : f32
      %mul3A_586 = vector.broadcast %mul3A_585 : f32 to vector<16xf32>
      %mul3A_587 = arith.mulf %get3A_584, %mul3A_586 : vector<16xf32>
      %add3A_588 = arith.constant 4 : i32
      %add3A_589 = arith.addi %mul3A_238, %add3A_588 : i32
      %swap3A_590 = arith.constant 1 : i32
      %swap3A_591 = arith.index_cast %swap3A_590 : i32 to index
      %swap3A_592 = arith.index_cast %add3A_589 : i32 to index
      %swap3A_593 = arith.constant 16 : index
      %swap3A_594 = tpu.vector_load %arg7[%swap3A_591, %swap3A_592, %swap3A_593] {strides = array<i32>} : memref<2x128x64xf32, #tpu.memory_space<vmem>>, vector<1x1x16xf32>,
      %swap3A_595 = vector.shape_cast %swap3A_594 : vector<1x1x16xf32> to vector<16xf32>
      %swap3A_596 = vector.shape_cast %mul3A_587 : vector<16xf32> to vector<1x1x16xf32>
      tpu.vector_store %arg7[%swap3A_591, %swap3A_592, %swap3A_593], %swap3A_596 {strides = array<i32>} : memref<2x128x64xf32, #tpu.memory_space<vmem>>, vector<1x1x16xf32>,
      %add3A_597 = arith.constant 4 : i32
      %add3A_598 = arith.addi %mul3A_238, %add3A_597 : i32
      %get3A_599 = arith.constant 1 : i32
      %get3A_600 = arith.index_cast %get3A_599 : i32 to index
      %get3A_601 = arith.index_cast %add3A_598 : i32 to index
      %get3A_602 = arith.constant 32 : index
      %get3A_603 = tpu.vector_load %arg6[%get3A_600, %get3A_601, %get3A_602] {strides = array<i32>} : memref<2x128x128xf32, #tpu.memory_space<vmem>>, vector<1x1x16xf32>,
      %get3A_604 = vector.shape_cast %get3A_603 : vector<1x1x16xf32> to vector<16xf32>
      %mul3A_605 = arith.constant 8.000000e+00 : f32
      %mul3A_606 = vector.broadcast %mul3A_605 : f32 to vector<16xf32>
      %mul3A_607 = arith.mulf %get3A_604, %mul3A_606 : vector<16xf32>
      %add3A_608 = arith.constant 4 : i32
      %add3A_609 = arith.addi %mul3A_238, %add3A_608 : i32
      %swap3A_610 = arith.constant 1 : i32
      %swap3A_611 = arith.index_cast %swap3A_610 : i32 to index
      %swap3A_612 = arith.index_cast %add3A_609 : i32 to index
      %swap3A_613 = arith.constant 32 : index
      %swap3A_614 = tpu.vector_load %arg7[%swap3A_611, %swap3A_612, %swap3A_613] {strides = array<i32>} : memref<2x128x64xf32, #tpu.memory_space<vmem>>, vector<1x1x16xf32>,
      %swap3A_615 = vector.shape_cast %swap3A_614 : vector<1x1x16xf32> to vector<16xf32>
      %swap3A_616 = vector.shape_cast %mul3A_607 : vector<16xf32> to vector<1x1x16xf32>
      tpu.vector_store %arg7[%swap3A_611, %swap3A_612, %swap3A_613], %swap3A_616 {strides = array<i32>} : memref<2x128x64xf32, #tpu.memory_space<vmem>>, vector<1x1x16xf32>,
      %add3A_617 = arith.constant 4 : i32
      %add3A_618 = arith.addi %mul3A_238, %add3A_617 : i32
      %get3A_619 = arith.constant 1 : i32
      %get3A_620 = arith.index_cast %get3A_619 : i32 to index
      %get3A_621 = arith.index_cast %add3A_618 : i32 to index
      %get3A_622 = arith.constant 48 : index
      %get3A_623 = tpu.vector_load %arg6[%get3A_620, %get3A_621, %get3A_622] {strides = array<i32>} : memref<2x128x128xf32, #tpu.memory_space<vmem>>, vector<1x1x16xf32>,
      %get3A_624 = vector.shape_cast %get3A_623 : vector<1x1x16xf32> to vector<16xf32>
      %mul3A_625 = arith.constant 8.000000e+00 : f32
      %mul3A_626 = vector.broadcast %mul3A_625 : f32 to vector<16xf32>
      %mul3A_627 = arith.mulf %get3A_624, %mul3A_626 : vector<16xf32>
      %add3A_628 = arith.constant 4 : i32
      %add3A_629 = arith.addi %mul3A_238, %add3A_628 : i32
      %swap3A_630 = arith.constant 1 : i32
      %swap3A_631 = arith.index_cast %swap3A_630 : i32 to index
      %swap3A_632 = arith.index_cast %add3A_629 : i32 to index
      %swap3A_633 = arith.constant 48 : index
      %swap3A_634 = tpu.vector_load %arg7[%swap3A_631, %swap3A_632, %swap3A_633] {strides = array<i32>} : memref<2x128x64xf32, #tpu.memory_space<vmem>>, vector<1x1x16xf32>,
      %swap3A_635 = vector.shape_cast %swap3A_634 : vector<1x1x16xf32> to vector<16xf32>
      %swap3A_636 = vector.shape_cast %mul3A_627 : vector<16xf32> to vector<1x1x16xf32>
      tpu.vector_store %arg7[%swap3A_631, %swap3A_632, %swap3A_633], %swap3A_636 {strides = array<i32>} : memref<2x128x64xf32, #tpu.memory_space<vmem>>, vector<1x1x16xf32>,
      %add3A_637 = arith.constant 5 : i32
      %add3A_638 = arith.addi %mul3A_238, %add3A_637 : i32
      %get3A_639 = arith.constant 1 : i32
      %get3A_640 = arith.index_cast %get3A_639 : i32 to index
      %get3A_641 = arith.index_cast %add3A_638 : i32 to index
      %get3A_642 = arith.constant 0 : index
      %get3A_643 = tpu.vector_load %arg6[%get3A_640, %get3A_641, %get3A_642] {strides = array<i32>} : memref<2x128x128xf32, #tpu.memory_space<vmem>>, vector<1x1x16xf32>,
      %get3A_644 = vector.shape_cast %get3A_643 : vector<1x1x16xf32> to vector<16xf32>
      %mul3A_645 = arith.constant 8.000000e+00 : f32
      %mul3A_646 = vector.broadcast %mul3A_645 : f32 to vector<16xf32>
      %mul3A_647 = arith.mulf %get3A_644, %mul3A_646 : vector<16xf32>
      %add3A_648 = arith.constant 5 : i32
      %add3A_649 = arith.addi %mul3A_238, %add3A_648 : i32
      %swap3A_650 = arith.constant 1 : i32
      %swap3A_651 = arith.index_cast %swap3A_650 : i32 to index
      %swap3A_652 = arith.index_cast %add3A_649 : i32 to index
      %swap3A_653 = arith.constant 0 : index
      %swap3A_654 = tpu.vector_load %arg7[%swap3A_651, %swap3A_652, %swap3A_653] {strides = array<i32>} : memref<2x128x64xf32, #tpu.memory_space<vmem>>, vector<1x1x16xf32>,
      %swap3A_655 = vector.shape_cast %swap3A_654 : vector<1x1x16xf32> to vector<16xf32>
      %swap3A_656 = vector.shape_cast %mul3A_647 : vector<16xf32> to vector<1x1x16xf32>
      tpu.vector_store %arg7[%swap3A_651, %swap3A_652, %swap3A_653], %swap3A_656 {strides = array<i32>} : memref<2x128x64xf32, #tpu.memory_space<vmem>>, vector<1x1x16xf32>,
      %add3A_657 = arith.constant 5 : i32
      %add3A_658 = arith.addi %mul3A_238, %add3A_657 : i32
      %get3A_659 = arith.constant 1 : i32
      %get3A_660 = arith.index_cast %get3A_659 : i32 to index
      %get3A_661 = arith.index_cast %add3A_658 : i32 to index
      %get3A_662 = arith.constant 16 : index
      %get3A_663 = tpu.vector_load %arg6[%get3A_660, %get3A_661, %get3A_662] {strides = array<i32>} : memref<2x128x128xf32, #tpu.memory_space<vmem>>, vector<1x1x16xf32>,
      %get3A_664 = vector.shape_cast %get3A_663 : vector<1x1x16xf32> to vector<16xf32>
      %mul3A_665 = arith.constant 8.000000e+00 : f32
      %mul3A_666 = vector.broadcast %mul3A_665 : f32 to vector<16xf32>
      %mul3A_667 = arith.mulf %get3A_664, %mul3A_666 : vector<16xf32>
      %add3A_668 = arith.constant 5 : i32
      %add3A_669 = arith.addi %mul3A_238, %add3A_668 : i32
      %swap3A_670 = arith.constant 1 : i32
      %swap3A_671 = arith.index_cast %swap3A_670 : i32 to index
      %swap3A_672 = arith.index_cast %add3A_669 : i32 to index
      %swap3A_673 = arith.constant 16 : index
      %swap3A_674 = tpu.vector_load %arg7[%swap3A_671, %swap3A_672, %swap3A_673] {strides = array<i32>} : memref<2x128x64xf32, #tpu.memory_space<vmem>>, vector<1x1x16xf32>,
      %swap3A_675 = vector.shape_cast %swap3A_674 : vector<1x1x16xf32> to vector<16xf32>
      %swap3A_676 = vector.shape_cast %mul3A_667 : vector<16xf32> to vector<1x1x16xf32>
      tpu.vector_store %arg7[%swap3A_671, %swap3A_672, %swap3A_673], %swap3A_676 {strides = array<i32>} : memref<2x128x64xf32, #tpu.memory_space<vmem>>, vector<1x1x16xf32>,
      %add3A_677 = arith.constant 5 : i32
      %add3A_678 = arith.addi %mul3A_238, %add3A_677 : i32
      %get3A_679 = arith.constant 1 : i32
      %get3A_680 = arith.index_cast %get3A_679 : i32 to index
      %get3A_681 = arith.index_cast %add3A_678 : i32 to index
      %get3A_682 = arith.constant 32 : index
      %get3A_683 = tpu.vector_load %arg6[%get3A_680, %get3A_681, %get3A_682] {strides = array<i32>} : memref<2x128x128xf32, #tpu.memory_space<vmem>>, vector<1x1x16xf32>,
      %get3A_684 = vector.shape_cast %get3A_683 : vector<1x1x16xf32> to vector<16xf32>
      %mul3A_685 = arith.constant 8.000000e+00 : f32
      %mul3A_686 = vector.broadcast %mul3A_685 : f32 to vector<16xf32>
      %mul3A_687 = arith.mulf %get3A_684, %mul3A_686 : vector<16xf32>
      %add3A_688 = arith.constant 5 : i32
      %add3A_689 = arith.addi %mul3A_238, %add3A_688 : i32
      %swap3A_690 = arith.constant 1 : i32
      %swap3A_691 = arith.index_cast %swap3A_690 : i32 to index
      %swap3A_692 = arith.index_cast %add3A_689 : i32 to index
      %swap3A_693 = arith.constant 32 : index
      %swap3A_694 = tpu.vector_load %arg7[%swap3A_691, %swap3A_692, %swap3A_693] {strides = array<i32>} : memref<2x128x64xf32, #tpu.memory_space<vmem>>, vector<1x1x16xf32>,
      %swap3A_695 = vector.shape_cast %swap3A_694 : vector<1x1x16xf32> to vector<16xf32>
      %swap3A_696 = vector.shape_cast %mul3A_687 : vector<16xf32> to vector<1x1x16xf32>
      tpu.vector_store %arg7[%swap3A_691, %swap3A_692, %swap3A_693], %swap3A_696 {strides = array<i32>} : memref<2x128x64xf32, #tpu.memory_space<vmem>>, vector<1x1x16xf32>,
      %add3A_697 = arith.constant 5 : i32
      %add3A_698 = arith.addi %mul3A_238, %add3A_697 : i32
      %get3A_699 = arith.constant 1 : i32
      %get3A_700 = arith.index_cast %get3A_699 : i32 to index
      %get3A_701 = arith.index_cast %add3A_698 : i32 to index
      %get3A_702 = arith.constant 48 : index
      %get3A_703 = tpu.vector_load %arg6[%get3A_700, %get3A_701, %get3A_702] {strides = array<i32>} : memref<2x128x128xf32, #tpu.memory_space<vmem>>, vector<1x1x16xf32>,
      %get3A_704 = vector.shape_cast %get3A_703 : vector<1x1x16xf32> to vector<16xf32>
      %mul3A_705 = arith.constant 8.000000e+00 : f32
      %mul3A_706 = vector.broadcast %mul3A_705 : f32 to vector<16xf32>
      %mul3A_707 = arith.mulf %get3A_704, %mul3A_706 : vector<16xf32>
      %add3A_708 = arith.constant 5 : i32
      %add3A_709 = arith.addi %mul3A_238, %add3A_708 : i32
      %swap3A_710 = arith.constant 1 : i32
      %swap3A_711 = arith.index_cast %swap3A_710 : i32 to index
      %swap3A_712 = arith.index_cast %add3A_709 : i32 to index
      %swap3A_713 = arith.constant 48 : index
      %swap3A_714 = tpu.vector_load %arg7[%swap3A_711, %swap3A_712, %swap3A_713] {strides = array<i32>} : memref<2x128x64xf32, #tpu.memory_space<vmem>>, vector<1x1x16xf32>,
      %swap3A_715 = vector.shape_cast %swap3A_714 : vector<1x1x16xf32> to vector<16xf32>
      %swap3A_716 = vector.shape_cast %mul3A_707 : vector<16xf32> to vector<1x1x16xf32>
      tpu.vector_store %arg7[%swap3A_711, %swap3A_712, %swap3A_713], %swap3A_716 {strides = array<i32>} : memref<2x128x64xf32, #tpu.memory_space<vmem>>, vector<1x1x16xf32>,
      %add3A_717 = arith.constant 6 : i32
      %add3A_718 = arith.addi %mul3A_238, %add3A_717 : i32
      %get3A_719 = arith.constant 1 : i32
      %get3A_720 = arith.index_cast %get3A_719 : i32 to index
      %get3A_721 = arith.index_cast %add3A_718 : i32 to index
      %get3A_722 = arith.constant 0 : index
      %get3A_723 = tpu.vector_load %arg6[%get3A_720, %get3A_721, %get3A_722] {strides = array<i32>} : memref<2x128x128xf32, #tpu.memory_space<vmem>>, vector<1x1x16xf32>,
      %get3A_724 = vector.shape_cast %get3A_723 : vector<1x1x16xf32> to vector<16xf32>
      %mul3A_725 = arith.constant 8.000000e+00 : f32
      %mul3A_726 = vector.broadcast %mul3A_725 : f32 to vector<16xf32>
      %mul3A_727 = arith.mulf %get3A_724, %mul3A_726 : vector<16xf32>
      %add3A_728 = arith.constant 6 : i32
      %add3A_729 = arith.addi %mul3A_238, %add3A_728 : i32
      %swap3A_730 = arith.constant 1 : i32
      %swap3A_731 = arith.index_cast %swap3A_730 : i32 to index
      %swap3A_732 = arith.index_cast %add3A_729 : i32 to index
      %swap3A_733 = arith.constant 0 : index
      %swap3A_734 = tpu.vector_load %arg7[%swap3A_731, %swap3A_732, %swap3A_733] {strides = array<i32>} : memref<2x128x64xf32, #tpu.memory_space<vmem>>, vector<1x1x16xf32>,
      %swap3A_735 = vector.shape_cast %swap3A_734 : vector<1x1x16xf32> to vector<16xf32>
      %swap3A_736 = vector.shape_cast %mul3A_727 : vector<16xf32> to vector<1x1x16xf32>
      tpu.vector_store %arg7[%swap3A_731, %swap3A_732, %swap3A_733], %swap3A_736 {strides = array<i32>} : memref<2x128x64xf32, #tpu.memory_space<vmem>>, vector<1x1x16xf32>,
      %add3A_737 = arith.constant 6 : i32
      %add3A_738 = arith.addi %mul3A_238, %add3A_737 : i32
      %get3A_739 = arith.constant 1 : i32
      %get3A_740 = arith.index_cast %get3A_739 : i32 to index
      %get3A_741 = arith.index_cast %add3A_738 : i32 to index
      %get3A_742 = arith.constant 16 : index
      %get3A_743 = tpu.vector_load %arg6[%get3A_740, %get3A_741, %get3A_742] {strides = array<i32>} : memref<2x128x128xf32, #tpu.memory_space<vmem>>, vector<1x1x16xf32>,
      %get3A_744 = vector.shape_cast %get3A_743 : vector<1x1x16xf32> to vector<16xf32>
      %mul3A_745 = arith.constant 8.000000e+00 : f32
      %mul3A_746 = vector.broadcast %mul3A_745 : f32 to vector<16xf32>
      %mul3A_747 = arith.mulf %get3A_744, %mul3A_746 : vector<16xf32>
      %add3A_748 = arith.constant 6 : i32
      %add3A_749 = arith.addi %mul3A_238, %add3A_748 : i32
      %swap3A_750 = arith.constant 1 : i32
      %swap3A_751 = arith.index_cast %swap3A_750 : i32 to index
      %swap3A_752 = arith.index_cast %add3A_749 : i32 to index
      %swap3A_753 = arith.constant 16 : index
      %swap3A_754 = tpu.vector_load %arg7[%swap3A_751, %swap3A_752, %swap3A_753] {strides = array<i32>} : memref<2x128x64xf32, #tpu.memory_space<vmem>>, vector<1x1x16xf32>,
      %swap3A_755 = vector.shape_cast %swap3A_754 : vector<1x1x16xf32> to vector<16xf32>
      %swap3A_756 = vector.shape_cast %mul3A_747 : vector<16xf32> to vector<1x1x16xf32>
      tpu.vector_store %arg7[%swap3A_751, %swap3A_752, %swap3A_753], %swap3A_756 {strides = array<i32>} : memref<2x128x64xf32, #tpu.memory_space<vmem>>, vector<1x1x16xf32>,
      %add3A_757 = arith.constant 6 : i32
      %add3A_758 = arith.addi %mul3A_238, %add3A_757 : i32
      %get3A_759 = arith.constant 1 : i32
      %get3A_760 = arith.index_cast %get3A_759 : i32 to index
      %get3A_761 = arith.index_cast %add3A_758 : i32 to index
      %get3A_762 = arith.constant 32 : index
      %get3A_763 = tpu.vector_load %arg6[%get3A_760, %get3A_761, %get3A_762] {strides = array<i32>} : memref<2x128x128xf32, #tpu.memory_space<vmem>>, vector<1x1x16xf32>,
      %get3A_764 = vector.shape_cast %get3A_763 : vector<1x1x16xf32> to vector<16xf32>
      %mul3A_765 = arith.constant 8.000000e+00 : f32
      %mul3A_766 = vector.broadcast %mul3A_765 : f32 to vector<16xf32>
      %mul3A_767 = arith.mulf %get3A_764, %mul3A_766 : vector<16xf32>
      %add3A_768 = arith.constant 6 : i32
      %add3A_769 = arith.addi %mul3A_238, %add3A_768 : i32
      %swap3A_770 = arith.constant 1 : i32
      %swap3A_771 = arith.index_cast %swap3A_770 : i32 to index
      %swap3A_772 = arith.index_cast %add3A_769 : i32 to index
      %swap3A_773 = arith.constant 32 : index
      %swap3A_774 = tpu.vector_load %arg7[%swap3A_771, %swap3A_772, %swap3A_773] {strides = array<i32>} : memref<2x128x64xf32, #tpu.memory_space<vmem>>, vector<1x1x16xf32>,
      %swap3A_775 = vector.shape_cast %swap3A_774 : vector<1x1x16xf32> to vector<16xf32>
      %swap3A_776 = vector.shape_cast %mul3A_767 : vector<16xf32> to vector<1x1x16xf32>
      tpu.vector_store %arg7[%swap3A_771, %swap3A_772, %swap3A_773], %swap3A_776 {strides = array<i32>} : memref<2x128x64xf32, #tpu.memory_space<vmem>>, vector<1x1x16xf32>,
      %add3A_777 = arith.constant 6 : i32
      %add3A_778 = arith.addi %mul3A_238, %add3A_777 : i32
      %get3A_779 = arith.constant 1 : i32
      %get3A_780 = arith.index_cast %get3A_779 : i32 to index
      %get3A_781 = arith.index_cast %add3A_778 : i32 to index
      %get3A_782 = arith.constant 48 : index
      %get3A_783 = tpu.vector_load %arg6[%get3A_780, %get3A_781, %get3A_782] {strides = array<i32>} : memref<2x128x128xf32, #tpu.memory_space<vmem>>, vector<1x1x16xf32>,
      %get3A_784 = vector.shape_cast %get3A_783 : vector<1x1x16xf32> to vector<16xf32>
      %mul3A_785 = arith.constant 8.000000e+00 : f32
      %mul3A_786 = vector.broadcast %mul3A_785 : f32 to vector<16xf32>
      %mul3A_787 = arith.mulf %get3A_784, %mul3A_786 : vector<16xf32>
      %add3A_788 = arith.constant 6 : i32
      %add3A_789 = arith.addi %mul3A_238, %add3A_788 : i32
      %swap3A_790 = arith.constant 1 : i32
      %swap3A_791 = arith.index_cast %swap3A_790 : i32 to index
      %swap3A_792 = arith.index_cast %add3A_789 : i32 to index
      %swap3A_793 = arith.constant 48 : index
      %swap3A_794 = tpu.vector_load %arg7[%swap3A_791, %swap3A_792, %swap3A_793] {strides = array<i32>} : memref<2x128x64xf32, #tpu.memory_space<vmem>>, vector<1x1x16xf32>,
      %swap3A_795 = vector.shape_cast %swap3A_794 : vector<1x1x16xf32> to vector<16xf32>
      %swap3A_796 = vector.shape_cast %mul3A_787 : vector<16xf32> to vector<1x1x16xf32>
      tpu.vector_store %arg7[%swap3A_791, %swap3A_792, %swap3A_793], %swap3A_796 {strides = array<i32>} : memref<2x128x64xf32, #tpu.memory_space<vmem>>, vector<1x1x16xf32>,
      %add3A_797 = arith.constant 7 : i32
      %add3A_798 = arith.addi %mul3A_238, %add3A_797 : i32
      %get3A_799 = arith.constant 1 : i32
      %get3A_800 = arith.index_cast %get3A_799 : i32 to index
      %get3A_801 = arith.index_cast %add3A_798 : i32 to index
      %get3A_802 = arith.constant 0 : index
      %get3A_803 = tpu.vector_load %arg6[%get3A_800, %get3A_801, %get3A_802] {strides = array<i32>} : memref<2x128x128xf32, #tpu.memory_space<vmem>>, vector<1x1x16xf32>,
      %get3A_804 = vector.shape_cast %get3A_803 : vector<1x1x16xf32> to vector<16xf32>
      %mul3A_805 = arith.constant 8.000000e+00 : f32
      %mul3A_806 = vector.broadcast %mul3A_805 : f32 to vector<16xf32>
      %mul3A_807 = arith.mulf %get3A_804, %mul3A_806 : vector<16xf32>
      %add3A_808 = arith.constant 7 : i32
      %add3A_809 = arith.addi %mul3A_238, %add3A_808 : i32
      %swap3A_810 = arith.constant 1 : i32
      %swap3A_811 = arith.index_cast %swap3A_810 : i32 to index
      %swap3A_812 = arith.index_cast %add3A_809 : i32 to index
      %swap3A_813 = arith.constant 0 : index
      %swap3A_814 = tpu.vector_load %arg7[%swap3A_811, %swap3A_812, %swap3A_813] {strides = array<i32>} : memref<2x128x64xf32, #tpu.memory_space<vmem>>, vector<1x1x16xf32>,
      %swap3A_815 = vector.shape_cast %swap3A_814 : vector<1x1x16xf32> to vector<16xf32>
      %swap3A_816 = vector.shape_cast %mul3A_807 : vector<16xf32> to vector<1x1x16xf32>
      tpu.vector_store %arg7[%swap3A_811, %swap3A_812, %swap3A_813], %swap3A_816 {strides = array<i32>} : memref<2x128x64xf32, #tpu.memory_space<vmem>>, vector<1x1x16xf32>,
      %add3A_817 = arith.constant 7 : i32
      %add3A_818 = arith.addi %mul3A_238, %add3A_817 : i32
      %get3A_819 = arith.constant 1 : i32
      %get3A_820 = arith.index_cast %get3A_819 : i32 to index
      %get3A_821 = arith.index_cast %add3A_818 : i32 to index
      %get3A_822 = arith.constant 16 : index
      %get3A_823 = tpu.vector_load %arg6[%get3A_820, %get3A_821, %get3A_822] {strides = array<i32>} : memref<2x128x128xf32, #tpu.memory_space<vmem>>, vector<1x1x16xf32>,
      %get3A_824 = vector.shape_cast %get3A_823 : vector<1x1x16xf32> to vector<16xf32>
      %mul3A_825 = arith.constant 8.000000e+00 : f32
      %mul3A_826 = vector.broadcast %mul3A_825 : f32 to vector<16xf32>
      %mul3A_827 = arith.mulf %get3A_824, %mul3A_826 : vector<16xf32>
      %add3A_828 = arith.constant 7 : i32
      %add3A_829 = arith.addi %mul3A_238, %add3A_828 : i32
      %swap3A_830 = arith.constant 1 : i32
      %swap3A_831 = arith.index_cast %swap3A_830 : i32 to index
      %swap3A_832 = arith.index_cast %add3A_829 : i32 to index
      %swap3A_833 = arith.constant 16 : index
      %swap3A_834 = tpu.vector_load %arg7[%swap3A_831, %swap3A_832, %swap3A_833] {strides = array<i32>} : memref<2x128x64xf32, #tpu.memory_space<vmem>>, vector<1x1x16xf32>,
      %swap3A_835 = vector.shape_cast %swap3A_834 : vector<1x1x16xf32> to vector<16xf32>
      %swap3A_836 = vector.shape_cast %mul3A_827 : vector<16xf32> to vector<1x1x16xf32>
      tpu.vector_store %arg7[%swap3A_831, %swap3A_832, %swap3A_833], %swap3A_836 {strides = array<i32>} : memref<2x128x64xf32, #tpu.memory_space<vmem>>, vector<1x1x16xf32>,
      %add3A_837 = arith.constant 7 : i32
      %add3A_838 = arith.addi %mul3A_238, %add3A_837 : i32
      %get3A_839 = arith.constant 1 : i32
      %get3A_840 = arith.index_cast %get3A_839 : i32 to index
      %get3A_841 = arith.index_cast %add3A_838 : i32 to index
      %get3A_842 = arith.constant 32 : index
      %get3A_843 = tpu.vector_load %arg6[%get3A_840, %get3A_841, %get3A_842] {strides = array<i32>} : memref<2x128x128xf32, #tpu.memory_space<vmem>>, vector<1x1x16xf32>,
      %get3A_844 = vector.shape_cast %get3A_843 : vector<1x1x16xf32> to vector<16xf32>
      %mul3A_845 = arith.constant 8.000000e+00 : f32
      %mul3A_846 = vector.broadcast %mul3A_845 : f32 to vector<16xf32>
      %mul3A_847 = arith.mulf %get3A_844, %mul3A_846 : vector<16xf32>
      %add3A_848 = arith.constant 7 : i32
      %add3A_849 = arith.addi %mul3A_238, %add3A_848 : i32
      %swap3A_850 = arith.constant 1 : i32
      %swap3A_851 = arith.index_cast %swap3A_850 : i32 to index
      %swap3A_852 = arith.index_cast %add3A_849 : i32 to index
      %swap3A_853 = arith.constant 32 : index
      %swap3A_854 = tpu.vector_load %arg7[%swap3A_851, %swap3A_852, %swap3A_853] {strides = array<i32>} : memref<2x128x64xf32, #tpu.memory_space<vmem>>, vector<1x1x16xf32>,
      %swap3A_855 = vector.shape_cast %swap3A_854 : vector<1x1x16xf32> to vector<16xf32>
      %swap3A_856 = vector.shape_cast %mul3A_847 : vector<16xf32> to vector<1x1x16xf32>
      tpu.vector_store %arg7[%swap3A_851, %swap3A_852, %swap3A_853], %swap3A_856 {strides = array<i32>} : memref<2x128x64xf32, #tpu.memory_space<vmem>>, vector<1x1x16xf32>,
      %add3A_857 = arith.constant 7 : i32
      %add3A_858 = arith.addi %mul3A_238, %add3A_857 : i32
      %get3A_859 = arith.constant 1 : i32
      %get3A_860 = arith.index_cast %get3A_859 : i32 to index
      %get3A_861 = arith.index_cast %add3A_858 : i32 to index
      %get3A_862 = arith.constant 48 : index
      %get3A_863 = tpu.vector_load %arg6[%get3A_860, %get3A_861, %get3A_862] {strides = array<i32>} : memref<2x128x128xf32, #tpu.memory_space<vmem>>, vector<1x1x16xf32>,
      %get3A_864 = vector.shape_cast %get3A_863 : vector<1x1x16xf32> to vector<16xf32>
      %mul3A_865 = arith.constant 8.000000e+00 : f32
      %mul3A_866 = vector.broadcast %mul3A_865 : f32 to vector<16xf32>
      %mul3A_867 = arith.mulf %get3A_864, %mul3A_866 : vector<16xf32>
      %add3A_868 = arith.constant 7 : i32
      %add3A_869 = arith.addi %mul3A_238, %add3A_868 : i32
      %swap3A_870 = arith.constant 1 : i32
      %swap3A_871 = arith.index_cast %swap3A_870 : i32 to index
      %swap3A_872 = arith.index_cast %add3A_869 : i32 to index
      %swap3A_873 = arith.constant 48 : index
      %swap3A_874 = tpu.vector_load %arg7[%swap3A_871, %swap3A_872, %swap3A_873] {strides = array<i32>} : memref<2x128x64xf32, #tpu.memory_space<vmem>>, vector<1x1x16xf32>,
      %swap3A_875 = vector.shape_cast %swap3A_874 : vector<1x1x16xf32> to vector<16xf32>
      %swap3A_876 = vector.shape_cast %mul3A_867 : vector<16xf32> to vector<1x1x16xf32>
      tpu.vector_store %arg7[%swap3A_871, %swap3A_872, %swap3A_873], %swap3A_876 {strides = array<i32>} : memref<2x128x64xf32, #tpu.memory_space<vmem>>, vector<1x1x16xf32>,
      %scan3A_877 = arith.constant 0 : i32
      scf.yield %scan3A_877 : i32
    }
    %scan3A_189 = arith.constant 16 : i32
    %add3A_190 = arith.constant 25472 : i32
    %add3A_191 = arith.addi %mul3A_2, %add3A_190 : i32
    %dma_start3A_192 = arith.constant 1 : i32
    %dma_start3A_193 = arith.constant 0 : i32
    %dma_start3A_194 = arith.constant 0 : i32
    %dma_start3A_195 = tpu.memref_slice %arg7[%dma_start3A_192, %dma_start3A_193, %dma_start3A_194] : memref<2x128x64xf32, #tpu.memory_space<vmem>> -> memref<1x128x64xf32, #tpu.memory_space<vmem>>
    %dma_start3A_196 = tpu.memref_squeeze %dma_start3A_195 : memref<1x128x64xf32, #tpu.memory_space<vmem>> -> memref<128x64xf32, #tpu.memory_space<vmem>>
    %dma_start3A_197 = arith.constant 0 : i32
    %dma_start3A_198 = tpu.memref_slice %arg4[%add3A_191, %dma_start3A_197] : memref<819200x64xf32, #tpu.memory_space<hbm>> -> memref<128x64xf32, #tpu.memory_space<hbm>>
    %dma_start3A_199 = arith.constant 0 : i32
    %dma_start3A_200 = tpu.memref_slice %arg4[%add3A_191, %dma_start3A_199] : memref<819200x64xf32, #tpu.memory_space<hbm>> -> memref<128x64xf32, #tpu.memory_space<hbm>>
    %dma_start3A_201 = arith.constant 0 : i32
    %dma_start3A_202 = arith.constant 0 : i32
    %dma_start3A_203 = tpu.memref_slice %arg7[%dma_start3A_192, %dma_start3A_201, %dma_start3A_202] : memref<2x128x64xf32, #tpu.memory_space<vmem>> -> memref<1x128x64xf32, #tpu.memory_space<vmem>>
    %dma_start3A_204 = tpu.memref_squeeze %dma_start3A_203 : memref<1x128x64xf32, #tpu.memory_space<vmem>> -> memref<128x64xf32, #tpu.memory_space<vmem>>
    tpu.enqueue_dma source(%dma_start3A_204 : memref<128x64xf32, #tpu.memory_space<vmem>>) target(%dma_start3A_200 : memref<128x64xf32, #tpu.memory_space<hbm>>) target_semaphore(%arg11 : memref<!tpu.dma_semaphore, #tpu.memory_space<semaphore_mem>>)
    %add3A_205 = arith.constant 25344 : i32
    %add3A_206 = arith.addi %mul3A_2, %add3A_205 : i32
    %dma_wait3A_207 = arith.constant 0 : i32
    %dma_wait3A_208 = arith.constant 0 : i32
    %dma_wait3A_209 = arith.constant 0 : i32
    %dma_wait3A_210 = tpu.memref_slice %arg7[%dma_wait3A_207, %dma_wait3A_208, %dma_wait3A_209] : memref<2x128x64xf32, #tpu.memory_space<vmem>> -> memref<1x128x64xf32, #tpu.memory_space<vmem>>
    %dma_wait3A_211 = tpu.memref_squeeze %dma_wait3A_210 : memref<1x128x64xf32, #tpu.memory_space<vmem>> -> memref<128x64xf32, #tpu.memory_space<vmem>>
    %dma_wait3A_212 = arith.constant 0 : i32
    %dma_wait3A_213 = tpu.memref_slice %arg4[%add3A_206, %dma_wait3A_212] : memref<819200x64xf32, #tpu.memory_space<hbm>> -> memref<128x64xf32, #tpu.memory_space<hbm>>
    %dma_wait3A_214 = arith.constant 0 : i32
    %dma_wait3A_215 = tpu.memref_slice %arg4[%add3A_206, %dma_wait3A_214] : memref<819200x64xf32, #tpu.memory_space<hbm>> -> memref<128x64xf32, #tpu.memory_space<hbm>>
    %dma_wait3A_216 = arith.constant 0 : i32
    %dma_wait3A_217 = arith.constant 0 : i32
    %dma_wait3A_218 = tpu.memref_slice %arg7[%dma_wait3A_207, %dma_wait3A_216, %dma_wait3A_217] : memref<2x128x64xf32, #tpu.memory_space<vmem>> -> memref<1x128x64xf32, #tpu.memory_space<vmem>>
    %dma_wait3A_219 = tpu.memref_squeeze %dma_wait3A_218 : memref<1x128x64xf32, #tpu.memory_space<vmem>> -> memref<128x64xf32, #tpu.memory_space<vmem>>
    tpu.wait_dma2 semaphore(%arg10 : memref<!tpu.dma_semaphore, #tpu.memory_space<semaphore_mem>>) src(%dma_wait3A_219 : memref<128x64xf32, #tpu.memory_space<vmem>>) dst(%dma_wait3A_215 : memref<128x64xf32, #tpu.memory_space<hbm>>)
    %add3A_220 = arith.constant 25472 : i32
    %add3A_221 = arith.addi %mul3A_2, %add3A_220 : i32
    %dma_wait3A_222 = arith.constant 1 : i32
    %dma_wait3A_223 = arith.constant 0 : i32
    %dma_wait3A_224 = arith.constant 0 : i32
    %dma_wait3A_225 = tpu.memref_slice %arg7[%dma_wait3A_222, %dma_wait3A_223, %dma_wait3A_224] : memref<2x128x64xf32, #tpu.memory_space<vmem>> -> memref<1x128x64xf32, #tpu.memory_space<vmem>>
    %dma_wait3A_226 = tpu.memref_squeeze %dma_wait3A_225 : memref<1x128x64xf32, #tpu.memory_space<vmem>> -> memref<128x64xf32, #tpu.memory_space<vmem>>
    %dma_wait3A_227 = arith.constant 0 : i32
    %dma_wait3A_228 = tpu.memref_slice %arg4[%add3A_221, %dma_wait3A_227] : memref<819200x64xf32, #tpu.memory_space<hbm>> -> memref<128x64xf32, #tpu.memory_space<hbm>>
    %dma_wait3A_229 = arith.constant 0 : i32
    %dma_wait3A_230 = tpu.memref_slice %arg4[%add3A_221, %dma_wait3A_229] : memref<819200x64xf32, #tpu.memory_space<hbm>> -> memref<128x64xf32, #tpu.memory_space<hbm>>
    %dma_wait3A_231 = arith.constant 0 : i32
    %dma_wait3A_232 = arith.constant 0 : i32
    %dma_wait3A_233 = tpu.memref_slice %arg7[%dma_wait3A_222, %dma_wait3A_231, %dma_wait3A_232] : memref<2x128x64xf32, #tpu.memory_space<vmem>> -> memref<1x128x64xf32, #tpu.memory_space<vmem>>
    %dma_wait3A_234 = tpu.memref_squeeze %dma_wait3A_233 : memref<1x128x64xf32, #tpu.memory_space<vmem>> -> memref<128x64xf32, #tpu.memory_space<vmem>>
    tpu.wait_dma2 semaphore(%arg11 : memref<!tpu.dma_semaphore, #tpu.memory_space<semaphore_mem>>) src(%dma_wait3A_234 : memref<128x64xf32, #tpu.memory_space<vmem>>) dst(%dma_wait3A_230 : memref<128x64xf32, #tpu.memory_space<hbm>>)
    return
  }
}

</mosaic_0001>

<sc_bundles>
// kernel: kernel.3.cloned.1.call-start
scs
__scs_entry_jumppad:
0x0: {  	(pc) =	sbr.rel $0x88, $3  }
0x1: {  	(tag) =	ssettag $0x0;
	lr =	simm.s32 $0x1  }
0x2: {  	[smem:$0x3F9F] =	sst lr;
	_ =	strace $0xD0000000  }
0x3: {  	_ = 	snop  }
0x4: {  	_ = 	snop  }
0x5: {  	_ = 	snop  }
0x6: {  	_ = 	snop  }
0x7: {  	_ = 	snop  }
__scs_overlays_trampoline_lowered:
0x8: {  	[smem:$0x3FAE] =	sst s0  }
0x9: {  	[smem:$0x3FAF] =	sst s1  }
0xa: {  	[smem:$0x3FB0] =	sst s2  }
0xb: {  	[smem:$0x3FB1] =	sst s3  }
0xc: {  	[smem:$0x3FB2] =	sst s4  }
0xd: {  	[smem:$0x3FB3] =	sst s5  }
0xe: {  	[smem:$0x3FB4] =	sst s6  }
0xf: {  	[smem:$0x3FB5] =	sst s7  }
0x10: {  	[smem:$0x3FB6] =	sst s8  }
0x11: {  	[smem:$0x3FB7] =	sst s9;
	s0 =	simm.s32 @!p0 $0x0  }
0x12: {  	s1 =	sld [smem:$0x3F9D];
	s0 =	simm.s32 @p0 $0x1  }
0x13: {  	[smem:$0x3FB8] =	sst s0;
	s0 =	simm.s32 @!p1 $0x0  }
0x14: {  	s2 =	sld [smem:$0x3F9C];
	s0 =	simm.s32 @p1 $0x1  }
0x15: {  	[smem:$0x3FB9] =	sst s0;
	s0 =	simm.s32 @!p2 $0x0  }
0x16: {  	s3 =	sld [smem:$0x3FDB];
	s0 =	simm.s32 @p2 $0x1  }
0x17: {  	s4 =	simm.s32 $0x1BF5;
	[smem:$0x3FBB] =	sst s0  }
0x18: {  	s0 =	sld [smem:$0x3F9E];
	_ =	swait.ge [sflag:s4], $0x0  }
0x19: {  	s7 =	sld [smem:$0x3F9F]  }
0x1a: {  	s8 =	sadd.s32 $0xFFFFE003, lr  }
0x1b: {  	s9 =	sadd.s32 $0xFFFFFEF7, lr;
	s5 =	simm.s32 $0xFFFFFFFF;
	p2 =	slt.u32 s8, $0xFFFFF086  }
0x1c: {  	p1 =	slt.u32 s9, $0xF7A;
	s5 =	simm.s32 @!p2 $0x0  }
0x1d: {  	s5 =	simm.s32 @p1 $0x1;
	p0 =	seq.s32 s7, s2  }
0x1e: {  	s7 =	smul.u32 @!p0 $0xF7A, s2;
	p2 =	seq.s32 @!p0 s5, $0x0  }
0x1f: {  	s9 =	smul.u32 $0xF7A, s1;
	s8 =	simm.s32 @!p0 $0x1BF5;
	p2 =	por !p2, p0  }
0x20: {  	[sflag:s8] =	ssyncset.s32 @!p0 $0xFFFFF086;
	s6 =	sadd.s32 @!p0 s3, s7;
	s7 =	simm.s32 @!p0 $0x108  }
0x21: {  	s3 =	sadd.s32 s3, s9;
	s6 =	sadd.s32 @!p0 $0x88, s6;
	s7 =	simm.s32 @p2 $0x1082  }
0x22: {  	[simem:s7], [sflag:s8] =	dma.local @!p0 [hbm:s6], $0xF7A  }
0x23: {  	s9 =	sor.u32 $0xD0000000, s2;
	s6 =	simm.s32 $0x108;
	_ =	swait.ge @!p0 [sflag:s8], $0x0  }
0x24: {  	s3 =	sadd.s32 $0x88, s3;
	s6 =	simm.s32 @!p1 $0x1082;
	[sflag:s4] =	ssyncset.s32 $0xFFFFF086  }
0x25: {  	[simem:s6], [sflag:s4] =	dma.local [hbm:s3], $0xF7A  }
0x26: {  	[smem:$0x3F9F] =	sst s1;
	(tag) =	ssettag s2;
	_ =	strace s9  }
0x27: {  	s1 =	sld [smem:$0x3FAF]  }
0x28: {  	s2 =	sld [smem:$0x3FB0]  }
0x29: {  	s4 =	sld [smem:$0x3FB2]  }
0x2a: {  	p0 =	seq.s32 s5, $0x0;
	s5 =	sld [smem:$0x3FB3]  }
0x2b: {  	s6 =	sld [smem:$0x3FB4]  }
0x2c: {  	s7 =	sld [smem:$0x3FB5]  }
0x2d: {  	s3 =	simm.s32 $0x108;
	s8 =	sld [smem:$0x3FB6]  }
0x2e: {  	s3 =	simm.s32 @!p0 $0x1082;
	s9 =	sld [smem:$0x3FB7]  }
0x2f: {  	lr =	sadd.s32 s0, s3;
	s0 =	sld [smem:$0x3FAE]  }
0x30: {  	s3 =	sld [smem:$0x3FB1]  }
0x31: {  	[smem:$0x3FBA] =	sst s10  }
0x32: {  	s10 =	sld [smem:$0x3FB8];
	_ =	sdelay $0x3  }
0x33: {  	p0 =	seq.s32 s10, $0x1;
	s10 =	sld [smem:$0x3FBA];
	_ =	sdelay $0x3  }
0x34: {  	[smem:$0x3FBA] =	sst s10  }
0x35: {  	s10 =	sld [smem:$0x3FB9];
	_ =	sdelay $0x3  }
0x36: {  	p1 =	seq.s32 s10, $0x1;
	s10 =	sld [smem:$0x3FBA];
	_ =	sdelay $0x3  }
0x37: {  	[smem:$0x3FBA] =	sst s10  }
0x38: {  	s10 =	sld [smem:$0x3FBB]  }
0x39: {  	_ = 	snop;
	(pc) =	sbr.ind lr, $3  }
0x3a: {  	_ = 	snop  }
0x3b: {  	_ = 	snop  }
0x3c: {  	p2 =	seq.s32 s10, $0x1;
	s10 =	sld [smem:$0x3FBA]  }
0x3d: {  	_ =	shalt  }
0x3e: {  	_ =	shalt  }
0x3f: {  	_ =	shalt  }
0x40: {  	_ =	shalt  }
0x41: {  	_ =	shalt  }
0x42: {  	_ =	shalt  }
0x43: {  	_ =	shalt  }
0x44: {  	_ =	shalt  }
0x45: {  	_ =	shalt  }
0x46: {  	_ =	shalt  }
0x47: {  	_ =	shalt  }
0x48: {  	_ =	shalt  }
0x49: {  	_ =	shalt  }
0x4a: {  	_ =	shalt  }
0x4b: {  	_ =	shalt  }
0x4c: {  	_ =	shalt  }
0x4d: {  	_ =	shalt  }
0x4e: {  	_ =	shalt  }
0x4f: {  	_ =	shalt  }
0x50: {  	_ =	shalt  }
0x51: {  	_ =	shalt  }
0x52: {  	_ =	shalt  }
0x53: {  	_ =	shalt  }
0x54: {  	_ =	shalt  }
0x55: {  	_ =	shalt  }
0x56: {  	_ =	shalt  }
0x57: {  	_ =	shalt  }
0x58: {  	_ =	shalt  }
0x59: {  	_ =	shalt  }
0x5a: {  	_ =	shalt  }
0x5b: {  	_ =	shalt  }
0x5c: {  	_ =	shalt  }
0x5d: {  	_ =	shalt  }
0x5e: {  	_ =	shalt  }
0x5f: {  	_ =	shalt  }
0x60: {  	_ =	shalt  }
0x61: {  	_ =	shalt  }
0x62: {  	_ =	shalt  }
0x63: {  	_ =	shalt  }
0x64: {  	_ =	shalt  }
0x65: {  	_ =	shalt  }
0x66: {  	_ =	shalt  }
0x67: {  	_ =	shalt  }
0x68: {  	_ =	shalt  }
0x69: {  	_ =	shalt  }
0x6a: {  	_ =	shalt  }
0x6b: {  	_ =	shalt  }
0x6c: {  	_ =	shalt  }
0x6d: {  	_ =	shalt  }
0x6e: {  	_ =	shalt  }
0x6f: {  	_ =	shalt  }
0x70: {  	_ =	shalt  }
0x71: {  	_ =	shalt  }
0x72: {  	_ =	shalt  }
0x73: {  	_ =	shalt  }
0x74: {  	_ =	shalt  }
0x75: {  	_ =	shalt  }
0x76: {  	_ =	shalt  }
0x77: {  	_ =	shalt  }
0x78: {  	_ =	shalt  }
0x79: {  	_ =	shalt  }
0x7a: {  	_ =	shalt  }
0x7b: {  	_ =	shalt  }
0x7c: {  	_ =	shalt  }
0x7d: {  	_ =	shalt  }
0x7e: {  	_ =	shalt  }
0x7f: {  	_ =	shalt  }
0x80: {  	_ =	shalt  }
0x81: {  	_ =	shalt  }
0x82: {  	_ =	shalt  }
0x83: {  	_ =	shalt  }
0x84: {  	_ =	shalt  }
0x85: {  	_ =	shalt  }
0x86: {  	_ =	shalt  }
0x87: {  	_ =	shalt  }
.Lfunc_end0:
.L_simem_size_0:
called_computation.1_lowered:
.L_overlay_start_0:
0x88: {  	s2 =	sld [smem:$0x3FD9]  }
0x89: {  	s3 =	sld [smem:$0x3FFE];
	_ =	sdelay $0x1  }
0x8a: {  	s1 =	srdreg.scid  }
0x8b: {  	s0 =	sand.u32 $0x1, s1  }
0x8c: {  	s16 =	sshll.u32 s0, $0xA;
	s2 =	sadd.s32 s3, s2  }
0x8d: {  	s2 =	sadd.s32 s2, s16  }
0x8e: {  	[smem:$0x3FC6] =	sst s2  }
0x8f: {  	_ = 	snop  }
0x90: {  	(tm) =	ssettm $0x1  }
0x91: {  	s17 =	sld [smem:$0x3FFB];
	_ =	sdelay $0x3  }
0x92: {  	_ =	strace s17  }
0x93: {  	s2 =	sld [smem:$0x3FFC];
	_ =	sdelay $0x3  }
0x94: {  	_ =	strace s2  }
0x95: {  	s2 =	sld [smem:$0x3FFD];
	_ =	sdelay $0x3  }
0x96: {  	_ =	strace s2  }
0x97: {  	_ =	strace $0x8FFFFFFF  }
0x98: {  	s18 =	sld [smem:$0x3FDB];
	_ =	sdelay $0x1  }
0x99: {  	s19 =	simm.s32 $_scs_section_size  }
0x9a: {  	s4 =	simm.s32 $_size__tile_overlayer_lowered;
	s5 =	simm.s32 $_tile_overlayer_lowered  }
0x9b: {  	s22 =	simm.s32 $0x1BFF;
	s21 =	sshll.u32 s5, $0x1;
	s2 =	sadd.s32 s19, s18  }
0x9c: {  	s6 =	simm.s32 $0x0;
	s20 =	sshll.u32 s4, $0x1;
	s4 =	sadd.s32 s21, s2  }
0x9d: {  	[timem:s6], [sflag:s22] =	dma.local [hbm:s4], s20  }
0x9e: {  	_ =	swait.ge [sflag:s22], s20  }
0x9f: {  	s3 =	ssub.s32 $0x0, s20;
	[sflag:s22] =	ssyncset.done $0x0  }
0xa0: {  	[sflag:s22] =	ssyncadd.s32 s3;
	_ =	sdelay $0x1  }
0xa1: {  	s23 =	simm.s32 $0x1B8B  }
0xa2: {  	_ =	swait.ge [sflag:s23], $0x1  }
0xa3: {  	[sflag:s23] =	ssyncset.done $0x0  }
0xa4: {  	s25 =	simm.s32 $0x1B8E;
	s24 =	sld [smem:$0x3FFE];
	[sflag:s23] =	ssyncadd.s32 $0xFFFFFFFF  }
0xa5: {  	s26 =	simm.s32 $execute0_lowered;
	[smem:$0x3FD2] =	sst s25  }
0xa6: {  	s4 =	sshll.u32 s26, $0x1;
	_ =	strace $0x80000046;
	[dreg:$0x1] =	wrdreg $0xFFFFFFFF  }
0xa7: {  	s28 =	simm.s32 $_size_execute0_lowered;
	s2 =	sadd.s32 s2, s4;
	[dreg:$0x0] =	wrdreg $0x0  }
0xa8: {  	s4 =	sshll.u32 s28, $0x1;
	[dreg:$0x2] =	wrdreg s2  }
0xa9: {  	[dreg:$0x3] =	wrdreg s4  }
0xaa: {  	[dreg:$0x4] =	wrdreg $0xC0  }
0xab: {  	_ =	task [dreg:s6], $0x5FFFF  }
0xac: {  	[dreg:$0x1] =	wrdreg $0xFFFFFFFF  }
0xad: {  	[dreg:$0x0] =	wrdreg $0x60  }
0xae: {  	[dreg:$0x2] =	wrdreg s24  }
0xaf: {  	[dreg:$0x3] =	wrdreg $0x9  }
0xb0: {  	_ =	task.clear_ibuf [dreg:s6], $0x4FFFF;
	_ =	strace $0x90000046  }
0xb1: {  	s29 =	simm.s32 $0x9;
	_ =	strace $0x80000048  }
0xb2: {  	_ =	swait.ge [sflag:s29], $0x1  }
0xb3: {  	[sflag:s29] =	ssyncadd.s32 $0xFFFFFFFF  }
0xb4: {  	_ =	strace $0x90000048  }
0xb5: {  	_ =	sfence  }
0xb6: {  	s30 =	sld [smem:$0x0];
	_ =	sdelay $0x2  }
0xb7: {  	s31 =	sshll.u32 s1, $0xD;
	s1 =	sshrl.u32 s1, $0x2  }
0xb8: {  	s3 =	sand.u32 $0x4000, s31;
	s1 =	sadd.s32 s1, s30  }
0xb9: {  	s0 =	sor.u32 s3, s0;
	s1 =	sshll.u32 s1, $0x11  }
0xba: {  	s0 =	sor.u32 s1, s0  }
0xbb: {  	s0 =	sadd.s32 $0x8F2B, s0  }
0xbc: {  	[sflag:s0] =	ssyncadd.remote.s32 $0x1  }
0xbd: {  	_ =	sfence.sel $0xFFFF  }
0xbe: {  	[dreg:$0x0] =	wrdreg $0xFFFFFFFF;
	(pc) =	sbr.abs _section_cstart, $3  }
0xbf: {  	[dreg:$0x1] =	wrdreg $0xFFFFFFFF  }
0xc0: {  	_ =	task.clear_ibuf [dreg:s6], $0x2FFFF;
	_ =	strace $0x9FFFFFFF  }
0xc1: {  	(tm) =	ssettm $0x7FFFFFFF  }
tec
execute0_lowered:
.L_overlay_start_1:
0x0: {  	(tag) =	ssettag $0x1  }
0x1: {  	s1 =	srdreg.scid  }
0x2: {  	s0 =	stileid.u32;
	s6 =	rddreg [dreg:$0x0];
	s2 =	simm.s32 $0x0  }
0x3: {  	s12 =	simm.s32 $0x5;
	s13 =	simm.s32 $0x80;
	s14 =	simm.s32 $0x6400  }
0x4: {  	s15 =	simm.s32 $0xA400;
	s16 =	simm.s32 $0x1;
	s17 =	simm.s32 $0x100  }
0x5: {  	s18 =	simm.s32 $0xE400;
	s19 =	simm.s32 $0x2;
	s20 =	simm.s32 $0x180  }
0x6: {  	s21 =	simm.s32 $0x12400;
	s5 =	sand.u32 $0x1, s1;
	s30 =	sshll.u32 s0, $0x1  }
0x7: {  	s22 =	simm.s32 $0x3;
	s23 =	simm.s32 $0x4;
	s7 =	sor.u32 s5, s30  }
0x8: {  	s24 =	simm.s32 $0x0;
	s1 =	rddreg [dreg:$0x1];
	s3 =	smul.u32 $0xC80, s7  }
0x9: {  	[smem:$0x7FF] =	sst s2;
	s4 =	sadd.s32 $0x19800, s6;
	s9 =	ssub.s32 $0x2, s5  }
0xa: {  	s31 =	sshrl.u32 s9, $0x1;
	s8 =	sadd.s32 s3, s6;
	s3 =	smul.u32 $0x320000, s7  }
0xb: {  	_ =	strace $0x80000047;
	s11 =	ssub.s32 s9, s31;
	s7 =	smul.u32 $0x64000, s7  }
0xc: {  	s5 =	sadd.s32 $0x1A0200, s6;
	s11 =	smax.u32 s11, $0x1;
	s10 =	sshrl.u32 s3, $0x3  }
0xd: {  	s6 =	sadd.s32 s5, s7;
	s7 =	sadd.s32 $0x800, s8;
	s10 =	sadd.s32 s5, s10  }
0xe: {  	s8 =	sadd.s32 $0x800, s6;
	s9 =	sadd.s32 $0x63000, s10;
	s10 =	sadd.s32 $0x63800, s10  }
.LBB2_1:
0xf: {  	[tilespmem:s2], [sflag:$0x5] =	stream.linear.gather [hbm4b:s7+s2], $0x6400, $0x38;
	[tilespmem:$0x16400] =	vst v63  }
0x10: {  	_ =	swait.ge [sflag:s12], $0x6400  }
0x11: {  	[sflag:s12] =	ssyncset.done $0x0  }
0x12: {  	[sflag:s12] =	ssyncadd.s32 $0xFFFF9C00  }
0x13: {  	[tilespmem:s14], [sflag:$0x1] =	stream.indirect.gather [hbm4b:s4+s13], $0x80, s2, s13, $0xb8;
	[tilespmem:$0x16400] =	vst v63  }
0x14: {  	_ = 	snop  }
0x15: {  	[tilespmem:s15], [sflag:$0x2] =	stream.indirect.gather [hbm4b:s4+s13], $0x80, s13, s13, $0xb8;
	[tilespmem:$0x16400] =	vst v63  }
0x16: {  	_ =	swait.ge [sflag:s16], $0x4000  }
0x17: {  	[sflag:s16] =	ssyncset.done $0x0  }
0x18: {  	s25 =	simm.s32 $0x0;
	[sflag:s16] =	ssyncadd.s32 $0xFFFFC000  }
0x19: {  	v0 =	vld [tilespmem:s25+$0x67B0]  }
0x1a: {  	v1 =	vld [tilespmem:s25+$0x6400];
	_ =	sdelay $0x1  }
0x1b: {  	v2 =	vld [tilespmem:s25+$0x6410]  }
0x1c: {  	v3 =	vld [tilespmem:s25+$0x6420]  }
0x1d: {  	v4 =	vld [tilespmem:s25+$0x6430];
	v0 =	vmul.f32 $8.000000000e+00, v0  }
0x1e: {  	v5 =	vld [tilespmem:s25+$0x6480];
	v1 =	vmul.f32 $8.000000000e+00, v1  }
0x1f: {  	v6 =	vld [tilespmem:s25+$0x6490];
	[tilespmem:s25+$0xE7B0] =	vst v0  }
0x20: {  	v0 =	vmul.f32 $8.000000000e+00, v2;
	[tilespmem:s25+$0xE400] =	vst v1;
	v1 =	vld [tilespmem:s25+$0x64B0]  }
0x21: {  	v7 =	vld [tilespmem:s25+$0x64A0];
	v2 =	vmul.f32 $8.000000000e+00, v3  }
0x22: {  	v3 =	vmul.f32 $8.000000000e+00, v4;
	[tilespmem:s25+$0xE410] =	vst v0;
	v0 =	vld [tilespmem:s25+$0x6500]  }
0x23: {  	v4 =	vmul.f32 $8.000000000e+00, v5;
	[tilespmem:s25+$0xE420] =	vst v2;
	v2 =	vld [tilespmem:s25+$0x6510]  }
0x24: {  	v5 =	vmul.f32 $8.000000000e+00, v6;
	[tilespmem:s25+$0xE430] =	vst v3;
	v3 =	vld [tilespmem:s25+$0x6520]  }
0x25: {  	[tilespmem:s25+$0xE480] =	vst v4;
	v4 =	vld [tilespmem:s25+$0x6530];
	v1 =	vmul.f32 $8.000000000e+00, v1  }
0x26: {  	v6 =	vmul.f32 $8.000000000e+00, v7;
	[tilespmem:s25+$0xE490] =	vst v5;
	v5 =	vld [tilespmem:s25+$0x6580]  }
0x27: {  	v0 =	vmul.f32 $8.000000000e+00, v0;
	[tilespmem:s25+$0xE4B0] =	vst v1;
	v1 =	vld [tilespmem:s25+$0x65A0]  }
0x28: {  	[tilespmem:s25+$0xE4A0] =	vst v6;
	v6 =	vld [tilespmem:s25+$0x6590];
	v2 =	vmul.f32 $8.000000000e+00, v2  }
0x29: {  	v3 =	vmul.f32 $8.000000000e+00, v3;
	[tilespmem:s25+$0xE500] =	vst v0;
	v0 =	vld [tilespmem:s25+$0x65B0]  }
0x2a: {  	v4 =	vmul.f32 $8.000000000e+00, v4;
	[tilespmem:s25+$0xE510] =	vst v2;
	v2 =	vld [tilespmem:s25+$0x6600]  }
0x2b: {  	v5 =	vmul.f32 $8.000000000e+00, v5;
	[tilespmem:s25+$0xE520] =	vst v3;
	v3 =	vld [tilespmem:s25+$0x6610]  }
0x2c: {  	[tilespmem:s25+$0xE530] =	vst v4;
	v4 =	vld [tilespmem:s25+$0x6620];
	v1 =	vmul.f32 $8.000000000e+00, v1  }
0x2d: {  	v6 =	vmul.f32 $8.000000000e+00, v6;
	[tilespmem:s25+$0xE580] =	vst v5;
	v5 =	vld [tilespmem:s25+$0x6630]  }
0x2e: {  	v0 =	vmul.f32 $8.000000000e+00, v0;
	[tilespmem:s25+$0xE5A0] =	vst v1;
	v1 =	vld [tilespmem:s25+$0x6690]  }
0x2f: {  	[tilespmem:s25+$0xE590] =	vst v6;
	v6 =	vld [tilespmem:s25+$0x6680];
	v2 =	vmul.f32 $8.000000000e+00, v2  }
0x30: {  	[tilespmem:s25+$0xE5B0] =	vst v0;
	v0 =	vmul.f32 $8.000000000e+00, v3;
	v3 =	vld [tilespmem:s25+$0x66B0]  }
0x31: {  	v7 =	vld [tilespmem:s25+$0x66A0];
	[tilespmem:s25+$0xE600] =	vst v2;
	v2 =	vmul.f32 $8.000000000e+00, v4  }
0x32: {  	v4 =	vld [tilespmem:s25+$0x6700];
	[tilespmem:s25+$0xE610] =	vst v0;
	v0 =	vmul.f32 $8.000000000e+00, v5  }
0x33: {  	v8 =	vld [tilespmem:s25+$0x6710];
	[tilespmem:s25+$0xE620] =	vst v2;
	v5 =	vmul.f32 $8.000000000e+00, v1  }
0x34: {  	v2 =	vmul.f32 $8.000000000e+00, v6;
	[tilespmem:s25+$0xE630] =	vst v0;
	v0 =	vld [tilespmem:s25+$0x6720]  }
0x35: {  	v1 =	vld [tilespmem:s25+$0x6730];
	[tilespmem:s25+$0xE690] =	vst v5;
	v5 =	vmul.f32 $8.000000000e+00, v3  }
0x36: {  	v6 =	vmul.f32 $8.000000000e+00, v7;
	[tilespmem:s25+$0xE680] =	vst v2;
	v2 =	vld [tilespmem:s25+$0x6780]  }
0x37: {  	v3 =	vld [tilespmem:s25+$0x6790];
	[tilespmem:s25+$0xE6B0] =	vst v5;
	v5 =	vmul.f32 $8.000000000e+00, v4  }
0x38: {  	s26 =	simm.s32 $0x400;
	s28 =	simm.s32 $0x2000;
	[tilespmem:s25+$0xE6A0] =	vst v6;
	v6 =	vmul.f32 $8.000000000e+00, v8;
	v4 =	vld [tilespmem:s25+$0x67A0]  }
.LBB2_2:
0x39: {  	p0 =	sne.s32 s28, $0xF000;
	v7 =	vld [tilespmem:s26+$0x67B0];
	[tilespmem:s25+$0xE700] =	vst v5;
	v0 =	vmul.f32 $8.000000000e+00, v0  }
0x3a: {  	v5 =	vld [tilespmem:s26+$0x6400];
	[tilespmem:s25+$0xE710] =	vst v6;
	v1 =	vmul.f32 $8.000000000e+00, v1  }
0x3b: {  	v6 =	vld [tilespmem:s26+$0x6410];
	[tilespmem:s25+$0xE720] =	vst v0;
	v0 =	vmul.f32 $8.000000000e+00, v2  }
0x3c: {  	v2 =	vld [tilespmem:s26+$0x6420];
	[tilespmem:s25+$0xE730] =	vst v1;
	v1 =	vmul.f32 $8.000000000e+00, v3  }
0x3d: {  	v3 =	vld [tilespmem:s26+$0x6430];
	[tilespmem:s25+$0xE780] =	vst v0;
	v0 =	vmul.f32 $8.000000000e+00, v4  }
0x3e: {  	v4 =	vld [tilespmem:s26+$0x6480];
	v7 =	vmul.f32 $8.000000000e+00, v7;
	[tilespmem:s25+$0xE790] =	vst v1  }
0x3f: {  	v1 =	vmul.f32 $8.000000000e+00, v5;
	v5 =	vld [tilespmem:s26+$0x6490];
	[tilespmem:s25+$0xE7A0] =	vst v0;
	s25 =	smov.u32 s26  }
0x40: {  	v0 =	vmul.f32 $8.000000000e+00, v6;
	v6 =	vld [tilespmem:s25+$0x64A0];
	[tilespmem:s25+$0xE7B0] =	vst v7  }
0x41: {  	[tilespmem:s25+$0xE400] =	vst v1;
	v1 =	vmul.f32 $8.000000000e+00, v2;
	v2 =	vld [tilespmem:s25+$0x64B0]  }
0x42: {  	[tilespmem:s25+$0xE410] =	vst v0;
	v0 =	vmul.f32 $8.000000000e+00, v3;
	v3 =	vld [tilespmem:s25+$0x6500]  }
0x43: {  	[tilespmem:s25+$0xE420] =	vst v1;
	v1 =	vmul.f32 $8.000000000e+00, v4;
	v4 =	vld [tilespmem:s25+$0x6510]  }
0x44: {  	[tilespmem:s25+$0xE430] =	vst v0;
	v0 =	vmul.f32 $8.000000000e+00, v5;
	v5 =	vld [tilespmem:s25+$0x6520]  }
0x45: {  	[tilespmem:s25+$0xE480] =	vst v1;
	v1 =	vmul.f32 $8.000000000e+00, v6;
	v6 =	vld [tilespmem:s25+$0x6530]  }
0x46: {  	[tilespmem:s25+$0xE490] =	vst v0;
	v0 =	vmul.f32 $8.000000000e+00, v2;
	v2 =	vld [tilespmem:s25+$0x6580]  }
0x47: {  	[tilespmem:s25+$0xE4A0] =	vst v1;
	v1 =	vmul.f32 $8.000000000e+00, v3;
	v3 =	vld [tilespmem:s25+$0x6590]  }
0x48: {  	[tilespmem:s25+$0xE4B0] =	vst v0;
	v0 =	vmul.f32 $8.000000000e+00, v4;
	v4 =	vld [tilespmem:s25+$0x65A0]  }
0x49: {  	[tilespmem:s25+$0xE500] =	vst v1;
	v1 =	vmul.f32 $8.000000000e+00, v5;
	v5 =	vld [tilespmem:s25+$0x65B0]  }
0x4a: {  	[tilespmem:s25+$0xE510] =	vst v0;
	v0 =	vmul.f32 $8.000000000e+00, v6;
	v6 =	vld [tilespmem:s25+$0x6600]  }
0x4b: {  	[tilespmem:s25+$0xE520] =	vst v1;
	v1 =	vmul.f32 $8.000000000e+00, v2;
	v2 =	vld [tilespmem:s25+$0x6610]  }
0x4c: {  	[tilespmem:s25+$0xE530] =	vst v0;
	v0 =	vmul.f32 $8.000000000e+00, v3;
	v3 =	vld [tilespmem:s25+$0x6620]  }
0x4d: {  	[tilespmem:s25+$0xE580] =	vst v1;
	v1 =	vmul.f32 $8.000000000e+00, v4;
	v4 =	vld [tilespmem:s25+$0x6630]  }
0x4e: {  	[tilespmem:s25+$0xE590] =	vst v0;
	v0 =	vmul.f32 $8.000000000e+00, v5;
	v5 =	vld [tilespmem:s25+$0x6680]  }
0x4f: {  	[tilespmem:s25+$0xE5A0] =	vst v1;
	v1 =	vmul.f32 $8.000000000e+00, v6;
	v6 =	vld [tilespmem:s25+$0x6690]  }
0x50: {  	[tilespmem:s25+$0xE5B0] =	vst v0;
	v0 =	vmul.f32 $8.000000000e+00, v2;
	v2 =	vld [tilespmem:s25+$0x66A0]  }
0x51: {  	[tilespmem:s25+$0xE600] =	vst v1;
	v1 =	vmul.f32 $8.000000000e+00, v3;
	v3 =	vld [tilespmem:s25+$0x66B0]  }
0x52: {  	[tilespmem:s25+$0xE610] =	vst v0;
	v0 =	vmul.f32 $8.000000000e+00, v4;
	v4 =	vld [tilespmem:s25+$0x6700]  }
0x53: {  	[tilespmem:s25+$0xE620] =	vst v1;
	v1 =	vmul.f32 $8.000000000e+00, v5;
	v7 =	vld [tilespmem:s25+$0x6710]  }
.Ltmp0:
0x54: {  	[tilespmem:s25+$0xE630] =	vst v0;
	v5 =	vmul.f32 $8.000000000e+00, v6;
	v0 =	vld [tilespmem:s25+$0x6720];
	(pc) =	sbr.rel @p0 .LBB2_2-.Ltmp0, $4  }
0x55: {  	[tilespmem:s25+$0xE680] =	vst v1;
	v6 =	vmul.f32 $8.000000000e+00, v2;
	v1 =	vld [tilespmem:s25+$0x6730]  }
0x56: {  	[tilespmem:s25+$0xE690] =	vst v5;
	v8 =	vmul.f32 $8.000000000e+00, v3;
	v2 =	vld [tilespmem:s25+$0x6780]  }
0x57: {  	[tilespmem:s25+$0xE6A0] =	vst v6;
	v5 =	vmul.f32 $8.000000000e+00, v4;
	v3 =	vld [tilespmem:s25+$0x6790]  }
0x58: {  	s26 =	sshra.s32 s28, $0x2;
	s28 =	sadd.s32 $0x1000, s28;
	[tilespmem:s25+$0xE6B0] =	vst v8;
	v6 =	vmul.f32 $8.000000000e+00, v7;
	v4 =	vld [tilespmem:s25+$0x67A0]  }
0x59: {  	v7 =	vld [tilespmem:s26+$0x67B0];
	[tilespmem:s25+$0xE700] =	vst v5;
	v0 =	vmul.f32 $8.000000000e+00, v0  }
0x5a: {  	v5 =	vld [tilespmem:s26+$0x6400];
	[tilespmem:s25+$0xE710] =	vst v6;
	v1 =	vmul.f32 $8.000000000e+00, v1  }
0x5b: {  	v6 =	vld [tilespmem:s26+$0x6410];
	[tilespmem:s25+$0xE720] =	vst v0;
	v2 =	vmul.f32 $8.000000000e+00, v2  }
0x5c: {  	v0 =	vld [tilespmem:s26+$0x6420];
	[tilespmem:s25+$0xE730] =	vst v1;
	v3 =	vmul.f32 $8.000000000e+00, v3  }
0x5d: {  	v1 =	vld [tilespmem:s26+$0x6430];
	[tilespmem:s25+$0xE780] =	vst v2;
	v4 =	vmul.f32 $8.000000000e+00, v4  }
0x5e: {  	v2 =	vld [tilespmem:s26+$0x6480];
	[tilespmem:s25+$0xE790] =	vst v3;
	v7 =	vmul.f32 $8.000000000e+00, v7  }
0x5f: {  	v3 =	vld [tilespmem:s26+$0x6490];
	[tilespmem:s25+$0xE7A0] =	vst v4;
	v4 =	vmul.f32 $8.000000000e+00, v5  }
0x60: {  	v5 =	vld [tilespmem:s26+$0x64A0];
	[tilespmem:s26+$0xE7B0] =	vst v7;
	v6 =	vmul.f32 $8.000000000e+00, v6  }
0x61: {  	[tilespmem:s26+$0xE400] =	vst v4;
	v4 =	vld [tilespmem:s26+$0x64B0];
	v0 =	vmul.f32 $8.000000000e+00, v0  }
0x62: {  	[tilespmem:s26+$0xE410] =	vst v6;
	v6 =	vld [tilespmem:s26+$0x6500];
	v1 =	vmul.f32 $8.000000000e+00, v1  }
0x63: {  	[tilespmem:s26+$0xE420] =	vst v0;
	v0 =	vld [tilespmem:s26+$0x6510];
	v2 =	vmul.f32 $8.000000000e+00, v2  }
0x64: {  	[tilespmem:s26+$0xE430] =	vst v1;
	v1 =	vld [tilespmem:s26+$0x6520];
	v3 =	vmul.f32 $8.000000000e+00, v3  }
0x65: {  	[tilespmem:s26+$0xE480] =	vst v2;
	v2 =	vld [tilespmem:s26+$0x6530];
	v5 =	vmul.f32 $8.000000000e+00, v5  }
0x66: {  	[tilespmem:s26+$0xE490] =	vst v3;
	v3 =	vld [tilespmem:s26+$0x6580];
	v4 =	vmul.f32 $8.000000000e+00, v4  }
0x67: {  	[tilespmem:s26+$0xE4A0] =	vst v5;
	v5 =	vld [tilespmem:s26+$0x6590];
	v6 =	vmul.f32 $8.000000000e+00, v6  }
0x68: {  	[tilespmem:s26+$0xE4B0] =	vst v4;
	v4 =	vld [tilespmem:s26+$0x65A0];
	v0 =	vmul.f32 $8.000000000e+00, v0  }
0x69: {  	[tilespmem:s26+$0xE500] =	vst v6;
	v6 =	vld [tilespmem:s26+$0x65B0];
	v1 =	vmul.f32 $8.000000000e+00, v1  }
0x6a: {  	[tilespmem:s26+$0xE510] =	vst v0;
	v0 =	vld [tilespmem:s26+$0x6600];
	v2 =	vmul.f32 $8.000000000e+00, v2  }
0x6b: {  	[tilespmem:s26+$0xE520] =	vst v1;
	v1 =	vld [tilespmem:s26+$0x6610];
	v3 =	vmul.f32 $8.000000000e+00, v3  }
0x6c: {  	[tilespmem:s26+$0xE530] =	vst v2;
	v2 =	vld [tilespmem:s26+$0x6620];
	v5 =	vmul.f32 $8.000000000e+00, v5  }
0x6d: {  	[tilespmem:s26+$0xE580] =	vst v3;
	v3 =	vld [tilespmem:s26+$0x6630];
	v4 =	vmul.f32 $8.000000000e+00, v4  }
0x6e: {  	[tilespmem:s26+$0xE590] =	vst v5;
	v5 =	vld [tilespmem:s26+$0x6680];
	v6 =	vmul.f32 $8.000000000e+00, v6  }
0x6f: {  	[tilespmem:s26+$0xE5A0] =	vst v4;
	v4 =	vld [tilespmem:s26+$0x6690];
	v0 =	vmul.f32 $8.000000000e+00, v0  }
0x70: {  	[tilespmem:s26+$0xE5B0] =	vst v6;
	v6 =	vld [tilespmem:s26+$0x66A0];
	v1 =	vmul.f32 $8.000000000e+00, v1  }
0x71: {  	[tilespmem:s26+$0xE600] =	vst v0;
	v0 =	vld [tilespmem:s26+$0x66B0];
	v2 =	vmul.f32 $8.000000000e+00, v2  }
0x72: {  	[tilespmem:s26+$0xE610] =	vst v1;
	v1 =	vld [tilespmem:s26+$0x6700];
	v3 =	vmul.f32 $8.000000000e+00, v3  }
0x73: {  	[tilespmem:s26+$0xE620] =	vst v2;
	v2 =	vld [tilespmem:s26+$0x6710];
	v5 =	vmul.f32 $8.000000000e+00, v5  }
0x74: {  	[tilespmem:s26+$0xE630] =	vst v3;
	v3 =	vld [tilespmem:s26+$0x6720];
	v4 =	vmul.f32 $8.000000000e+00, v4  }
0x75: {  	[tilespmem:s26+$0xE680] =	vst v5;
	v5 =	vld [tilespmem:s26+$0x6730];
	v6 =	vmul.f32 $8.000000000e+00, v6  }
0x76: {  	[tilespmem:s26+$0xE690] =	vst v4;
	v4 =	vld [tilespmem:s26+$0x6780];
	v0 =	vmul.f32 $8.000000000e+00, v0  }
0x77: {  	[tilespmem:s26+$0xE6A0] =	vst v6;
	v6 =	vld [tilespmem:s26+$0x6790];
	v1 =	vmul.f32 $8.000000000e+00, v1  }
0x78: {  	[tilespmem:s26+$0xE6B0] =	vst v0;
	v0 =	vmul.f32 $8.000000000e+00, v2;
	v2 =	vld [tilespmem:s26+$0x67A0]  }
0x79: {  	[tilespmem:s26+$0xE700] =	vst v1;
	v1 =	vmul.f32 $8.000000000e+00, v3  }
0x7a: {  	[tilespmem:s26+$0xE710] =	vst v0;
	v0 =	vmul.f32 $8.000000000e+00, v5  }
0x7b: {  	[tilespmem:s26+$0xE720] =	vst v1;
	v1 =	vmul.f32 $8.000000000e+00, v4  }
0x7c: {  	[tilespmem:s26+$0xE730] =	vst v0;
	v0 =	vmul.f32 $8.000000000e+00, v6  }
0x7d: {  	[tilespmem:s26+$0xE780] =	vst v1;
	v1 =	vmul.f32 $8.000000000e+00, v2  }
0x7e: {  	[tilespmem:s26+$0xE790] =	vst v0  }
0x7f: {  	[tilespmem:s26+$0xE7A0] =	vst v1  }
0x80: {  	[tilespmem:s14], [sflag:$0x1] =	stream.indirect.gather [hbm4b:s4+s13], $0x80, s17, s13, $0xb8;
	[tilespmem:$0x16400] =	vst v63  }
0x81: {  	s31 =	simm.s32 $0x0  }
0x82: {  	[hbm4b:s6+s31] =	stream.linear.scatter [tilespmem:s18], [sflag:$0x3], $0x4000, $0x38;
	[tilespmem:$0x16400] =	vst v63  }
0x83: {  	_ =	swait.ge [sflag:s19], $0x4000  }
0x84: {  	[sflag:s19] =	ssyncset.done $0x0  }
0x85: {  	s25 =	simm.s32 $0x0;
	[sflag:s19] =	ssyncadd.s32 $0xFFFFC000  }
0x86: {  	v0 =	vld [tilespmem:s25+$0xA7B0]  }
0x87: {  	v1 =	vld [tilespmem:s25+$0xA400];
	_ =	sdelay $0x1  }
0x88: {  	v2 =	vld [tilespmem:s25+$0xA410]  }
0x89: {  	v3 =	vld [tilespmem:s25+$0xA420]  }
0x8a: {  	v4 =	vld [tilespmem:s25+$0xA430];
	v0 =	vmul.f32 $8.000000000e+00, v0  }
0x8b: {  	v5 =	vld [tilespmem:s25+$0xA480];
	v1 =	vmul.f32 $8.000000000e+00, v1  }
0x8c: {  	v6 =	vld [tilespmem:s25+$0xA490];
	[tilespmem:s25+$0x127B0] =	vst v0  }
0x8d: {  	v0 =	vmul.f32 $8.000000000e+00, v2;
	[tilespmem:s25+$0x12400] =	vst v1;
	v1 =	vld [tilespmem:s25+$0xA4B0]  }
0x8e: {  	v7 =	vld [tilespmem:s25+$0xA4A0];
	v2 =	vmul.f32 $8.000000000e+00, v3  }
0x8f: {  	v3 =	vmul.f32 $8.000000000e+00, v4;
	[tilespmem:s25+$0x12410] =	vst v0;
	v0 =	vld [tilespmem:s25+$0xA500]  }
0x90: {  	v4 =	vmul.f32 $8.000000000e+00, v5;
	[tilespmem:s25+$0x12420] =	vst v2;
	v2 =	vld [tilespmem:s25+$0xA510]  }
0x91: {  	v5 =	vmul.f32 $8.000000000e+00, v6;
	[tilespmem:s25+$0x12430] =	vst v3;
	v3 =	vld [tilespmem:s25+$0xA520]  }
0x92: {  	[tilespmem:s25+$0x12480] =	vst v4;
	v4 =	vld [tilespmem:s25+$0xA530];
	v1 =	vmul.f32 $8.000000000e+00, v1  }
0x93: {  	v6 =	vmul.f32 $8.000000000e+00, v7;
	[tilespmem:s25+$0x12490] =	vst v5;
	v5 =	vld [tilespmem:s25+$0xA580]  }
0x94: {  	v0 =	vmul.f32 $8.000000000e+00, v0;
	[tilespmem:s25+$0x124B0] =	vst v1;
	v1 =	vld [tilespmem:s25+$0xA5A0]  }
0x95: {  	[tilespmem:s25+$0x124A0] =	vst v6;
	v6 =	vld [tilespmem:s25+$0xA590];
	v2 =	vmul.f32 $8.000000000e+00, v2  }
0x96: {  	v3 =	vmul.f32 $8.000000000e+00, v3;
	[tilespmem:s25+$0x12500] =	vst v0;
	v0 =	vld [tilespmem:s25+$0xA5B0]  }
0x97: {  	v4 =	vmul.f32 $8.000000000e+00, v4;
	[tilespmem:s25+$0x12510] =	vst v2;
	v2 =	vld [tilespmem:s25+$0xA600]  }
0x98: {  	v5 =	vmul.f32 $8.000000000e+00, v5;
	[tilespmem:s25+$0x12520] =	vst v3;
	v3 =	vld [tilespmem:s25+$0xA610]  }
0x99: {  	[tilespmem:s25+$0x12530] =	vst v4;
	v4 =	vld [tilespmem:s25+$0xA620];
	v1 =	vmul.f32 $8.000000000e+00, v1  }
0x9a: {  	v6 =	vmul.f32 $8.000000000e+00, v6;
	[tilespmem:s25+$0x12580] =	vst v5;
	v5 =	vld [tilespmem:s25+$0xA630]  }
0x9b: {  	v0 =	vmul.f32 $8.000000000e+00, v0;
	[tilespmem:s25+$0x125A0] =	vst v1;
	v1 =	vld [tilespmem:s25+$0xA690]  }
0x9c: {  	[tilespmem:s25+$0x12590] =	vst v6;
	v6 =	vld [tilespmem:s25+$0xA680];
	v2 =	vmul.f32 $8.000000000e+00, v2  }
0x9d: {  	[tilespmem:s25+$0x125B0] =	vst v0;
	v0 =	vmul.f32 $8.000000000e+00, v3;
	v3 =	vld [tilespmem:s25+$0xA6B0]  }
0x9e: {  	v7 =	vld [tilespmem:s25+$0xA6A0];
	[tilespmem:s25+$0x12600] =	vst v2;
	v2 =	vmul.f32 $8.000000000e+00, v4  }
0x9f: {  	v4 =	vld [tilespmem:s25+$0xA700];
	[tilespmem:s25+$0x12610] =	vst v0;
	v0 =	vmul.f32 $8.000000000e+00, v5  }
0xa0: {  	v8 =	vld [tilespmem:s25+$0xA710];
	[tilespmem:s25+$0x12620] =	vst v2;
	v5 =	vmul.f32 $8.000000000e+00, v1  }
0xa1: {  	v2 =	vmul.f32 $8.000000000e+00, v6;
	[tilespmem:s25+$0x12630] =	vst v0;
	v0 =	vld [tilespmem:s25+$0xA720]  }
0xa2: {  	v1 =	vld [tilespmem:s25+$0xA730];
	[tilespmem:s25+$0x12690] =	vst v5;
	v5 =	vmul.f32 $8.000000000e+00, v3  }
0xa3: {  	v6 =	vmul.f32 $8.000000000e+00, v7;
	[tilespmem:s25+$0x12680] =	vst v2;
	v2 =	vld [tilespmem:s25+$0xA780]  }
0xa4: {  	v3 =	vld [tilespmem:s25+$0xA790];
	[tilespmem:s25+$0x126B0] =	vst v5;
	v5 =	vmul.f32 $8.000000000e+00, v4  }
0xa5: {  	s28 =	simm.s32 $0x2000;
	s26 =	simm.s32 $0x400;
	[tilespmem:s25+$0x126A0] =	vst v6;
	v6 =	vmul.f32 $8.000000000e+00, v8;
	v4 =	vld [tilespmem:s25+$0xA7A0]  }
.LBB2_4:
0xa6: {  	p0 =	sne.s32 s28, $0xF000;
	v7 =	vld [tilespmem:s26+$0xA7B0];
	[tilespmem:s25+$0x12700] =	vst v5;
	v0 =	vmul.f32 $8.000000000e+00, v0  }
0xa7: {  	v5 =	vld [tilespmem:s26+$0xA400];
	[tilespmem:s25+$0x12710] =	vst v6;
	v1 =	vmul.f32 $8.000000000e+00, v1  }
0xa8: {  	v6 =	vld [tilespmem:s26+$0xA410];
	[tilespmem:s25+$0x12720] =	vst v0;
	v0 =	vmul.f32 $8.000000000e+00, v2  }
0xa9: {  	v2 =	vld [tilespmem:s26+$0xA420];
	[tilespmem:s25+$0x12730] =	vst v1;
	v1 =	vmul.f32 $8.000000000e+00, v3  }
0xaa: {  	v3 =	vld [tilespmem:s26+$0xA430];
	[tilespmem:s25+$0x12780] =	vst v0;
	v0 =	vmul.f32 $8.000000000e+00, v4  }
0xab: {  	v4 =	vld [tilespmem:s26+$0xA480];
	v7 =	vmul.f32 $8.000000000e+00, v7;
	[tilespmem:s25+$0x12790] =	vst v1  }
0xac: {  	v1 =	vmul.f32 $8.000000000e+00, v5;
	v5 =	vld [tilespmem:s26+$0xA490];
	[tilespmem:s25+$0x127A0] =	vst v0;
	s25 =	smov.u32 s26  }
0xad: {  	v0 =	vmul.f32 $8.000000000e+00, v6;
	v6 =	vld [tilespmem:s25+$0xA4A0];
	[tilespmem:s25+$0x127B0] =	vst v7  }
0xae: {  	[tilespmem:s25+$0x12400] =	vst v1;
	v1 =	vmul.f32 $8.000000000e+00, v2;
	v2 =	vld [tilespmem:s25+$0xA4B0]  }
0xaf: {  	[tilespmem:s25+$0x12410] =	vst v0;
	v0 =	vmul.f32 $8.000000000e+00, v3;
	v3 =	vld [tilespmem:s25+$0xA500]  }
0xb0: {  	[tilespmem:s25+$0x12420] =	vst v1;
	v1 =	vmul.f32 $8.000000000e+00, v4;
	v4 =	vld [tilespmem:s25+$0xA510]  }
0xb1: {  	[tilespmem:s25+$0x12430] =	vst v0;
	v0 =	vmul.f32 $8.000000000e+00, v5;
	v5 =	vld [tilespmem:s25+$0xA520]  }
0xb2: {  	[tilespmem:s25+$0x12480] =	vst v1;
	v1 =	vmul.f32 $8.000000000e+00, v6;
	v6 =	vld [tilespmem:s25+$0xA530]  }
0xb3: {  	[tilespmem:s25+$0x12490] =	vst v0;
	v0 =	vmul.f32 $8.000000000e+00, v2;
	v2 =	vld [tilespmem:s25+$0xA580]  }
0xb4: {  	[tilespmem:s25+$0x124A0] =	vst v1;
	v1 =	vmul.f32 $8.000000000e+00, v3;
	v3 =	vld [tilespmem:s25+$0xA590]  }
0xb5: {  	[tilespmem:s25+$0x124B0] =	vst v0;
	v0 =	vmul.f32 $8.000000000e+00, v4;
	v4 =	vld [tilespmem:s25+$0xA5A0]  }
0xb6: {  	[tilespmem:s25+$0x12500] =	vst v1;
	v1 =	vmul.f32 $8.000000000e+00, v5;
	v5 =	vld [tilespmem:s25+$0xA5B0]  }
0xb7: {  	[tilespmem:s25+$0x12510] =	vst v0;
	v0 =	vmul.f32 $8.000000000e+00, v6;
	v6 =	vld [tilespmem:s25+$0xA600]  }
0xb8: {  	[tilespmem:s25+$0x12520] =	vst v1;
	v1 =	vmul.f32 $8.000000000e+00, v2;
	v2 =	vld [tilespmem:s25+$0xA610]  }
0xb9: {  	[tilespmem:s25+$0x12530] =	vst v0;
	v0 =	vmul.f32 $8.000000000e+00, v3;
	v3 =	vld [tilespmem:s25+$0xA620]  }
0xba: {  	[tilespmem:s25+$0x12580] =	vst v1;
	v1 =	vmul.f32 $8.000000000e+00, v4;
	v4 =	vld [tilespmem:s25+$0xA630]  }
0xbb: {  	[tilespmem:s25+$0x12590] =	vst v0;
	v0 =	vmul.f32 $8.000000000e+00, v5;
	v5 =	vld [tilespmem:s25+$0xA680]  }
0xbc: {  	[tilespmem:s25+$0x125A0] =	vst v1;
	v1 =	vmul.f32 $8.000000000e+00, v6;
	v6 =	vld [tilespmem:s25+$0xA690]  }
0xbd: {  	[tilespmem:s25+$0x125B0] =	vst v0;
	v0 =	vmul.f32 $8.000000000e+00, v2;
	v2 =	vld [tilespmem:s25+$0xA6A0]  }
0xbe: {  	[tilespmem:s25+$0x12600] =	vst v1;
	v1 =	vmul.f32 $8.000000000e+00, v3;
	v3 =	vld [tilespmem:s25+$0xA6B0]  }
0xbf: {  	[tilespmem:s25+$0x12610] =	vst v0;
	v0 =	vmul.f32 $8.000000000e+00, v4;
	v4 =	vld [tilespmem:s25+$0xA700]  }
0xc0: {  	[tilespmem:s25+$0x12620] =	vst v1;
	v1 =	vmul.f32 $8.000000000e+00, v5;
	v7 =	vld [tilespmem:s25+$0xA710]  }
.Ltmp1:
0xc1: {  	[tilespmem:s25+$0x12630] =	vst v0;
	v5 =	vmul.f32 $8.000000000e+00, v6;
	v0 =	vld [tilespmem:s25+$0xA720];
	(pc) =	sbr.rel @p0 .LBB2_4-.Ltmp1, $4  }
0xc2: {  	[tilespmem:s25+$0x12680] =	vst v1;
	v6 =	vmul.f32 $8.000000000e+00, v2;
	v1 =	vld [tilespmem:s25+$0xA730]  }
0xc3: {  	[tilespmem:s25+$0x12690] =	vst v5;
	v8 =	vmul.f32 $8.000000000e+00, v3;
	v2 =	vld [tilespmem:s25+$0xA780]  }
0xc4: {  	[tilespmem:s25+$0x126A0] =	vst v6;
	v5 =	vmul.f32 $8.000000000e+00, v4;
	v3 =	vld [tilespmem:s25+$0xA790]  }
0xc5: {  	s26 =	sshra.s32 s28, $0x2;
	s28 =	sadd.s32 $0x1000, s28;
	[tilespmem:s25+$0x126B0] =	vst v8;
	v6 =	vmul.f32 $8.000000000e+00, v7;
	v4 =	vld [tilespmem:s25+$0xA7A0]  }
0xc6: {  	v7 =	vld [tilespmem:s26+$0xA7B0];
	[tilespmem:s25+$0x12700] =	vst v5;
	v0 =	vmul.f32 $8.000000000e+00, v0  }
0xc7: {  	v5 =	vld [tilespmem:s26+$0xA400];
	[tilespmem:s25+$0x12710] =	vst v6;
	v1 =	vmul.f32 $8.000000000e+00, v1  }
0xc8: {  	v6 =	vld [tilespmem:s26+$0xA410];
	[tilespmem:s25+$0x12720] =	vst v0;
	v2 =	vmul.f32 $8.000000000e+00, v2  }
0xc9: {  	v0 =	vld [tilespmem:s26+$0xA420];
	[tilespmem:s25+$0x12730] =	vst v1;
	v3 =	vmul.f32 $8.000000000e+00, v3  }
0xca: {  	v1 =	vld [tilespmem:s26+$0xA430];
	[tilespmem:s25+$0x12780] =	vst v2;
	v4 =	vmul.f32 $8.000000000e+00, v4  }
0xcb: {  	v2 =	vld [tilespmem:s26+$0xA480];
	[tilespmem:s25+$0x12790] =	vst v3;
	v7 =	vmul.f32 $8.000000000e+00, v7  }
0xcc: {  	v3 =	vld [tilespmem:s26+$0xA490];
	[tilespmem:s25+$0x127A0] =	vst v4;
	v32 =	vmul.f32 $8.000000000e+00, v5  }
0xcd: {  	v33 =	vld [tilespmem:s26+$0xA4A0];
	[tilespmem:s26+$0x127B0] =	vst v7;
	v6 =	vmul.f32 $8.000000000e+00, v6  }
0xce: {  	v34 =	vld [tilespmem:s26+$0xA4B0];
	[tilespmem:s26+$0x12400] =	vst v32;
	v0 =	vmul.f32 $8.000000000e+00, v0  }
0xcf: {  	v35 =	vld [tilespmem:s26+$0xA500];
	[tilespmem:s26+$0x12410] =	vst v6;
	v1 =	vmul.f32 $8.000000000e+00, v1  }
0xd0: {  	v36 =	vld [tilespmem:s26+$0xA510];
	[tilespmem:s26+$0x12420] =	vst v0;
	v2 =	vmul.f32 $8.000000000e+00, v2  }
0xd1: {  	v37 =	vld [tilespmem:s26+$0xA520];
	[tilespmem:s26+$0x12430] =	vst v1;
	v3 =	vmul.f32 $8.000000000e+00, v3  }
0xd2: {  	v38 =	vld [tilespmem:s26+$0xA530];
	[tilespmem:s26+$0x12480] =	vst v2;
	v5 =	vmul.f32 $8.000000000e+00, v33  }
0xd3: {  	v52 =	vld [tilespmem:s26+$0xA710];
	v4 =	vmul.f32 $8.000000000e+00, v34;
	[tilespmem:s26+$0x12490] =	vst v3  }
0xd4: {  	v53 =	vld [tilespmem:s26+$0xA720];
	v6 =	vmul.f32 $8.000000000e+00, v35;
	[tilespmem:s26+$0x124A0] =	vst v5  }
0xd5: {  	v54 =	vld [tilespmem:s26+$0xA730];
	v0 =	vmul.f32 $8.000000000e+00, v36;
	[tilespmem:s26+$0x124B0] =	vst v4  }
0xd6: {  	v55 =	vld [tilespmem:s26+$0xA780];
	v1 =	vmul.f32 $8.000000000e+00, v37;
	[tilespmem:s26+$0x12500] =	vst v6  }
0xd7: {  	v56 =	vld [tilespmem:s26+$0xA790];
	v2 =	vmul.f32 $8.000000000e+00, v38;
	[tilespmem:s26+$0x12510] =	vst v0  }
0xd8: {  	v58 =	vld [tilespmem:s26+$0xA7A0];
	v57 =	vmul.f32 $8.000000000e+00, v52;
	[tilespmem:s26+$0x12520] =	vst v1  }
0xd9: {  	v39 =	vld [tilespmem:s26+$0xA580];
	v59 =	vmul.f32 $8.000000000e+00, v53;
	[tilespmem:s26+$0x12530] =	vst v2  }
0xda: {  	v40 =	vld [tilespmem:s26+$0xA590];
	v60 =	vmul.f32 $8.000000000e+00, v54;
	[tilespmem:s26+$0x12710] =	vst v57  }
0xdb: {  	v41 =	vld [tilespmem:s26+$0xA5A0];
	v61 =	vmul.f32 $8.000000000e+00, v55;
	[tilespmem:s26+$0x12720] =	vst v59  }
0xdc: {  	v42 =	vld [tilespmem:s26+$0xA5B0];
	v62 =	vmul.f32 $8.000000000e+00, v56;
	[tilespmem:s26+$0x12730] =	vst v60  }
0xdd: {  	v43 =	vld [tilespmem:s26+$0xA600];
	v63 =	vmul.f32 $8.000000000e+00, v58;
	[tilespmem:s26+$0x12780] =	vst v61  }
0xde: {  	v44 =	vld [tilespmem:s26+$0xA610];
	v3 =	vmul.f32 $8.000000000e+00, v39;
	[tilespmem:s26+$0x12790] =	vst v62  }
0xdf: {  	v45 =	vld [tilespmem:s26+$0xA620];
	v5 =	vmul.f32 $8.000000000e+00, v40;
	[tilespmem:s26+$0x127A0] =	vst v63  }
0xe0: {  	v46 =	vld [tilespmem:s26+$0xA630];
	v4 =	vmul.f32 $8.000000000e+00, v41;
	[tilespmem:s26+$0x12580] =	vst v3  }
0xe1: {  	v47 =	vld [tilespmem:s26+$0xA680];
	v6 =	vmul.f32 $8.000000000e+00, v42;
	[tilespmem:s26+$0x12590] =	vst v5  }
0xe2: {  	v48 =	vld [tilespmem:s26+$0xA690];
	v0 =	vmul.f32 $8.000000000e+00, v43;
	[tilespmem:s26+$0x125A0] =	vst v4  }
0xe3: {  	v49 =	vld [tilespmem:s26+$0xA6A0];
	v1 =	vmul.f32 $8.000000000e+00, v44;
	[tilespmem:s26+$0x125B0] =	vst v6  }
0xe4: {  	v50 =	vld [tilespmem:s26+$0xA6B0];
	v2 =	vmul.f32 $8.000000000e+00, v45;
	[tilespmem:s26+$0x12600] =	vst v0  }
0xe5: {  	v51 =	vld [tilespmem:s26+$0xA700];
	v3 =	vmul.f32 $8.000000000e+00, v46;
	[tilespmem:s26+$0x12610] =	vst v1  }
0xe6: {  	[tilespmem:s26+$0x12620] =	vst v2;
	v5 =	vmul.f32 $8.000000000e+00, v47  }
0xe7: {  	v4 =	vmul.f32 $8.000000000e+00, v48;
	[tilespmem:s26+$0x12630] =	vst v3  }
0xe8: {  	v6 =	vmul.f32 $8.000000000e+00, v49;
	[tilespmem:s26+$0x12680] =	vst v5  }
0xe9: {  	v0 =	vmul.f32 $8.000000000e+00, v50;
	[tilespmem:s26+$0x12690] =	vst v4  }
0xea: {  	v1 =	vmul.f32 $8.000000000e+00, v51;
	[tilespmem:s26+$0x126A0] =	vst v6  }
0xeb: {  	[tilespmem:s26+$0x126B0] =	vst v0  }
0xec: {  	[tilespmem:s26+$0x12700] =	vst v1  }
0xed: {  	[tilespmem:s15], [sflag:$0x2] =	stream.indirect.gather [hbm4b:s4+s13], $0x80, s20, s13, $0xb8;
	[tilespmem:$0x16400] =	vst v63  }
0xee: {  	s25 =	simm.s32 $0x1  }
0xef: {  	[hbm4b:s8+s2] =	stream.linear.scatter [tilespmem:s21], [sflag:$0x4], $0x4000, $0x38;
	[tilespmem:$0x16400] =	vst v63  }
.LBB2_6:
0xf0: {  	_ =	swait.ge [sflag:s16], $0x4000  }
0xf1: {  	[sflag:s16] =	ssyncset.done $0x0  }
0xf2: {  	[sflag:s16] =	ssyncadd.s32 $0xFFFFC000  }
0xf3: {  	_ =	swait.ge [sflag:s22], $0x4000  }
0xf4: {  	[sflag:s22] =	ssyncset.done $0x0  }
0xf5: {  	s26 =	simm.s32 $0x0;
	[sflag:s22] =	ssyncadd.s32 $0xFFFFC000  }
0xf6: {  	v0 =	vld [tilespmem:s26+$0x67B0]  }
0xf7: {  	v1 =	vld [tilespmem:s26+$0x6400];
	_ =	sdelay $0x1  }
0xf8: {  	v2 =	vld [tilespmem:s26+$0x6410]  }
0xf9: {  	v3 =	vld [tilespmem:s26+$0x6420]  }
0xfa: {  	v4 =	vld [tilespmem:s26+$0x6430];
	v0 =	vmul.f32 $8.000000000e+00, v0  }
0xfb: {  	v5 =	vld [tilespmem:s26+$0x6480];
	v1 =	vmul.f32 $8.000000000e+00, v1  }
0xfc: {  	v6 =	vld [tilespmem:s26+$0x6490];
	[tilespmem:s26+$0xE7B0] =	vst v0  }
0xfd: {  	v0 =	vmul.f32 $8.000000000e+00, v2;
	[tilespmem:s26+$0xE400] =	vst v1;
	v1 =	vld [tilespmem:s26+$0x64B0]  }
0xfe: {  	v7 =	vld [tilespmem:s26+$0x64A0];
	v2 =	vmul.f32 $8.000000000e+00, v3  }
0xff: {  	v3 =	vmul.f32 $8.000000000e+00, v4;
	[tilespmem:s26+$0xE410] =	vst v0;
	v0 =	vld [tilespmem:s26+$0x6500]  }
0x100: {  	v4 =	vmul.f32 $8.000000000e+00, v5;
	[tilespmem:s26+$0xE420] =	vst v2;
	v2 =	vld [tilespmem:s26+$0x6510]  }
0x101: {  	v5 =	vmul.f32 $8.000000000e+00, v6;
	[tilespmem:s26+$0xE430] =	vst v3;
	v3 =	vld [tilespmem:s26+$0x6520]  }
0x102: {  	[tilespmem:s26+$0xE480] =	vst v4;
	v4 =	vld [tilespmem:s26+$0x6530];
	v1 =	vmul.f32 $8.000000000e+00, v1  }
0x103: {  	v6 =	vmul.f32 $8.000000000e+00, v7;
	[tilespmem:s26+$0xE490] =	vst v5;
	v5 =	vld [tilespmem:s26+$0x6580]  }
0x104: {  	v0 =	vmul.f32 $8.000000000e+00, v0;
	[tilespmem:s26+$0xE4B0] =	vst v1;
	v1 =	vld [tilespmem:s26+$0x65A0]  }
0x105: {  	[tilespmem:s26+$0xE4A0] =	vst v6;
	v6 =	vld [tilespmem:s26+$0x6590];
	v2 =	vmul.f32 $8.000000000e+00, v2  }
0x106: {  	v3 =	vmul.f32 $8.000000000e+00, v3;
	[tilespmem:s26+$0xE500] =	vst v0;
	v0 =	vld [tilespmem:s26+$0x65B0]  }
0x107: {  	v4 =	vmul.f32 $8.000000000e+00, v4;
	[tilespmem:s26+$0xE510] =	vst v2;
	v2 =	vld [tilespmem:s26+$0x6600]  }
0x108: {  	v5 =	vmul.f32 $8.000000000e+00, v5;
	[tilespmem:s26+$0xE520] =	vst v3;
	v3 =	vld [tilespmem:s26+$0x6610]  }
0x109: {  	[tilespmem:s26+$0xE530] =	vst v4;
	v4 =	vld [tilespmem:s26+$0x6620];
	v1 =	vmul.f32 $8.000000000e+00, v1  }
0x10a: {  	v6 =	vmul.f32 $8.000000000e+00, v6;
	[tilespmem:s26+$0xE580] =	vst v5;
	v5 =	vld [tilespmem:s26+$0x6630]  }
0x10b: {  	v0 =	vmul.f32 $8.000000000e+00, v0;
	[tilespmem:s26+$0xE5A0] =	vst v1;
	v1 =	vld [tilespmem:s26+$0x6690]  }
0x10c: {  	[tilespmem:s26+$0xE590] =	vst v6;
	v6 =	vld [tilespmem:s26+$0x6680];
	v2 =	vmul.f32 $8.000000000e+00, v2  }
0x10d: {  	[tilespmem:s26+$0xE5B0] =	vst v0;
	v0 =	vmul.f32 $8.000000000e+00, v3;
	v3 =	vld [tilespmem:s26+$0x66B0]  }
0x10e: {  	v7 =	vld [tilespmem:s26+$0x66A0];
	[tilespmem:s26+$0xE600] =	vst v2;
	v2 =	vmul.f32 $8.000000000e+00, v4  }
0x10f: {  	v4 =	vld [tilespmem:s26+$0x6700];
	[tilespmem:s26+$0xE610] =	vst v0;
	v0 =	vmul.f32 $8.000000000e+00, v5  }
0x110: {  	v8 =	vld [tilespmem:s26+$0x6710];
	[tilespmem:s26+$0xE620] =	vst v2;
	v5 =	vmul.f32 $8.000000000e+00, v1  }
0x111: {  	v2 =	vmul.f32 $8.000000000e+00, v6;
	[tilespmem:s26+$0xE630] =	vst v0;
	v0 =	vld [tilespmem:s26+$0x6720]  }
0x112: {  	v1 =	vld [tilespmem:s26+$0x6730];
	[tilespmem:s26+$0xE690] =	vst v5;
	v5 =	vmul.f32 $8.000000000e+00, v3  }
0x113: {  	v6 =	vmul.f32 $8.000000000e+00, v7;
	[tilespmem:s26+$0xE680] =	vst v2;
	v2 =	vld [tilespmem:s26+$0x6780]  }
0x114: {  	v3 =	vld [tilespmem:s26+$0x6790];
	[tilespmem:s26+$0xE6B0] =	vst v5;
	v5 =	vmul.f32 $8.000000000e+00, v4  }
0x115: {  	s28 =	simm.s32 $0x400;
	s29 =	simm.s32 $0x2000;
	[tilespmem:s26+$0xE6A0] =	vst v6;
	v6 =	vmul.f32 $8.000000000e+00, v8;
	v4 =	vld [tilespmem:s26+$0x67A0]  }
.LBB2_7:
0x116: {  	p0 =	sne.s32 s29, $0xF000;
	v7 =	vld [tilespmem:s28+$0x67B0];
	[tilespmem:s26+$0xE700] =	vst v5;
	v0 =	vmul.f32 $8.000000000e+00, v0  }
0x117: {  	v5 =	vld [tilespmem:s28+$0x6400];
	[tilespmem:s26+$0xE710] =	vst v6;
	v1 =	vmul.f32 $8.000000000e+00, v1  }
0x118: {  	v6 =	vld [tilespmem:s28+$0x6410];
	[tilespmem:s26+$0xE720] =	vst v0;
	v0 =	vmul.f32 $8.000000000e+00, v2  }
0x119: {  	v2 =	vld [tilespmem:s28+$0x6420];
	[tilespmem:s26+$0xE730] =	vst v1;
	v1 =	vmul.f32 $8.000000000e+00, v3  }
0x11a: {  	v3 =	vld [tilespmem:s28+$0x6430];
	[tilespmem:s26+$0xE780] =	vst v0;
	v0 =	vmul.f32 $8.000000000e+00, v4  }
0x11b: {  	v4 =	vld [tilespmem:s28+$0x6480];
	v7 =	vmul.f32 $8.000000000e+00, v7;
	[tilespmem:s26+$0xE790] =	vst v1  }
0x11c: {  	v1 =	vmul.f32 $8.000000000e+00, v5;
	v5 =	vld [tilespmem:s28+$0x6490];
	[tilespmem:s26+$0xE7A0] =	vst v0;
	s26 =	smov.u32 s28  }
0x11d: {  	v0 =	vmul.f32 $8.000000000e+00, v6;
	v6 =	vld [tilespmem:s26+$0x64A0];
	[tilespmem:s26+$0xE7B0] =	vst v7  }
0x11e: {  	[tilespmem:s26+$0xE400] =	vst v1;
	v1 =	vmul.f32 $8.000000000e+00, v2;
	v2 =	vld [tilespmem:s26+$0x64B0]  }
0x11f: {  	[tilespmem:s26+$0xE410] =	vst v0;
	v0 =	vmul.f32 $8.000000000e+00, v3;
	v3 =	vld [tilespmem:s26+$0x6500]  }
0x120: {  	[tilespmem:s26+$0xE420] =	vst v1;
	v1 =	vmul.f32 $8.000000000e+00, v4;
	v4 =	vld [tilespmem:s26+$0x6510]  }
0x121: {  	[tilespmem:s26+$0xE430] =	vst v0;
	v0 =	vmul.f32 $8.000000000e+00, v5;
	v5 =	vld [tilespmem:s26+$0x6520]  }
0x122: {  	[tilespmem:s26+$0xE480] =	vst v1;
	v1 =	vmul.f32 $8.000000000e+00, v6;
	v6 =	vld [tilespmem:s26+$0x6530]  }
0x123: {  	[tilespmem:s26+$0xE490] =	vst v0;
	v0 =	vmul.f32 $8.000000000e+00, v2;
	v2 =	vld [tilespmem:s26+$0x6580]  }
0x124: {  	[tilespmem:s26+$0xE4A0] =	vst v1;
	v1 =	vmul.f32 $8.000000000e+00, v3;
	v3 =	vld [tilespmem:s26+$0x6590]  }
0x125: {  	[tilespmem:s26+$0xE4B0] =	vst v0;
	v0 =	vmul.f32 $8.000000000e+00, v4;
	v4 =	vld [tilespmem:s26+$0x65A0]  }
0x126: {  	[tilespmem:s26+$0xE500] =	vst v1;
	v1 =	vmul.f32 $8.000000000e+00, v5;
	v5 =	vld [tilespmem:s26+$0x65B0]  }
0x127: {  	[tilespmem:s26+$0xE510] =	vst v0;
	v0 =	vmul.f32 $8.000000000e+00, v6;
	v6 =	vld [tilespmem:s26+$0x6600]  }
0x128: {  	[tilespmem:s26+$0xE520] =	vst v1;
	v1 =	vmul.f32 $8.000000000e+00, v2;
	v2 =	vld [tilespmem:s26+$0x6610]  }
0x129: {  	[tilespmem:s26+$0xE530] =	vst v0;
	v0 =	vmul.f32 $8.000000000e+00, v3;
	v3 =	vld [tilespmem:s26+$0x6620]  }
0x12a: {  	[tilespmem:s26+$0xE580] =	vst v1;
	v1 =	vmul.f32 $8.000000000e+00, v4;
	v4 =	vld [tilespmem:s26+$0x6630]  }
0x12b: {  	[tilespmem:s26+$0xE590] =	vst v0;
	v0 =	vmul.f32 $8.000000000e+00, v5;
	v5 =	vld [tilespmem:s26+$0x6680]  }
0x12c: {  	[tilespmem:s26+$0xE5A0] =	vst v1;
	v1 =	vmul.f32 $8.000000000e+00, v6;
	v6 =	vld [tilespmem:s26+$0x6690]  }
0x12d: {  	[tilespmem:s26+$0xE5B0] =	vst v0;
	v0 =	vmul.f32 $8.000000000e+00, v2;
	v2 =	vld [tilespmem:s26+$0x66A0]  }
0x12e: {  	[tilespmem:s26+$0xE600] =	vst v1;
	v1 =	vmul.f32 $8.000000000e+00, v3;
	v3 =	vld [tilespmem:s26+$0x66B0]  }
0x12f: {  	[tilespmem:s26+$0xE610] =	vst v0;
	v0 =	vmul.f32 $8.000000000e+00, v4;
	v4 =	vld [tilespmem:s26+$0x6700]  }
0x130: {  	[tilespmem:s26+$0xE620] =	vst v1;
	v1 =	vmul.f32 $8.000000000e+00, v5;
	v7 =	vld [tilespmem:s26+$0x6710]  }
.Ltmp2:
0x131: {  	[tilespmem:s26+$0xE630] =	vst v0;
	v5 =	vmul.f32 $8.000000000e+00, v6;
	v0 =	vld [tilespmem:s26+$0x6720];
	(pc) =	sbr.rel @p0 .LBB2_7-.Ltmp2, $4  }
0x132: {  	[tilespmem:s26+$0xE680] =	vst v1;
	v6 =	vmul.f32 $8.000000000e+00, v2;
	v1 =	vld [tilespmem:s26+$0x6730]  }
0x133: {  	[tilespmem:s26+$0xE690] =	vst v5;
	v8 =	vmul.f32 $8.000000000e+00, v3;
	v2 =	vld [tilespmem:s26+$0x6780]  }
0x134: {  	[tilespmem:s26+$0xE6A0] =	vst v6;
	v5 =	vmul.f32 $8.000000000e+00, v4;
	v3 =	vld [tilespmem:s26+$0x6790]  }
0x135: {  	s28 =	sshra.s32 s29, $0x2;
	s29 =	sadd.s32 $0x1000, s29;
	[tilespmem:s26+$0xE6B0] =	vst v8;
	v6 =	vmul.f32 $8.000000000e+00, v7;
	v4 =	vld [tilespmem:s26+$0x67A0]  }
0x136: {  	v7 =	vld [tilespmem:s28+$0x67B0];
	[tilespmem:s26+$0xE700] =	vst v5;
	v0 =	vmul.f32 $8.000000000e+00, v0  }
0x137: {  	v5 =	vld [tilespmem:s28+$0x6400];
	[tilespmem:s26+$0xE710] =	vst v6;
	v1 =	vmul.f32 $8.000000000e+00, v1  }
0x138: {  	v6 =	vld [tilespmem:s28+$0x6410];
	[tilespmem:s26+$0xE720] =	vst v0;
	v2 =	vmul.f32 $8.000000000e+00, v2  }
0x139: {  	v0 =	vld [tilespmem:s28+$0x6420];
	[tilespmem:s26+$0xE730] =	vst v1;
	v3 =	vmul.f32 $8.000000000e+00, v3  }
0x13a: {  	v1 =	vld [tilespmem:s28+$0x6430];
	[tilespmem:s26+$0xE780] =	vst v2;
	v4 =	vmul.f32 $8.000000000e+00, v4  }
0x13b: {  	v2 =	vld [tilespmem:s28+$0x6480];
	[tilespmem:s26+$0xE790] =	vst v3;
	v7 =	vmul.f32 $8.000000000e+00, v7  }
0x13c: {  	v3 =	vld [tilespmem:s28+$0x6490];
	[tilespmem:s26+$0xE7A0] =	vst v4;
	v4 =	vmul.f32 $8.000000000e+00, v5  }
0x13d: {  	v5 =	vld [tilespmem:s28+$0x64A0];
	[tilespmem:s28+$0xE7B0] =	vst v7;
	v6 =	vmul.f32 $8.000000000e+00, v6  }
0x13e: {  	[tilespmem:s28+$0xE400] =	vst v4;
	v4 =	vld [tilespmem:s28+$0x64B0];
	v0 =	vmul.f32 $8.000000000e+00, v0  }
0x13f: {  	[tilespmem:s28+$0xE410] =	vst v6;
	v6 =	vld [tilespmem:s28+$0x6500];
	v1 =	vmul.f32 $8.000000000e+00, v1  }
0x140: {  	[tilespmem:s28+$0xE420] =	vst v0;
	v0 =	vld [tilespmem:s28+$0x6510];
	v2 =	vmul.f32 $8.000000000e+00, v2  }
0x141: {  	[tilespmem:s28+$0xE430] =	vst v1;
	v1 =	vld [tilespmem:s28+$0x6520];
	v3 =	vmul.f32 $8.000000000e+00, v3  }
0x142: {  	[tilespmem:s28+$0xE480] =	vst v2;
	v2 =	vld [tilespmem:s28+$0x6530];
	v5 =	vmul.f32 $8.000000000e+00, v5  }
0x143: {  	[tilespmem:s28+$0xE490] =	vst v3;
	v3 =	vld [tilespmem:s28+$0x6580];
	v4 =	vmul.f32 $8.000000000e+00, v4  }
0x144: {  	[tilespmem:s28+$0xE4A0] =	vst v5;
	v5 =	vld [tilespmem:s28+$0x6590];
	v6 =	vmul.f32 $8.000000000e+00, v6  }
0x145: {  	[tilespmem:s28+$0xE4B0] =	vst v4;
	v4 =	vld [tilespmem:s28+$0x65A0];
	v0 =	vmul.f32 $8.000000000e+00, v0  }
0x146: {  	[tilespmem:s28+$0xE500] =	vst v6;
	v6 =	vld [tilespmem:s28+$0x65B0];
	v1 =	vmul.f32 $8.000000000e+00, v1  }
0x147: {  	[tilespmem:s28+$0xE510] =	vst v0;
	v0 =	vld [tilespmem:s28+$0x6600];
	v2 =	vmul.f32 $8.000000000e+00, v2  }
0x148: {  	[tilespmem:s28+$0xE520] =	vst v1;
	v1 =	vld [tilespmem:s28+$0x6610];
	v3 =	vmul.f32 $8.000000000e+00, v3  }
0x149: {  	[tilespmem:s28+$0xE530] =	vst v2;
	v2 =	vld [tilespmem:s28+$0x6620];
	v5 =	vmul.f32 $8.000000000e+00, v5  }
0x14a: {  	[tilespmem:s28+$0xE580] =	vst v3;
	v3 =	vld [tilespmem:s28+$0x6630];
	v4 =	vmul.f32 $8.000000000e+00, v4  }
0x14b: {  	[tilespmem:s28+$0xE590] =	vst v5;
	v5 =	vld [tilespmem:s28+$0x6680];
	v6 =	vmul.f32 $8.000000000e+00, v6  }
0x14c: {  	[tilespmem:s28+$0xE5A0] =	vst v4;
	v4 =	vld [tilespmem:s28+$0x6690];
	v0 =	vmul.f32 $8.000000000e+00, v0  }
0x14d: {  	[tilespmem:s28+$0xE5B0] =	vst v6;
	v6 =	vld [tilespmem:s28+$0x66A0];
	v1 =	vmul.f32 $8.000000000e+00, v1  }
0x14e: {  	[tilespmem:s28+$0xE600] =	vst v0;
	v0 =	vld [tilespmem:s28+$0x66B0];
	v2 =	vmul.f32 $8.000000000e+00, v2  }
0x14f: {  	[tilespmem:s28+$0xE610] =	vst v1;
	v1 =	vld [tilespmem:s28+$0x6700];
	v3 =	vmul.f32 $8.000000000e+00, v3  }
0x150: {  	[tilespmem:s28+$0xE620] =	vst v2;
	v2 =	vld [tilespmem:s28+$0x6710];
	v5 =	vmul.f32 $8.000000000e+00, v5  }
0x151: {  	[tilespmem:s28+$0xE630] =	vst v3;
	v3 =	vld [tilespmem:s28+$0x6720];
	v4 =	vmul.f32 $8.000000000e+00, v4  }
0x152: {  	[tilespmem:s28+$0xE680] =	vst v5;
	v5 =	vld [tilespmem:s28+$0x6730];
	v6 =	vmul.f32 $8.000000000e+00, v6  }
0x153: {  	[tilespmem:s28+$0xE690] =	vst v4;
	v4 =	vld [tilespmem:s28+$0x6780];
	v0 =	vmul.f32 $8.000000000e+00, v0  }
0x154: {  	[tilespmem:s28+$0xE6A0] =	vst v6;
	v6 =	vld [tilespmem:s28+$0x6790];
	v1 =	vmul.f32 $8.000000000e+00, v1  }
0x155: {  	[tilespmem:s28+$0xE6B0] =	vst v0;
	v0 =	vmul.f32 $8.000000000e+00, v2;
	v2 =	vld [tilespmem:s28+$0x67A0]  }
0x156: {  	[tilespmem:s28+$0xE700] =	vst v1;
	v1 =	vmul.f32 $8.000000000e+00, v3  }
0x157: {  	[tilespmem:s28+$0xE710] =	vst v0;
	v0 =	vmul.f32 $8.000000000e+00, v5  }
0x158: {  	[tilespmem:s28+$0xE720] =	vst v1;
	v1 =	vmul.f32 $8.000000000e+00, v4  }
0x159: {  	[tilespmem:s28+$0xE730] =	vst v0;
	v0 =	vmul.f32 $8.000000000e+00, v6  }
0x15a: {  	s31 =	sshll.u32 s25, $0x8;
	[tilespmem:s28+$0xE780] =	vst v1;
	v1 =	vmul.f32 $8.000000000e+00, v2  }
0x15b: {  	s26 =	sand.u32 $0x3FFFFF00, s31;
	[tilespmem:s28+$0xE790] =	vst v0  }
0x15c: {  	[tilespmem:s28+$0xE7A0] =	vst v1;
	s28 =	sadd.s32 $0x100, s26  }
0x15d: {  	[tilespmem:s14], [sflag:$0x1] =	stream.indirect.gather [hbm4b:s4+s13], $0x80, s28, s13, $0xb8;
	[tilespmem:$0x16400] =	vst v63  }
0x15e: {  	s28 =	sshll.u32 s25, $0xF  }
0x15f: {  	s28 =	sadd.s32 s3, s28  }
0x160: {  	s28 =	sshrl.u32 s28, $0x3  }
0x161: {  	s29 =	simm.s32 $0x0;
	s28 =	sadd.s32 s5, s28  }
0x162: {  	[hbm4b:s28+s29] =	stream.linear.scatter [tilespmem:s18], [sflag:$0x3], $0x4000, $0x38;
	[tilespmem:$0x16400] =	vst v63  }
0x163: {  	_ =	swait.ge [sflag:s19], $0x4000  }
0x164: {  	[sflag:s19] =	ssyncset.done $0x0  }
0x165: {  	[sflag:s19] =	ssyncadd.s32 $0xFFFFC000  }
0x166: {  	_ =	swait.ge [sflag:s23], $0x4000  }
0x167: {  	[sflag:s23] =	ssyncset.done $0x0  }
0x168: {  	s28 =	simm.s32 $0x0;
	[sflag:s23] =	ssyncadd.s32 $0xFFFFC000  }
0x169: {  	v0 =	vld [tilespmem:s28+$0xA7B0]  }
0x16a: {  	v1 =	vld [tilespmem:s28+$0xA400];
	_ =	sdelay $0x1  }
0x16b: {  	v2 =	vld [tilespmem:s28+$0xA410]  }
0x16c: {  	v3 =	vld [tilespmem:s28+$0xA420]  }
0x16d: {  	v4 =	vld [tilespmem:s28+$0xA430];
	v0 =	vmul.f32 $8.000000000e+00, v0  }
0x16e: {  	v5 =	vld [tilespmem:s28+$0xA480];
	v1 =	vmul.f32 $8.000000000e+00, v1  }
0x16f: {  	v6 =	vld [tilespmem:s28+$0xA490];
	[tilespmem:s28+$0x127B0] =	vst v0  }
0x170: {  	v0 =	vmul.f32 $8.000000000e+00, v2;
	[tilespmem:s28+$0x12400] =	vst v1;
	v1 =	vld [tilespmem:s28+$0xA4B0]  }
0x171: {  	v7 =	vld [tilespmem:s28+$0xA4A0];
	v2 =	vmul.f32 $8.000000000e+00, v3  }
0x172: {  	v3 =	vmul.f32 $8.000000000e+00, v4;
	[tilespmem:s28+$0x12410] =	vst v0;
	v0 =	vld [tilespmem:s28+$0xA500]  }
0x173: {  	v4 =	vmul.f32 $8.000000000e+00, v5;
	[tilespmem:s28+$0x12420] =	vst v2;
	v2 =	vld [tilespmem:s28+$0xA510]  }
0x174: {  	v5 =	vmul.f32 $8.000000000e+00, v6;
	[tilespmem:s28+$0x12430] =	vst v3;
	v3 =	vld [tilespmem:s28+$0xA520]  }
0x175: {  	[tilespmem:s28+$0x12480] =	vst v4;
	v4 =	vld [tilespmem:s28+$0xA530];
	v1 =	vmul.f32 $8.000000000e+00, v1  }
0x176: {  	v6 =	vmul.f32 $8.000000000e+00, v7;
	[tilespmem:s28+$0x12490] =	vst v5;
	v5 =	vld [tilespmem:s28+$0xA580]  }
0x177: {  	v0 =	vmul.f32 $8.000000000e+00, v0;
	[tilespmem:s28+$0x124B0] =	vst v1;
	v1 =	vld [tilespmem:s28+$0xA5A0]  }
0x178: {  	[tilespmem:s28+$0x124A0] =	vst v6;
	v6 =	vld [tilespmem:s28+$0xA590];
	v2 =	vmul.f32 $8.000000000e+00, v2  }
0x179: {  	v3 =	vmul.f32 $8.000000000e+00, v3;
	[tilespmem:s28+$0x12500] =	vst v0;
	v0 =	vld [tilespmem:s28+$0xA5B0]  }
0x17a: {  	v4 =	vmul.f32 $8.000000000e+00, v4;
	[tilespmem:s28+$0x12510] =	vst v2;
	v2 =	vld [tilespmem:s28+$0xA600]  }
0x17b: {  	v5 =	vmul.f32 $8.000000000e+00, v5;
	[tilespmem:s28+$0x12520] =	vst v3;
	v3 =	vld [tilespmem:s28+$0xA610]  }
0x17c: {  	[tilespmem:s28+$0x12530] =	vst v4;
	v4 =	vld [tilespmem:s28+$0xA620];
	v1 =	vmul.f32 $8.000000000e+00, v1  }
0x17d: {  	v6 =	vmul.f32 $8.000000000e+00, v6;
	[tilespmem:s28+$0x12580] =	vst v5;
	v5 =	vld [tilespmem:s28+$0xA630]  }
0x17e: {  	v0 =	vmul.f32 $8.000000000e+00, v0;
	[tilespmem:s28+$0x125A0] =	vst v1;
	v1 =	vld [tilespmem:s28+$0xA690]  }
0x17f: {  	[tilespmem:s28+$0x12590] =	vst v6;
	v6 =	vld [tilespmem:s28+$0xA680];
	v2 =	vmul.f32 $8.000000000e+00, v2  }
0x180: {  	[tilespmem:s28+$0x125B0] =	vst v0;
	v0 =	vmul.f32 $8.000000000e+00, v3;
	v3 =	vld [tilespmem:s28+$0xA6B0]  }
0x181: {  	v7 =	vld [tilespmem:s28+$0xA6A0];
	[tilespmem:s28+$0x12600] =	vst v2;
	v2 =	vmul.f32 $8.000000000e+00, v4  }
0x182: {  	v4 =	vld [tilespmem:s28+$0xA700];
	[tilespmem:s28+$0x12610] =	vst v0;
	v0 =	vmul.f32 $8.000000000e+00, v5  }
0x183: {  	v8 =	vld [tilespmem:s28+$0xA710];
	[tilespmem:s28+$0x12620] =	vst v2;
	v5 =	vmul.f32 $8.000000000e+00, v1  }
0x184: {  	v2 =	vmul.f32 $8.000000000e+00, v6;
	[tilespmem:s28+$0x12630] =	vst v0;
	v0 =	vld [tilespmem:s28+$0xA720]  }
0x185: {  	v1 =	vld [tilespmem:s28+$0xA730];
	[tilespmem:s28+$0x12690] =	vst v5;
	v5 =	vmul.f32 $8.000000000e+00, v3  }
0x186: {  	v6 =	vmul.f32 $8.000000000e+00, v7;
	[tilespmem:s28+$0x12680] =	vst v2;
	v2 =	vld [tilespmem:s28+$0xA780]  }
0x187: {  	v3 =	vld [tilespmem:s28+$0xA790];
	[tilespmem:s28+$0x126B0] =	vst v5;
	v5 =	vmul.f32 $8.000000000e+00, v4  }
0x188: {  	s30 =	simm.s32 $0x2000;
	s29 =	simm.s32 $0x400;
	[tilespmem:s28+$0x126A0] =	vst v6;
	v6 =	vmul.f32 $8.000000000e+00, v8;
	v4 =	vld [tilespmem:s28+$0xA7A0]  }
.LBB2_9:
0x189: {  	p0 =	sne.s32 s30, $0xF000;
	v7 =	vld [tilespmem:s29+$0xA7B0];
	[tilespmem:s28+$0x12700] =	vst v5;
	v0 =	vmul.f32 $8.000000000e+00, v0  }
0x18a: {  	v5 =	vld [tilespmem:s29+$0xA400];
	[tilespmem:s28+$0x12710] =	vst v6;
	v1 =	vmul.f32 $8.000000000e+00, v1  }
0x18b: {  	v6 =	vld [tilespmem:s29+$0xA410];
	[tilespmem:s28+$0x12720] =	vst v0;
	v0 =	vmul.f32 $8.000000000e+00, v2  }
0x18c: {  	v2 =	vld [tilespmem:s29+$0xA420];
	[tilespmem:s28+$0x12730] =	vst v1;
	v1 =	vmul.f32 $8.000000000e+00, v3  }
0x18d: {  	v3 =	vld [tilespmem:s29+$0xA430];
	[tilespmem:s28+$0x12780] =	vst v0;
	v0 =	vmul.f32 $8.000000000e+00, v4  }
0x18e: {  	v4 =	vld [tilespmem:s29+$0xA480];
	v7 =	vmul.f32 $8.000000000e+00, v7;
	[tilespmem:s28+$0x12790] =	vst v1  }
0x18f: {  	v1 =	vmul.f32 $8.000000000e+00, v5;
	v5 =	vld [tilespmem:s29+$0xA490];
	[tilespmem:s28+$0x127A0] =	vst v0;
	s28 =	smov.u32 s29  }
0x190: {  	v0 =	vmul.f32 $8.000000000e+00, v6;
	v6 =	vld [tilespmem:s28+$0xA4A0];
	[tilespmem:s28+$0x127B0] =	vst v7  }
0x191: {  	[tilespmem:s28+$0x12400] =	vst v1;
	v1 =	vmul.f32 $8.000000000e+00, v2;
	v2 =	vld [tilespmem:s28+$0xA4B0]  }
0x192: {  	[tilespmem:s28+$0x12410] =	vst v0;
	v0 =	vmul.f32 $8.000000000e+00, v3;
	v3 =	vld [tilespmem:s28+$0xA500]  }
0x193: {  	[tilespmem:s28+$0x12420] =	vst v1;
	v1 =	vmul.f32 $8.000000000e+00, v4;
	v4 =	vld [tilespmem:s28+$0xA510]  }
0x194: {  	[tilespmem:s28+$0x12430] =	vst v0;
	v0 =	vmul.f32 $8.000000000e+00, v5;
	v5 =	vld [tilespmem:s28+$0xA520]  }
0x195: {  	[tilespmem:s28+$0x12480] =	vst v1;
	v1 =	vmul.f32 $8.000000000e+00, v6;
	v6 =	vld [tilespmem:s28+$0xA530]  }
0x196: {  	[tilespmem:s28+$0x12490] =	vst v0;
	v0 =	vmul.f32 $8.000000000e+00, v2;
	v2 =	vld [tilespmem:s28+$0xA580]  }
0x197: {  	[tilespmem:s28+$0x124A0] =	vst v1;
	v1 =	vmul.f32 $8.000000000e+00, v3;
	v3 =	vld [tilespmem:s28+$0xA590]  }
0x198: {  	[tilespmem:s28+$0x124B0] =	vst v0;
	v0 =	vmul.f32 $8.000000000e+00, v4;
	v4 =	vld [tilespmem:s28+$0xA5A0]  }
0x199: {  	[tilespmem:s28+$0x12500] =	vst v1;
	v1 =	vmul.f32 $8.000000000e+00, v5;
	v5 =	vld [tilespmem:s28+$0xA5B0]  }
0x19a: {  	[tilespmem:s28+$0x12510] =	vst v0;
	v0 =	vmul.f32 $8.000000000e+00, v6;
	v6 =	vld [tilespmem:s28+$0xA600]  }
0x19b: {  	[tilespmem:s28+$0x12520] =	vst v1;
	v1 =	vmul.f32 $8.000000000e+00, v2;
	v2 =	vld [tilespmem:s28+$0xA610]  }
0x19c: {  	[tilespmem:s28+$0x12530] =	vst v0;
	v0 =	vmul.f32 $8.000000000e+00, v3;
	v3 =	vld [tilespmem:s28+$0xA620]  }
0x19d: {  	[tilespmem:s28+$0x12580] =	vst v1;
	v1 =	vmul.f32 $8.000000000e+00, v4;
	v4 =	vld [tilespmem:s28+$0xA630]  }
0x19e: {  	[tilespmem:s28+$0x12590] =	vst v0;
	v0 =	vmul.f32 $8.000000000e+00, v5;
	v5 =	vld [tilespmem:s28+$0xA680]  }
0x19f: {  	[tilespmem:s28+$0x125A0] =	vst v1;
	v1 =	vmul.f32 $8.000000000e+00, v6;
	v6 =	vld [tilespmem:s28+$0xA690]  }
0x1a0: {  	[tilespmem:s28+$0x125B0] =	vst v0;
	v0 =	vmul.f32 $8.000000000e+00, v2;
	v2 =	vld [tilespmem:s28+$0xA6A0]  }
0x1a1: {  	[tilespmem:s28+$0x12600] =	vst v1;
	v1 =	vmul.f32 $8.000000000e+00, v3;
	v3 =	vld [tilespmem:s28+$0xA6B0]  }
0x1a2: {  	[tilespmem:s28+$0x12610] =	vst v0;
	v0 =	vmul.f32 $8.000000000e+00, v4;
	v4 =	vld [tilespmem:s28+$0xA700]  }
0x1a3: {  	[tilespmem:s28+$0x12620] =	vst v1;
	v1 =	vmul.f32 $8.000000000e+00, v5;
	v7 =	vld [tilespmem:s28+$0xA710]  }
.Ltmp3:
0x1a4: {  	[tilespmem:s28+$0x12630] =	vst v0;
	v5 =	vmul.f32 $8.000000000e+00, v6;
	v0 =	vld [tilespmem:s28+$0xA720];
	(pc) =	sbr.rel @p0 .LBB2_9-.Ltmp3, $4  }
0x1a5: {  	[tilespmem:s28+$0x12680] =	vst v1;
	v6 =	vmul.f32 $8.000000000e+00, v2;
	v1 =	vld [tilespmem:s28+$0xA730]  }
0x1a6: {  	[tilespmem:s28+$0x12690] =	vst v5;
	v8 =	vmul.f32 $8.000000000e+00, v3;
	v2 =	vld [tilespmem:s28+$0xA780]  }
0x1a7: {  	[tilespmem:s28+$0x126A0] =	vst v6;
	v5 =	vmul.f32 $8.000000000e+00, v4;
	v3 =	vld [tilespmem:s28+$0xA790]  }
0x1a8: {  	s29 =	sshra.s32 s30, $0x2;
	s30 =	sadd.s32 $0x1000, s30;
	[tilespmem:s28+$0x126B0] =	vst v8;
	v6 =	vmul.f32 $8.000000000e+00, v7;
	v4 =	vld [tilespmem:s28+$0xA7A0]  }
0x1a9: {  	v7 =	vld [tilespmem:s29+$0xA7B0];
	[tilespmem:s28+$0x12700] =	vst v5;
	v0 =	vmul.f32 $8.000000000e+00, v0  }
0x1aa: {  	v5 =	vld [tilespmem:s29+$0xA400];
	[tilespmem:s28+$0x12710] =	vst v6;
	v1 =	vmul.f32 $8.000000000e+00, v1  }
0x1ab: {  	v6 =	vld [tilespmem:s29+$0xA410];
	[tilespmem:s28+$0x12720] =	vst v0;
	v2 =	vmul.f32 $8.000000000e+00, v2  }
0x1ac: {  	v0 =	vld [tilespmem:s29+$0xA420];
	[tilespmem:s28+$0x12730] =	vst v1;
	v3 =	vmul.f32 $8.000000000e+00, v3  }
0x1ad: {  	v1 =	vld [tilespmem:s29+$0xA430];
	[tilespmem:s28+$0x12780] =	vst v2;
	v4 =	vmul.f32 $8.000000000e+00, v4  }
0x1ae: {  	v2 =	vld [tilespmem:s29+$0xA480];
	[tilespmem:s28+$0x12790] =	vst v3;
	v7 =	vmul.f32 $8.000000000e+00, v7  }
0x1af: {  	v3 =	vld [tilespmem:s29+$0xA490];
	[tilespmem:s28+$0x127A0] =	vst v4;
	v32 =	vmul.f32 $8.000000000e+00, v5  }
0x1b0: {  	v33 =	vld [tilespmem:s29+$0xA4A0];
	[tilespmem:s29+$0x127B0] =	vst v7;
	v6 =	vmul.f32 $8.000000000e+00, v6  }
0x1b1: {  	v34 =	vld [tilespmem:s29+$0xA4B0];
	[tilespmem:s29+$0x12400] =	vst v32;
	v0 =	vmul.f32 $8.000000000e+00, v0  }
0x1b2: {  	v35 =	vld [tilespmem:s29+$0xA500];
	[tilespmem:s29+$0x12410] =	vst v6;
	v1 =	vmul.f32 $8.000000000e+00, v1  }
0x1b3: {  	v36 =	vld [tilespmem:s29+$0xA510];
	[tilespmem:s29+$0x12420] =	vst v0;
	v2 =	vmul.f32 $8.000000000e+00, v2  }
0x1b4: {  	v37 =	vld [tilespmem:s29+$0xA520];
	[tilespmem:s29+$0x12430] =	vst v1;
	v3 =	vmul.f32 $8.000000000e+00, v3  }
0x1b5: {  	v38 =	vld [tilespmem:s29+$0xA530];
	[tilespmem:s29+$0x12480] =	vst v2;
	v5 =	vmul.f32 $8.000000000e+00, v33  }
0x1b6: {  	v52 =	vld [tilespmem:s29+$0xA710];
	v4 =	vmul.f32 $8.000000000e+00, v34;
	[tilespmem:s29+$0x12490] =	vst v3  }
0x1b7: {  	v53 =	vld [tilespmem:s29+$0xA720];
	v6 =	vmul.f32 $8.000000000e+00, v35;
	[tilespmem:s29+$0x124A0] =	vst v5  }
0x1b8: {  	v54 =	vld [tilespmem:s29+$0xA730];
	v0 =	vmul.f32 $8.000000000e+00, v36;
	[tilespmem:s29+$0x124B0] =	vst v4  }
0x1b9: {  	v55 =	vld [tilespmem:s29+$0xA780];
	v1 =	vmul.f32 $8.000000000e+00, v37;
	[tilespmem:s29+$0x12500] =	vst v6  }
0x1ba: {  	v56 =	vld [tilespmem:s29+$0xA790];
	v2 =	vmul.f32 $8.000000000e+00, v38;
	[tilespmem:s29+$0x12510] =	vst v0  }
0x1bb: {  	v58 =	vld [tilespmem:s29+$0xA7A0];
	v57 =	vmul.f32 $8.000000000e+00, v52;
	[tilespmem:s29+$0x12520] =	vst v1  }
0x1bc: {  	v39 =	vld [tilespmem:s29+$0xA580];
	v59 =	vmul.f32 $8.000000000e+00, v53;
	[tilespmem:s29+$0x12530] =	vst v2  }
0x1bd: {  	v40 =	vld [tilespmem:s29+$0xA590];
	v60 =	vmul.f32 $8.000000000e+00, v54;
	[tilespmem:s29+$0x12710] =	vst v57  }
0x1be: {  	v41 =	vld [tilespmem:s29+$0xA5A0];
	v61 =	vmul.f32 $8.000000000e+00, v55;
	[tilespmem:s29+$0x12720] =	vst v59  }
0x1bf: {  	v42 =	vld [tilespmem:s29+$0xA5B0];
	v62 =	vmul.f32 $8.000000000e+00, v56;
	[tilespmem:s29+$0x12730] =	vst v60  }
0x1c0: {  	v43 =	vld [tilespmem:s29+$0xA600];
	v63 =	vmul.f32 $8.000000000e+00, v58;
	[tilespmem:s29+$0x12780] =	vst v61  }
0x1c1: {  	v44 =	vld [tilespmem:s29+$0xA610];
	v3 =	vmul.f32 $8.000000000e+00, v39;
	[tilespmem:s29+$0x12790] =	vst v62  }
0x1c2: {  	v45 =	vld [tilespmem:s29+$0xA620];
	v5 =	vmul.f32 $8.000000000e+00, v40;
	[tilespmem:s29+$0x127A0] =	vst v63  }
0x1c3: {  	v46 =	vld [tilespmem:s29+$0xA630];
	v4 =	vmul.f32 $8.000000000e+00, v41;
	[tilespmem:s29+$0x12580] =	vst v3  }
0x1c4: {  	v47 =	vld [tilespmem:s29+$0xA680];
	v6 =	vmul.f32 $8.000000000e+00, v42;
	[tilespmem:s29+$0x12590] =	vst v5  }
0x1c5: {  	v48 =	vld [tilespmem:s29+$0xA690];
	v0 =	vmul.f32 $8.000000000e+00, v43;
	[tilespmem:s29+$0x125A0] =	vst v4  }
0x1c6: {  	v49 =	vld [tilespmem:s29+$0xA6A0];
	v1 =	vmul.f32 $8.000000000e+00, v44;
	[tilespmem:s29+$0x125B0] =	vst v6  }
0x1c7: {  	v50 =	vld [tilespmem:s29+$0xA6B0];
	v2 =	vmul.f32 $8.000000000e+00, v45;
	[tilespmem:s29+$0x12600] =	vst v0  }
0x1c8: {  	v51 =	vld [tilespmem:s29+$0xA700];
	v3 =	vmul.f32 $8.000000000e+00, v46;
	[tilespmem:s29+$0x12610] =	vst v1  }
0x1c9: {  	[tilespmem:s29+$0x12620] =	vst v2;
	v5 =	vmul.f32 $8.000000000e+00, v47  }
0x1ca: {  	v4 =	vmul.f32 $8.000000000e+00, v48;
	[tilespmem:s29+$0x12630] =	vst v3  }
0x1cb: {  	v6 =	vmul.f32 $8.000000000e+00, v49;
	[tilespmem:s29+$0x12680] =	vst v5  }
0x1cc: {  	s31 =	sshll.u32 s25, $0xC;
	s25 =	sadd.s32 $0x1, s25;
	v0 =	vmul.f32 $8.000000000e+00, v50;
	[tilespmem:s29+$0x12690] =	vst v4  }
0x1cd: {  	p0 =	sne.s32 s25, $0x63;
	v1 =	vmul.f32 $8.000000000e+00, v51;
	[tilespmem:s29+$0x126A0] =	vst v6  }
.Ltmp4:
0x1ce: {  	[tilespmem:s29+$0x126B0] =	vst v0;
	(pc) =	sbr.rel @p0 .LBB2_6-.Ltmp4, $4  }
0x1cf: {  	s26 =	sadd.s32 $0x180, s26;
	[tilespmem:s29+$0x12700] =	vst v1  }
0x1d0: {  	[tilespmem:s15], [sflag:$0x2] =	stream.indirect.gather [hbm4b:s4+s13], $0x80, s26, s13, $0xb8;
	[tilespmem:$0x16400] =	vst v63  }
0x1d1: {  	s26 =	sadd.s32 s8, s31  }
0x1d2: {  	[hbm4b:s26+s2] =	stream.linear.scatter [tilespmem:s21], [sflag:$0x4], $0x4000, $0x38;
	[tilespmem:$0x16400] =	vst v63  }
0x1d3: {  	_ =	swait.ge [sflag:s16], $0x4000  }
0x1d4: {  	[sflag:s16] =	ssyncset.done $0x0  }
0x1d5: {  	[sflag:s16] =	ssyncadd.s32 $0xFFFFC000  }
0x1d6: {  	_ =	swait.ge [sflag:s22], $0x4000  }
0x1d7: {  	[sflag:s22] =	ssyncset.done $0x0  }
0x1d8: {  	s25 =	simm.s32 $0x0;
	[sflag:s22] =	ssyncadd.s32 $0xFFFFC000  }
0x1d9: {  	v0 =	vld [tilespmem:s25+$0x67B0]  }
0x1da: {  	v1 =	vld [tilespmem:s25+$0x6400];
	_ =	sdelay $0x1  }
0x1db: {  	v2 =	vld [tilespmem:s25+$0x6410]  }
0x1dc: {  	v3 =	vld [tilespmem:s25+$0x6420]  }
0x1dd: {  	v4 =	vld [tilespmem:s25+$0x6430];
	v0 =	vmul.f32 $8.000000000e+00, v0  }
0x1de: {  	v5 =	vld [tilespmem:s25+$0x6480];
	v1 =	vmul.f32 $8.000000000e+00, v1  }
0x1df: {  	v6 =	vld [tilespmem:s25+$0x6490];
	[tilespmem:s25+$0xE7B0] =	vst v0  }
0x1e0: {  	v0 =	vmul.f32 $8.000000000e+00, v2;
	[tilespmem:s25+$0xE400] =	vst v1;
	v1 =	vld [tilespmem:s25+$0x64B0]  }
0x1e1: {  	v7 =	vld [tilespmem:s25+$0x64A0];
	v2 =	vmul.f32 $8.000000000e+00, v3  }
0x1e2: {  	v3 =	vmul.f32 $8.000000000e+00, v4;
	[tilespmem:s25+$0xE410] =	vst v0;
	v0 =	vld [tilespmem:s25+$0x6500]  }
0x1e3: {  	v4 =	vmul.f32 $8.000000000e+00, v5;
	[tilespmem:s25+$0xE420] =	vst v2;
	v2 =	vld [tilespmem:s25+$0x6510]  }
0x1e4: {  	v5 =	vmul.f32 $8.000000000e+00, v6;
	[tilespmem:s25+$0xE430] =	vst v3;
	v3 =	vld [tilespmem:s25+$0x6520]  }
0x1e5: {  	[tilespmem:s25+$0xE480] =	vst v4;
	v4 =	vld [tilespmem:s25+$0x6530];
	v1 =	vmul.f32 $8.000000000e+00, v1  }
0x1e6: {  	v6 =	vmul.f32 $8.000000000e+00, v7;
	[tilespmem:s25+$0xE490] =	vst v5;
	v5 =	vld [tilespmem:s25+$0x6580]  }
0x1e7: {  	v0 =	vmul.f32 $8.000000000e+00, v0;
	[tilespmem:s25+$0xE4B0] =	vst v1;
	v1 =	vld [tilespmem:s25+$0x65A0]  }
0x1e8: {  	[tilespmem:s25+$0xE4A0] =	vst v6;
	v6 =	vld [tilespmem:s25+$0x6590];
	v2 =	vmul.f32 $8.000000000e+00, v2  }
0x1e9: {  	v3 =	vmul.f32 $8.000000000e+00, v3;
	[tilespmem:s25+$0xE500] =	vst v0;
	v0 =	vld [tilespmem:s25+$0x65B0]  }
0x1ea: {  	v4 =	vmul.f32 $8.000000000e+00, v4;
	[tilespmem:s25+$0xE510] =	vst v2;
	v2 =	vld [tilespmem:s25+$0x6600]  }
0x1eb: {  	v5 =	vmul.f32 $8.000000000e+00, v5;
	[tilespmem:s25+$0xE520] =	vst v3;
	v3 =	vld [tilespmem:s25+$0x6610]  }
0x1ec: {  	[tilespmem:s25+$0xE530] =	vst v4;
	v4 =	vld [tilespmem:s25+$0x6620];
	v1 =	vmul.f32 $8.000000000e+00, v1  }
0x1ed: {  	v6 =	vmul.f32 $8.000000000e+00, v6;
	[tilespmem:s25+$0xE580] =	vst v5;
	v5 =	vld [tilespmem:s25+$0x6630]  }
0x1ee: {  	v0 =	vmul.f32 $8.000000000e+00, v0;
	[tilespmem:s25+$0xE5A0] =	vst v1;
	v1 =	vld [tilespmem:s25+$0x6690]  }
0x1ef: {  	[tilespmem:s25+$0xE590] =	vst v6;
	v6 =	vld [tilespmem:s25+$0x6680];
	v2 =	vmul.f32 $8.000000000e+00, v2  }
0x1f0: {  	[tilespmem:s25+$0xE5B0] =	vst v0;
	v0 =	vmul.f32 $8.000000000e+00, v3;
	v3 =	vld [tilespmem:s25+$0x66B0]  }
0x1f1: {  	v7 =	vld [tilespmem:s25+$0x66A0];
	[tilespmem:s25+$0xE600] =	vst v2;
	v2 =	vmul.f32 $8.000000000e+00, v4  }
0x1f2: {  	v4 =	vld [tilespmem:s25+$0x6700];
	[tilespmem:s25+$0xE610] =	vst v0;
	v0 =	vmul.f32 $8.000000000e+00, v5  }
0x1f3: {  	v8 =	vld [tilespmem:s25+$0x6710];
	[tilespmem:s25+$0xE620] =	vst v2;
	v5 =	vmul.f32 $8.000000000e+00, v1  }
0x1f4: {  	v2 =	vmul.f32 $8.000000000e+00, v6;
	[tilespmem:s25+$0xE630] =	vst v0;
	v0 =	vld [tilespmem:s25+$0x6720]  }
0x1f5: {  	v1 =	vld [tilespmem:s25+$0x6730];
	[tilespmem:s25+$0xE690] =	vst v5;
	v5 =	vmul.f32 $8.000000000e+00, v3  }
0x1f6: {  	v6 =	vmul.f32 $8.000000000e+00, v7;
	[tilespmem:s25+$0xE680] =	vst v2;
	v2 =	vld [tilespmem:s25+$0x6780]  }
0x1f7: {  	v3 =	vld [tilespmem:s25+$0x6790];
	[tilespmem:s25+$0xE6B0] =	vst v5;
	v5 =	vmul.f32 $8.000000000e+00, v4  }
0x1f8: {  	s26 =	simm.s32 $0x400;
	s28 =	simm.s32 $0x2000;
	[tilespmem:s25+$0xE6A0] =	vst v6;
	v6 =	vmul.f32 $8.000000000e+00, v8;
	v4 =	vld [tilespmem:s25+$0x67A0]  }
.LBB2_12:
0x1f9: {  	p0 =	sne.s32 s28, $0xF000;
	v7 =	vld [tilespmem:s26+$0x67B0];
	[tilespmem:s25+$0xE700] =	vst v5;
	v0 =	vmul.f32 $8.000000000e+00, v0  }
0x1fa: {  	v5 =	vld [tilespmem:s26+$0x6400];
	[tilespmem:s25+$0xE710] =	vst v6;
	v1 =	vmul.f32 $8.000000000e+00, v1  }
0x1fb: {  	v6 =	vld [tilespmem:s26+$0x6410];
	[tilespmem:s25+$0xE720] =	vst v0;
	v0 =	vmul.f32 $8.000000000e+00, v2  }
0x1fc: {  	v2 =	vld [tilespmem:s26+$0x6420];
	[tilespmem:s25+$0xE730] =	vst v1;
	v1 =	vmul.f32 $8.000000000e+00, v3  }
0x1fd: {  	v3 =	vld [tilespmem:s26+$0x6430];
	[tilespmem:s25+$0xE780] =	vst v0;
	v0 =	vmul.f32 $8.000000000e+00, v4  }
0x1fe: {  	v4 =	vld [tilespmem:s26+$0x6480];
	v7 =	vmul.f32 $8.000000000e+00, v7;
	[tilespmem:s25+$0xE790] =	vst v1  }
0x1ff: {  	v1 =	vmul.f32 $8.000000000e+00, v5;
	v5 =	vld [tilespmem:s26+$0x6490];
	[tilespmem:s25+$0xE7A0] =	vst v0;
	s25 =	smov.u32 s26  }
0x200: {  	v0 =	vmul.f32 $8.000000000e+00, v6;
	v6 =	vld [tilespmem:s25+$0x64A0];
	[tilespmem:s25+$0xE7B0] =	vst v7  }
0x201: {  	[tilespmem:s25+$0xE400] =	vst v1;
	v1 =	vmul.f32 $8.000000000e+00, v2;
	v2 =	vld [tilespmem:s25+$0x64B0]  }
0x202: {  	[tilespmem:s25+$0xE410] =	vst v0;
	v0 =	vmul.f32 $8.000000000e+00, v3;
	v3 =	vld [tilespmem:s25+$0x6500]  }
0x203: {  	[tilespmem:s25+$0xE420] =	vst v1;
	v1 =	vmul.f32 $8.000000000e+00, v4;
	v4 =	vld [tilespmem:s25+$0x6510]  }
0x204: {  	[tilespmem:s25+$0xE430] =	vst v0;
	v0 =	vmul.f32 $8.000000000e+00, v5;
	v5 =	vld [tilespmem:s25+$0x6520]  }
0x205: {  	[tilespmem:s25+$0xE480] =	vst v1;
	v1 =	vmul.f32 $8.000000000e+00, v6;
	v6 =	vld [tilespmem:s25+$0x6530]  }
0x206: {  	[tilespmem:s25+$0xE490] =	vst v0;
	v0 =	vmul.f32 $8.000000000e+00, v2;
	v2 =	vld [tilespmem:s25+$0x6580]  }
0x207: {  	[tilespmem:s25+$0xE4A0] =	vst v1;
	v1 =	vmul.f32 $8.000000000e+00, v3;
	v3 =	vld [tilespmem:s25+$0x6590]  }
0x208: {  	[tilespmem:s25+$0xE4B0] =	vst v0;
	v0 =	vmul.f32 $8.000000000e+00, v4;
	v4 =	vld [tilespmem:s25+$0x65A0]  }
0x209: {  	[tilespmem:s25+$0xE500] =	vst v1;
	v1 =	vmul.f32 $8.000000000e+00, v5;
	v5 =	vld [tilespmem:s25+$0x65B0]  }
0x20a: {  	[tilespmem:s25+$0xE510] =	vst v0;
	v0 =	vmul.f32 $8.000000000e+00, v6;
	v6 =	vld [tilespmem:s25+$0x6600]  }
0x20b: {  	[tilespmem:s25+$0xE520] =	vst v1;
	v1 =	vmul.f32 $8.000000000e+00, v2;
	v2 =	vld [tilespmem:s25+$0x6610]  }
0x20c: {  	[tilespmem:s25+$0xE530] =	vst v0;
	v0 =	vmul.f32 $8.000000000e+00, v3;
	v3 =	vld [tilespmem:s25+$0x6620]  }
0x20d: {  	[tilespmem:s25+$0xE580] =	vst v1;
	v1 =	vmul.f32 $8.000000000e+00, v4;
	v4 =	vld [tilespmem:s25+$0x6630]  }
0x20e: {  	[tilespmem:s25+$0xE590] =	vst v0;
	v0 =	vmul.f32 $8.000000000e+00, v5;
	v5 =	vld [tilespmem:s25+$0x6680]  }
0x20f: {  	[tilespmem:s25+$0xE5A0] =	vst v1;
	v1 =	vmul.f32 $8.000000000e+00, v6;
	v6 =	vld [tilespmem:s25+$0x6690]  }
0x210: {  	[tilespmem:s25+$0xE5B0] =	vst v0;
	v0 =	vmul.f32 $8.000000000e+00, v2;
	v2 =	vld [tilespmem:s25+$0x66A0]  }
0x211: {  	[tilespmem:s25+$0xE600] =	vst v1;
	v1 =	vmul.f32 $8.000000000e+00, v3;
	v3 =	vld [tilespmem:s25+$0x66B0]  }
0x212: {  	[tilespmem:s25+$0xE610] =	vst v0;
	v0 =	vmul.f32 $8.000000000e+00, v4;
	v4 =	vld [tilespmem:s25+$0x6700]  }
0x213: {  	[tilespmem:s25+$0xE620] =	vst v1;
	v1 =	vmul.f32 $8.000000000e+00, v5;
	v7 =	vld [tilespmem:s25+$0x6710]  }
.Ltmp5:
0x214: {  	[tilespmem:s25+$0xE630] =	vst v0;
	v5 =	vmul.f32 $8.000000000e+00, v6;
	v0 =	vld [tilespmem:s25+$0x6720];
	(pc) =	sbr.rel @p0 .LBB2_12-.Ltmp5, $4  }
0x215: {  	[tilespmem:s25+$0xE680] =	vst v1;
	v6 =	vmul.f32 $8.000000000e+00, v2;
	v1 =	vld [tilespmem:s25+$0x6730]  }
0x216: {  	[tilespmem:s25+$0xE690] =	vst v5;
	v8 =	vmul.f32 $8.000000000e+00, v3;
	v2 =	vld [tilespmem:s25+$0x6780]  }
0x217: {  	[tilespmem:s25+$0xE6A0] =	vst v6;
	v5 =	vmul.f32 $8.000000000e+00, v4;
	v3 =	vld [tilespmem:s25+$0x6790]  }
0x218: {  	s26 =	sshra.s32 s28, $0x2;
	s28 =	sadd.s32 $0x1000, s28;
	[tilespmem:s25+$0xE6B0] =	vst v8;
	v6 =	vmul.f32 $8.000000000e+00, v7;
	v4 =	vld [tilespmem:s25+$0x67A0]  }
0x219: {  	v7 =	vld [tilespmem:s26+$0x67B0];
	[tilespmem:s25+$0xE700] =	vst v5;
	v0 =	vmul.f32 $8.000000000e+00, v0  }
0x21a: {  	v5 =	vld [tilespmem:s26+$0x6400];
	[tilespmem:s25+$0xE710] =	vst v6;
	v1 =	vmul.f32 $8.000000000e+00, v1  }
0x21b: {  	v6 =	vld [tilespmem:s26+$0x6410];
	[tilespmem:s25+$0xE720] =	vst v0;
	v2 =	vmul.f32 $8.000000000e+00, v2  }
0x21c: {  	v0 =	vld [tilespmem:s26+$0x6420];
	[tilespmem:s25+$0xE730] =	vst v1;
	v3 =	vmul.f32 $8.000000000e+00, v3  }
0x21d: {  	v1 =	vld [tilespmem:s26+$0x6430];
	[tilespmem:s25+$0xE780] =	vst v2;
	v4 =	vmul.f32 $8.000000000e+00, v4  }
0x21e: {  	v2 =	vld [tilespmem:s26+$0x6480];
	[tilespmem:s25+$0xE790] =	vst v3;
	v7 =	vmul.f32 $8.000000000e+00, v7  }
0x21f: {  	v3 =	vld [tilespmem:s26+$0x6490];
	[tilespmem:s25+$0xE7A0] =	vst v4;
	v4 =	vmul.f32 $8.000000000e+00, v5  }
0x220: {  	v5 =	vld [tilespmem:s26+$0x64A0];
	[tilespmem:s26+$0xE7B0] =	vst v7;
	v6 =	vmul.f32 $8.000000000e+00, v6  }
0x221: {  	[tilespmem:s26+$0xE400] =	vst v4;
	v4 =	vld [tilespmem:s26+$0x64B0];
	v0 =	vmul.f32 $8.000000000e+00, v0  }
0x222: {  	[tilespmem:s26+$0xE410] =	vst v6;
	v6 =	vld [tilespmem:s26+$0x6500];
	v1 =	vmul.f32 $8.000000000e+00, v1  }
0x223: {  	[tilespmem:s26+$0xE420] =	vst v0;
	v0 =	vld [tilespmem:s26+$0x6510];
	v2 =	vmul.f32 $8.000000000e+00, v2  }
0x224: {  	[tilespmem:s26+$0xE430] =	vst v1;
	v1 =	vld [tilespmem:s26+$0x6520];
	v3 =	vmul.f32 $8.000000000e+00, v3  }
0x225: {  	[tilespmem:s26+$0xE480] =	vst v2;
	v2 =	vld [tilespmem:s26+$0x6530];
	v5 =	vmul.f32 $8.000000000e+00, v5  }
0x226: {  	[tilespmem:s26+$0xE490] =	vst v3;
	v3 =	vld [tilespmem:s26+$0x6580];
	v4 =	vmul.f32 $8.000000000e+00, v4  }
0x227: {  	[tilespmem:s26+$0xE4A0] =	vst v5;
	v5 =	vld [tilespmem:s26+$0x6590];
	v6 =	vmul.f32 $8.000000000e+00, v6  }
0x228: {  	[tilespmem:s26+$0xE4B0] =	vst v4;
	v4 =	vld [tilespmem:s26+$0x65A0];
	v0 =	vmul.f32 $8.000000000e+00, v0  }
0x229: {  	[tilespmem:s26+$0xE500] =	vst v6;
	v6 =	vld [tilespmem:s26+$0x65B0];
	v1 =	vmul.f32 $8.000000000e+00, v1  }
0x22a: {  	[tilespmem:s26+$0xE510] =	vst v0;
	v0 =	vld [tilespmem:s26+$0x6600];
	v2 =	vmul.f32 $8.000000000e+00, v2  }
0x22b: {  	[tilespmem:s26+$0xE520] =	vst v1;
	v1 =	vld [tilespmem:s26+$0x6610];
	v3 =	vmul.f32 $8.000000000e+00, v3  }
0x22c: {  	[tilespmem:s26+$0xE530] =	vst v2;
	v2 =	vld [tilespmem:s26+$0x6620];
	v5 =	vmul.f32 $8.000000000e+00, v5  }
0x22d: {  	[tilespmem:s26+$0xE580] =	vst v3;
	v3 =	vld [tilespmem:s26+$0x6630];
	v4 =	vmul.f32 $8.000000000e+00, v4  }
0x22e: {  	[tilespmem:s26+$0xE590] =	vst v5;
	v5 =	vld [tilespmem:s26+$0x6680];
	v6 =	vmul.f32 $8.000000000e+00, v6  }
0x22f: {  	[tilespmem:s26+$0xE5A0] =	vst v4;
	v4 =	vld [tilespmem:s26+$0x6690];
	v0 =	vmul.f32 $8.000000000e+00, v0  }
0x230: {  	[tilespmem:s26+$0xE5B0] =	vst v6;
	v6 =	vld [tilespmem:s26+$0x66A0];
	v1 =	vmul.f32 $8.000000000e+00, v1  }
0x231: {  	[tilespmem:s26+$0xE600] =	vst v0;
	v0 =	vld [tilespmem:s26+$0x66B0];
	v2 =	vmul.f32 $8.000000000e+00, v2  }
0x232: {  	[tilespmem:s26+$0xE610] =	vst v1;
	v1 =	vld [tilespmem:s26+$0x6700];
	v3 =	vmul.f32 $8.000000000e+00, v3  }
0x233: {  	[tilespmem:s26+$0xE620] =	vst v2;
	v2 =	vld [tilespmem:s26+$0x6710];
	v5 =	vmul.f32 $8.000000000e+00, v5  }
0x234: {  	[tilespmem:s26+$0xE630] =	vst v3;
	v3 =	vld [tilespmem:s26+$0x6720];
	v4 =	vmul.f32 $8.000000000e+00, v4  }
0x235: {  	[tilespmem:s26+$0xE680] =	vst v5;
	v5 =	vld [tilespmem:s26+$0x6730];
	v6 =	vmul.f32 $8.000000000e+00, v6  }
0x236: {  	[tilespmem:s26+$0xE690] =	vst v4;
	v4 =	vld [tilespmem:s26+$0x6780];
	v0 =	vmul.f32 $8.000000000e+00, v0  }
0x237: {  	[tilespmem:s26+$0xE6A0] =	vst v6;
	v6 =	vld [tilespmem:s26+$0x6790];
	v1 =	vmul.f32 $8.000000000e+00, v1  }
0x238: {  	[tilespmem:s26+$0xE6B0] =	vst v0;
	v0 =	vmul.f32 $8.000000000e+00, v2;
	v2 =	vld [tilespmem:s26+$0x67A0]  }
0x239: {  	[tilespmem:s26+$0xE700] =	vst v1;
	v1 =	vmul.f32 $8.000000000e+00, v3  }
0x23a: {  	[tilespmem:s26+$0xE710] =	vst v0;
	v0 =	vmul.f32 $8.000000000e+00, v5  }
0x23b: {  	[tilespmem:s26+$0xE720] =	vst v1;
	v1 =	vmul.f32 $8.000000000e+00, v4  }
0x23c: {  	[tilespmem:s26+$0xE730] =	vst v0;
	v0 =	vmul.f32 $8.000000000e+00, v6  }
0x23d: {  	[tilespmem:s26+$0xE780] =	vst v1;
	v1 =	vmul.f32 $8.000000000e+00, v2  }
0x23e: {  	[tilespmem:s26+$0xE790] =	vst v0  }
0x23f: {  	s31 =	simm.s32 $0x0;
	[tilespmem:s26+$0xE7A0] =	vst v1  }
0x240: {  	[hbm4b:s9+s31] =	stream.linear.scatter [tilespmem:s18], [sflag:$0x3], $0x4000, $0x38;
	[tilespmem:$0x16400] =	vst v63  }
0x241: {  	_ =	swait.ge [sflag:s19], $0x4000  }
0x242: {  	[sflag:s19] =	ssyncset.done $0x0  }
0x243: {  	[sflag:s19] =	ssyncadd.s32 $0xFFFFC000  }
0x244: {  	_ =	swait.ge [sflag:s23], $0x4000  }
0x245: {  	[sflag:s23] =	ssyncset.done $0x0  }
0x246: {  	s25 =	simm.s32 $0x0;
	[sflag:s23] =	ssyncadd.s32 $0xFFFFC000  }
0x247: {  	v0 =	vld [tilespmem:s25+$0xA7B0]  }
0x248: {  	v1 =	vld [tilespmem:s25+$0xA400];
	_ =	sdelay $0x1  }
0x249: {  	v2 =	vld [tilespmem:s25+$0xA410]  }
0x24a: {  	v3 =	vld [tilespmem:s25+$0xA420]  }
0x24b: {  	v4 =	vld [tilespmem:s25+$0xA430];
	v0 =	vmul.f32 $8.000000000e+00, v0  }
0x24c: {  	v5 =	vld [tilespmem:s25+$0xA480];
	v1 =	vmul.f32 $8.000000000e+00, v1  }
0x24d: {  	v6 =	vld [tilespmem:s25+$0xA490];
	[tilespmem:s25+$0x127B0] =	vst v0  }
0x24e: {  	v0 =	vmul.f32 $8.000000000e+00, v2;
	[tilespmem:s25+$0x12400] =	vst v1;
	v1 =	vld [tilespmem:s25+$0xA4B0]  }
0x24f: {  	v7 =	vld [tilespmem:s25+$0xA4A0];
	v2 =	vmul.f32 $8.000000000e+00, v3  }
0x250: {  	v3 =	vmul.f32 $8.000000000e+00, v4;
	[tilespmem:s25+$0x12410] =	vst v0;
	v0 =	vld [tilespmem:s25+$0xA500]  }
0x251: {  	v4 =	vmul.f32 $8.000000000e+00, v5;
	[tilespmem:s25+$0x12420] =	vst v2;
	v2 =	vld [tilespmem:s25+$0xA510]  }
0x252: {  	v5 =	vmul.f32 $8.000000000e+00, v6;
	[tilespmem:s25+$0x12430] =	vst v3;
	v3 =	vld [tilespmem:s25+$0xA520]  }
0x253: {  	[tilespmem:s25+$0x12480] =	vst v4;
	v4 =	vld [tilespmem:s25+$0xA530];
	v1 =	vmul.f32 $8.000000000e+00, v1  }
0x254: {  	v6 =	vmul.f32 $8.000000000e+00, v7;
	[tilespmem:s25+$0x12490] =	vst v5;
	v5 =	vld [tilespmem:s25+$0xA580]  }
0x255: {  	v0 =	vmul.f32 $8.000000000e+00, v0;
	[tilespmem:s25+$0x124B0] =	vst v1;
	v1 =	vld [tilespmem:s25+$0xA5A0]  }
0x256: {  	[tilespmem:s25+$0x124A0] =	vst v6;
	v6 =	vld [tilespmem:s25+$0xA590];
	v2 =	vmul.f32 $8.000000000e+00, v2  }
0x257: {  	v3 =	vmul.f32 $8.000000000e+00, v3;
	[tilespmem:s25+$0x12500] =	vst v0;
	v0 =	vld [tilespmem:s25+$0xA5B0]  }
0x258: {  	v4 =	vmul.f32 $8.000000000e+00, v4;
	[tilespmem:s25+$0x12510] =	vst v2;
	v2 =	vld [tilespmem:s25+$0xA600]  }
0x259: {  	v5 =	vmul.f32 $8.000000000e+00, v5;
	[tilespmem:s25+$0x12520] =	vst v3;
	v3 =	vld [tilespmem:s25+$0xA610]  }
0x25a: {  	[tilespmem:s25+$0x12530] =	vst v4;
	v4 =	vld [tilespmem:s25+$0xA620];
	v1 =	vmul.f32 $8.000000000e+00, v1  }
0x25b: {  	v6 =	vmul.f32 $8.000000000e+00, v6;
	[tilespmem:s25+$0x12580] =	vst v5;
	v5 =	vld [tilespmem:s25+$0xA630]  }
0x25c: {  	v0 =	vmul.f32 $8.000000000e+00, v0;
	[tilespmem:s25+$0x125A0] =	vst v1;
	v1 =	vld [tilespmem:s25+$0xA690]  }
0x25d: {  	[tilespmem:s25+$0x12590] =	vst v6;
	v6 =	vld [tilespmem:s25+$0xA680];
	v2 =	vmul.f32 $8.000000000e+00, v2  }
0x25e: {  	[tilespmem:s25+$0x125B0] =	vst v0;
	v0 =	vmul.f32 $8.000000000e+00, v3;
	v3 =	vld [tilespmem:s25+$0xA6B0]  }
0x25f: {  	v7 =	vld [tilespmem:s25+$0xA6A0];
	[tilespmem:s25+$0x12600] =	vst v2;
	v2 =	vmul.f32 $8.000000000e+00, v4  }
0x260: {  	v4 =	vld [tilespmem:s25+$0xA700];
	[tilespmem:s25+$0x12610] =	vst v0;
	v0 =	vmul.f32 $8.000000000e+00, v5  }
0x261: {  	v8 =	vld [tilespmem:s25+$0xA710];
	[tilespmem:s25+$0x12620] =	vst v2;
	v5 =	vmul.f32 $8.000000000e+00, v1  }
0x262: {  	v2 =	vmul.f32 $8.000000000e+00, v6;
	[tilespmem:s25+$0x12630] =	vst v0;
	v0 =	vld [tilespmem:s25+$0xA720]  }
0x263: {  	v1 =	vld [tilespmem:s25+$0xA730];
	[tilespmem:s25+$0x12690] =	vst v5;
	v5 =	vmul.f32 $8.000000000e+00, v3  }
0x264: {  	v6 =	vmul.f32 $8.000000000e+00, v7;
	[tilespmem:s25+$0x12680] =	vst v2;
	v2 =	vld [tilespmem:s25+$0xA780]  }
0x265: {  	v3 =	vld [tilespmem:s25+$0xA790];
	[tilespmem:s25+$0x126B0] =	vst v5;
	v5 =	vmul.f32 $8.000000000e+00, v4  }
0x266: {  	s28 =	simm.s32 $0x2000;
	s26 =	simm.s32 $0x400;
	[tilespmem:s25+$0x126A0] =	vst v6;
	v6 =	vmul.f32 $8.000000000e+00, v8;
	v4 =	vld [tilespmem:s25+$0xA7A0]  }
.LBB2_14:
0x267: {  	p0 =	sne.s32 s28, $0xF000;
	v7 =	vld [tilespmem:s26+$0xA7B0];
	[tilespmem:s25+$0x12700] =	vst v5;
	v0 =	vmul.f32 $8.000000000e+00, v0  }
0x268: {  	v5 =	vld [tilespmem:s26+$0xA400];
	[tilespmem:s25+$0x12710] =	vst v6;
	v1 =	vmul.f32 $8.000000000e+00, v1  }
0x269: {  	v6 =	vld [tilespmem:s26+$0xA410];
	[tilespmem:s25+$0x12720] =	vst v0;
	v0 =	vmul.f32 $8.000000000e+00, v2  }
0x26a: {  	v2 =	vld [tilespmem:s26+$0xA420];
	[tilespmem:s25+$0x12730] =	vst v1;
	v1 =	vmul.f32 $8.000000000e+00, v3  }
0x26b: {  	v3 =	vld [tilespmem:s26+$0xA430];
	[tilespmem:s25+$0x12780] =	vst v0;
	v0 =	vmul.f32 $8.000000000e+00, v4  }
0x26c: {  	v4 =	vld [tilespmem:s26+$0xA480];
	v7 =	vmul.f32 $8.000000000e+00, v7;
	[tilespmem:s25+$0x12790] =	vst v1  }
0x26d: {  	v1 =	vmul.f32 $8.000000000e+00, v5;
	v5 =	vld [tilespmem:s26+$0xA490];
	[tilespmem:s25+$0x127A0] =	vst v0;
	s25 =	smov.u32 s26  }
0x26e: {  	v0 =	vmul.f32 $8.000000000e+00, v6;
	v6 =	vld [tilespmem:s25+$0xA4A0];
	[tilespmem:s25+$0x127B0] =	vst v7  }
0x26f: {  	[tilespmem:s25+$0x12400] =	vst v1;
	v1 =	vmul.f32 $8.000000000e+00, v2;
	v2 =	vld [tilespmem:s25+$0xA4B0]  }
0x270: {  	[tilespmem:s25+$0x12410] =	vst v0;
	v0 =	vmul.f32 $8.000000000e+00, v3;
	v3 =	vld [tilespmem:s25+$0xA500]  }
0x271: {  	[tilespmem:s25+$0x12420] =	vst v1;
	v1 =	vmul.f32 $8.000000000e+00, v4;
	v4 =	vld [tilespmem:s25+$0xA510]  }
0x272: {  	[tilespmem:s25+$0x12430] =	vst v0;
	v0 =	vmul.f32 $8.000000000e+00, v5;
	v5 =	vld [tilespmem:s25+$0xA520]  }
0x273: {  	[tilespmem:s25+$0x12480] =	vst v1;
	v1 =	vmul.f32 $8.000000000e+00, v6;
	v6 =	vld [tilespmem:s25+$0xA530]  }
0x274: {  	[tilespmem:s25+$0x12490] =	vst v0;
	v0 =	vmul.f32 $8.000000000e+00, v2;
	v2 =	vld [tilespmem:s25+$0xA580]  }
0x275: {  	[tilespmem:s25+$0x124A0] =	vst v1;
	v1 =	vmul.f32 $8.000000000e+00, v3;
	v3 =	vld [tilespmem:s25+$0xA590]  }
0x276: {  	[tilespmem:s25+$0x124B0] =	vst v0;
	v0 =	vmul.f32 $8.000000000e+00, v4;
	v4 =	vld [tilespmem:s25+$0xA5A0]  }
0x277: {  	[tilespmem:s25+$0x12500] =	vst v1;
	v1 =	vmul.f32 $8.000000000e+00, v5;
	v5 =	vld [tilespmem:s25+$0xA5B0]  }
0x278: {  	[tilespmem:s25+$0x12510] =	vst v0;
	v0 =	vmul.f32 $8.000000000e+00, v6;
	v6 =	vld [tilespmem:s25+$0xA600]  }
0x279: {  	[tilespmem:s25+$0x12520] =	vst v1;
	v1 =	vmul.f32 $8.000000000e+00, v2;
	v2 =	vld [tilespmem:s25+$0xA610]  }
0x27a: {  	[tilespmem:s25+$0x12530] =	vst v0;
	v0 =	vmul.f32 $8.000000000e+00, v3;
	v3 =	vld [tilespmem:s25+$0xA620]  }
0x27b: {  	[tilespmem:s25+$0x12580] =	vst v1;
	v1 =	vmul.f32 $8.000000000e+00, v4;
	v4 =	vld [tilespmem:s25+$0xA630]  }
0x27c: {  	[tilespmem:s25+$0x12590] =	vst v0;
	v0 =	vmul.f32 $8.000000000e+00, v5;
	v5 =	vld [tilespmem:s25+$0xA680]  }
0x27d: {  	[tilespmem:s25+$0x125A0] =	vst v1;
	v1 =	vmul.f32 $8.000000000e+00, v6;
	v6 =	vld [tilespmem:s25+$0xA690]  }
0x27e: {  	[tilespmem:s25+$0x125B0] =	vst v0;
	v0 =	vmul.f32 $8.000000000e+00, v2;
	v2 =	vld [tilespmem:s25+$0xA6A0]  }
0x27f: {  	[tilespmem:s25+$0x12600] =	vst v1;
	v1 =	vmul.f32 $8.000000000e+00, v3;
	v3 =	vld [tilespmem:s25+$0xA6B0]  }
0x280: {  	[tilespmem:s25+$0x12610] =	vst v0;
	v0 =	vmul.f32 $8.000000000e+00, v4;
	v4 =	vld [tilespmem:s25+$0xA700]  }
0x281: {  	[tilespmem:s25+$0x12620] =	vst v1;
	v1 =	vmul.f32 $8.000000000e+00, v5;
	v7 =	vld [tilespmem:s25+$0xA710]  }
.Ltmp6:
0x282: {  	[tilespmem:s25+$0x12630] =	vst v0;
	v5 =	vmul.f32 $8.000000000e+00, v6;
	v0 =	vld [tilespmem:s25+$0xA720];
	(pc) =	sbr.rel @p0 .LBB2_14-.Ltmp6, $4  }
0x283: {  	[tilespmem:s25+$0x12680] =	vst v1;
	v6 =	vmul.f32 $8.000000000e+00, v2;
	v1 =	vld [tilespmem:s25+$0xA730]  }
0x284: {  	[tilespmem:s25+$0x12690] =	vst v5;
	v8 =	vmul.f32 $8.000000000e+00, v3;
	v2 =	vld [tilespmem:s25+$0xA780]  }
0x285: {  	[tilespmem:s25+$0x126A0] =	vst v6;
	v5 =	vmul.f32 $8.000000000e+00, v4;
	v3 =	vld [tilespmem:s25+$0xA790]  }
0x286: {  	s26 =	sshra.s32 s28, $0x2;
	s28 =	sadd.s32 $0x1000, s28;
	[tilespmem:s25+$0x126B0] =	vst v8;
	v6 =	vmul.f32 $8.000000000e+00, v7;
	v4 =	vld [tilespmem:s25+$0xA7A0]  }
0x287: {  	v7 =	vld [tilespmem:s26+$0xA7B0];
	[tilespmem:s25+$0x12700] =	vst v5;
	v0 =	vmul.f32 $8.000000000e+00, v0  }
0x288: {  	v5 =	vld [tilespmem:s26+$0xA400];
	[tilespmem:s25+$0x12710] =	vst v6;
	v1 =	vmul.f32 $8.000000000e+00, v1  }
0x289: {  	v6 =	vld [tilespmem:s26+$0xA410];
	[tilespmem:s25+$0x12720] =	vst v0;
	v2 =	vmul.f32 $8.000000000e+00, v2  }
0x28a: {  	v0 =	vld [tilespmem:s26+$0xA420];
	[tilespmem:s25+$0x12730] =	vst v1;
	v3 =	vmul.f32 $8.000000000e+00, v3  }
0x28b: {  	v1 =	vld [tilespmem:s26+$0xA430];
	[tilespmem:s25+$0x12780] =	vst v2;
	v4 =	vmul.f32 $8.000000000e+00, v4  }
0x28c: {  	v2 =	vld [tilespmem:s26+$0xA480];
	[tilespmem:s25+$0x12790] =	vst v3;
	v7 =	vmul.f32 $8.000000000e+00, v7  }
0x28d: {  	v3 =	vld [tilespmem:s26+$0xA490];
	[tilespmem:s25+$0x127A0] =	vst v4;
	v32 =	vmul.f32 $8.000000000e+00, v5  }
0x28e: {  	v33 =	vld [tilespmem:s26+$0xA4A0];
	[tilespmem:s26+$0x127B0] =	vst v7;
	v6 =	vmul.f32 $8.000000000e+00, v6  }
0x28f: {  	v34 =	vld [tilespmem:s26+$0xA4B0];
	[tilespmem:s26+$0x12400] =	vst v32;
	v0 =	vmul.f32 $8.000000000e+00, v0  }
0x290: {  	v35 =	vld [tilespmem:s26+$0xA500];
	[tilespmem:s26+$0x12410] =	vst v6;
	v1 =	vmul.f32 $8.000000000e+00, v1  }
0x291: {  	v36 =	vld [tilespmem:s26+$0xA510];
	[tilespmem:s26+$0x12420] =	vst v0;
	v2 =	vmul.f32 $8.000000000e+00, v2  }
0x292: {  	v37 =	vld [tilespmem:s26+$0xA520];
	[tilespmem:s26+$0x12430] =	vst v1;
	v3 =	vmul.f32 $8.000000000e+00, v3  }
0x293: {  	v38 =	vld [tilespmem:s26+$0xA530];
	[tilespmem:s26+$0x12480] =	vst v2;
	v5 =	vmul.f32 $8.000000000e+00, v33  }
0x294: {  	v52 =	vld [tilespmem:s26+$0xA710];
	v4 =	vmul.f32 $8.000000000e+00, v34;
	[tilespmem:s26+$0x12490] =	vst v3  }
0x295: {  	v53 =	vld [tilespmem:s26+$0xA720];
	v6 =	vmul.f32 $8.000000000e+00, v35;
	[tilespmem:s26+$0x124A0] =	vst v5  }
0x296: {  	v54 =	vld [tilespmem:s26+$0xA730];
	v0 =	vmul.f32 $8.000000000e+00, v36;
	[tilespmem:s26+$0x124B0] =	vst v4  }
0x297: {  	v55 =	vld [tilespmem:s26+$0xA780];
	v1 =	vmul.f32 $8.000000000e+00, v37;
	[tilespmem:s26+$0x12500] =	vst v6  }
0x298: {  	v56 =	vld [tilespmem:s26+$0xA790];
	v2 =	vmul.f32 $8.000000000e+00, v38;
	[tilespmem:s26+$0x12510] =	vst v0  }
0x299: {  	v58 =	vld [tilespmem:s26+$0xA7A0];
	v57 =	vmul.f32 $8.000000000e+00, v52;
	[tilespmem:s26+$0x12520] =	vst v1  }
0x29a: {  	v39 =	vld [tilespmem:s26+$0xA580];
	v59 =	vmul.f32 $8.000000000e+00, v53;
	[tilespmem:s26+$0x12530] =	vst v2  }
0x29b: {  	v40 =	vld [tilespmem:s26+$0xA590];
	v60 =	vmul.f32 $8.000000000e+00, v54;
	[tilespmem:s26+$0x12710] =	vst v57  }
0x29c: {  	v41 =	vld [tilespmem:s26+$0xA5A0];
	v61 =	vmul.f32 $8.000000000e+00, v55;
	[tilespmem:s26+$0x12720] =	vst v59  }
0x29d: {  	v42 =	vld [tilespmem:s26+$0xA5B0];
	v62 =	vmul.f32 $8.000000000e+00, v56;
	[tilespmem:s26+$0x12730] =	vst v60  }
0x29e: {  	v43 =	vld [tilespmem:s26+$0xA600];
	v63 =	vmul.f32 $8.000000000e+00, v58;
	[tilespmem:s26+$0x12780] =	vst v61  }
0x29f: {  	v44 =	vld [tilespmem:s26+$0xA610];
	v3 =	vmul.f32 $8.000000000e+00, v39;
	[tilespmem:s26+$0x12790] =	vst v62  }
0x2a0: {  	v45 =	vld [tilespmem:s26+$0xA620];
	v5 =	vmul.f32 $8.000000000e+00, v40;
	[tilespmem:s26+$0x127A0] =	vst v63  }
0x2a1: {  	v46 =	vld [tilespmem:s26+$0xA630];
	v4 =	vmul.f32 $8.000000000e+00, v41;
	[tilespmem:s26+$0x12580] =	vst v3  }
0x2a2: {  	v47 =	vld [tilespmem:s26+$0xA680];
	v6 =	vmul.f32 $8.000000000e+00, v42;
	[tilespmem:s26+$0x12590] =	vst v5  }
0x2a3: {  	v48 =	vld [tilespmem:s26+$0xA690];
	v0 =	vmul.f32 $8.000000000e+00, v43;
	[tilespmem:s26+$0x125A0] =	vst v4  }
0x2a4: {  	v49 =	vld [tilespmem:s26+$0xA6A0];
	v1 =	vmul.f32 $8.000000000e+00, v44;
	[tilespmem:s26+$0x125B0] =	vst v6  }
0x2a5: {  	v50 =	vld [tilespmem:s26+$0xA6B0];
	v2 =	vmul.f32 $8.000000000e+00, v45;
	[tilespmem:s26+$0x12600] =	vst v0  }
0x2a6: {  	v51 =	vld [tilespmem:s26+$0xA700];
	v3 =	vmul.f32 $8.000000000e+00, v46;
	[tilespmem:s26+$0x12610] =	vst v1  }
0x2a7: {  	[tilespmem:s26+$0x12620] =	vst v2;
	v5 =	vmul.f32 $8.000000000e+00, v47  }
0x2a8: {  	v4 =	vmul.f32 $8.000000000e+00, v48;
	[tilespmem:s26+$0x12630] =	vst v3  }
0x2a9: {  	v6 =	vmul.f32 $8.000000000e+00, v49;
	[tilespmem:s26+$0x12680] =	vst v5  }
0x2aa: {  	v0 =	vmul.f32 $8.000000000e+00, v50;
	[tilespmem:s26+$0x12690] =	vst v4  }
0x2ab: {  	v1 =	vmul.f32 $8.000000000e+00, v51;
	[tilespmem:s26+$0x126A0] =	vst v6  }
0x2ac: {  	[tilespmem:s26+$0x126B0] =	vst v0  }
0x2ad: {  	s24 =	sadd.s32 $0x1, s24;
	[tilespmem:s26+$0x12700] =	vst v1  }
0x2ae: {  	[hbm4b:s10+s2] =	stream.linear.scatter [tilespmem:s21], [sflag:$0x4], $0x4000, $0x38;
	[tilespmem:$0x16400] =	vst v63  }
0x2af: {  	p0 =	sne.s32 s24, s11;
	_ =	swait.ge [sflag:s22], $0x4000  }
.Ltmp7:
0x2b0: {  	[sflag:s22] =	ssyncset.done $0x0;
	(pc) =	sbr.rel @p0 .LBB2_1-.Ltmp7, $4  }
0x2b1: {  	[sflag:s22] =	ssyncadd.s32 $0xFFFFC000  }
0x2b2: {  	_ =	swait.ge [sflag:s23], $0x4000  }
0x2b3: {  	[sflag:s23] =	ssyncset.done $0x0  }
0x2b4: {  	[sflag:s23] =	ssyncadd.s32 $0xFFFFC000  }
0x2b5: {  	_ =	sfence.sel $0x180000  }
0x2b6: {  	[bflag:$0x0] =	sbarrier.arrive $0xFFFF  }
0x2b7: {  	p0 =	sne.s32 s0, $0x0;
	_ =	strace $0x90000047  }
0x2b8: {  	s0 =	sadd.s32 @!p0 $0x100000, s1;
	[bflag:$0x2] =	sbarrier.arrive $0xFFFF  }
0x2b9: {  	[sflag:s0] =	ssyncadd.tile.s32 @!p0 $0x1;
	_ =	shalt  }
.Lfunc_end2:
_tile_overlayer_lowered:
.L_overlay_start_2:
0x2ba: {  	(tag) =	ssettag $0x2  }
0x2bb: {  	s0 =	rddreg [dreg:$0x0];
	s2 =	stileid.u32  }
0x2bc: {  	s1 =	rddreg [dreg:$0x1];
	p0 =	sne.s32 s2, $0x0  }
0x2bd: {  	s3 =	rddreg [dreg:$0x2];
	[bflag:$0x3] =	sbarrier.arrive $0xFFFF;
	s2 =	simm.s32 @!p0 $0x1C05  }
0x2be: {  	[timem:s3], [sflag:s2] =	dma.local @!p0 [hbm:s0], s1  }
0x2bf: {  	s0 =	simm.s32 @!p0 $0x5  }
0x2c0: {  	_ =	swait.ge @!p0 [sflag:s0], s1  }
0x2c1: {  	s1 =	ssub.s32 @!p0 $0x0, s1;
	[sflag:s0] =	ssyncset.done @!p0 $0x0  }
0x2c2: {  	[sflag:s0] =	ssyncadd.s32 @!p0 s1  }
0x2c3: {  	[bflag:$0x3] =	sbarrier.arrive $0xFFFF  }
0x2c4: {  	_ =	shalt  }

// kernel: sparse-core-data-format-call.cloned.1.call-start
scs
called_computation_lowered:
.L_overlay_start_0:
0x0: {  	s2 =	sld [smem:$0x3FD9]  }
0x1: {  	s3 =	sld [smem:$0x3FFE];
	_ =	sdelay $0x1  }
0x2: {  	s1 =	srdreg.scid  }
0x3: {  	s0 =	sand.u32 $0x1, s1  }
0x4: {  	s18 =	sshll.u32 s0, $0xA;
	s2 =	sadd.s32 s3, s2  }
0x5: {  	s2 =	sadd.s32 s2, s18  }
0x6: {  	[smem:$0x3FC6] =	sst s2  }
0x7: {  	_ = 	snop  }
0x8: {  	s2 =	sld [smem:$0x3FD0];
	(tm) =	ssettm $0x1  }
0x9: {  	s19 =	sld [smem:$0x3FFB];
	_ =	sdelay $0x3  }
0xa: {  	_ =	strace s19  }
0xb: {  	s3 =	sld [smem:$0x3FFC];
	_ =	sdelay $0x3  }
0xc: {  	_ =	strace s3  }
0xd: {  	s3 =	sld [smem:$0x3FFD];
	_ =	sdelay $0x3  }
0xe: {  	_ =	strace s3  }
0xf: {  	_ =	strace $0x8FFFFFFF  }
0x10: {  	s20 =	sld [smem:$0x3FDB];
	_ =	sdelay $0x1  }
0x11: {  	s4 =	simm.s32 $_scs_section_size  }
0x12: {  	s5 =	simm.s32 $_size__tile_overlayer_lowered;
	s6 =	simm.s32 $_tile_overlayer_lowered  }
0x13: {  	s23 =	simm.s32 $0x1BFF;
	s22 =	sshll.u32 s6, $0x1;
	s3 =	sadd.s32 s4, s20  }
0x14: {  	s7 =	simm.s32 $0x0;
	s21 =	sshll.u32 s5, $0x1;
	s5 =	sadd.s32 s22, s3  }
0x15: {  	[timem:s7], [sflag:s23] =	dma.local [hbm:s5], s21  }
0x16: {  	_ =	swait.ge [sflag:s23], s21  }
0x17: {  	s4 =	ssub.s32 $0x0, s21;
	[sflag:s23] =	ssyncset.done $0x0  }
0x18: {  	[sflag:s23] =	ssyncadd.s32 s4;
	_ =	sdelay $0x1  }
0x19: {  	s24 =	simm.s32 $0x1B8B  }
0x1a: {  	_ =	swait.ge [sflag:s24], $0x1  }
0x1b: {  	[sflag:s24] =	ssyncset.done $0x0  }
0x1c: {  	s26 =	simm.s32 $0x1B8E;
	s25 =	sld [smem:$0x3FFE];
	[sflag:s24] =	ssyncadd.s32 $0xFFFFFFFF  }
0x1d: {  	s27 =	simm.s32 $execute0_lowered;
	[smem:$0x3FD2] =	sst s26  }
0x1e: {  	s5 =	sshll.u32 s27, $0x1;
	_ =	strace $0x80000049;
	[dreg:$0x1] =	wrdreg $0xFFFFFFFF  }
0x1f: {  	s28 =	simm.s32 $_size_execute0_lowered;
	s3 =	sadd.s32 s3, s5;
	[dreg:$0x0] =	wrdreg $0x0  }
0x20: {  	s5 =	sshll.u32 s28, $0x1;
	[dreg:$0x2] =	wrdreg s3  }
0x21: {  	[dreg:$0x3] =	wrdreg s5  }
0x22: {  	[dreg:$0x4] =	wrdreg $0xC0  }
0x23: {  	_ =	task [dreg:s7], $0x5FFFF  }
0x24: {  	[dreg:$0x1] =	wrdreg $0xFFFFFFFF  }
0x25: {  	[dreg:$0x0] =	wrdreg $0x60  }
0x26: {  	[dreg:$0x2] =	wrdreg s25  }
0x27: {  	[dreg:$0x3] =	wrdreg s2  }
0x28: {  	[dreg:$0x4] =	wrdreg $0x9  }
0x29: {  	_ =	task.clear_ibuf [dreg:s7], $0x5FFFF;
	_ =	strace $0x90000049  }
0x2a: {  	s29 =	simm.s32 $0x9;
	_ =	strace $0x8000004B  }
0x2b: {  	_ =	swait.ge [sflag:s29], $0x1  }
0x2c: {  	[sflag:s29] =	ssyncadd.s32 $0xFFFFFFFF  }
0x2d: {  	_ =	strace $0x9000004B  }
0x2e: {  	_ =	sfence  }
0x2f: {  	s30 =	sld [smem:$0x0];
	_ =	sdelay $0x2  }
0x30: {  	s31 =	sshll.u32 s1, $0xD;
	s1 =	sshrl.u32 s1, $0x2  }
0x31: {  	s3 =	sand.u32 $0x4000, s31;
	s1 =	sadd.s32 s1, s30  }
0x32: {  	s0 =	sor.u32 s3, s0;
	s1 =	sshll.u32 s1, $0x11  }
0x33: {  	s0 =	sor.u32 s1, s0  }
0x34: {  	s0 =	sadd.s32 $0x8F2B, s0  }
0x35: {  	[sflag:s0] =	ssyncadd.remote.s32 $0x1  }
0x36: {  	_ =	sfence.sel $0xFFFF  }
0x37: {  	[dreg:$0x0] =	wrdreg $0xFFFFFFFF;
	(pc) =	sbr.abs _section_cstart, $3  }
0x38: {  	[dreg:$0x1] =	wrdreg $0xFFFFFFFF  }
0x39: {  	_ =	task.clear_ibuf [dreg:s7], $0x2FFFF;
	_ =	strace $0x9FFFFFFF  }
0x3a: {  	(tm) =	ssettm $0x7FFFFFFF  }
0x3b: {  	_ =	shalt  }
tec
execute0_lowered:
.L_overlay_start_1:
0x0: {  	(tag) =	ssettag $0x1  }
0x1: {  	s0 =	srdreg.scid  }
0x2: {  	s1 =	sshll.u32 s0, $0x4  }
0x3: {  	s0 =	stileid.u32;
	s1 =	sand.u32 $0x10, s1  }
0x4: {  	s1 =	sor.u32 s0, s1  }
0x5: {  	s6 =	rddreg [dreg:$0x0];
	s4 =	simm.s32 $0x1;
	s2 =	sshll.u32 s1, $0x7  }
0x6: {  	s7 =	simm.s32 $0x2;
	s12 =	simm.s32 $0x0;
	s1 =	ssub.s32 $0x1000, s2  }
0x7: {  	s8 =	simm.s32 $0x8000;
	s13 =	simm.s32 $0x0;
	s3 =	sand.u32 $0xF80, s1  }
0x8: {  	s9 =	simm.s32 $0x0;
	s5 =	sshrl.u32 s1, $0xC;
	p0 =	sne.s32 s3, $0x0  }
.Ltmp0:
0x9: {  	s1 =	rddreg [dreg:$0x2];
	s4 =	simm.s32 @!p0 $0x0;
	(pc) =	sbr.rel .LBB1_1-.Ltmp0, $4  }
0xa: {  	s11 =	simm.s32 $0x0;
	s3 =	rddreg [dreg:$0x1];
	s5 =	sadd.s32 s4, s5  }
0xb: {  	_ =	strace $0x8000004A;
	s4 =	simm.s32 $0x1;
	s5 =	smul.u32 $0xC8, s5  }
0xc: {  	s6 =	sadd.s32 $0x1A0200, s6;
	s10 =	smov.u32 s2;
	[sflag:s4] =	ssyncpa.u1 $0x0  }
0xd: {  	p0 =	por $0x0, $0x0;
	[sflag:s7] =	ssyncpa.u1 $0x0;
	s7 =	sor.u32 $0x1, s5  }
.LBB1_4:
0xe: {  	s16 =	sshll.u32 s13, $0x3;
	s17 =	sand.u32 $0x78, s13  }
0xf: {  	s30 =	sand.u32 $0x7E00, s13;
	s12 =	sshll.u32 s12, $0xF;
	s16 =	sand.u32 $0xC00, s16  }
0x10: {  	[tilespmem:s15+$0x810 ss:$0x81] =	vst.msk $0xffff, v2;
	s31 =	sand.u32 $0x7, s13;
	s16 =	sor.u32 s17, s16;
	s17 =	sadd.s32 s3, s30  }
0x11: {  	[tilespmem:s15+$0x1020 ss:$0x81] =	vst.msk $0xffff, v0;
	s13 =	sshll.u32 s31, $0x12;
	s12 =	sadd.s32 s12, s17;
	s16 =	sshrl.u32 s16, $0x3  }
0x12: {  	[tilespmem:s15+$0x0 ss:$0x81] =	vst.msk $0xffff, v1;
	s13 =	sor.u32 $0x400, s13;
	s12 =	sadd.s32 s16, s12  }
0x13: {  	[hbm4b:s12+s13] =	stream.strided.scatter [tilespmem:s14], [sflag:$0x2], $0x2000, s8, s13, $0x20;
	[tilespmem:$0x8080] =	vst v63  }
.LBB1_5:
0x14: {  	s14 =	sadd.s32 $0x1, s9  }
0x15: {  	s12 =	sadd.s32 $0x1000, s10;
	s16 =	smov.u32 s10;
	p2 =	sgt.s32 s14, $0xC7  }
0x16: {  	s16 =	smov.u32 @p2 s12  }
0x17: {  	s14 =	simm.s32 @p2 $0x0;
	p2 =	sgt.s32 s16, $0xFFF  }
0x18: {  	s16 =	smov.u32 @p2 s2;
	p2 =	sne.s32 s11, s7  }
.Ltmp1:
0x19: {  	p1 =	slt.u32 s11, $0x2;
	(pc) =	sbr.rel @!p2 .LBB1_6-.Ltmp1, $4  }
0x1a: {  	s15 =	simm.s32 @!p1 $0x2  }
0x1b: {  	s13 =	smov.u32 s10;
	p0 =	por !p0, !p0;
	_ =	swait.ge @!p1 [sflag:s15], $0x2000  }
0x1c: {  	s12 =	smov.u32 s9;
	[sflag:s15] =	ssyncset.done @!p1 $0x0;
	s9 =	smov.u32 s14  }
0x1d: {  	s11 =	sadd.s32 $0x1, s11;
	[sflag:s15] =	ssyncadd.s32 @!p1 $0xFFFFE000;
	s10 =	smov.u32 s16  }
.LBB1_1:
0x1e: {  	p1 =	sge.u32 s11, s5  }
0x1f: {  	s14 =	sand.u32 @!p1 $0x1FFFFFF, s9  }
0x20: {  	s15 =	smulhi.u32 @!p1 $0x147AE15, s14;
	_ =	sdelay $0x1  }
0x21: {  	s15 =	smul.u32 @!p1 $0xC8, s15  }
0x22: {  	s16 =	sxor.u32 @!p1 $0xFFFFFFFF, s11;
	s17 =	smul.u32 @!p1 $0xC80, s10  }
0x23: {  	s31 =	sadd.s32 $0xFFFFFFFF, s11;
	s16 =	sshll.u32 @!p1 s16, $0xD;
	s14 =	ssub.s32 @!p1 s14, s15  }
0x24: {  	s15 =	sand.u32 @!p1 $0x2000, s16;
	s16 =	sadd.s32 @!p1 s6, s17;
	s14 =	sshll.u32 @!p1 s14, $0x4  }
0x25: {  	s17 =	simm.s32 @!p1 $0x6400;
	s14 =	sadd.s32 @!p1 s14, s16;
	s16 =	simm.s32 @!p1 $0x40  }
0x26: {  	[tilespmem:s15], [sflag:$0x1] =	stream.strided.gather @!p1 [hbm4b:s14+s16], $0x2000, s17, s16, $0x38;
	[tilespmem:$0x8080] =	vst v63  }
0x27: {  	p1 =	sge.u32 s31, s5  }
.Ltmp2:
0x28: {  	_ = 	snop;
	(pc) =	sbr.rel @p1 .LBB1_5-.Ltmp2, $1  }
0x29: {  	_ =	sdelay $0x3  }
0x2a: {  	s14 =	simm.s32 $0x1  }
0x2b: {  	_ =	swait.ge [sflag:s4], $0x2000;
	s14 =	simm.s32 @!p0 $0x0  }
0x2c: {  	[sflag:s4] =	ssyncset.done $0x0;
	s15 =	sshll.u32 s14, $0xD  }
0x2d: {  	[sflag:s4] =	ssyncadd.s32 $0xFFFFE000;
	s18 =	sor.u32 $0x20, s15  }
0x2e: {  	s14 =	smul.u32 $0x8100, s14;
	v3 =	vld [tilespmem:s18+$0x10]  }
0x2f: {  	s30 =	sand.u32 $0x1, s11;
	v2 =	vld [tilespmem:s18+$0xFFFFFFF0]  }
0x30: {  	s15 =	smul.u32 $0x8100, s30;
	s14 =	sshrl.u32 s14, $0x2;
	v0 =	vld [tilespmem:s18+$0x0]  }
0x31: {  	v1 =	vld [tilespmem:s18+$0xFFFFFFE0];
	s16 =	sor.u32 $0x4000, s14  }
0x32: {  	s31 =	sshrl.u32 s15, $0x2;
	s15 =	sadd.s32 $0x0, s16  }
0x33: {  	s17 =	simm.s32 $0x4;
	s18 =	sadd.s32 $0x40, s18;
	s14 =	sor.u32 $0x4000, s31;
	[tilespmem:s15+$0x1830 ss:$0x81] =	vst.msk $0xffff, v3  }
.LBB1_3:
0x34: {  	v3 =	vld [tilespmem:s18+$0x10];
	p1 =	sne.s32 s17, $0x1FC;
	[tilespmem:s15+$0x810 ss:$0x81] =	vst.msk $0xffff, v2;
	s19 =	smov.u32 s17;
	s17 =	sadd.s32 $0x4, s17  }
.Ltmp3:
0x35: {  	v2 =	vld [tilespmem:s18+$0xFFFFFFF0];
	[tilespmem:s15+$0x1020 ss:$0x81] =	vst.msk $0xffff, v0;
	(pc) =	sbr.rel @p1 .LBB1_3-.Ltmp3, $4  }
0x36: {  	v0 =	vld [tilespmem:s18+$0x0];
	[tilespmem:s15+$0x0 ss:$0x81] =	vst.msk $0xffff, v1  }
0x37: {  	s15 =	sshra.s32 s19, $0x2;
	v1 =	vld [tilespmem:s18+$0xFFFFFFE0]  }
0x38: {  	s15 =	sadd.s32 s15, s16  }
0x39: {  	s18 =	sadd.s32 $0x40, s18;
	[tilespmem:s15+$0x1830 ss:$0x81] =	vst.msk $0xffff, v3  }
.Ltmp4:
0x3a: {  	_ = 	snop;
	(pc) =	sbr.rel .LBB1_4-.Ltmp4, $1  }
0x3b: {  	_ =	sdelay $0x3  }
.LBB1_6:
0x3c: {  	_ =	sfence.sel $0x180000  }
0x3d: {  	s2 =	simm.s32 $0x1;
	[bflag:$0x0] =	sbarrier.arrive $0xFFFF  }
0x3e: {  	s31 =	simm.s32 $0x2;
	[sflag:s2] =	ssyncpa.u1 $0x1  }
0x3f: {  	[sflag:s31] =	ssyncpa.u1 $0x1  }
0x40: {  	p0 =	sne.s32 s0, $0x0;
	_ =	strace $0x9000004A  }
0x41: {  	s0 =	sadd.s32 @!p0 $0x100000, s1;
	[bflag:$0x2] =	sbarrier.arrive $0xFFFF  }
0x42: {  	[sflag:s0] =	ssyncadd.tile.s32 @!p0 $0x1;
	_ =	shalt  }
.Lfunc_end1:
_tile_overlayer_lowered:
.L_overlay_start_2:
0x43: {  	(tag) =	ssettag $0x2  }
0x44: {  	s0 =	rddreg [dreg:$0x0];
	s2 =	stileid.u32  }
0x45: {  	s1 =	rddreg [dreg:$0x1];
	p0 =	sne.s32 s2, $0x0  }
0x46: {  	s3 =	rddreg [dreg:$0x2];
	[bflag:$0x3] =	sbarrier.arrive $0xFFFF;
	s2 =	simm.s32 @!p0 $0x1C01  }
0x47: {  	[timem:s3], [sflag:s2] =	dma.local @!p0 [hbm:s0], s1  }
0x48: {  	s0 =	simm.s32 @!p0 $0x1  }
0x49: {  	_ =	swait.ge @!p0 [sflag:s0], s1  }
0x4a: {  	s1 =	ssub.s32 @!p0 $0x0, s1;
	[sflag:s0] =	ssyncset.done @!p0 $0x0  }
0x4b: {  	[sflag:s0] =	ssyncadd.s32 @!p0 s1  }
0x4c: {  	[bflag:$0x3] =	sbarrier.arrive $0xFFFF  }
0x4d: {  	_ =	shalt  }

</sc_bundles>
